<compile_context>
chip_gen: v7x
topology: tpu7x:2x2x1
jax: 0.10.2.dev20260603
libtpu: 0.0.44.dev20260713+nightly
codegen_flags: <defaults>
</compile_context>

<pallas_src>
import functools

import jax
import jax.numpy as jnp
from jax import lax
from jax.experimental import pallas as pl
from jax.experimental.pallas import tpu as pltpu
from jax.experimental.pallas import tpu_sc as plsc

N_NODES = 10000
N_EDGES = 320000
D = 128

NC = 2
NS = 16
NW = NC * NS

CHUNK = 128
CPW = 80
GRP = 8
NGPW = CPW // GRP
HPW = CPW // 2
EP = NW * CPW * CHUNK
NP = 10240
ROWS_PER_TILE = NP // NS

_MESH = plsc.VectorSubcoreMesh(
    core_axis_name="c", subcore_axis_name="s", num_cores=NC, num_subcores=NS
)



@functools.partial(
    pl.kernel,
    out_type=jax.ShapeDtypeStruct((NC, NP, D), jnp.float32),
    mesh=_MESH,
    scratch_types=[
        pltpu.VMEM((CPW, CHUNK), jnp.int32),
        pltpu.VMEM((CHUNK, D), jnp.float32),
        pltpu.VMEM_SHARED((NP, D), jnp.float32),
        [pltpu.SemaphoreType.DMA] * 2,
    ],
)
def _deg_kernel(dst_hbm, ones_hbm, zeros_hbm, out_hbm,
                dst_v, ones_v, deg_sh, ssems):
    c = lax.axis_index("c")
    s = lax.axis_index("s")
    wid = c * NS + s
    pltpu.sync_copy(dst_hbm.at[pl.ds(wid * CPW, CPW)], dst_v)
    pltpu.sync_copy(ones_hbm, ones_v)
    base = s * ROWS_PER_TILE
    pltpu.sync_copy(zeros_hbm.at[pl.ds(base, ROWS_PER_TILE)],
                    deg_sh.at[pl.ds(base, ROWS_PER_TILE)])
    plsc.subcore_barrier()

    def body(j, carry):
        scatters = {}
        for b in range(GRP):
            scatters[b] = pltpu.async_copy(
                ones_v, deg_sh.at[dst_v.at[GRP * j + b]], ssems[b % 2],
                add=True)
            if b >= 1:
                scatters[b - 1].wait()
        scatters[GRP - 1].wait()
        return carry

    lax.fori_loop(0, CPW // GRP, body, None)
    plsc.subcore_barrier()
    pltpu.sync_copy(deg_sh.at[pl.ds(base, ROWS_PER_TILE)],
                    out_hbm.at[c, pl.ds(base, ROWS_PER_TILE)])


@functools.partial(
    pl.kernel,
    out_type=jax.ShapeDtypeStruct((NC, NP, D), jnp.float32),
    mesh=_MESH,
    scratch_types=[
        pltpu.VMEM((HPW, CHUNK), jnp.int32),
        pltpu.VMEM((HPW, CHUNK), jnp.int32),
        pltpu.VMEM((2, CHUNK, D), jnp.float32),
        pltpu.VMEM_SHARED((NP, D), jnp.float32),
        [pltpu.SemaphoreType.DMA] * 2,
        [pltpu.SemaphoreType.DMA] * 2,
    ],
)
def _agg_kernel(src_hbm, dst_hbm, h_hbm, zeros_hbm, out_hbm,
                src_v, dst_v, rows_v, agg_sh, gsems, ssems):
    c = lax.axis_index("c")
    s = lax.axis_index("s")
    wid = c * NS + s
    base = s * ROWS_PER_TILE
    pltpu.sync_copy(zeros_hbm.at[pl.ds(base, ROWS_PER_TILE)],
                    agg_sh.at[pl.ds(base, ROWS_PER_TILE)])
    plsc.subcore_barrier()

    def gather(chunk, p):
        return pltpu.async_copy(
            h_hbm.at[src_v.at[chunk]], rows_v.at[p], gsems[p])

    def body(j, carry):
        gathers = {b: gather(GRP * j + b, b) for b in range(2)}
        scatters = {}
        for b in range(GRP):
            p = b % 2
            gathers[b].wait()
            scatters[b] = pltpu.async_copy(
                rows_v.at[p], agg_sh.at[dst_v.at[GRP * j + b]], ssems[p],
                add=True)
            if b + 2 < GRP:
                scatters[b].wait()
                gathers[b + 2] = gather(GRP * j + b + 2, p)
        scatters[GRP - 2].wait()
        scatters[GRP - 1].wait()
        return carry

    pltpu.sync_copy(src_hbm.at[pl.ds(wid * CPW, HPW)], src_v)
    pltpu.sync_copy(dst_hbm.at[pl.ds(wid * CPW, HPW)], dst_v)
    plsc.subcore_barrier()
    lax.fori_loop(0, HPW // GRP, body, None)
    plsc.subcore_barrier()
    pltpu.sync_copy(src_hbm.at[pl.ds(wid * CPW + HPW, HPW)], src_v)
    pltpu.sync_copy(dst_hbm.at[pl.ds(wid * CPW + HPW, HPW)], dst_v)
    plsc.subcore_barrier()
    lax.fori_loop(0, HPW // GRP, body, None)

    plsc.subcore_barrier()
    pltpu.sync_copy(agg_sh.at[pl.ds(base, ROWS_PER_TILE)],
                    out_hbm.at[c, pl.ds(base, ROWS_PER_TILE)])



_BLK = 2048
_GRID = NP // _BLK

_row_spec = pl.BlockSpec((_BLK, D), lambda i: (i, 0))
_col_spec = pl.BlockSpec((_BLK, 1), lambda i: (i, 0))
_w_spec = pl.BlockSpec((D, D), lambda i: (0, 0))
_b_spec = pl.BlockSpec((1, D), lambda i: (0, 0))


def _mm_scale_body(x_ref, w_ref, d0_ref, d1_ref, o_ref):
    dis = lax.rsqrt(d0_ref[...] + d1_ref[...] + 1.0)
    o_ref[...] = jnp.dot(x_ref[...], w_ref[...],
                         preferred_element_type=jnp.float32) * dis


_mm_scale = pl.pallas_call(
    _mm_scale_body,
    out_shape=jax.ShapeDtypeStruct((NP, D), jnp.float32),
    grid=(_GRID,),
    in_specs=[_row_spec, _w_spec, _col_spec, _col_spec],
    out_specs=_row_spec,
)


def _combine_mm_body(a0_ref, a1_ref, hp_ref, d0_ref, d1_ref, b_ref, w_ref, o_ref):
    dis = lax.rsqrt(d0_ref[...] + d1_ref[...] + 1.0)
    h = (a0_ref[...] + a1_ref[...] + hp_ref[...]) * dis + b_ref[...]
    h = jnp.maximum(h, 0.0)
    o_ref[...] = jnp.dot(h, w_ref[...], preferred_element_type=jnp.float32) * dis


_combine_mm = pl.pallas_call(
    _combine_mm_body,
    out_shape=jax.ShapeDtypeStruct((NP, D), jnp.float32),
    grid=(_GRID,),
    in_specs=[_row_spec, _row_spec, _row_spec, _col_spec, _col_spec, _b_spec,
              _w_spec],
    out_specs=_row_spec,
)


def _final_body(a0_ref, a1_ref, hp_ref, d0_ref, d1_ref, b_ref, o_ref):
    dis = lax.rsqrt(d0_ref[...] + d1_ref[...] + 1.0)
    o_ref[...] = (a0_ref[...] + a1_ref[...] + hp_ref[...]) * dis + b_ref[...]


_final = pl.pallas_call(
    _final_body,
    out_shape=jax.ShapeDtypeStruct((NP, D), jnp.float32),
    grid=(_GRID,),
    in_specs=[_row_spec, _row_spec, _row_spec, _col_spec, _col_spec, _b_spec],
    out_specs=_row_spec,
)



def kernel(x, g, W1, b1, W2, b2):
    src = g[0].astype(jnp.int32)
    dst = g[1].astype(jnp.int32)
    pad = EP - N_EDGES
    src_p = jnp.concatenate(
        [src, jnp.zeros((pad,), jnp.int32)]).reshape(-1, CHUNK)
    dst_p = jnp.concatenate(
        [dst, jnp.full((pad,), N_NODES, jnp.int32)]).reshape(-1, CHUNK)

    x_p = jnp.zeros((NP, D), jnp.float32).at[:N_NODES].set(x)
    zeros128 = jnp.zeros((NP, D), jnp.float32)
    ones128 = jnp.ones((CHUNK, D), jnp.float32)

    deg = _deg_kernel(dst_p, ones128, zeros128)
    d0 = deg[0, :, 0:1]
    d1 = deg[1, :, 0:1]

    h1p = _mm_scale(x_p, W1, d0, d1)
    agg1 = _agg_kernel(src_p, dst_p, h1p, zeros128)
    h2p = _combine_mm(agg1[0], agg1[1], h1p, d0, d1, b1.reshape(1, D), W2)
    agg2 = _agg_kernel(src_p, dst_p, h2p, zeros128)
    out_p = _final(agg2[0], agg2[1], h2p, d0, d1, b2.reshape(1, D))
    return out_p[:N_NODES]

# --- scband reference (transcript-rebuilt; emitter-appended) ---
"""Pipeline reference for scband-gcn-21912923144581 (READ-ONLY COPY).

The authoritative reference and input builder live on the scoring server;
editing this copy changes nothing except your own understanding.
"""

import jax, jax.numpy as jnp
import numpy as np

N_NODES = 10000
N_EDGES = 320000
D_IN = 128
D_HID = 128
D_OUT = 128


def setup_inputs(seed: int = 0) -> dict:
    key = jax.random.key(seed)
    k1, k2, k3, k4, k5, k6 = jax.random.split(key, 6)
    x = jax.random.normal(k1, (N_NODES, D_IN), dtype=jnp.float32)
    g = jax.random.randint(k2, (2, N_EDGES), 0, N_NODES, dtype=jnp.int64)
    # Glorot-style init for GCN layer weights
    s1 = 1.0 / np.sqrt(D_IN)
    s2 = 1.0 / np.sqrt(D_HID)
    W1 = jax.random.uniform(k3, (D_IN, D_HID), dtype=jnp.float32, minval=-s1, maxval=s1)
    b1 = jnp.zeros((D_HID,), dtype=jnp.float32)
    W2 = jax.random.uniform(k4, (D_HID, D_OUT), dtype=jnp.float32, minval=-s2, maxval=s2)
    b2 = jnp.zeros((D_OUT,), dtype=jnp.float32)
    return {"x": x, "g": g, "W1": W1, "b1": b1, "W2": W2, "b2": b2}


def _gcn_conv(x, edge_index, W, b, num_nodes):
    # GCNConv: out = D^{-1/2} (A + I) D^{-1/2} X W + b
    src = edge_index[0]
    dst = edge_index[1]
    loop = jnp.arange(num_nodes, dtype=edge_index.dtype)
    src = jnp.concatenate([src, loop])
    dst = jnp.concatenate([dst, loop])
    deg = jnp.zeros((num_nodes,), dtype=jnp.float32).at[dst].add(1.0)
    deg_inv_sqrt = jnp.where(deg > 0, 1.0 / jnp.sqrt(deg), 0.0)
    norm = deg_inv_sqrt[src] * deg_inv_sqrt[dst]
    h = x @ W
    msg = h[src] * norm[:, None]
    out = jnp.zeros((num_nodes, W.shape[1]), dtype=x.dtype).at[dst].add(msg)
    return out + b


def reference(x, g, W1, b1, W2, b2):
    num_nodes = x.shape[0]
    h = _gcn_conv(x, g, W1, b1, num_nodes)
    h = jax.nn.relu(h)
    # dropout p=0.0 in eval mode -> identity
    out = _gcn_conv(h, g, W2, b2, num_nodes)
    return out

if __name__ == "__main__":
    import jax
    _d = setup_inputs()
    print(jax.jit(kernel)(*tuple(_d.values())))

</pallas_src>

<mosaic_0001>
#map = affine_map<(d0, d1) -> (0, 0)>
#map1 = affine_map<(d0, d1) -> (0, 0, 0)>
module attributes {stable_mosaic.version = 14 : i64} {
  func.func @_deg_kernel(%arg0: i32, %arg1: i32, %arg2: memref<2560x128xi32, #tpu.memory_space<hbm>>, %arg3: memref<128x128xf32, #tpu.memory_space<hbm>>, %arg4: memref<10240x128xf32, #tpu.memory_space<hbm>>, %arg5: memref<2x10240x128xf32, #tpu.memory_space<hbm>>, %arg6: memref<80x128xi32, #tpu.memory_space<vmem>>, %arg7: memref<128x128xf32, #tpu.memory_space<vmem>>, %arg8: memref<10240x128xf32, #tpu.memory_space<vmem_shared>>, %arg9: memref<!tpu.dma_semaphore, #tpu.memory_space<semaphore_mem>>, %arg10: memref<!tpu.dma_semaphore, #tpu.memory_space<semaphore_mem>>) attributes {dimension_semantics = [#tpu.dimension_semantics<core_parallel>, #tpu.dimension_semantics<subcore_parallel>], iteration_bounds = array<i64: 2, 16>, scalar_prefetch = 0 : i64, scratch_operands = 5 : i64, tpu.core_type = #tpu.core_type<sc_vector_subcore>, window_params = [{transform_indices = #map}, {transform_indices = #map}, {transform_indices = #map}, {transform_indices = #map1}]} {
    %mul3A = arith.constant 16 : i32
    %mul3A_0 = arith.muli %arg0, %mul3A : i32
    %add3A = arith.addi %mul3A_0, %arg1 : i32
    %mul3A_1 = arith.constant 80 : i32
    %mul3A_2 = arith.muli %add3A, %mul3A_1 : i32
    "tpu.region"() ({
      %run_scoped3A = tpu.sem_alloc : memref<!tpu.dma_semaphore, #tpu.memory_space<semaphore_mem>>
      %dma_start3A = arith.constant 0 : i32
      %dma_start3A_10 = tpu.memref_slice %arg2[%mul3A_2, %dma_start3A] : memref<2560x128xi32, #tpu.memory_space<hbm>> -> memref<80x128xi32, #tpu.memory_space<hbm>>
      %dma_start3A_11 = arith.constant 0 : i32
      %dma_start3A_12 = tpu.memref_slice %arg2[%mul3A_2, %dma_start3A_11] : memref<2560x128xi32, #tpu.memory_space<hbm>> -> memref<80x128xi32, #tpu.memory_space<hbm>>
      tpu.enqueue_dma source(%dma_start3A_12 : memref<80x128xi32, #tpu.memory_space<hbm>>) target(%arg6 : memref<80x128xi32, #tpu.memory_space<vmem>>) target_semaphore(%run_scoped3A : memref<!tpu.dma_semaphore, #tpu.memory_space<semaphore_mem>>)
      %dma_wait3A = arith.constant 0 : i32
      %dma_wait3A_13 = tpu.memref_slice %arg2[%mul3A_2, %dma_wait3A] : memref<2560x128xi32, #tpu.memory_space<hbm>> -> memref<80x128xi32, #tpu.memory_space<hbm>>
      %dma_wait3A_14 = arith.constant 0 : i32
      %dma_wait3A_15 = tpu.memref_slice %arg2[%mul3A_2, %dma_wait3A_14] : memref<2560x128xi32, #tpu.memory_space<hbm>> -> memref<80x128xi32, #tpu.memory_space<hbm>>
      tpu.wait_dma2 semaphore(%run_scoped3A : memref<!tpu.dma_semaphore, #tpu.memory_space<semaphore_mem>>) src(%dma_wait3A_15 : memref<80x128xi32, #tpu.memory_space<hbm>>) dst(%arg6 : memref<80x128xi32, #tpu.memory_space<vmem>>)
      tpu.yield
    }) : () -> ()
    "tpu.region"() ({
      %run_scoped3A = tpu.sem_alloc : memref<!tpu.dma_semaphore, #tpu.memory_space<semaphore_mem>>
      tpu.enqueue_dma source(%arg3 : memref<128x128xf32, #tpu.memory_space<hbm>>) target(%arg7 : memref<128x128xf32, #tpu.memory_space<vmem>>) target_semaphore(%run_scoped3A : memref<!tpu.dma_semaphore, #tpu.memory_space<semaphore_mem>>)
      tpu.wait_dma2 semaphore(%run_scoped3A : memref<!tpu.dma_semaphore, #tpu.memory_space<semaphore_mem>>) src(%arg3 : memref<128x128xf32, #tpu.memory_space<hbm>>) dst(%arg7 : memref<128x128xf32, #tpu.memory_space<vmem>>)
      tpu.yield
    }) : () -> ()
    %mul3A_3 = arith.constant 640 : i32
    %mul3A_4 = arith.muli %arg1, %mul3A_3 : i32
    "tpu.region"() ({
      %run_scoped3A = tpu.sem_alloc : memref<!tpu.dma_semaphore, #tpu.memory_space<semaphore_mem>>
      %dma_start3A = arith.constant 0 : i32
      %dma_start3A_10 = tpu.memref_slice %arg8[%mul3A_4, %dma_start3A] : memref<10240x128xf32, #tpu.memory_space<vmem_shared>> -> memref<640x128xf32, #tpu.memory_space<vmem_shared>>
      %dma_start3A_11 = arith.constant 0 : i32
      %dma_start3A_12 = tpu.memref_slice %arg4[%mul3A_4, %dma_start3A_11] : memref<10240x128xf32, #tpu.memory_space<hbm>> -> memref<640x128xf32, #tpu.memory_space<hbm>>
      tpu.enqueue_dma source(%dma_start3A_12 : memref<640x128xf32, #tpu.memory_space<hbm>>) target(%dma_start3A_10 : memref<640x128xf32, #tpu.memory_space<vmem_shared>>) target_semaphore(%run_scoped3A : memref<!tpu.dma_semaphore, #tpu.memory_space<semaphore_mem>>)
      %dma_wait3A = arith.constant 0 : i32
      %dma_wait3A_13 = tpu.memref_slice %arg8[%mul3A_4, %dma_wait3A] : memref<10240x128xf32, #tpu.memory_space<vmem_shared>> -> memref<640x128xf32, #tpu.memory_space<vmem_shared>>
      %dma_wait3A_14 = arith.constant 0 : i32
      %dma_wait3A_15 = tpu.memref_slice %arg4[%mul3A_4, %dma_wait3A_14] : memref<10240x128xf32, #tpu.memory_space<hbm>> -> memref<640x128xf32, #tpu.memory_space<hbm>>
      tpu.wait_dma2 semaphore(%run_scoped3A : memref<!tpu.dma_semaphore, #tpu.memory_space<semaphore_mem>>) src(%dma_wait3A_15 : memref<640x128xf32, #tpu.memory_space<hbm>>) dst(%dma_wait3A_13 : memref<640x128xf32, #tpu.memory_space<vmem_shared>>)
      tpu.yield
    }) : () -> ()
    %barrier3A = arith.constant 0 : index
    tpu.barrier barrier_id(%barrier3A)
    %scan3A = arith.constant 0 : i32
    %scan3A_5 = arith.constant 10 : i32
    %scan3A_6 = arith.addi %scan3A, %scan3A_5 : i32
    %scan3A_7 = arith.constant 1 : i32
    scf.for %scan3A_10 = %scan3A to %scan3A_6 step %scan3A_7  : i32 {
      %mul3A_11 = arith.constant 8 : i32
      %mul3A_12 = arith.muli %mul3A_11, %scan3A_10 : i32
      %add3A_13 = arith.constant 0 : i32
      %add3A_14 = arith.addi %mul3A_12, %add3A_13 : i32
      %dma_start3A = arith.constant 0 : i32
      %dma_start3A_15 = tpu.memref_slice %arg6[%add3A_14, %dma_start3A] : memref<80x128xi32, #tpu.memory_space<vmem>> -> memref<1x128xi32, #tpu.memory_space<vmem>>
      %dma_start3A_16 = tpu.memref_squeeze %dma_start3A_15 : memref<1x128xi32, #tpu.memory_space<vmem>> -> memref<128xi32, #tpu.memory_space<vmem>>
      %dma_start3A_17 = arith.constant 0 : i32
      %dma_start3A_18 = arith.constant 0 : i32
      %dma_start3A_19 = tpu.memref_slice %arg8[%dma_start3A_17, %dma_start3A_18] : memref<10240x128xf32, #tpu.memory_space<vmem_shared>> -> memref<10240x128xf32, #tpu.memory_space<vmem_shared>>
      tpu.enqueue_indirect_dma source(%arg7 : memref<128x128xf32, #tpu.memory_space<vmem>>) target(%dma_start3A_19 : memref<10240x128xf32, #tpu.memory_space<vmem_shared>>) offsets(%dma_start3A_16 : memref<128xi32, #tpu.memory_space<vmem>>) semaphore(%arg9 : memref<!tpu.dma_semaphore, #tpu.memory_space<semaphore_mem>>) {add = true}
      %mul3A_20 = arith.constant 8 : i32
      %mul3A_21 = arith.muli %mul3A_20, %scan3A_10 : i32
      %add3A_22 = arith.constant 1 : i32
      %add3A_23 = arith.addi %mul3A_21, %add3A_22 : i32
      %dma_start3A_24 = arith.constant 0 : i32
      %dma_start3A_25 = tpu.memref_slice %arg6[%add3A_23, %dma_start3A_24] : memref<80x128xi32, #tpu.memory_space<vmem>> -> memref<1x128xi32, #tpu.memory_space<vmem>>
      %dma_start3A_26 = tpu.memref_squeeze %dma_start3A_25 : memref<1x128xi32, #tpu.memory_space<vmem>> -> memref<128xi32, #tpu.memory_space<vmem>>
      %dma_start3A_27 = arith.constant 0 : i32
      %dma_start3A_28 = arith.constant 0 : i32
      %dma_start3A_29 = tpu.memref_slice %arg8[%dma_start3A_27, %dma_start3A_28] : memref<10240x128xf32, #tpu.memory_space<vmem_shared>> -> memref<10240x128xf32, #tpu.memory_space<vmem_shared>>
      tpu.enqueue_indirect_dma source(%arg7 : memref<128x128xf32, #tpu.memory_space<vmem>>) target(%dma_start3A_29 : memref<10240x128xf32, #tpu.memory_space<vmem_shared>>) offsets(%dma_start3A_26 : memref<128xi32, #tpu.memory_space<vmem>>) semaphore(%arg10 : memref<!tpu.dma_semaphore, #tpu.memory_space<semaphore_mem>>) {add = true}
      %dma_wait3A = arith.constant 0 : i32
      %dma_wait3A_30 = tpu.memref_slice %arg6[%add3A_14, %dma_wait3A] : memref<80x128xi32, #tpu.memory_space<vmem>> -> memref<1x128xi32, #tpu.memory_space<vmem>>
      %dma_wait3A_31 = tpu.memref_squeeze %dma_wait3A_30 : memref<1x128xi32, #tpu.memory_space<vmem>> -> memref<128xi32, #tpu.memory_space<vmem>>
      %dma_wait3A_32 = arith.constant 0 : i32
      %dma_wait3A_33 = arith.constant 0 : i32
      %dma_wait3A_34 = tpu.memref_slice %arg8[%dma_wait3A_32, %dma_wait3A_33] : memref<10240x128xf32, #tpu.memory_space<vmem_shared>> -> memref<10240x128xf32, #tpu.memory_space<vmem_shared>>
      tpu.wait_indirect_dma semaphore(%arg9 : memref<!tpu.dma_semaphore, #tpu.memory_space<semaphore_mem>>) src(%arg7 : memref<128x128xf32, #tpu.memory_space<vmem>>) dst(%dma_wait3A_34 : memref<10240x128xf32, #tpu.memory_space<vmem_shared>>)
      %mul3A_35 = arith.constant 8 : i32
      %mul3A_36 = arith.muli %mul3A_35, %scan3A_10 : i32
      %add3A_37 = arith.constant 2 : i32
      %add3A_38 = arith.addi %mul3A_36, %add3A_37 : i32
      %dma_start3A_39 = arith.constant 0 : i32
      %dma_start3A_40 = tpu.memref_slice %arg6[%add3A_38, %dma_start3A_39] : memref<80x128xi32, #tpu.memory_space<vmem>> -> memref<1x128xi32, #tpu.memory_space<vmem>>
      %dma_start3A_41 = tpu.memref_squeeze %dma_start3A_40 : memref<1x128xi32, #tpu.memory_space<vmem>> -> memref<128xi32, #tpu.memory_space<vmem>>
      %dma_start3A_42 = arith.constant 0 : i32
      %dma_start3A_43 = arith.constant 0 : i32
      %dma_start3A_44 = tpu.memref_slice %arg8[%dma_start3A_42, %dma_start3A_43] : memref<10240x128xf32, #tpu.memory_space<vmem_shared>> -> memref<10240x128xf32, #tpu.memory_space<vmem_shared>>
      tpu.enqueue_indirect_dma source(%arg7 : memref<128x128xf32, #tpu.memory_space<vmem>>) target(%dma_start3A_44 : memref<10240x128xf32, #tpu.memory_space<vmem_shared>>) offsets(%dma_start3A_41 : memref<128xi32, #tpu.memory_space<vmem>>) semaphore(%arg9 : memref<!tpu.dma_semaphore, #tpu.memory_space<semaphore_mem>>) {add = true}
      %dma_wait3A_45 = arith.constant 0 : i32
      %dma_wait3A_46 = tpu.memref_slice %arg6[%add3A_23, %dma_wait3A_45] : memref<80x128xi32, #tpu.memory_space<vmem>> -> memref<1x128xi32, #tpu.memory_space<vmem>>
      %dma_wait3A_47 = tpu.memref_squeeze %dma_wait3A_46 : memref<1x128xi32, #tpu.memory_space<vmem>> -> memref<128xi32, #tpu.memory_space<vmem>>
      %dma_wait3A_48 = arith.constant 0 : i32
      %dma_wait3A_49 = arith.constant 0 : i32
      %dma_wait3A_50 = tpu.memref_slice %arg8[%dma_wait3A_48, %dma_wait3A_49] : memref<10240x128xf32, #tpu.memory_space<vmem_shared>> -> memref<10240x128xf32, #tpu.memory_space<vmem_shared>>
      tpu.wait_indirect_dma semaphore(%arg10 : memref<!tpu.dma_semaphore, #tpu.memory_space<semaphore_mem>>) src(%arg7 : memref<128x128xf32, #tpu.memory_space<vmem>>) dst(%dma_wait3A_50 : memref<10240x128xf32, #tpu.memory_space<vmem_shared>>)
      %mul3A_51 = arith.constant 8 : i32
      %mul3A_52 = arith.muli %mul3A_51, %scan3A_10 : i32
      %add3A_53 = arith.constant 3 : i32
      %add3A_54 = arith.addi %mul3A_52, %add3A_53 : i32
      %dma_start3A_55 = arith.constant 0 : i32
      %dma_start3A_56 = tpu.memref_slice %arg6[%add3A_54, %dma_start3A_55] : memref<80x128xi32, #tpu.memory_space<vmem>> -> memref<1x128xi32, #tpu.memory_space<vmem>>
      %dma_start3A_57 = tpu.memref_squeeze %dma_start3A_56 : memref<1x128xi32, #tpu.memory_space<vmem>> -> memref<128xi32, #tpu.memory_space<vmem>>
      %dma_start3A_58 = arith.constant 0 : i32
      %dma_start3A_59 = arith.constant 0 : i32
      %dma_start3A_60 = tpu.memref_slice %arg8[%dma_start3A_58, %dma_start3A_59] : memref<10240x128xf32, #tpu.memory_space<vmem_shared>> -> memref<10240x128xf32, #tpu.memory_space<vmem_shared>>
      tpu.enqueue_indirect_dma source(%arg7 : memref<128x128xf32, #tpu.memory_space<vmem>>) target(%dma_start3A_60 : memref<10240x128xf32, #tpu.memory_space<vmem_shared>>) offsets(%dma_start3A_57 : memref<128xi32, #tpu.memory_space<vmem>>) semaphore(%arg10 : memref<!tpu.dma_semaphore, #tpu.memory_space<semaphore_mem>>) {add = true}
      %dma_wait3A_61 = arith.constant 0 : i32
      %dma_wait3A_62 = tpu.memref_slice %arg6[%add3A_38, %dma_wait3A_61] : memref<80x128xi32, #tpu.memory_space<vmem>> -> memref<1x128xi32, #tpu.memory_space<vmem>>
      %dma_wait3A_63 = tpu.memref_squeeze %dma_wait3A_62 : memref<1x128xi32, #tpu.memory_space<vmem>> -> memref<128xi32, #tpu.memory_space<vmem>>
      %dma_wait3A_64 = arith.constant 0 : i32
      %dma_wait3A_65 = arith.constant 0 : i32
      %dma_wait3A_66 = tpu.memref_slice %arg8[%dma_wait3A_64, %dma_wait3A_65] : memref<10240x128xf32, #tpu.memory_space<vmem_shared>> -> memref<10240x128xf32, #tpu.memory_space<vmem_shared>>
      tpu.wait_indirect_dma semaphore(%arg9 : memref<!tpu.dma_semaphore, #tpu.memory_space<semaphore_mem>>) src(%arg7 : memref<128x128xf32, #tpu.memory_space<vmem>>) dst(%dma_wait3A_66 : memref<10240x128xf32, #tpu.memory_space<vmem_shared>>)
      %mul3A_67 = arith.constant 8 : i32
      %mul3A_68 = arith.muli %mul3A_67, %scan3A_10 : i32
      %add3A_69 = arith.constant 4 : i32
      %add3A_70 = arith.addi %mul3A_68, %add3A_69 : i32
      %dma_start3A_71 = arith.constant 0 : i32
      %dma_start3A_72 = tpu.memref_slice %arg6[%add3A_70, %dma_start3A_71] : memref<80x128xi32, #tpu.memory_space<vmem>> -> memref<1x128xi32, #tpu.memory_space<vmem>>
      %dma_start3A_73 = tpu.memref_squeeze %dma_start3A_72 : memref<1x128xi32, #tpu.memory_space<vmem>> -> memref<128xi32, #tpu.memory_space<vmem>>
      %dma_start3A_74 = arith.constant 0 : i32
      %dma_start3A_75 = arith.constant 0 : i32
      %dma_start3A_76 = tpu.memref_slice %arg8[%dma_start3A_74, %dma_start3A_75] : memref<10240x128xf32, #tpu.memory_space<vmem_shared>> -> memref<10240x128xf32, #tpu.memory_space<vmem_shared>>
      tpu.enqueue_indirect_dma source(%arg7 : memref<128x128xf32, #tpu.memory_space<vmem>>) target(%dma_start3A_76 : memref<10240x128xf32, #tpu.memory_space<vmem_shared>>) offsets(%dma_start3A_73 : memref<128xi32, #tpu.memory_space<vmem>>) semaphore(%arg9 : memref<!tpu.dma_semaphore, #tpu.memory_space<semaphore_mem>>) {add = true}
      %dma_wait3A_77 = arith.constant 0 : i32
      %dma_wait3A_78 = tpu.memref_slice %arg6[%add3A_54, %dma_wait3A_77] : memref<80x128xi32, #tpu.memory_space<vmem>> -> memref<1x128xi32, #tpu.memory_space<vmem>>
      %dma_wait3A_79 = tpu.memref_squeeze %dma_wait3A_78 : memref<1x128xi32, #tpu.memory_space<vmem>> -> memref<128xi32, #tpu.memory_space<vmem>>
      %dma_wait3A_80 = arith.constant 0 : i32
      %dma_wait3A_81 = arith.constant 0 : i32
      %dma_wait3A_82 = tpu.memref_slice %arg8[%dma_wait3A_80, %dma_wait3A_81] : memref<10240x128xf32, #tpu.memory_space<vmem_shared>> -> memref<10240x128xf32, #tpu.memory_space<vmem_shared>>
      tpu.wait_indirect_dma semaphore(%arg10 : memref<!tpu.dma_semaphore, #tpu.memory_space<semaphore_mem>>) src(%arg7 : memref<128x128xf32, #tpu.memory_space<vmem>>) dst(%dma_wait3A_82 : memref<10240x128xf32, #tpu.memory_space<vmem_shared>>)
      %mul3A_83 = arith.constant 8 : i32
      %mul3A_84 = arith.muli %mul3A_83, %scan3A_10 : i32
      %add3A_85 = arith.constant 5 : i32
      %add3A_86 = arith.addi %mul3A_84, %add3A_85 : i32
      %dma_start3A_87 = arith.constant 0 : i32
      %dma_start3A_88 = tpu.memref_slice %arg6[%add3A_86, %dma_start3A_87] : memref<80x128xi32, #tpu.memory_space<vmem>> -> memref<1x128xi32, #tpu.memory_space<vmem>>
      %dma_start3A_89 = tpu.memref_squeeze %dma_start3A_88 : memref<1x128xi32, #tpu.memory_space<vmem>> -> memref<128xi32, #tpu.memory_space<vmem>>
      %dma_start3A_90 = arith.constant 0 : i32
      %dma_start3A_91 = arith.constant 0 : i32
      %dma_start3A_92 = tpu.memref_slice %arg8[%dma_start3A_90, %dma_start3A_91] : memref<10240x128xf32, #tpu.memory_space<vmem_shared>> -> memref<10240x128xf32, #tpu.memory_space<vmem_shared>>
      tpu.enqueue_indirect_dma source(%arg7 : memref<128x128xf32, #tpu.memory_space<vmem>>) target(%dma_start3A_92 : memref<10240x128xf32, #tpu.memory_space<vmem_shared>>) offsets(%dma_start3A_89 : memref<128xi32, #tpu.memory_space<vmem>>) semaphore(%arg10 : memref<!tpu.dma_semaphore, #tpu.memory_space<semaphore_mem>>) {add = true}
      %dma_wait3A_93 = arith.constant 0 : i32
      %dma_wait3A_94 = tpu.memref_slice %arg6[%add3A_70, %dma_wait3A_93] : memref<80x128xi32, #tpu.memory_space<vmem>> -> memref<1x128xi32, #tpu.memory_space<vmem>>
      %dma_wait3A_95 = tpu.memref_squeeze %dma_wait3A_94 : memref<1x128xi32, #tpu.memory_space<vmem>> -> memref<128xi32, #tpu.memory_space<vmem>>
      %dma_wait3A_96 = arith.constant 0 : i32
      %dma_wait3A_97 = arith.constant 0 : i32
      %dma_wait3A_98 = tpu.memref_slice %arg8[%dma_wait3A_96, %dma_wait3A_97] : memref<10240x128xf32, #tpu.memory_space<vmem_shared>> -> memref<10240x128xf32, #tpu.memory_space<vmem_shared>>
      tpu.wait_indirect_dma semaphore(%arg9 : memref<!tpu.dma_semaphore, #tpu.memory_space<semaphore_mem>>) src(%arg7 : memref<128x128xf32, #tpu.memory_space<vmem>>) dst(%dma_wait3A_98 : memref<10240x128xf32, #tpu.memory_space<vmem_shared>>)
      %mul3A_99 = arith.constant 8 : i32
      %mul3A_100 = arith.muli %mul3A_99, %scan3A_10 : i32
      %add3A_101 = arith.constant 6 : i32
      %add3A_102 = arith.addi %mul3A_100, %add3A_101 : i32
      %dma_start3A_103 = arith.constant 0 : i32
      %dma_start3A_104 = tpu.memref_slice %arg6[%add3A_102, %dma_start3A_103] : memref<80x128xi32, #tpu.memory_space<vmem>> -> memref<1x128xi32, #tpu.memory_space<vmem>>
      %dma_start3A_105 = tpu.memref_squeeze %dma_start3A_104 : memref<1x128xi32, #tpu.memory_space<vmem>> -> memref<128xi32, #tpu.memory_space<vmem>>
      %dma_start3A_106 = arith.constant 0 : i32
      %dma_start3A_107 = arith.constant 0 : i32
      %dma_start3A_108 = tpu.memref_slice %arg8[%dma_start3A_106, %dma_start3A_107] : memref<10240x128xf32, #tpu.memory_space<vmem_shared>> -> memref<10240x128xf32, #tpu.memory_space<vmem_shared>>
      tpu.enqueue_indirect_dma source(%arg7 : memref<128x128xf32, #tpu.memory_space<vmem>>) target(%dma_start3A_108 : memref<10240x128xf32, #tpu.memory_space<vmem_shared>>) offsets(%dma_start3A_105 : memref<128xi32, #tpu.memory_space<vmem>>) semaphore(%arg9 : memref<!tpu.dma_semaphore, #tpu.memory_space<semaphore_mem>>) {add = true}
      %dma_wait3A_109 = arith.constant 0 : i32
      %dma_wait3A_110 = tpu.memref_slice %arg6[%add3A_86, %dma_wait3A_109] : memref<80x128xi32, #tpu.memory_space<vmem>> -> memref<1x128xi32, #tpu.memory_space<vmem>>
      %dma_wait3A_111 = tpu.memref_squeeze %dma_wait3A_110 : memref<1x128xi32, #tpu.memory_space<vmem>> -> memref<128xi32, #tpu.memory_space<vmem>>
      %dma_wait3A_112 = arith.constant 0 : i32
      %dma_wait3A_113 = arith.constant 0 : i32
      %dma_wait3A_114 = tpu.memref_slice %arg8[%dma_wait3A_112, %dma_wait3A_113] : memref<10240x128xf32, #tpu.memory_space<vmem_shared>> -> memref<10240x128xf32, #tpu.memory_space<vmem_shared>>
      tpu.wait_indirect_dma semaphore(%arg10 : memref<!tpu.dma_semaphore, #tpu.memory_space<semaphore_mem>>) src(%arg7 : memref<128x128xf32, #tpu.memory_space<vmem>>) dst(%dma_wait3A_114 : memref<10240x128xf32, #tpu.memory_space<vmem_shared>>)
      %mul3A_115 = arith.constant 8 : i32
      %mul3A_116 = arith.muli %mul3A_115, %scan3A_10 : i32
      %add3A_117 = arith.constant 7 : i32
      %add3A_118 = arith.addi %mul3A_116, %add3A_117 : i32
      %dma_start3A_119 = arith.constant 0 : i32
      %dma_start3A_120 = tpu.memref_slice %arg6[%add3A_118, %dma_start3A_119] : memref<80x128xi32, #tpu.memory_space<vmem>> -> memref<1x128xi32, #tpu.memory_space<vmem>>
      %dma_start3A_121 = tpu.memref_squeeze %dma_start3A_120 : memref<1x128xi32, #tpu.memory_space<vmem>> -> memref<128xi32, #tpu.memory_space<vmem>>
      %dma_start3A_122 = arith.constant 0 : i32
      %dma_start3A_123 = arith.constant 0 : i32
      %dma_start3A_124 = tpu.memref_slice %arg8[%dma_start3A_122, %dma_start3A_123] : memref<10240x128xf32, #tpu.memory_space<vmem_shared>> -> memref<10240x128xf32, #tpu.memory_space<vmem_shared>>
      tpu.enqueue_indirect_dma source(%arg7 : memref<128x128xf32, #tpu.memory_space<vmem>>) target(%dma_start3A_124 : memref<10240x128xf32, #tpu.memory_space<vmem_shared>>) offsets(%dma_start3A_121 : memref<128xi32, #tpu.memory_space<vmem>>) semaphore(%arg10 : memref<!tpu.dma_semaphore, #tpu.memory_space<semaphore_mem>>) {add = true}
      %dma_wait3A_125 = arith.constant 0 : i32
      %dma_wait3A_126 = tpu.memref_slice %arg6[%add3A_102, %dma_wait3A_125] : memref<80x128xi32, #tpu.memory_space<vmem>> -> memref<1x128xi32, #tpu.memory_space<vmem>>
      %dma_wait3A_127 = tpu.memref_squeeze %dma_wait3A_126 : memref<1x128xi32, #tpu.memory_space<vmem>> -> memref<128xi32, #tpu.memory_space<vmem>>
      %dma_wait3A_128 = arith.constant 0 : i32
      %dma_wait3A_129 = arith.constant 0 : i32
      %dma_wait3A_130 = tpu.memref_slice %arg8[%dma_wait3A_128, %dma_wait3A_129] : memref<10240x128xf32, #tpu.memory_space<vmem_shared>> -> memref<10240x128xf32, #tpu.memory_space<vmem_shared>>
      tpu.wait_indirect_dma semaphore(%arg9 : memref<!tpu.dma_semaphore, #tpu.memory_space<semaphore_mem>>) src(%arg7 : memref<128x128xf32, #tpu.memory_space<vmem>>) dst(%dma_wait3A_130 : memref<10240x128xf32, #tpu.memory_space<vmem_shared>>)
      %dma_wait3A_131 = arith.constant 0 : i32
      %dma_wait3A_132 = tpu.memref_slice %arg6[%add3A_118, %dma_wait3A_131] : memref<80x128xi32, #tpu.memory_space<vmem>> -> memref<1x128xi32, #tpu.memory_space<vmem>>
      %dma_wait3A_133 = tpu.memref_squeeze %dma_wait3A_132 : memref<1x128xi32, #tpu.memory_space<vmem>> -> memref<128xi32, #tpu.memory_space<vmem>>
      %dma_wait3A_134 = arith.constant 0 : i32
      %dma_wait3A_135 = arith.constant 0 : i32
      %dma_wait3A_136 = tpu.memref_slice %arg8[%dma_wait3A_134, %dma_wait3A_135] : memref<10240x128xf32, #tpu.memory_space<vmem_shared>> -> memref<10240x128xf32, #tpu.memory_space<vmem_shared>>
      tpu.wait_indirect_dma semaphore(%arg10 : memref<!tpu.dma_semaphore, #tpu.memory_space<semaphore_mem>>) src(%arg7 : memref<128x128xf32, #tpu.memory_space<vmem>>) dst(%dma_wait3A_136 : memref<10240x128xf32, #tpu.memory_space<vmem_shared>>)
    }
    %scan3A_8 = arith.constant 10 : i32
    %barrier3A_9 = arith.constant 0 : index
    tpu.barrier barrier_id(%barrier3A_9)
    "tpu.region"() ({
      %run_scoped3A = tpu.sem_alloc : memref<!tpu.dma_semaphore, #tpu.memory_space<semaphore_mem>>
      %dma_start3A = arith.constant 0 : i32
      %dma_start3A_10 = tpu.memref_slice %arg5[%arg0, %mul3A_4, %dma_start3A] : memref<2x10240x128xf32, #tpu.memory_space<hbm>> -> memref<1x640x128xf32, #tpu.memory_space<hbm>>
      %dma_start3A_11 = tpu.memref_squeeze %dma_start3A_10 : memref<1x640x128xf32, #tpu.memory_space<hbm>> -> memref<640x128xf32, #tpu.memory_space<hbm>>
      %dma_start3A_12 = arith.constant 0 : i32
      %dma_start3A_13 = tpu.memref_slice %arg8[%mul3A_4, %dma_start3A_12] : memref<10240x128xf32, #tpu.memory_space<vmem_shared>> -> memref<640x128xf32, #tpu.memory_space<vmem_shared>>
      tpu.enqueue_dma source(%dma_start3A_13 : memref<640x128xf32, #tpu.memory_space<vmem_shared>>) target(%dma_start3A_11 : memref<640x128xf32, #tpu.memory_space<hbm>>) target_semaphore(%run_scoped3A : memref<!tpu.dma_semaphore, #tpu.memory_space<semaphore_mem>>)
      %dma_wait3A = arith.constant 0 : i32
      %dma_wait3A_14 = tpu.memref_slice %arg5[%arg0, %mul3A_4, %dma_wait3A] : memref<2x10240x128xf32, #tpu.memory_space<hbm>> -> memref<1x640x128xf32, #tpu.memory_space<hbm>>
      %dma_wait3A_15 = tpu.memref_squeeze %dma_wait3A_14 : memref<1x640x128xf32, #tpu.memory_space<hbm>> -> memref<640x128xf32, #tpu.memory_space<hbm>>
      %dma_wait3A_16 = arith.constant 0 : i32
      %dma_wait3A_17 = tpu.memref_slice %arg8[%mul3A_4, %dma_wait3A_16] : memref<10240x128xf32, #tpu.memory_space<vmem_shared>> -> memref<640x128xf32, #tpu.memory_space<vmem_shared>>
      tpu.wait_dma2 semaphore(%run_scoped3A : memref<!tpu.dma_semaphore, #tpu.memory_space<semaphore_mem>>) src(%dma_wait3A_17 : memref<640x128xf32, #tpu.memory_space<vmem_shared>>) dst(%dma_wait3A_15 : memref<640x128xf32, #tpu.memory_space<hbm>>)
      tpu.yield
    }) : () -> ()
    return
  }
}

#map = affine_map<(d0, d1) -> (0, 0)>
#map1 = affine_map<(d0, d1) -> (0, 0, 0)>
module attributes {stable_mosaic.version = 14 : i64} {
  func.func @_agg_kernel(%arg0: i32, %arg1: i32, %arg2: memref<2560x128xi32, #tpu.memory_space<hbm>>, %arg3: memref<2560x128xi32, #tpu.memory_space<hbm>>, %arg4: memref<10240x128xf32, #tpu.memory_space<hbm>>, %arg5: memref<10240x128xf32, #tpu.memory_space<hbm>>, %arg6: memref<2x10240x128xf32, #tpu.memory_space<hbm>>, %arg7: memref<40x128xi32, #tpu.memory_space<vmem>>, %arg8: memref<40x128xi32, #tpu.memory_space<vmem>>, %arg9: memref<2x128x128xf32, #tpu.memory_space<vmem>>, %arg10: memref<10240x128xf32, #tpu.memory_space<vmem_shared>>, %arg11: memref<!tpu.dma_semaphore, #tpu.memory_space<semaphore_mem>>, %arg12: memref<!tpu.dma_semaphore, #tpu.memory_space<semaphore_mem>>, %arg13: memref<!tpu.dma_semaphore, #tpu.memory_space<semaphore_mem>>, %arg14: memref<!tpu.dma_semaphore, #tpu.memory_space<semaphore_mem>>) attributes {dimension_semantics = [#tpu.dimension_semantics<core_parallel>, #tpu.dimension_semantics<subcore_parallel>], iteration_bounds = array<i64: 2, 16>, scalar_prefetch = 0 : i64, scratch_operands = 8 : i64, tpu.core_type = #tpu.core_type<sc_vector_subcore>, window_params = [{transform_indices = #map}, {transform_indices = #map}, {transform_indices = #map}, {transform_indices = #map}, {transform_indices = #map1}]} {
    %mul3A = arith.constant 16 : i32
    %mul3A_0 = arith.muli %arg0, %mul3A : i32
    %add3A = arith.addi %mul3A_0, %arg1 : i32
    %mul3A_1 = arith.constant 640 : i32
    %mul3A_2 = arith.muli %arg1, %mul3A_1 : i32
    "tpu.region"() ({
      %run_scoped3A = tpu.sem_alloc : memref<!tpu.dma_semaphore, #tpu.memory_space<semaphore_mem>>
      %dma_start3A = arith.constant 0 : i32
      %dma_start3A_28 = tpu.memref_slice %arg10[%mul3A_2, %dma_start3A] : memref<10240x128xf32, #tpu.memory_space<vmem_shared>> -> memref<640x128xf32, #tpu.memory_space<vmem_shared>>
      %dma_start3A_29 = arith.constant 0 : i32
      %dma_start3A_30 = tpu.memref_slice %arg5[%mul3A_2, %dma_start3A_29] : memref<10240x128xf32, #tpu.memory_space<hbm>> -> memref<640x128xf32, #tpu.memory_space<hbm>>
      tpu.enqueue_dma source(%dma_start3A_30 : memref<640x128xf32, #tpu.memory_space<hbm>>) target(%dma_start3A_28 : memref<640x128xf32, #tpu.memory_space<vmem_shared>>) target_semaphore(%run_scoped3A : memref<!tpu.dma_semaphore, #tpu.memory_space<semaphore_mem>>)
      %dma_wait3A = arith.constant 0 : i32
      %dma_wait3A_31 = tpu.memref_slice %arg10[%mul3A_2, %dma_wait3A] : memref<10240x128xf32, #tpu.memory_space<vmem_shared>> -> memref<640x128xf32, #tpu.memory_space<vmem_shared>>
      %dma_wait3A_32 = arith.constant 0 : i32
      %dma_wait3A_33 = tpu.memref_slice %arg5[%mul3A_2, %dma_wait3A_32] : memref<10240x128xf32, #tpu.memory_space<hbm>> -> memref<640x128xf32, #tpu.memory_space<hbm>>
      tpu.wait_dma2 semaphore(%run_scoped3A : memref<!tpu.dma_semaphore, #tpu.memory_space<semaphore_mem>>) src(%dma_wait3A_33 : memref<640x128xf32, #tpu.memory_space<hbm>>) dst(%dma_wait3A_31 : memref<640x128xf32, #tpu.memory_space<vmem_shared>>)
      tpu.yield
    }) : () -> ()
    %barrier3A = arith.constant 0 : index
    tpu.barrier barrier_id(%barrier3A)
    %mul3A_3 = arith.constant 80 : i32
    %mul3A_4 = arith.muli %add3A, %mul3A_3 : i32
    "tpu.region"() ({
      %run_scoped3A = tpu.sem_alloc : memref<!tpu.dma_semaphore, #tpu.memory_space<semaphore_mem>>
      %dma_start3A = arith.constant 0 : i32
      %dma_start3A_28 = tpu.memref_slice %arg2[%mul3A_4, %dma_start3A] : memref<2560x128xi32, #tpu.memory_space<hbm>> -> memref<40x128xi32, #tpu.memory_space<hbm>>
      %dma_start3A_29 = arith.constant 0 : i32
      %dma_start3A_30 = tpu.memref_slice %arg2[%mul3A_4, %dma_start3A_29] : memref<2560x128xi32, #tpu.memory_space<hbm>> -> memref<40x128xi32, #tpu.memory_space<hbm>>
      tpu.enqueue_dma source(%dma_start3A_30 : memref<40x128xi32, #tpu.memory_space<hbm>>) target(%arg7 : memref<40x128xi32, #tpu.memory_space<vmem>>) target_semaphore(%run_scoped3A : memref<!tpu.dma_semaphore, #tpu.memory_space<semaphore_mem>>)
      %dma_wait3A = arith.constant 0 : i32
      %dma_wait3A_31 = tpu.memref_slice %arg2[%mul3A_4, %dma_wait3A] : memref<2560x128xi32, #tpu.memory_space<hbm>> -> memref<40x128xi32, #tpu.memory_space<hbm>>
      %dma_wait3A_32 = arith.constant 0 : i32
      %dma_wait3A_33 = tpu.memref_slice %arg2[%mul3A_4, %dma_wait3A_32] : memref<2560x128xi32, #tpu.memory_space<hbm>> -> memref<40x128xi32, #tpu.memory_space<hbm>>
      tpu.wait_dma2 semaphore(%run_scoped3A : memref<!tpu.dma_semaphore, #tpu.memory_space<semaphore_mem>>) src(%dma_wait3A_33 : memref<40x128xi32, #tpu.memory_space<hbm>>) dst(%arg7 : memref<40x128xi32, #tpu.memory_space<vmem>>)
      tpu.yield
    }) : () -> ()
    %mul3A_5 = arith.constant 80 : i32
    %mul3A_6 = arith.muli %add3A, %mul3A_5 : i32
    "tpu.region"() ({
      %run_scoped3A = tpu.sem_alloc : memref<!tpu.dma_semaphore, #tpu.memory_space<semaphore_mem>>
      %dma_start3A = arith.constant 0 : i32
      %dma_start3A_28 = tpu.memref_slice %arg3[%mul3A_6, %dma_start3A] : memref<2560x128xi32, #tpu.memory_space<hbm>> -> memref<40x128xi32, #tpu.memory_space<hbm>>
      %dma_start3A_29 = arith.constant 0 : i32
      %dma_start3A_30 = tpu.memref_slice %arg3[%mul3A_6, %dma_start3A_29] : memref<2560x128xi32, #tpu.memory_space<hbm>> -> memref<40x128xi32, #tpu.memory_space<hbm>>
      tpu.enqueue_dma source(%dma_start3A_30 : memref<40x128xi32, #tpu.memory_space<hbm>>) target(%arg8 : memref<40x128xi32, #tpu.memory_space<vmem>>) target_semaphore(%run_scoped3A : memref<!tpu.dma_semaphore, #tpu.memory_space<semaphore_mem>>)
      %dma_wait3A = arith.constant 0 : i32
      %dma_wait3A_31 = tpu.memref_slice %arg3[%mul3A_6, %dma_wait3A] : memref<2560x128xi32, #tpu.memory_space<hbm>> -> memref<40x128xi32, #tpu.memory_space<hbm>>
      %dma_wait3A_32 = arith.constant 0 : i32
      %dma_wait3A_33 = tpu.memref_slice %arg3[%mul3A_6, %dma_wait3A_32] : memref<2560x128xi32, #tpu.memory_space<hbm>> -> memref<40x128xi32, #tpu.memory_space<hbm>>
      tpu.wait_dma2 semaphore(%run_scoped3A : memref<!tpu.dma_semaphore, #tpu.memory_space<semaphore_mem>>) src(%dma_wait3A_33 : memref<40x128xi32, #tpu.memory_space<hbm>>) dst(%arg8 : memref<40x128xi32, #tpu.memory_space<vmem>>)
      tpu.yield
    }) : () -> ()
    %barrier3A_7 = arith.constant 0 : index
    tpu.barrier barrier_id(%barrier3A_7)
    %scan3A = arith.constant 0 : i32
    %scan3A_8 = arith.constant 5 : i32
    %scan3A_9 = arith.addi %scan3A, %scan3A_8 : i32
    %scan3A_10 = arith.constant 1 : i32
    scf.for %scan3A_28 = %scan3A to %scan3A_9 step %scan3A_10  : i32 {
      %mul3A_29 = arith.constant 8 : i32
      %mul3A_30 = arith.muli %mul3A_29, %scan3A_28 : i32
      %add3A_31 = arith.constant 0 : i32
      %add3A_32 = arith.addi %mul3A_30, %add3A_31 : i32
      %dma_start3A = arith.constant 0 : i32
      %dma_start3A_33 = arith.constant 0 : i32
      %dma_start3A_34 = arith.constant 0 : i32
      %dma_start3A_35 = tpu.memref_slice %arg9[%dma_start3A, %dma_start3A_33, %dma_start3A_34] : memref<2x128x128xf32, #tpu.memory_space<vmem>> -> memref<1x128x128xf32, #tpu.memory_space<vmem>>
      %dma_start3A_36 = tpu.memref_squeeze %dma_start3A_35 : memref<1x128x128xf32, #tpu.memory_space<vmem>> -> memref<128x128xf32, #tpu.memory_space<vmem>>
      %dma_start3A_37 = arith.constant 0 : i32
      %dma_start3A_38 = tpu.memref_slice %arg7[%add3A_32, %dma_start3A_37] : memref<40x128xi32, #tpu.memory_space<vmem>> -> memref<1x128xi32, #tpu.memory_space<vmem>>
      %dma_start3A_39 = tpu.memref_squeeze %dma_start3A_38 : memref<1x128xi32, #tpu.memory_space<vmem>> -> memref<128xi32, #tpu.memory_space<vmem>>
      %dma_start3A_40 = arith.constant 0 : i32
      %dma_start3A_41 = arith.constant 0 : i32
      %dma_start3A_42 = tpu.memref_slice %arg4[%dma_start3A_40, %dma_start3A_41] : memref<10240x128xf32, #tpu.memory_space<hbm>> -> memref<10240x128xf32, #tpu.memory_space<hbm>>
      tpu.enqueue_indirect_dma source(%dma_start3A_42 : memref<10240x128xf32, #tpu.memory_space<hbm>>) target(%dma_start3A_36 : memref<128x128xf32, #tpu.memory_space<vmem>>) offsets(%dma_start3A_39 : memref<128xi32, #tpu.memory_space<vmem>>) semaphore(%arg11 : memref<!tpu.dma_semaphore, #tpu.memory_space<semaphore_mem>>)
      %mul3A_43 = arith.constant 8 : i32
      %mul3A_44 = arith.muli %mul3A_43, %scan3A_28 : i32
      %add3A_45 = arith.constant 1 : i32
      %add3A_46 = arith.addi %mul3A_44, %add3A_45 : i32
      %dma_start3A_47 = arith.constant 1 : i32
      %dma_start3A_48 = arith.constant 0 : i32
      %dma_start3A_49 = arith.constant 0 : i32
      %dma_start3A_50 = tpu.memref_slice %arg9[%dma_start3A_47, %dma_start3A_48, %dma_start3A_49] : memref<2x128x128xf32, #tpu.memory_space<vmem>> -> memref<1x128x128xf32, #tpu.memory_space<vmem>>
      %dma_start3A_51 = tpu.memref_squeeze %dma_start3A_50 : memref<1x128x128xf32, #tpu.memory_space<vmem>> -> memref<128x128xf32, #tpu.memory_space<vmem>>
      %dma_start3A_52 = arith.constant 0 : i32
      %dma_start3A_53 = tpu.memref_slice %arg7[%add3A_46, %dma_start3A_52] : memref<40x128xi32, #tpu.memory_space<vmem>> -> memref<1x128xi32, #tpu.memory_space<vmem>>
      %dma_start3A_54 = tpu.memref_squeeze %dma_start3A_53 : memref<1x128xi32, #tpu.memory_space<vmem>> -> memref<128xi32, #tpu.memory_space<vmem>>
      %dma_start3A_55 = arith.constant 0 : i32
      %dma_start3A_56 = arith.constant 0 : i32
      %dma_start3A_57 = tpu.memref_slice %arg4[%dma_start3A_55, %dma_start3A_56] : memref<10240x128xf32, #tpu.memory_space<hbm>> -> memref<10240x128xf32, #tpu.memory_space<hbm>>
      tpu.enqueue_indirect_dma source(%dma_start3A_57 : memref<10240x128xf32, #tpu.memory_space<hbm>>) target(%dma_start3A_51 : memref<128x128xf32, #tpu.memory_space<vmem>>) offsets(%dma_start3A_54 : memref<128xi32, #tpu.memory_space<vmem>>) semaphore(%arg12 : memref<!tpu.dma_semaphore, #tpu.memory_space<semaphore_mem>>)
      %dma_wait3A = arith.constant 0 : i32
      %dma_wait3A_58 = arith.constant 0 : i32
      %dma_wait3A_59 = arith.constant 0 : i32
      %dma_wait3A_60 = tpu.memref_slice %arg9[%dma_wait3A, %dma_wait3A_58, %dma_wait3A_59] : memref<2x128x128xf32, #tpu.memory_space<vmem>> -> memref<1x128x128xf32, #tpu.memory_space<vmem>>
      %dma_wait3A_61 = tpu.memref_squeeze %dma_wait3A_60 : memref<1x128x128xf32, #tpu.memory_space<vmem>> -> memref<128x128xf32, #tpu.memory_space<vmem>>
      %dma_wait3A_62 = arith.constant 0 : i32
      %dma_wait3A_63 = tpu.memref_slice %arg7[%add3A_32, %dma_wait3A_62] : memref<40x128xi32, #tpu.memory_space<vmem>> -> memref<1x128xi32, #tpu.memory_space<vmem>>
      %dma_wait3A_64 = tpu.memref_squeeze %dma_wait3A_63 : memref<1x128xi32, #tpu.memory_space<vmem>> -> memref<128xi32, #tpu.memory_space<vmem>>
      %dma_wait3A_65 = arith.constant 0 : i32
      %dma_wait3A_66 = arith.constant 0 : i32
      %dma_wait3A_67 = tpu.memref_slice %arg4[%dma_wait3A_65, %dma_wait3A_66] : memref<10240x128xf32, #tpu.memory_space<hbm>> -> memref<10240x128xf32, #tpu.memory_space<hbm>>
      tpu.wait_indirect_dma semaphore(%arg11 : memref<!tpu.dma_semaphore, #tpu.memory_space<semaphore_mem>>) src(%dma_wait3A_67 : memref<10240x128xf32, #tpu.memory_space<hbm>>) dst(%dma_wait3A_61 : memref<128x128xf32, #tpu.memory_space<vmem>>)
      %mul3A_68 = arith.constant 8 : i32
      %mul3A_69 = arith.muli %mul3A_68, %scan3A_28 : i32
      %add3A_70 = arith.constant 0 : i32
      %add3A_71 = arith.addi %mul3A_69, %add3A_70 : i32
      %dma_start3A_72 = arith.constant 0 : i32
      %dma_start3A_73 = arith.constant 0 : i32
      %dma_start3A_74 = arith.constant 0 : i32
      %dma_start3A_75 = tpu.memref_slice %arg9[%dma_start3A_72, %dma_start3A_73, %dma_start3A_74] : memref<2x128x128xf32, #tpu.memory_space<vmem>> -> memref<1x128x128xf32, #tpu.memory_space<vmem>>
      %dma_start3A_76 = tpu.memref_squeeze %dma_start3A_75 : memref<1x128x128xf32, #tpu.memory_space<vmem>> -> memref<128x128xf32, #tpu.memory_space<vmem>>
      %dma_start3A_77 = arith.constant 0 : i32
      %dma_start3A_78 = tpu.memref_slice %arg8[%add3A_71, %dma_start3A_77] : memref<40x128xi32, #tpu.memory_space<vmem>> -> memref<1x128xi32, #tpu.memory_space<vmem>>
      %dma_start3A_79 = tpu.memref_squeeze %dma_start3A_78 : memref<1x128xi32, #tpu.memory_space<vmem>> -> memref<128xi32, #tpu.memory_space<vmem>>
      %dma_start3A_80 = arith.constant 0 : i32
      %dma_start3A_81 = arith.constant 0 : i32
      %dma_start3A_82 = tpu.memref_slice %arg10[%dma_start3A_80, %dma_start3A_81] : memref<10240x128xf32, #tpu.memory_space<vmem_shared>> -> memref<10240x128xf32, #tpu.memory_space<vmem_shared>>
      tpu.enqueue_indirect_dma source(%dma_start3A_76 : memref<128x128xf32, #tpu.memory_space<vmem>>) target(%dma_start3A_82 : memref<10240x128xf32, #tpu.memory_space<vmem_shared>>) offsets(%dma_start3A_79 : memref<128xi32, #tpu.memory_space<vmem>>) semaphore(%arg13 : memref<!tpu.dma_semaphore, #tpu.memory_space<semaphore_mem>>) {add = true}
      %dma_wait3A_83 = arith.constant 0 : i32
      %dma_wait3A_84 = arith.constant 0 : i32
      %dma_wait3A_85 = arith.constant 0 : i32
      %dma_wait3A_86 = tpu.memref_slice %arg9[%dma_wait3A_83, %dma_wait3A_84, %dma_wait3A_85] : memref<2x128x128xf32, #tpu.memory_space<vmem>> -> memref<1x128x128xf32, #tpu.memory_space<vmem>>
      %dma_wait3A_87 = tpu.memref_squeeze %dma_wait3A_86 : memref<1x128x128xf32, #tpu.memory_space<vmem>> -> memref<128x128xf32, #tpu.memory_space<vmem>>
      %dma_wait3A_88 = arith.constant 0 : i32
      %dma_wait3A_89 = tpu.memref_slice %arg8[%add3A_71, %dma_wait3A_88] : memref<40x128xi32, #tpu.memory_space<vmem>> -> memref<1x128xi32, #tpu.memory_space<vmem>>
      %dma_wait3A_90 = tpu.memref_squeeze %dma_wait3A_89 : memref<1x128xi32, #tpu.memory_space<vmem>> -> memref<128xi32, #tpu.memory_space<vmem>>
      %dma_wait3A_91 = arith.constant 0 : i32
      %dma_wait3A_92 = arith.constant 0 : i32
      %dma_wait3A_93 = tpu.memref_slice %arg10[%dma_wait3A_91, %dma_wait3A_92] : memref<10240x128xf32, #tpu.memory_space<vmem_shared>> -> memref<10240x128xf32, #tpu.memory_space<vmem_shared>>
      tpu.wait_indirect_dma semaphore(%arg13 : memref<!tpu.dma_semaphore, #tpu.memory_space<semaphore_mem>>) src(%dma_wait3A_87 : memref<128x128xf32, #tpu.memory_space<vmem>>) dst(%dma_wait3A_93 : memref<10240x128xf32, #tpu.memory_space<vmem_shared>>)
      %mul3A_94 = arith.constant 8 : i32
      %mul3A_95 = arith.muli %mul3A_94, %scan3A_28 : i32
      %add3A_96 = arith.constant 0 : i32
      %add3A_97 = arith.addi %mul3A_95, %add3A_96 : i32
      %add3A_98 = arith.constant 2 : i32
      %add3A_99 = arith.addi %add3A_97, %add3A_98 : i32
      %dma_start3A_100 = arith.constant 0 : i32
      %dma_start3A_101 = arith.constant 0 : i32
      %dma_start3A_102 = arith.constant 0 : i32
      %dma_start3A_103 = tpu.memref_slice %arg9[%dma_start3A_100, %dma_start3A_101, %dma_start3A_102] : memref<2x128x128xf32, #tpu.memory_space<vmem>> -> memref<1x128x128xf32, #tpu.memory_space<vmem>>
      %dma_start3A_104 = tpu.memref_squeeze %dma_start3A_103 : memref<1x128x128xf32, #tpu.memory_space<vmem>> -> memref<128x128xf32, #tpu.memory_space<vmem>>
      %dma_start3A_105 = arith.constant 0 : i32
      %dma_start3A_106 = tpu.memref_slice %arg7[%add3A_99, %dma_start3A_105] : memref<40x128xi32, #tpu.memory_space<vmem>> -> memref<1x128xi32, #tpu.memory_space<vmem>>
      %dma_start3A_107 = tpu.memref_squeeze %dma_start3A_106 : memref<1x128xi32, #tpu.memory_space<vmem>> -> memref<128xi32, #tpu.memory_space<vmem>>
      %dma_start3A_108 = arith.constant 0 : i32
      %dma_start3A_109 = arith.constant 0 : i32
      %dma_start3A_110 = tpu.memref_slice %arg4[%dma_start3A_108, %dma_start3A_109] : memref<10240x128xf32, #tpu.memory_space<hbm>> -> memref<10240x128xf32, #tpu.memory_space<hbm>>
      tpu.enqueue_indirect_dma source(%dma_start3A_110 : memref<10240x128xf32, #tpu.memory_space<hbm>>) target(%dma_start3A_104 : memref<128x128xf32, #tpu.memory_space<vmem>>) offsets(%dma_start3A_107 : memref<128xi32, #tpu.memory_space<vmem>>) semaphore(%arg11 : memref<!tpu.dma_semaphore, #tpu.memory_space<semaphore_mem>>)
      %dma_wait3A_111 = arith.constant 1 : i32
      %dma_wait3A_112 = arith.constant 0 : i32
      %dma_wait3A_113 = arith.constant 0 : i32
      %dma_wait3A_114 = tpu.memref_slice %arg9[%dma_wait3A_111, %dma_wait3A_112, %dma_wait3A_113] : memref<2x128x128xf32, #tpu.memory_space<vmem>> -> memref<1x128x128xf32, #tpu.memory_space<vmem>>
      %dma_wait3A_115 = tpu.memref_squeeze %dma_wait3A_114 : memref<1x128x128xf32, #tpu.memory_space<vmem>> -> memref<128x128xf32, #tpu.memory_space<vmem>>
      %dma_wait3A_116 = arith.constant 0 : i32
      %dma_wait3A_117 = tpu.memref_slice %arg7[%add3A_46, %dma_wait3A_116] : memref<40x128xi32, #tpu.memory_space<vmem>> -> memref<1x128xi32, #tpu.memory_space<vmem>>
      %dma_wait3A_118 = tpu.memref_squeeze %dma_wait3A_117 : memref<1x128xi32, #tpu.memory_space<vmem>> -> memref<128xi32, #tpu.memory_space<vmem>>
      %dma_wait3A_119 = arith.constant 0 : i32
      %dma_wait3A_120 = arith.constant 0 : i32
      %dma_wait3A_121 = tpu.memref_slice %arg4[%dma_wait3A_119, %dma_wait3A_120] : memref<10240x128xf32, #tpu.memory_space<hbm>> -> memref<10240x128xf32, #tpu.memory_space<hbm>>
      tpu.wait_indirect_dma semaphore(%arg12 : memref<!tpu.dma_semaphore, #tpu.memory_space<semaphore_mem>>) src(%dma_wait3A_121 : memref<10240x128xf32, #tpu.memory_space<hbm>>) dst(%dma_wait3A_115 : memref<128x128xf32, #tpu.memory_space<vmem>>)
      %mul3A_122 = arith.constant 8 : i32
      %mul3A_123 = arith.muli %mul3A_122, %scan3A_28 : i32
      %add3A_124 = arith.constant 1 : i32
      %add3A_125 = arith.addi %mul3A_123, %add3A_124 : i32
      %dma_start3A_126 = arith.constant 1 : i32
      %dma_start3A_127 = arith.constant 0 : i32
      %dma_start3A_128 = arith.constant 0 : i32
      %dma_start3A_129 = tpu.memref_slice %arg9[%dma_start3A_126, %dma_start3A_127, %dma_start3A_128] : memref<2x128x128xf32, #tpu.memory_space<vmem>> -> memref<1x128x128xf32, #tpu.memory_space<vmem>>
      %dma_start3A_130 = tpu.memref_squeeze %dma_start3A_129 : memref<1x128x128xf32, #tpu.memory_space<vmem>> -> memref<128x128xf32, #tpu.memory_space<vmem>>
      %dma_start3A_131 = arith.constant 0 : i32
      %dma_start3A_132 = tpu.memref_slice %arg8[%add3A_125, %dma_start3A_131] : memref<40x128xi32, #tpu.memory_space<vmem>> -> memref<1x128xi32, #tpu.memory_space<vmem>>
      %dma_start3A_133 = tpu.memref_squeeze %dma_start3A_132 : memref<1x128xi32, #tpu.memory_space<vmem>> -> memref<128xi32, #tpu.memory_space<vmem>>
      %dma_start3A_134 = arith.constant 0 : i32
      %dma_start3A_135 = arith.constant 0 : i32
      %dma_start3A_136 = tpu.memref_slice %arg10[%dma_start3A_134, %dma_start3A_135] : memref<10240x128xf32, #tpu.memory_space<vmem_shared>> -> memref<10240x128xf32, #tpu.memory_space<vmem_shared>>
      tpu.enqueue_indirect_dma source(%dma_start3A_130 : memref<128x128xf32, #tpu.memory_space<vmem>>) target(%dma_start3A_136 : memref<10240x128xf32, #tpu.memory_space<vmem_shared>>) offsets(%dma_start3A_133 : memref<128xi32, #tpu.memory_space<vmem>>) semaphore(%arg14 : memref<!tpu.dma_semaphore, #tpu.memory_space<semaphore_mem>>) {add = true}
      %dma_wait3A_137 = arith.constant 1 : i32
      %dma_wait3A_138 = arith.constant 0 : i32
      %dma_wait3A_139 = arith.constant 0 : i32
      %dma_wait3A_140 = tpu.memref_slice %arg9[%dma_wait3A_137, %dma_wait3A_138, %dma_wait3A_139] : memref<2x128x128xf32, #tpu.memory_space<vmem>> -> memref<1x128x128xf32, #tpu.memory_space<vmem>>
      %dma_wait3A_141 = tpu.memref_squeeze %dma_wait3A_140 : memref<1x128x128xf32, #tpu.memory_space<vmem>> -> memref<128x128xf32, #tpu.memory_space<vmem>>
      %dma_wait3A_142 = arith.constant 0 : i32
      %dma_wait3A_143 = tpu.memref_slice %arg8[%add3A_125, %dma_wait3A_142] : memref<40x128xi32, #tpu.memory_space<vmem>> -> memref<1x128xi32, #tpu.memory_space<vmem>>
      %dma_wait3A_144 = tpu.memref_squeeze %dma_wait3A_143 : memref<1x128xi32, #tpu.memory_space<vmem>> -> memref<128xi32, #tpu.memory_space<vmem>>
      %dma_wait3A_145 = arith.constant 0 : i32
      %dma_wait3A_146 = arith.constant 0 : i32
      %dma_wait3A_147 = tpu.memref_slice %arg10[%dma_wait3A_145, %dma_wait3A_146] : memref<10240x128xf32, #tpu.memory_space<vmem_shared>> -> memref<10240x128xf32, #tpu.memory_space<vmem_shared>>
      tpu.wait_indirect_dma semaphore(%arg14 : memref<!tpu.dma_semaphore, #tpu.memory_space<semaphore_mem>>) src(%dma_wait3A_141 : memref<128x128xf32, #tpu.memory_space<vmem>>) dst(%dma_wait3A_147 : memref<10240x128xf32, #tpu.memory_space<vmem_shared>>)
      %mul3A_148 = arith.constant 8 : i32
      %mul3A_149 = arith.muli %mul3A_148, %scan3A_28 : i32
      %add3A_150 = arith.constant 1 : i32
      %add3A_151 = arith.addi %mul3A_149, %add3A_150 : i32
      %add3A_152 = arith.constant 2 : i32
      %add3A_153 = arith.addi %add3A_151, %add3A_152 : i32
      %dma_start3A_154 = arith.constant 1 : i32
      %dma_start3A_155 = arith.constant 0 : i32
      %dma_start3A_156 = arith.constant 0 : i32
      %dma_start3A_157 = tpu.memref_slice %arg9[%dma_start3A_154, %dma_start3A_155, %dma_start3A_156] : memref<2x128x128xf32, #tpu.memory_space<vmem>> -> memref<1x128x128xf32, #tpu.memory_space<vmem>>
      %dma_start3A_158 = tpu.memref_squeeze %dma_start3A_157 : memref<1x128x128xf32, #tpu.memory_space<vmem>> -> memref<128x128xf32, #tpu.memory_space<vmem>>
      %dma_start3A_159 = arith.constant 0 : i32
      %dma_start3A_160 = tpu.memref_slice %arg7[%add3A_153, %dma_start3A_159] : memref<40x128xi32, #tpu.memory_space<vmem>> -> memref<1x128xi32, #tpu.memory_space<vmem>>
      %dma_start3A_161 = tpu.memref_squeeze %dma_start3A_160 : memref<1x128xi32, #tpu.memory_space<vmem>> -> memref<128xi32, #tpu.memory_space<vmem>>
      %dma_start3A_162 = arith.constant 0 : i32
      %dma_start3A_163 = arith.constant 0 : i32
      %dma_start3A_164 = tpu.memref_slice %arg4[%dma_start3A_162, %dma_start3A_163] : memref<10240x128xf32, #tpu.memory_space<hbm>> -> memref<10240x128xf32, #tpu.memory_space<hbm>>
      tpu.enqueue_indirect_dma source(%dma_start3A_164 : memref<10240x128xf32, #tpu.memory_space<hbm>>) target(%dma_start3A_158 : memref<128x128xf32, #tpu.memory_space<vmem>>) offsets(%dma_start3A_161 : memref<128xi32, #tpu.memory_space<vmem>>) semaphore(%arg12 : memref<!tpu.dma_semaphore, #tpu.memory_space<semaphore_mem>>)
      %dma_wait3A_165 = arith.constant 0 : i32
      %dma_wait3A_166 = arith.constant 0 : i32
      %dma_wait3A_167 = arith.constant 0 : i32
      %dma_wait3A_168 = tpu.memref_slice %arg9[%dma_wait3A_165, %dma_wait3A_166, %dma_wait3A_167] : memref<2x128x128xf32, #tpu.memory_space<vmem>> -> memref<1x128x128xf32, #tpu.memory_space<vmem>>
      %dma_wait3A_169 = tpu.memref_squeeze %dma_wait3A_168 : memref<1x128x128xf32, #tpu.memory_space<vmem>> -> memref<128x128xf32, #tpu.memory_space<vmem>>
      %dma_wait3A_170 = arith.constant 0 : i32
      %dma_wait3A_171 = tpu.memref_slice %arg7[%add3A_99, %dma_wait3A_170] : memref<40x128xi32, #tpu.memory_space<vmem>> -> memref<1x128xi32, #tpu.memory_space<vmem>>
      %dma_wait3A_172 = tpu.memref_squeeze %dma_wait3A_171 : memref<1x128xi32, #tpu.memory_space<vmem>> -> memref<128xi32, #tpu.memory_space<vmem>>
      %dma_wait3A_173 = arith.constant 0 : i32
      %dma_wait3A_174 = arith.constant 0 : i32
      %dma_wait3A_175 = tpu.memref_slice %arg4[%dma_wait3A_173, %dma_wait3A_174] : memref<10240x128xf32, #tpu.memory_space<hbm>> -> memref<10240x128xf32, #tpu.memory_space<hbm>>
      tpu.wait_indirect_dma semaphore(%arg11 : memref<!tpu.dma_semaphore, #tpu.memory_space<semaphore_mem>>) src(%dma_wait3A_175 : memref<10240x128xf32, #tpu.memory_space<hbm>>) dst(%dma_wait3A_169 : memref<128x128xf32, #tpu.memory_space<vmem>>)
      %mul3A_176 = arith.constant 8 : i32
      %mul3A_177 = arith.muli %mul3A_176, %scan3A_28 : i32
      %add3A_178 = arith.constant 2 : i32
      %add3A_179 = arith.addi %mul3A_177, %add3A_178 : i32
      %dma_start3A_180 = arith.constant 0 : i32
      %dma_start3A_181 = arith.constant 0 : i32
      %dma_start3A_182 = arith.constant 0 : i32
      %dma_start3A_183 = tpu.memref_slice %arg9[%dma_start3A_180, %dma_start3A_181, %dma_start3A_182] : memref<2x128x128xf32, #tpu.memory_space<vmem>> -> memref<1x128x128xf32, #tpu.memory_space<vmem>>
      %dma_start3A_184 = tpu.memref_squeeze %dma_start3A_183 : memref<1x128x128xf32, #tpu.memory_space<vmem>> -> memref<128x128xf32, #tpu.memory_space<vmem>>
      %dma_start3A_185 = arith.constant 0 : i32
      %dma_start3A_186 = tpu.memref_slice %arg8[%add3A_179, %dma_start3A_185] : memref<40x128xi32, #tpu.memory_space<vmem>> -> memref<1x128xi32, #tpu.memory_space<vmem>>
      %dma_start3A_187 = tpu.memref_squeeze %dma_start3A_186 : memref<1x128xi32, #tpu.memory_space<vmem>> -> memref<128xi32, #tpu.memory_space<vmem>>
      %dma_start3A_188 = arith.constant 0 : i32
      %dma_start3A_189 = arith.constant 0 : i32
      %dma_start3A_190 = tpu.memref_slice %arg10[%dma_start3A_188, %dma_start3A_189] : memref<10240x128xf32, #tpu.memory_space<vmem_shared>> -> memref<10240x128xf32, #tpu.memory_space<vmem_shared>>
      tpu.enqueue_indirect_dma source(%dma_start3A_184 : memref<128x128xf32, #tpu.memory_space<vmem>>) target(%dma_start3A_190 : memref<10240x128xf32, #tpu.memory_space<vmem_shared>>) offsets(%dma_start3A_187 : memref<128xi32, #tpu.memory_space<vmem>>) semaphore(%arg13 : memref<!tpu.dma_semaphore, #tpu.memory_space<semaphore_mem>>) {add = true}
      %dma_wait3A_191 = arith.constant 0 : i32
      %dma_wait3A_192 = arith.constant 0 : i32
      %dma_wait3A_193 = arith.constant 0 : i32
      %dma_wait3A_194 = tpu.memref_slice %arg9[%dma_wait3A_191, %dma_wait3A_192, %dma_wait3A_193] : memref<2x128x128xf32, #tpu.memory_space<vmem>> -> memref<1x128x128xf32, #tpu.memory_space<vmem>>
      %dma_wait3A_195 = tpu.memref_squeeze %dma_wait3A_194 : memref<1x128x128xf32, #tpu.memory_space<vmem>> -> memref<128x128xf32, #tpu.memory_space<vmem>>
      %dma_wait3A_196 = arith.constant 0 : i32
      %dma_wait3A_197 = tpu.memref_slice %arg8[%add3A_179, %dma_wait3A_196] : memref<40x128xi32, #tpu.memory_space<vmem>> -> memref<1x128xi32, #tpu.memory_space<vmem>>
      %dma_wait3A_198 = tpu.memref_squeeze %dma_wait3A_197 : memref<1x128xi32, #tpu.memory_space<vmem>> -> memref<128xi32, #tpu.memory_space<vmem>>
      %dma_wait3A_199 = arith.constant 0 : i32
      %dma_wait3A_200 = arith.constant 0 : i32
      %dma_wait3A_201 = tpu.memref_slice %arg10[%dma_wait3A_199, %dma_wait3A_200] : memref<10240x128xf32, #tpu.memory_space<vmem_shared>> -> memref<10240x128xf32, #tpu.memory_space<vmem_shared>>
      tpu.wait_indirect_dma semaphore(%arg13 : memref<!tpu.dma_semaphore, #tpu.memory_space<semaphore_mem>>) src(%dma_wait3A_195 : memref<128x128xf32, #tpu.memory_space<vmem>>) dst(%dma_wait3A_201 : memref<10240x128xf32, #tpu.memory_space<vmem_shared>>)
      %mul3A_202 = arith.constant 8 : i32
      %mul3A_203 = arith.muli %mul3A_202, %scan3A_28 : i32
      %add3A_204 = arith.constant 2 : i32
      %add3A_205 = arith.addi %mul3A_203, %add3A_204 : i32
      %add3A_206 = arith.constant 2 : i32
      %add3A_207 = arith.addi %add3A_205, %add3A_206 : i32
      %dma_start3A_208 = arith.constant 0 : i32
      %dma_start3A_209 = arith.constant 0 : i32
      %dma_start3A_210 = arith.constant 0 : i32
      %dma_start3A_211 = tpu.memref_slice %arg9[%dma_start3A_208, %dma_start3A_209, %dma_start3A_210] : memref<2x128x128xf32, #tpu.memory_space<vmem>> -> memref<1x128x128xf32, #tpu.memory_space<vmem>>
      %dma_start3A_212 = tpu.memref_squeeze %dma_start3A_211 : memref<1x128x128xf32, #tpu.memory_space<vmem>> -> memref<128x128xf32, #tpu.memory_space<vmem>>
      %dma_start3A_213 = arith.constant 0 : i32
      %dma_start3A_214 = tpu.memref_slice %arg7[%add3A_207, %dma_start3A_213] : memref<40x128xi32, #tpu.memory_space<vmem>> -> memref<1x128xi32, #tpu.memory_space<vmem>>
      %dma_start3A_215 = tpu.memref_squeeze %dma_start3A_214 : memref<1x128xi32, #tpu.memory_space<vmem>> -> memref<128xi32, #tpu.memory_space<vmem>>
      %dma_start3A_216 = arith.constant 0 : i32
      %dma_start3A_217 = arith.constant 0 : i32
      %dma_start3A_218 = tpu.memref_slice %arg4[%dma_start3A_216, %dma_start3A_217] : memref<10240x128xf32, #tpu.memory_space<hbm>> -> memref<10240x128xf32, #tpu.memory_space<hbm>>
      tpu.enqueue_indirect_dma source(%dma_start3A_218 : memref<10240x128xf32, #tpu.memory_space<hbm>>) target(%dma_start3A_212 : memref<128x128xf32, #tpu.memory_space<vmem>>) offsets(%dma_start3A_215 : memref<128xi32, #tpu.memory_space<vmem>>) semaphore(%arg11 : memref<!tpu.dma_semaphore, #tpu.memory_space<semaphore_mem>>)
      %dma_wait3A_219 = arith.constant 1 : i32
      %dma_wait3A_220 = arith.constant 0 : i32
      %dma_wait3A_221 = arith.constant 0 : i32
      %dma_wait3A_222 = tpu.memref_slice %arg9[%dma_wait3A_219, %dma_wait3A_220, %dma_wait3A_221] : memref<2x128x128xf32, #tpu.memory_space<vmem>> -> memref<1x128x128xf32, #tpu.memory_space<vmem>>
      %dma_wait3A_223 = tpu.memref_squeeze %dma_wait3A_222 : memref<1x128x128xf32, #tpu.memory_space<vmem>> -> memref<128x128xf32, #tpu.memory_space<vmem>>
      %dma_wait3A_224 = arith.constant 0 : i32
      %dma_wait3A_225 = tpu.memref_slice %arg7[%add3A_153, %dma_wait3A_224] : memref<40x128xi32, #tpu.memory_space<vmem>> -> memref<1x128xi32, #tpu.memory_space<vmem>>
      %dma_wait3A_226 = tpu.memref_squeeze %dma_wait3A_225 : memref<1x128xi32, #tpu.memory_space<vmem>> -> memref<128xi32, #tpu.memory_space<vmem>>
      %dma_wait3A_227 = arith.constant 0 : i32
      %dma_wait3A_228 = arith.constant 0 : i32
      %dma_wait3A_229 = tpu.memref_slice %arg4[%dma_wait3A_227, %dma_wait3A_228] : memref<10240x128xf32, #tpu.memory_space<hbm>> -> memref<10240x128xf32, #tpu.memory_space<hbm>>
      tpu.wait_indirect_dma semaphore(%arg12 : memref<!tpu.dma_semaphore, #tpu.memory_space<semaphore_mem>>) src(%dma_wait3A_229 : memref<10240x128xf32, #tpu.memory_space<hbm>>) dst(%dma_wait3A_223 : memref<128x128xf32, #tpu.memory_space<vmem>>)
      %mul3A_230 = arith.constant 8 : i32
      %mul3A_231 = arith.muli %mul3A_230, %scan3A_28 : i32
      %add3A_232 = arith.constant 3 : i32
      %add3A_233 = arith.addi %mul3A_231, %add3A_232 : i32
      %dma_start3A_234 = arith.constant 1 : i32
      %dma_start3A_235 = arith.constant 0 : i32
      %dma_start3A_236 = arith.constant 0 : i32
      %dma_start3A_237 = tpu.memref_slice %arg9[%dma_start3A_234, %dma_start3A_235, %dma_start3A_236] : memref<2x128x128xf32, #tpu.memory_space<vmem>> -> memref<1x128x128xf32, #tpu.memory_space<vmem>>
      %dma_start3A_238 = tpu.memref_squeeze %dma_start3A_237 : memref<1x128x128xf32, #tpu.memory_space<vmem>> -> memref<128x128xf32, #tpu.memory_space<vmem>>
      %dma_start3A_239 = arith.constant 0 : i32
      %dma_start3A_240 = tpu.memref_slice %arg8[%add3A_233, %dma_start3A_239] : memref<40x128xi32, #tpu.memory_space<vmem>> -> memref<1x128xi32, #tpu.memory_space<vmem>>
      %dma_start3A_241 = tpu.memref_squeeze %dma_start3A_240 : memref<1x128xi32, #tpu.memory_space<vmem>> -> memref<128xi32, #tpu.memory_space<vmem>>
      %dma_start3A_242 = arith.constant 0 : i32
      %dma_start3A_243 = arith.constant 0 : i32
      %dma_start3A_244 = tpu.memref_slice %arg10[%dma_start3A_242, %dma_start3A_243] : memref<10240x128xf32, #tpu.memory_space<vmem_shared>> -> memref<10240x128xf32, #tpu.memory_space<vmem_shared>>
      tpu.enqueue_indirect_dma source(%dma_start3A_238 : memref<128x128xf32, #tpu.memory_space<vmem>>) target(%dma_start3A_244 : memref<10240x128xf32, #tpu.memory_space<vmem_shared>>) offsets(%dma_start3A_241 : memref<128xi32, #tpu.memory_space<vmem>>) semaphore(%arg14 : memref<!tpu.dma_semaphore, #tpu.memory_space<semaphore_mem>>) {add = true}
      %dma_wait3A_245 = arith.constant 1 : i32
      %dma_wait3A_246 = arith.constant 0 : i32
      %dma_wait3A_247 = arith.constant 0 : i32
      %dma_wait3A_248 = tpu.memref_slice %arg9[%dma_wait3A_245, %dma_wait3A_246, %dma_wait3A_247] : memref<2x128x128xf32, #tpu.memory_space<vmem>> -> memref<1x128x128xf32, #tpu.memory_space<vmem>>
      %dma_wait3A_249 = tpu.memref_squeeze %dma_wait3A_248 : memref<1x128x128xf32, #tpu.memory_space<vmem>> -> memref<128x128xf32, #tpu.memory_space<vmem>>
      %dma_wait3A_250 = arith.constant 0 : i32
      %dma_wait3A_251 = tpu.memref_slice %arg8[%add3A_233, %dma_wait3A_250] : memref<40x128xi32, #tpu.memory_space<vmem>> -> memref<1x128xi32, #tpu.memory_space<vmem>>
      %dma_wait3A_252 = tpu.memref_squeeze %dma_wait3A_251 : memref<1x128xi32, #tpu.memory_space<vmem>> -> memref<128xi32, #tpu.memory_space<vmem>>
      %dma_wait3A_253 = arith.constant 0 : i32
      %dma_wait3A_254 = arith.constant 0 : i32
      %dma_wait3A_255 = tpu.memref_slice %arg10[%dma_wait3A_253, %dma_wait3A_254] : memref<10240x128xf32, #tpu.memory_space<vmem_shared>> -> memref<10240x128xf32, #tpu.memory_space<vmem_shared>>
      tpu.wait_indirect_dma semaphore(%arg14 : memref<!tpu.dma_semaphore, #tpu.memory_space<semaphore_mem>>) src(%dma_wait3A_249 : memref<128x128xf32, #tpu.memory_space<vmem>>) dst(%dma_wait3A_255 : memref<10240x128xf32, #tpu.memory_space<vmem_shared>>)
      %mul3A_256 = arith.constant 8 : i32
      %mul3A_257 = arith.muli %mul3A_256, %scan3A_28 : i32
      %add3A_258 = arith.constant 3 : i32
      %add3A_259 = arith.addi %mul3A_257, %add3A_258 : i32
      %add3A_260 = arith.constant 2 : i32
      %add3A_261 = arith.addi %add3A_259, %add3A_260 : i32
      %dma_start3A_262 = arith.constant 1 : i32
      %dma_start3A_263 = arith.constant 0 : i32
      %dma_start3A_264 = arith.constant 0 : i32
      %dma_start3A_265 = tpu.memref_slice %arg9[%dma_start3A_262, %dma_start3A_263, %dma_start3A_264] : memref<2x128x128xf32, #tpu.memory_space<vmem>> -> memref<1x128x128xf32, #tpu.memory_space<vmem>>
      %dma_start3A_266 = tpu.memref_squeeze %dma_start3A_265 : memref<1x128x128xf32, #tpu.memory_space<vmem>> -> memref<128x128xf32, #tpu.memory_space<vmem>>
      %dma_start3A_267 = arith.constant 0 : i32
      %dma_start3A_268 = tpu.memref_slice %arg7[%add3A_261, %dma_start3A_267] : memref<40x128xi32, #tpu.memory_space<vmem>> -> memref<1x128xi32, #tpu.memory_space<vmem>>
      %dma_start3A_269 = tpu.memref_squeeze %dma_start3A_268 : memref<1x128xi32, #tpu.memory_space<vmem>> -> memref<128xi32, #tpu.memory_space<vmem>>
      %dma_start3A_270 = arith.constant 0 : i32
      %dma_start3A_271 = arith.constant 0 : i32
      %dma_start3A_272 = tpu.memref_slice %arg4[%dma_start3A_270, %dma_start3A_271] : memref<10240x128xf32, #tpu.memory_space<hbm>> -> memref<10240x128xf32, #tpu.memory_space<hbm>>
      tpu.enqueue_indirect_dma source(%dma_start3A_272 : memref<10240x128xf32, #tpu.memory_space<hbm>>) target(%dma_start3A_266 : memref<128x128xf32, #tpu.memory_space<vmem>>) offsets(%dma_start3A_269 : memref<128xi32, #tpu.memory_space<vmem>>) semaphore(%arg12 : memref<!tpu.dma_semaphore, #tpu.memory_space<semaphore_mem>>)
      %dma_wait3A_273 = arith.constant 0 : i32
      %dma_wait3A_274 = arith.constant 0 : i32
      %dma_wait3A_275 = arith.constant 0 : i32
      %dma_wait3A_276 = tpu.memref_slice %arg9[%dma_wait3A_273, %dma_wait3A_274, %dma_wait3A_275] : memref<2x128x128xf32, #tpu.memory_space<vmem>> -> memref<1x128x128xf32, #tpu.memory_space<vmem>>
      %dma_wait3A_277 = tpu.memref_squeeze %dma_wait3A_276 : memref<1x128x128xf32, #tpu.memory_space<vmem>> -> memref<128x128xf32, #tpu.memory_space<vmem>>
      %dma_wait3A_278 = arith.constant 0 : i32
      %dma_wait3A_279 = tpu.memref_slice %arg7[%add3A_207, %dma_wait3A_278] : memref<40x128xi32, #tpu.memory_space<vmem>> -> memref<1x128xi32, #tpu.memory_space<vmem>>
      %dma_wait3A_280 = tpu.memref_squeeze %dma_wait3A_279 : memref<1x128xi32, #tpu.memory_space<vmem>> -> memref<128xi32, #tpu.memory_space<vmem>>
      %dma_wait3A_281 = arith.constant 0 : i32
      %dma_wait3A_282 = arith.constant 0 : i32
      %dma_wait3A_283 = tpu.memref_slice %arg4[%dma_wait3A_281, %dma_wait3A_282] : memref<10240x128xf32, #tpu.memory_space<hbm>> -> memref<10240x128xf32, #tpu.memory_space<hbm>>
      tpu.wait_indirect_dma semaphore(%arg11 : memref<!tpu.dma_semaphore, #tpu.memory_space<semaphore_mem>>) src(%dma_wait3A_283 : memref<10240x128xf32, #tpu.memory_space<hbm>>) dst(%dma_wait3A_277 : memref<128x128xf32, #tpu.memory_space<vmem>>)
      %mul3A_284 = arith.constant 8 : i32
      %mul3A_285 = arith.muli %mul3A_284, %scan3A_28 : i32
      %add3A_286 = arith.constant 4 : i32
      %add3A_287 = arith.addi %mul3A_285, %add3A_286 : i32
      %dma_start3A_288 = arith.constant 0 : i32
      %dma_start3A_289 = arith.constant 0 : i32
      %dma_start3A_290 = arith.constant 0 : i32
      %dma_start3A_291 = tpu.memref_slice %arg9[%dma_start3A_288, %dma_start3A_289, %dma_start3A_290] : memref<2x128x128xf32, #tpu.memory_space<vmem>> -> memref<1x128x128xf32, #tpu.memory_space<vmem>>
      %dma_start3A_292 = tpu.memref_squeeze %dma_start3A_291 : memref<1x128x128xf32, #tpu.memory_space<vmem>> -> memref<128x128xf32, #tpu.memory_space<vmem>>
      %dma_start3A_293 = arith.constant 0 : i32
      %dma_start3A_294 = tpu.memref_slice %arg8[%add3A_287, %dma_start3A_293] : memref<40x128xi32, #tpu.memory_space<vmem>> -> memref<1x128xi32, #tpu.memory_space<vmem>>
      %dma_start3A_295 = tpu.memref_squeeze %dma_start3A_294 : memref<1x128xi32, #tpu.memory_space<vmem>> -> memref<128xi32, #tpu.memory_space<vmem>>
      %dma_start3A_296 = arith.constant 0 : i32
      %dma_start3A_297 = arith.constant 0 : i32
      %dma_start3A_298 = tpu.memref_slice %arg10[%dma_start3A_296, %dma_start3A_297] : memref<10240x128xf32, #tpu.memory_space<vmem_shared>> -> memref<10240x128xf32, #tpu.memory_space<vmem_shared>>
      tpu.enqueue_indirect_dma source(%dma_start3A_292 : memref<128x128xf32, #tpu.memory_space<vmem>>) target(%dma_start3A_298 : memref<10240x128xf32, #tpu.memory_space<vmem_shared>>) offsets(%dma_start3A_295 : memref<128xi32, #tpu.memory_space<vmem>>) semaphore(%arg13 : memref<!tpu.dma_semaphore, #tpu.memory_space<semaphore_mem>>) {add = true}
      %dma_wait3A_299 = arith.constant 0 : i32
      %dma_wait3A_300 = arith.constant 0 : i32
      %dma_wait3A_301 = arith.constant 0 : i32
      %dma_wait3A_302 = tpu.memref_slice %arg9[%dma_wait3A_299, %dma_wait3A_300, %dma_wait3A_301] : memref<2x128x128xf32, #tpu.memory_space<vmem>> -> memref<1x128x128xf32, #tpu.memory_space<vmem>>
      %dma_wait3A_303 = tpu.memref_squeeze %dma_wait3A_302 : memref<1x128x128xf32, #tpu.memory_space<vmem>> -> memref<128x128xf32, #tpu.memory_space<vmem>>
      %dma_wait3A_304 = arith.constant 0 : i32
      %dma_wait3A_305 = tpu.memref_slice %arg8[%add3A_287, %dma_wait3A_304] : memref<40x128xi32, #tpu.memory_space<vmem>> -> memref<1x128xi32, #tpu.memory_space<vmem>>
      %dma_wait3A_306 = tpu.memref_squeeze %dma_wait3A_305 : memref<1x128xi32, #tpu.memory_space<vmem>> -> memref<128xi32, #tpu.memory_space<vmem>>
      %dma_wait3A_307 = arith.constant 0 : i32
      %dma_wait3A_308 = arith.constant 0 : i32
      %dma_wait3A_309 = tpu.memref_slice %arg10[%dma_wait3A_307, %dma_wait3A_308] : memref<10240x128xf32, #tpu.memory_space<vmem_shared>> -> memref<10240x128xf32, #tpu.memory_space<vmem_shared>>
      tpu.wait_indirect_dma semaphore(%arg13 : memref<!tpu.dma_semaphore, #tpu.memory_space<semaphore_mem>>) src(%dma_wait3A_303 : memref<128x128xf32, #tpu.memory_space<vmem>>) dst(%dma_wait3A_309 : memref<10240x128xf32, #tpu.memory_space<vmem_shared>>)
      %mul3A_310 = arith.constant 8 : i32
      %mul3A_311 = arith.muli %mul3A_310, %scan3A_28 : i32
      %add3A_312 = arith.constant 4 : i32
      %add3A_313 = arith.addi %mul3A_311, %add3A_312 : i32
      %add3A_314 = arith.constant 2 : i32
      %add3A_315 = arith.addi %add3A_313, %add3A_314 : i32
      %dma_start3A_316 = arith.constant 0 : i32
      %dma_start3A_317 = arith.constant 0 : i32
      %dma_start3A_318 = arith.constant 0 : i32
      %dma_start3A_319 = tpu.memref_slice %arg9[%dma_start3A_316, %dma_start3A_317, %dma_start3A_318] : memref<2x128x128xf32, #tpu.memory_space<vmem>> -> memref<1x128x128xf32, #tpu.memory_space<vmem>>
      %dma_start3A_320 = tpu.memref_squeeze %dma_start3A_319 : memref<1x128x128xf32, #tpu.memory_space<vmem>> -> memref<128x128xf32, #tpu.memory_space<vmem>>
      %dma_start3A_321 = arith.constant 0 : i32
      %dma_start3A_322 = tpu.memref_slice %arg7[%add3A_315, %dma_start3A_321] : memref<40x128xi32, #tpu.memory_space<vmem>> -> memref<1x128xi32, #tpu.memory_space<vmem>>
      %dma_start3A_323 = tpu.memref_squeeze %dma_start3A_322 : memref<1x128xi32, #tpu.memory_space<vmem>> -> memref<128xi32, #tpu.memory_space<vmem>>
      %dma_start3A_324 = arith.constant 0 : i32
      %dma_start3A_325 = arith.constant 0 : i32
      %dma_start3A_326 = tpu.memref_slice %arg4[%dma_start3A_324, %dma_start3A_325] : memref<10240x128xf32, #tpu.memory_space<hbm>> -> memref<10240x128xf32, #tpu.memory_space<hbm>>
      tpu.enqueue_indirect_dma source(%dma_start3A_326 : memref<10240x128xf32, #tpu.memory_space<hbm>>) target(%dma_start3A_320 : memref<128x128xf32, #tpu.memory_space<vmem>>) offsets(%dma_start3A_323 : memref<128xi32, #tpu.memory_space<vmem>>) semaphore(%arg11 : memref<!tpu.dma_semaphore, #tpu.memory_space<semaphore_mem>>)
      %dma_wait3A_327 = arith.constant 1 : i32
      %dma_wait3A_328 = arith.constant 0 : i32
      %dma_wait3A_329 = arith.constant 0 : i32
      %dma_wait3A_330 = tpu.memref_slice %arg9[%dma_wait3A_327, %dma_wait3A_328, %dma_wait3A_329] : memref<2x128x128xf32, #tpu.memory_space<vmem>> -> memref<1x128x128xf32, #tpu.memory_space<vmem>>
      %dma_wait3A_331 = tpu.memref_squeeze %dma_wait3A_330 : memref<1x128x128xf32, #tpu.memory_space<vmem>> -> memref<128x128xf32, #tpu.memory_space<vmem>>
      %dma_wait3A_332 = arith.constant 0 : i32
      %dma_wait3A_333 = tpu.memref_slice %arg7[%add3A_261, %dma_wait3A_332] : memref<40x128xi32, #tpu.memory_space<vmem>> -> memref<1x128xi32, #tpu.memory_space<vmem>>
      %dma_wait3A_334 = tpu.memref_squeeze %dma_wait3A_333 : memref<1x128xi32, #tpu.memory_space<vmem>> -> memref<128xi32, #tpu.memory_space<vmem>>
      %dma_wait3A_335 = arith.constant 0 : i32
      %dma_wait3A_336 = arith.constant 0 : i32
      %dma_wait3A_337 = tpu.memref_slice %arg4[%dma_wait3A_335, %dma_wait3A_336] : memref<10240x128xf32, #tpu.memory_space<hbm>> -> memref<10240x128xf32, #tpu.memory_space<hbm>>
      tpu.wait_indirect_dma semaphore(%arg12 : memref<!tpu.dma_semaphore, #tpu.memory_space<semaphore_mem>>) src(%dma_wait3A_337 : memref<10240x128xf32, #tpu.memory_space<hbm>>) dst(%dma_wait3A_331 : memref<128x128xf32, #tpu.memory_space<vmem>>)
      %mul3A_338 = arith.constant 8 : i32
      %mul3A_339 = arith.muli %mul3A_338, %scan3A_28 : i32
      %add3A_340 = arith.constant 5 : i32
      %add3A_341 = arith.addi %mul3A_339, %add3A_340 : i32
      %dma_start3A_342 = arith.constant 1 : i32
      %dma_start3A_343 = arith.constant 0 : i32
      %dma_start3A_344 = arith.constant 0 : i32
      %dma_start3A_345 = tpu.memref_slice %arg9[%dma_start3A_342, %dma_start3A_343, %dma_start3A_344] : memref<2x128x128xf32, #tpu.memory_space<vmem>> -> memref<1x128x128xf32, #tpu.memory_space<vmem>>
      %dma_start3A_346 = tpu.memref_squeeze %dma_start3A_345 : memref<1x128x128xf32, #tpu.memory_space<vmem>> -> memref<128x128xf32, #tpu.memory_space<vmem>>
      %dma_start3A_347 = arith.constant 0 : i32
      %dma_start3A_348 = tpu.memref_slice %arg8[%add3A_341, %dma_start3A_347] : memref<40x128xi32, #tpu.memory_space<vmem>> -> memref<1x128xi32, #tpu.memory_space<vmem>>
      %dma_start3A_349 = tpu.memref_squeeze %dma_start3A_348 : memref<1x128xi32, #tpu.memory_space<vmem>> -> memref<128xi32, #tpu.memory_space<vmem>>
      %dma_start3A_350 = arith.constant 0 : i32
      %dma_start3A_351 = arith.constant 0 : i32
      %dma_start3A_352 = tpu.memref_slice %arg10[%dma_start3A_350, %dma_start3A_351] : memref<10240x128xf32, #tpu.memory_space<vmem_shared>> -> memref<10240x128xf32, #tpu.memory_space<vmem_shared>>
      tpu.enqueue_indirect_dma source(%dma_start3A_346 : memref<128x128xf32, #tpu.memory_space<vmem>>) target(%dma_start3A_352 : memref<10240x128xf32, #tpu.memory_space<vmem_shared>>) offsets(%dma_start3A_349 : memref<128xi32, #tpu.memory_space<vmem>>) semaphore(%arg14 : memref<!tpu.dma_semaphore, #tpu.memory_space<semaphore_mem>>) {add = true}
      %dma_wait3A_353 = arith.constant 1 : i32
      %dma_wait3A_354 = arith.constant 0 : i32
      %dma_wait3A_355 = arith.constant 0 : i32
      %dma_wait3A_356 = tpu.memref_slice %arg9[%dma_wait3A_353, %dma_wait3A_354, %dma_wait3A_355] : memref<2x128x128xf32, #tpu.memory_space<vmem>> -> memref<1x128x128xf32, #tpu.memory_space<vmem>>
      %dma_wait3A_357 = tpu.memref_squeeze %dma_wait3A_356 : memref<1x128x128xf32, #tpu.memory_space<vmem>> -> memref<128x128xf32, #tpu.memory_space<vmem>>
      %dma_wait3A_358 = arith.constant 0 : i32
      %dma_wait3A_359 = tpu.memref_slice %arg8[%add3A_341, %dma_wait3A_358] : memref<40x128xi32, #tpu.memory_space<vmem>> -> memref<1x128xi32, #tpu.memory_space<vmem>>
      %dma_wait3A_360 = tpu.memref_squeeze %dma_wait3A_359 : memref<1x128xi32, #tpu.memory_space<vmem>> -> memref<128xi32, #tpu.memory_space<vmem>>
      %dma_wait3A_361 = arith.constant 0 : i32
      %dma_wait3A_362 = arith.constant 0 : i32
      %dma_wait3A_363 = tpu.memref_slice %arg10[%dma_wait3A_361, %dma_wait3A_362] : memref<10240x128xf32, #tpu.memory_space<vmem_shared>> -> memref<10240x128xf32, #tpu.memory_space<vmem_shared>>
      tpu.wait_indirect_dma semaphore(%arg14 : memref<!tpu.dma_semaphore, #tpu.memory_space<semaphore_mem>>) src(%dma_wait3A_357 : memref<128x128xf32, #tpu.memory_space<vmem>>) dst(%dma_wait3A_363 : memref<10240x128xf32, #tpu.memory_space<vmem_shared>>)
      %mul3A_364 = arith.constant 8 : i32
      %mul3A_365 = arith.muli %mul3A_364, %scan3A_28 : i32
      %add3A_366 = arith.constant 5 : i32
      %add3A_367 = arith.addi %mul3A_365, %add3A_366 : i32
      %add3A_368 = arith.constant 2 : i32
      %add3A_369 = arith.addi %add3A_367, %add3A_368 : i32
      %dma_start3A_370 = arith.constant 1 : i32
      %dma_start3A_371 = arith.constant 0 : i32
      %dma_start3A_372 = arith.constant 0 : i32
      %dma_start3A_373 = tpu.memref_slice %arg9[%dma_start3A_370, %dma_start3A_371, %dma_start3A_372] : memref<2x128x128xf32, #tpu.memory_space<vmem>> -> memref<1x128x128xf32, #tpu.memory_space<vmem>>
      %dma_start3A_374 = tpu.memref_squeeze %dma_start3A_373 : memref<1x128x128xf32, #tpu.memory_space<vmem>> -> memref<128x128xf32, #tpu.memory_space<vmem>>
      %dma_start3A_375 = arith.constant 0 : i32
      %dma_start3A_376 = tpu.memref_slice %arg7[%add3A_369, %dma_start3A_375] : memref<40x128xi32, #tpu.memory_space<vmem>> -> memref<1x128xi32, #tpu.memory_space<vmem>>
      %dma_start3A_377 = tpu.memref_squeeze %dma_start3A_376 : memref<1x128xi32, #tpu.memory_space<vmem>> -> memref<128xi32, #tpu.memory_space<vmem>>
      %dma_start3A_378 = arith.constant 0 : i32
      %dma_start3A_379 = arith.constant 0 : i32
      %dma_start3A_380 = tpu.memref_slice %arg4[%dma_start3A_378, %dma_start3A_379] : memref<10240x128xf32, #tpu.memory_space<hbm>> -> memref<10240x128xf32, #tpu.memory_space<hbm>>
      tpu.enqueue_indirect_dma source(%dma_start3A_380 : memref<10240x128xf32, #tpu.memory_space<hbm>>) target(%dma_start3A_374 : memref<128x128xf32, #tpu.memory_space<vmem>>) offsets(%dma_start3A_377 : memref<128xi32, #tpu.memory_space<vmem>>) semaphore(%arg12 : memref<!tpu.dma_semaphore, #tpu.memory_space<semaphore_mem>>)
      %dma_wait3A_381 = arith.constant 0 : i32
      %dma_wait3A_382 = arith.constant 0 : i32
      %dma_wait3A_383 = arith.constant 0 : i32
      %dma_wait3A_384 = tpu.memref_slice %arg9[%dma_wait3A_381, %dma_wait3A_382, %dma_wait3A_383] : memref<2x128x128xf32, #tpu.memory_space<vmem>> -> memref<1x128x128xf32, #tpu.memory_space<vmem>>
      %dma_wait3A_385 = tpu.memref_squeeze %dma_wait3A_384 : memref<1x128x128xf32, #tpu.memory_space<vmem>> -> memref<128x128xf32, #tpu.memory_space<vmem>>
      %dma_wait3A_386 = arith.constant 0 : i32
      %dma_wait3A_387 = tpu.memref_slice %arg7[%add3A_315, %dma_wait3A_386] : memref<40x128xi32, #tpu.memory_space<vmem>> -> memref<1x128xi32, #tpu.memory_space<vmem>>
      %dma_wait3A_388 = tpu.memref_squeeze %dma_wait3A_387 : memref<1x128xi32, #tpu.memory_space<vmem>> -> memref<128xi32, #tpu.memory_space<vmem>>
      %dma_wait3A_389 = arith.constant 0 : i32
      %dma_wait3A_390 = arith.constant 0 : i32
      %dma_wait3A_391 = tpu.memref_slice %arg4[%dma_wait3A_389, %dma_wait3A_390] : memref<10240x128xf32, #tpu.memory_space<hbm>> -> memref<10240x128xf32, #tpu.memory_space<hbm>>
      tpu.wait_indirect_dma semaphore(%arg11 : memref<!tpu.dma_semaphore, #tpu.memory_space<semaphore_mem>>) src(%dma_wait3A_391 : memref<10240x128xf32, #tpu.memory_space<hbm>>) dst(%dma_wait3A_385 : memref<128x128xf32, #tpu.memory_space<vmem>>)
      %mul3A_392 = arith.constant 8 : i32
      %mul3A_393 = arith.muli %mul3A_392, %scan3A_28 : i32
      %add3A_394 = arith.constant 6 : i32
      %add3A_395 = arith.addi %mul3A_393, %add3A_394 : i32
      %dma_start3A_396 = arith.constant 0 : i32
      %dma_start3A_397 = arith.constant 0 : i32
      %dma_start3A_398 = arith.constant 0 : i32
      %dma_start3A_399 = tpu.memref_slice %arg9[%dma_start3A_396, %dma_start3A_397, %dma_start3A_398] : memref<2x128x128xf32, #tpu.memory_space<vmem>> -> memref<1x128x128xf32, #tpu.memory_space<vmem>>
      %dma_start3A_400 = tpu.memref_squeeze %dma_start3A_399 : memref<1x128x128xf32, #tpu.memory_space<vmem>> -> memref<128x128xf32, #tpu.memory_space<vmem>>
      %dma_start3A_401 = arith.constant 0 : i32
      %dma_start3A_402 = tpu.memref_slice %arg8[%add3A_395, %dma_start3A_401] : memref<40x128xi32, #tpu.memory_space<vmem>> -> memref<1x128xi32, #tpu.memory_space<vmem>>
      %dma_start3A_403 = tpu.memref_squeeze %dma_start3A_402 : memref<1x128xi32, #tpu.memory_space<vmem>> -> memref<128xi32, #tpu.memory_space<vmem>>
      %dma_start3A_404 = arith.constant 0 : i32
      %dma_start3A_405 = arith.constant 0 : i32
      %dma_start3A_406 = tpu.memref_slice %arg10[%dma_start3A_404, %dma_start3A_405] : memref<10240x128xf32, #tpu.memory_space<vmem_shared>> -> memref<10240x128xf32, #tpu.memory_space<vmem_shared>>
      tpu.enqueue_indirect_dma source(%dma_start3A_400 : memref<128x128xf32, #tpu.memory_space<vmem>>) target(%dma_start3A_406 : memref<10240x128xf32, #tpu.memory_space<vmem_shared>>) offsets(%dma_start3A_403 : memref<128xi32, #tpu.memory_space<vmem>>) semaphore(%arg13 : memref<!tpu.dma_semaphore, #tpu.memory_space<semaphore_mem>>) {add = true}
      %dma_wait3A_407 = arith.constant 1 : i32
      %dma_wait3A_408 = arith.constant 0 : i32
      %dma_wait3A_409 = arith.constant 0 : i32
      %dma_wait3A_410 = tpu.memref_slice %arg9[%dma_wait3A_407, %dma_wait3A_408, %dma_wait3A_409] : memref<2x128x128xf32, #tpu.memory_space<vmem>> -> memref<1x128x128xf32, #tpu.memory_space<vmem>>
      %dma_wait3A_411 = tpu.memref_squeeze %dma_wait3A_410 : memref<1x128x128xf32, #tpu.memory_space<vmem>> -> memref<128x128xf32, #tpu.memory_space<vmem>>
      %dma_wait3A_412 = arith.constant 0 : i32
      %dma_wait3A_413 = tpu.memref_slice %arg7[%add3A_369, %dma_wait3A_412] : memref<40x128xi32, #tpu.memory_space<vmem>> -> memref<1x128xi32, #tpu.memory_space<vmem>>
      %dma_wait3A_414 = tpu.memref_squeeze %dma_wait3A_413 : memref<1x128xi32, #tpu.memory_space<vmem>> -> memref<128xi32, #tpu.memory_space<vmem>>
      %dma_wait3A_415 = arith.constant 0 : i32
      %dma_wait3A_416 = arith.constant 0 : i32
      %dma_wait3A_417 = tpu.memref_slice %arg4[%dma_wait3A_415, %dma_wait3A_416] : memref<10240x128xf32, #tpu.memory_space<hbm>> -> memref<10240x128xf32, #tpu.memory_space<hbm>>
      tpu.wait_indirect_dma semaphore(%arg12 : memref<!tpu.dma_semaphore, #tpu.memory_space<semaphore_mem>>) src(%dma_wait3A_417 : memref<10240x128xf32, #tpu.memory_space<hbm>>) dst(%dma_wait3A_411 : memref<128x128xf32, #tpu.memory_space<vmem>>)
      %mul3A_418 = arith.constant 8 : i32
      %mul3A_419 = arith.muli %mul3A_418, %scan3A_28 : i32
      %add3A_420 = arith.constant 7 : i32
      %add3A_421 = arith.addi %mul3A_419, %add3A_420 : i32
      %dma_start3A_422 = arith.constant 1 : i32
      %dma_start3A_423 = arith.constant 0 : i32
      %dma_start3A_424 = arith.constant 0 : i32
      %dma_start3A_425 = tpu.memref_slice %arg9[%dma_start3A_422, %dma_start3A_423, %dma_start3A_424] : memref<2x128x128xf32, #tpu.memory_space<vmem>> -> memref<1x128x128xf32, #tpu.memory_space<vmem>>
      %dma_start3A_426 = tpu.memref_squeeze %dma_start3A_425 : memref<1x128x128xf32, #tpu.memory_space<vmem>> -> memref<128x128xf32, #tpu.memory_space<vmem>>
      %dma_start3A_427 = arith.constant 0 : i32
      %dma_start3A_428 = tpu.memref_slice %arg8[%add3A_421, %dma_start3A_427] : memref<40x128xi32, #tpu.memory_space<vmem>> -> memref<1x128xi32, #tpu.memory_space<vmem>>
      %dma_start3A_429 = tpu.memref_squeeze %dma_start3A_428 : memref<1x128xi32, #tpu.memory_space<vmem>> -> memref<128xi32, #tpu.memory_space<vmem>>
      %dma_start3A_430 = arith.constant 0 : i32
      %dma_start3A_431 = arith.constant 0 : i32
      %dma_start3A_432 = tpu.memref_slice %arg10[%dma_start3A_430, %dma_start3A_431] : memref<10240x128xf32, #tpu.memory_space<vmem_shared>> -> memref<10240x128xf32, #tpu.memory_space<vmem_shared>>
      tpu.enqueue_indirect_dma source(%dma_start3A_426 : memref<128x128xf32, #tpu.memory_space<vmem>>) target(%dma_start3A_432 : memref<10240x128xf32, #tpu.memory_space<vmem_shared>>) offsets(%dma_start3A_429 : memref<128xi32, #tpu.memory_space<vmem>>) semaphore(%arg14 : memref<!tpu.dma_semaphore, #tpu.memory_space<semaphore_mem>>) {add = true}
      %dma_wait3A_433 = arith.constant 0 : i32
      %dma_wait3A_434 = arith.constant 0 : i32
      %dma_wait3A_435 = arith.constant 0 : i32
      %dma_wait3A_436 = tpu.memref_slice %arg9[%dma_wait3A_433, %dma_wait3A_434, %dma_wait3A_435] : memref<2x128x128xf32, #tpu.memory_space<vmem>> -> memref<1x128x128xf32, #tpu.memory_space<vmem>>
      %dma_wait3A_437 = tpu.memref_squeeze %dma_wait3A_436 : memref<1x128x128xf32, #tpu.memory_space<vmem>> -> memref<128x128xf32, #tpu.memory_space<vmem>>
      %dma_wait3A_438 = arith.constant 0 : i32
      %dma_wait3A_439 = tpu.memref_slice %arg8[%add3A_395, %dma_wait3A_438] : memref<40x128xi32, #tpu.memory_space<vmem>> -> memref<1x128xi32, #tpu.memory_space<vmem>>
      %dma_wait3A_440 = tpu.memref_squeeze %dma_wait3A_439 : memref<1x128xi32, #tpu.memory_space<vmem>> -> memref<128xi32, #tpu.memory_space<vmem>>
      %dma_wait3A_441 = arith.constant 0 : i32
      %dma_wait3A_442 = arith.constant 0 : i32
      %dma_wait3A_443 = tpu.memref_slice %arg10[%dma_wait3A_441, %dma_wait3A_442] : memref<10240x128xf32, #tpu.memory_space<vmem_shared>> -> memref<10240x128xf32, #tpu.memory_space<vmem_shared>>
      tpu.wait_indirect_dma semaphore(%arg13 : memref<!tpu.dma_semaphore, #tpu.memory_space<semaphore_mem>>) src(%dma_wait3A_437 : memref<128x128xf32, #tpu.memory_space<vmem>>) dst(%dma_wait3A_443 : memref<10240x128xf32, #tpu.memory_space<vmem_shared>>)
      %dma_wait3A_444 = arith.constant 1 : i32
      %dma_wait3A_445 = arith.constant 0 : i32
      %dma_wait3A_446 = arith.constant 0 : i32
      %dma_wait3A_447 = tpu.memref_slice %arg9[%dma_wait3A_444, %dma_wait3A_445, %dma_wait3A_446] : memref<2x128x128xf32, #tpu.memory_space<vmem>> -> memref<1x128x128xf32, #tpu.memory_space<vmem>>
      %dma_wait3A_448 = tpu.memref_squeeze %dma_wait3A_447 : memref<1x128x128xf32, #tpu.memory_space<vmem>> -> memref<128x128xf32, #tpu.memory_space<vmem>>
      %dma_wait3A_449 = arith.constant 0 : i32
      %dma_wait3A_450 = tpu.memref_slice %arg8[%add3A_421, %dma_wait3A_449] : memref<40x128xi32, #tpu.memory_space<vmem>> -> memref<1x128xi32, #tpu.memory_space<vmem>>
      %dma_wait3A_451 = tpu.memref_squeeze %dma_wait3A_450 : memref<1x128xi32, #tpu.memory_space<vmem>> -> memref<128xi32, #tpu.memory_space<vmem>>
      %dma_wait3A_452 = arith.constant 0 : i32
      %dma_wait3A_453 = arith.constant 0 : i32
      %dma_wait3A_454 = tpu.memref_slice %arg10[%dma_wait3A_452, %dma_wait3A_453] : memref<10240x128xf32, #tpu.memory_space<vmem_shared>> -> memref<10240x128xf32, #tpu.memory_space<vmem_shared>>
      tpu.wait_indirect_dma semaphore(%arg14 : memref<!tpu.dma_semaphore, #tpu.memory_space<semaphore_mem>>) src(%dma_wait3A_448 : memref<128x128xf32, #tpu.memory_space<vmem>>) dst(%dma_wait3A_454 : memref<10240x128xf32, #tpu.memory_space<vmem_shared>>)
    }
    %scan3A_11 = arith.constant 5 : i32
    %barrier3A_12 = arith.constant 0 : index
    tpu.barrier barrier_id(%barrier3A_12)
    %mul3A_13 = arith.constant 80 : i32
    %mul3A_14 = arith.muli %add3A, %mul3A_13 : i32
    %add3A_15 = arith.constant 40 : i32
    %add3A_16 = arith.addi %mul3A_14, %add3A_15 : i32
    "tpu.region"() ({
      %run_scoped3A = tpu.sem_alloc : memref<!tpu.dma_semaphore, #tpu.memory_space<semaphore_mem>>
      %dma_start3A = arith.constant 0 : i32
      %dma_start3A_28 = tpu.memref_slice %arg2[%add3A_16, %dma_start3A] : memref<2560x128xi32, #tpu.memory_space<hbm>> -> memref<40x128xi32, #tpu.memory_space<hbm>>
      %dma_start3A_29 = arith.constant 0 : i32
      %dma_start3A_30 = tpu.memref_slice %arg2[%add3A_16, %dma_start3A_29] : memref<2560x128xi32, #tpu.memory_space<hbm>> -> memref<40x128xi32, #tpu.memory_space<hbm>>
      tpu.enqueue_dma source(%dma_start3A_30 : memref<40x128xi32, #tpu.memory_space<hbm>>) target(%arg7 : memref<40x128xi32, #tpu.memory_space<vmem>>) target_semaphore(%run_scoped3A : memref<!tpu.dma_semaphore, #tpu.memory_space<semaphore_mem>>)
      %dma_wait3A = arith.constant 0 : i32
      %dma_wait3A_31 = tpu.memref_slice %arg2[%add3A_16, %dma_wait3A] : memref<2560x128xi32, #tpu.memory_space<hbm>> -> memref<40x128xi32, #tpu.memory_space<hbm>>
      %dma_wait3A_32 = arith.constant 0 : i32
      %dma_wait3A_33 = tpu.memref_slice %arg2[%add3A_16, %dma_wait3A_32] : memref<2560x128xi32, #tpu.memory_space<hbm>> -> memref<40x128xi32, #tpu.memory_space<hbm>>
      tpu.wait_dma2 semaphore(%run_scoped3A : memref<!tpu.dma_semaphore, #tpu.memory_space<semaphore_mem>>) src(%dma_wait3A_33 : memref<40x128xi32, #tpu.memory_space<hbm>>) dst(%arg7 : memref<40x128xi32, #tpu.memory_space<vmem>>)
      tpu.yield
    }) : () -> ()
    %mul3A_17 = arith.constant 80 : i32
    %mul3A_18 = arith.muli %add3A, %mul3A_17 : i32
    %add3A_19 = arith.constant 40 : i32
    %add3A_20 = arith.addi %mul3A_18, %add3A_19 : i32
    "tpu.region"() ({
      %run_scoped3A = tpu.sem_alloc : memref<!tpu.dma_semaphore, #tpu.memory_space<semaphore_mem>>
      %dma_start3A = arith.constant 0 : i32
      %dma_start3A_28 = tpu.memref_slice %arg3[%add3A_20, %dma_start3A] : memref<2560x128xi32, #tpu.memory_space<hbm>> -> memref<40x128xi32, #tpu.memory_space<hbm>>
      %dma_start3A_29 = arith.constant 0 : i32
      %dma_start3A_30 = tpu.memref_slice %arg3[%add3A_20, %dma_start3A_29] : memref<2560x128xi32, #tpu.memory_space<hbm>> -> memref<40x128xi32, #tpu.memory_space<hbm>>
      tpu.enqueue_dma source(%dma_start3A_30 : memref<40x128xi32, #tpu.memory_space<hbm>>) target(%arg8 : memref<40x128xi32, #tpu.memory_space<vmem>>) target_semaphore(%run_scoped3A : memref<!tpu.dma_semaphore, #tpu.memory_space<semaphore_mem>>)
      %dma_wait3A = arith.constant 0 : i32
      %dma_wait3A_31 = tpu.memref_slice %arg3[%add3A_20, %dma_wait3A] : memref<2560x128xi32, #tpu.memory_space<hbm>> -> memref<40x128xi32, #tpu.memory_space<hbm>>
      %dma_wait3A_32 = arith.constant 0 : i32
      %dma_wait3A_33 = tpu.memref_slice %arg3[%add3A_20, %dma_wait3A_32] : memref<2560x128xi32, #tpu.memory_space<hbm>> -> memref<40x128xi32, #tpu.memory_space<hbm>>
      tpu.wait_dma2 semaphore(%run_scoped3A : memref<!tpu.dma_semaphore, #tpu.memory_space<semaphore_mem>>) src(%dma_wait3A_33 : memref<40x128xi32, #tpu.memory_space<hbm>>) dst(%arg8 : memref<40x128xi32, #tpu.memory_space<vmem>>)
      tpu.yield
    }) : () -> ()
    %barrier3A_21 = arith.constant 0 : index
    tpu.barrier barrier_id(%barrier3A_21)
    %scan3A_22 = arith.constant 0 : i32
    %scan3A_23 = arith.constant 5 : i32
    %scan3A_24 = arith.addi %scan3A_22, %scan3A_23 : i32
    %scan3A_25 = arith.constant 1 : i32
    scf.for %scan3A_28 = %scan3A_22 to %scan3A_24 step %scan3A_25  : i32 {
      %mul3A_29 = arith.constant 8 : i32
      %mul3A_30 = arith.muli %mul3A_29, %scan3A_28 : i32
      %add3A_31 = arith.constant 0 : i32
      %add3A_32 = arith.addi %mul3A_30, %add3A_31 : i32
      %dma_start3A = arith.constant 0 : i32
      %dma_start3A_33 = arith.constant 0 : i32
      %dma_start3A_34 = arith.constant 0 : i32
      %dma_start3A_35 = tpu.memref_slice %arg9[%dma_start3A, %dma_start3A_33, %dma_start3A_34] : memref<2x128x128xf32, #tpu.memory_space<vmem>> -> memref<1x128x128xf32, #tpu.memory_space<vmem>>
      %dma_start3A_36 = tpu.memref_squeeze %dma_start3A_35 : memref<1x128x128xf32, #tpu.memory_space<vmem>> -> memref<128x128xf32, #tpu.memory_space<vmem>>
      %dma_start3A_37 = arith.constant 0 : i32
      %dma_start3A_38 = tpu.memref_slice %arg7[%add3A_32, %dma_start3A_37] : memref<40x128xi32, #tpu.memory_space<vmem>> -> memref<1x128xi32, #tpu.memory_space<vmem>>
      %dma_start3A_39 = tpu.memref_squeeze %dma_start3A_38 : memref<1x128xi32, #tpu.memory_space<vmem>> -> memref<128xi32, #tpu.memory_space<vmem>>
      %dma_start3A_40 = arith.constant 0 : i32
      %dma_start3A_41 = arith.constant 0 : i32
      %dma_start3A_42 = tpu.memref_slice %arg4[%dma_start3A_40, %dma_start3A_41] : memref<10240x128xf32, #tpu.memory_space<hbm>> -> memref<10240x128xf32, #tpu.memory_space<hbm>>
      tpu.enqueue_indirect_dma source(%dma_start3A_42 : memref<10240x128xf32, #tpu.memory_space<hbm>>) target(%dma_start3A_36 : memref<128x128xf32, #tpu.memory_space<vmem>>) offsets(%dma_start3A_39 : memref<128xi32, #tpu.memory_space<vmem>>) semaphore(%arg11 : memref<!tpu.dma_semaphore, #tpu.memory_space<semaphore_mem>>)
      %mul3A_43 = arith.constant 8 : i32
      %mul3A_44 = arith.muli %mul3A_43, %scan3A_28 : i32
      %add3A_45 = arith.constant 1 : i32
      %add3A_46 = arith.addi %mul3A_44, %add3A_45 : i32
      %dma_start3A_47 = arith.constant 1 : i32
      %dma_start3A_48 = arith.constant 0 : i32
      %dma_start3A_49 = arith.constant 0 : i32
      %dma_start3A_50 = tpu.memref_slice %arg9[%dma_start3A_47, %dma_start3A_48, %dma_start3A_49] : memref<2x128x128xf32, #tpu.memory_space<vmem>> -> memref<1x128x128xf32, #tpu.memory_space<vmem>>
      %dma_start3A_51 = tpu.memref_squeeze %dma_start3A_50 : memref<1x128x128xf32, #tpu.memory_space<vmem>> -> memref<128x128xf32, #tpu.memory_space<vmem>>
      %dma_start3A_52 = arith.constant 0 : i32
      %dma_start3A_53 = tpu.memref_slice %arg7[%add3A_46, %dma_start3A_52] : memref<40x128xi32, #tpu.memory_space<vmem>> -> memref<1x128xi32, #tpu.memory_space<vmem>>
      %dma_start3A_54 = tpu.memref_squeeze %dma_start3A_53 : memref<1x128xi32, #tpu.memory_space<vmem>> -> memref<128xi32, #tpu.memory_space<vmem>>
      %dma_start3A_55 = arith.constant 0 : i32
      %dma_start3A_56 = arith.constant 0 : i32
      %dma_start3A_57 = tpu.memref_slice %arg4[%dma_start3A_55, %dma_start3A_56] : memref<10240x128xf32, #tpu.memory_space<hbm>> -> memref<10240x128xf32, #tpu.memory_space<hbm>>
      tpu.enqueue_indirect_dma source(%dma_start3A_57 : memref<10240x128xf32, #tpu.memory_space<hbm>>) target(%dma_start3A_51 : memref<128x128xf32, #tpu.memory_space<vmem>>) offsets(%dma_start3A_54 : memref<128xi32, #tpu.memory_space<vmem>>) semaphore(%arg12 : memref<!tpu.dma_semaphore, #tpu.memory_space<semaphore_mem>>)
      %dma_wait3A = arith.constant 0 : i32
      %dma_wait3A_58 = arith.constant 0 : i32
      %dma_wait3A_59 = arith.constant 0 : i32
      %dma_wait3A_60 = tpu.memref_slice %arg9[%dma_wait3A, %dma_wait3A_58, %dma_wait3A_59] : memref<2x128x128xf32, #tpu.memory_space<vmem>> -> memref<1x128x128xf32, #tpu.memory_space<vmem>>
      %dma_wait3A_61 = tpu.memref_squeeze %dma_wait3A_60 : memref<1x128x128xf32, #tpu.memory_space<vmem>> -> memref<128x128xf32, #tpu.memory_space<vmem>>
      %dma_wait3A_62 = arith.constant 0 : i32
      %dma_wait3A_63 = tpu.memref_slice %arg7[%add3A_32, %dma_wait3A_62] : memref<40x128xi32, #tpu.memory_space<vmem>> -> memref<1x128xi32, #tpu.memory_space<vmem>>
      %dma_wait3A_64 = tpu.memref_squeeze %dma_wait3A_63 : memref<1x128xi32, #tpu.memory_space<vmem>> -> memref<128xi32, #tpu.memory_space<vmem>>
      %dma_wait3A_65 = arith.constant 0 : i32
      %dma_wait3A_66 = arith.constant 0 : i32
      %dma_wait3A_67 = tpu.memref_slice %arg4[%dma_wait3A_65, %dma_wait3A_66] : memref<10240x128xf32, #tpu.memory_space<hbm>> -> memref<10240x128xf32, #tpu.memory_space<hbm>>
      tpu.wait_indirect_dma semaphore(%arg11 : memref<!tpu.dma_semaphore, #tpu.memory_space<semaphore_mem>>) src(%dma_wait3A_67 : memref<10240x128xf32, #tpu.memory_space<hbm>>) dst(%dma_wait3A_61 : memref<128x128xf32, #tpu.memory_space<vmem>>)
      %mul3A_68 = arith.constant 8 : i32
      %mul3A_69 = arith.muli %mul3A_68, %scan3A_28 : i32
      %add3A_70 = arith.constant 0 : i32
      %add3A_71 = arith.addi %mul3A_69, %add3A_70 : i32
      %dma_start3A_72 = arith.constant 0 : i32
      %dma_start3A_73 = arith.constant 0 : i32
      %dma_start3A_74 = arith.constant 0 : i32
      %dma_start3A_75 = tpu.memref_slice %arg9[%dma_start3A_72, %dma_start3A_73, %dma_start3A_74] : memref<2x128x128xf32, #tpu.memory_space<vmem>> -> memref<1x128x128xf32, #tpu.memory_space<vmem>>
      %dma_start3A_76 = tpu.memref_squeeze %dma_start3A_75 : memref<1x128x128xf32, #tpu.memory_space<vmem>> -> memref<128x128xf32, #tpu.memory_space<vmem>>
      %dma_start3A_77 = arith.constant 0 : i32
      %dma_start3A_78 = tpu.memref_slice %arg8[%add3A_71, %dma_start3A_77] : memref<40x128xi32, #tpu.memory_space<vmem>> -> memref<1x128xi32, #tpu.memory_space<vmem>>
      %dma_start3A_79 = tpu.memref_squeeze %dma_start3A_78 : memref<1x128xi32, #tpu.memory_space<vmem>> -> memref<128xi32, #tpu.memory_space<vmem>>
      %dma_start3A_80 = arith.constant 0 : i32
      %dma_start3A_81 = arith.constant 0 : i32
      %dma_start3A_82 = tpu.memref_slice %arg10[%dma_start3A_80, %dma_start3A_81] : memref<10240x128xf32, #tpu.memory_space<vmem_shared>> -> memref<10240x128xf32, #tpu.memory_space<vmem_shared>>
      tpu.enqueue_indirect_dma source(%dma_start3A_76 : memref<128x128xf32, #tpu.memory_space<vmem>>) target(%dma_start3A_82 : memref<10240x128xf32, #tpu.memory_space<vmem_shared>>) offsets(%dma_start3A_79 : memref<128xi32, #tpu.memory_space<vmem>>) semaphore(%arg13 : memref<!tpu.dma_semaphore, #tpu.memory_space<semaphore_mem>>) {add = true}
      %dma_wait3A_83 = arith.constant 0 : i32
      %dma_wait3A_84 = arith.constant 0 : i32
      %dma_wait3A_85 = arith.constant 0 : i32
      %dma_wait3A_86 = tpu.memref_slice %arg9[%dma_wait3A_83, %dma_wait3A_84, %dma_wait3A_85] : memref<2x128x128xf32, #tpu.memory_space<vmem>> -> memref<1x128x128xf32, #tpu.memory_space<vmem>>
      %dma_wait3A_87 = tpu.memref_squeeze %dma_wait3A_86 : memref<1x128x128xf32, #tpu.memory_space<vmem>> -> memref<128x128xf32, #tpu.memory_space<vmem>>
      %dma_wait3A_88 = arith.constant 0 : i32
      %dma_wait3A_89 = tpu.memref_slice %arg8[%add3A_71, %dma_wait3A_88] : memref<40x128xi32, #tpu.memory_space<vmem>> -> memref<1x128xi32, #tpu.memory_space<vmem>>
      %dma_wait3A_90 = tpu.memref_squeeze %dma_wait3A_89 : memref<1x128xi32, #tpu.memory_space<vmem>> -> memref<128xi32, #tpu.memory_space<vmem>>
      %dma_wait3A_91 = arith.constant 0 : i32
      %dma_wait3A_92 = arith.constant 0 : i32
      %dma_wait3A_93 = tpu.memref_slice %arg10[%dma_wait3A_91, %dma_wait3A_92] : memref<10240x128xf32, #tpu.memory_space<vmem_shared>> -> memref<10240x128xf32, #tpu.memory_space<vmem_shared>>
      tpu.wait_indirect_dma semaphore(%arg13 : memref<!tpu.dma_semaphore, #tpu.memory_space<semaphore_mem>>) src(%dma_wait3A_87 : memref<128x128xf32, #tpu.memory_space<vmem>>) dst(%dma_wait3A_93 : memref<10240x128xf32, #tpu.memory_space<vmem_shared>>)
      %mul3A_94 = arith.constant 8 : i32
      %mul3A_95 = arith.muli %mul3A_94, %scan3A_28 : i32
      %add3A_96 = arith.constant 0 : i32
      %add3A_97 = arith.addi %mul3A_95, %add3A_96 : i32
      %add3A_98 = arith.constant 2 : i32
      %add3A_99 = arith.addi %add3A_97, %add3A_98 : i32
      %dma_start3A_100 = arith.constant 0 : i32
      %dma_start3A_101 = arith.constant 0 : i32
      %dma_start3A_102 = arith.constant 0 : i32
      %dma_start3A_103 = tpu.memref_slice %arg9[%dma_start3A_100, %dma_start3A_101, %dma_start3A_102] : memref<2x128x128xf32, #tpu.memory_space<vmem>> -> memref<1x128x128xf32, #tpu.memory_space<vmem>>
      %dma_start3A_104 = tpu.memref_squeeze %dma_start3A_103 : memref<1x128x128xf32, #tpu.memory_space<vmem>> -> memref<128x128xf32, #tpu.memory_space<vmem>>
      %dma_start3A_105 = arith.constant 0 : i32
      %dma_start3A_106 = tpu.memref_slice %arg7[%add3A_99, %dma_start3A_105] : memref<40x128xi32, #tpu.memory_space<vmem>> -> memref<1x128xi32, #tpu.memory_space<vmem>>
      %dma_start3A_107 = tpu.memref_squeeze %dma_start3A_106 : memref<1x128xi32, #tpu.memory_space<vmem>> -> memref<128xi32, #tpu.memory_space<vmem>>
      %dma_start3A_108 = arith.constant 0 : i32
      %dma_start3A_109 = arith.constant 0 : i32
      %dma_start3A_110 = tpu.memref_slice %arg4[%dma_start3A_108, %dma_start3A_109] : memref<10240x128xf32, #tpu.memory_space<hbm>> -> memref<10240x128xf32, #tpu.memory_space<hbm>>
      tpu.enqueue_indirect_dma source(%dma_start3A_110 : memref<10240x128xf32, #tpu.memory_space<hbm>>) target(%dma_start3A_104 : memref<128x128xf32, #tpu.memory_space<vmem>>) offsets(%dma_start3A_107 : memref<128xi32, #tpu.memory_space<vmem>>) semaphore(%arg11 : memref<!tpu.dma_semaphore, #tpu.memory_space<semaphore_mem>>)
      %dma_wait3A_111 = arith.constant 1 : i32
      %dma_wait3A_112 = arith.constant 0 : i32
      %dma_wait3A_113 = arith.constant 0 : i32
      %dma_wait3A_114 = tpu.memref_slice %arg9[%dma_wait3A_111, %dma_wait3A_112, %dma_wait3A_113] : memref<2x128x128xf32, #tpu.memory_space<vmem>> -> memref<1x128x128xf32, #tpu.memory_space<vmem>>
      %dma_wait3A_115 = tpu.memref_squeeze %dma_wait3A_114 : memref<1x128x128xf32, #tpu.memory_space<vmem>> -> memref<128x128xf32, #tpu.memory_space<vmem>>
      %dma_wait3A_116 = arith.constant 0 : i32
      %dma_wait3A_117 = tpu.memref_slice %arg7[%add3A_46, %dma_wait3A_116] : memref<40x128xi32, #tpu.memory_space<vmem>> -> memref<1x128xi32, #tpu.memory_space<vmem>>
      %dma_wait3A_118 = tpu.memref_squeeze %dma_wait3A_117 : memref<1x128xi32, #tpu.memory_space<vmem>> -> memref<128xi32, #tpu.memory_space<vmem>>
      %dma_wait3A_119 = arith.constant 0 : i32
      %dma_wait3A_120 = arith.constant 0 : i32
      %dma_wait3A_121 = tpu.memref_slice %arg4[%dma_wait3A_119, %dma_wait3A_120] : memref<10240x128xf32, #tpu.memory_space<hbm>> -> memref<10240x128xf32, #tpu.memory_space<hbm>>
      tpu.wait_indirect_dma semaphore(%arg12 : memref<!tpu.dma_semaphore, #tpu.memory_space<semaphore_mem>>) src(%dma_wait3A_121 : memref<10240x128xf32, #tpu.memory_space<hbm>>) dst(%dma_wait3A_115 : memref<128x128xf32, #tpu.memory_space<vmem>>)
      %mul3A_122 = arith.constant 8 : i32
      %mul3A_123 = arith.muli %mul3A_122, %scan3A_28 : i32
      %add3A_124 = arith.constant 1 : i32
      %add3A_125 = arith.addi %mul3A_123, %add3A_124 : i32
      %dma_start3A_126 = arith.constant 1 : i32
      %dma_start3A_127 = arith.constant 0 : i32
      %dma_start3A_128 = arith.constant 0 : i32
      %dma_start3A_129 = tpu.memref_slice %arg9[%dma_start3A_126, %dma_start3A_127, %dma_start3A_128] : memref<2x128x128xf32, #tpu.memory_space<vmem>> -> memref<1x128x128xf32, #tpu.memory_space<vmem>>
      %dma_start3A_130 = tpu.memref_squeeze %dma_start3A_129 : memref<1x128x128xf32, #tpu.memory_space<vmem>> -> memref<128x128xf32, #tpu.memory_space<vmem>>
      %dma_start3A_131 = arith.constant 0 : i32
      %dma_start3A_132 = tpu.memref_slice %arg8[%add3A_125, %dma_start3A_131] : memref<40x128xi32, #tpu.memory_space<vmem>> -> memref<1x128xi32, #tpu.memory_space<vmem>>
      %dma_start3A_133 = tpu.memref_squeeze %dma_start3A_132 : memref<1x128xi32, #tpu.memory_space<vmem>> -> memref<128xi32, #tpu.memory_space<vmem>>
      %dma_start3A_134 = arith.constant 0 : i32
      %dma_start3A_135 = arith.constant 0 : i32
      %dma_start3A_136 = tpu.memref_slice %arg10[%dma_start3A_134, %dma_start3A_135] : memref<10240x128xf32, #tpu.memory_space<vmem_shared>> -> memref<10240x128xf32, #tpu.memory_space<vmem_shared>>
      tpu.enqueue_indirect_dma source(%dma_start3A_130 : memref<128x128xf32, #tpu.memory_space<vmem>>) target(%dma_start3A_136 : memref<10240x128xf32, #tpu.memory_space<vmem_shared>>) offsets(%dma_start3A_133 : memref<128xi32, #tpu.memory_space<vmem>>) semaphore(%arg14 : memref<!tpu.dma_semaphore, #tpu.memory_space<semaphore_mem>>) {add = true}
      %dma_wait3A_137 = arith.constant 1 : i32
      %dma_wait3A_138 = arith.constant 0 : i32
      %dma_wait3A_139 = arith.constant 0 : i32
      %dma_wait3A_140 = tpu.memref_slice %arg9[%dma_wait3A_137, %dma_wait3A_138, %dma_wait3A_139] : memref<2x128x128xf32, #tpu.memory_space<vmem>> -> memref<1x128x128xf32, #tpu.memory_space<vmem>>
      %dma_wait3A_141 = tpu.memref_squeeze %dma_wait3A_140 : memref<1x128x128xf32, #tpu.memory_space<vmem>> -> memref<128x128xf32, #tpu.memory_space<vmem>>
      %dma_wait3A_142 = arith.constant 0 : i32
      %dma_wait3A_143 = tpu.memref_slice %arg8[%add3A_125, %dma_wait3A_142] : memref<40x128xi32, #tpu.memory_space<vmem>> -> memref<1x128xi32, #tpu.memory_space<vmem>>
      %dma_wait3A_144 = tpu.memref_squeeze %dma_wait3A_143 : memref<1x128xi32, #tpu.memory_space<vmem>> -> memref<128xi32, #tpu.memory_space<vmem>>
      %dma_wait3A_145 = arith.constant 0 : i32
      %dma_wait3A_146 = arith.constant 0 : i32
      %dma_wait3A_147 = tpu.memref_slice %arg10[%dma_wait3A_145, %dma_wait3A_146] : memref<10240x128xf32, #tpu.memory_space<vmem_shared>> -> memref<10240x128xf32, #tpu.memory_space<vmem_shared>>
      tpu.wait_indirect_dma semaphore(%arg14 : memref<!tpu.dma_semaphore, #tpu.memory_space<semaphore_mem>>) src(%dma_wait3A_141 : memref<128x128xf32, #tpu.memory_space<vmem>>) dst(%dma_wait3A_147 : memref<10240x128xf32, #tpu.memory_space<vmem_shared>>)
      %mul3A_148 = arith.constant 8 : i32
      %mul3A_149 = arith.muli %mul3A_148, %scan3A_28 : i32
      %add3A_150 = arith.constant 1 : i32
      %add3A_151 = arith.addi %mul3A_149, %add3A_150 : i32
      %add3A_152 = arith.constant 2 : i32
      %add3A_153 = arith.addi %add3A_151, %add3A_152 : i32
      %dma_start3A_154 = arith.constant 1 : i32
      %dma_start3A_155 = arith.constant 0 : i32
      %dma_start3A_156 = arith.constant 0 : i32
      %dma_start3A_157 = tpu.memref_slice %arg9[%dma_start3A_154, %dma_start3A_155, %dma_start3A_156] : memref<2x128x128xf32, #tpu.memory_space<vmem>> -> memref<1x128x128xf32, #tpu.memory_space<vmem>>
      %dma_start3A_158 = tpu.memref_squeeze %dma_start3A_157 : memref<1x128x128xf32, #tpu.memory_space<vmem>> -> memref<128x128xf32, #tpu.memory_space<vmem>>
      %dma_start3A_159 = arith.constant 0 : i32
      %dma_start3A_160 = tpu.memref_slice %arg7[%add3A_153, %dma_start3A_159] : memref<40x128xi32, #tpu.memory_space<vmem>> -> memref<1x128xi32, #tpu.memory_space<vmem>>
      %dma_start3A_161 = tpu.memref_squeeze %dma_start3A_160 : memref<1x128xi32, #tpu.memory_space<vmem>> -> memref<128xi32, #tpu.memory_space<vmem>>
      %dma_start3A_162 = arith.constant 0 : i32
      %dma_start3A_163 = arith.constant 0 : i32
      %dma_start3A_164 = tpu.memref_slice %arg4[%dma_start3A_162, %dma_start3A_163] : memref<10240x128xf32, #tpu.memory_space<hbm>> -> memref<10240x128xf32, #tpu.memory_space<hbm>>
      tpu.enqueue_indirect_dma source(%dma_start3A_164 : memref<10240x128xf32, #tpu.memory_space<hbm>>) target(%dma_start3A_158 : memref<128x128xf32, #tpu.memory_space<vmem>>) offsets(%dma_start3A_161 : memref<128xi32, #tpu.memory_space<vmem>>) semaphore(%arg12 : memref<!tpu.dma_semaphore, #tpu.memory_space<semaphore_mem>>)
      %dma_wait3A_165 = arith.constant 0 : i32
      %dma_wait3A_166 = arith.constant 0 : i32
      %dma_wait3A_167 = arith.constant 0 : i32
      %dma_wait3A_168 = tpu.memref_slice %arg9[%dma_wait3A_165, %dma_wait3A_166, %dma_wait3A_167] : memref<2x128x128xf32, #tpu.memory_space<vmem>> -> memref<1x128x128xf32, #tpu.memory_space<vmem>>
      %dma_wait3A_169 = tpu.memref_squeeze %dma_wait3A_168 : memref<1x128x128xf32, #tpu.memory_space<vmem>> -> memref<128x128xf32, #tpu.memory_space<vmem>>
      %dma_wait3A_170 = arith.constant 0 : i32
      %dma_wait3A_171 = tpu.memref_slice %arg7[%add3A_99, %dma_wait3A_170] : memref<40x128xi32, #tpu.memory_space<vmem>> -> memref<1x128xi32, #tpu.memory_space<vmem>>
      %dma_wait3A_172 = tpu.memref_squeeze %dma_wait3A_171 : memref<1x128xi32, #tpu.memory_space<vmem>> -> memref<128xi32, #tpu.memory_space<vmem>>
      %dma_wait3A_173 = arith.constant 0 : i32
      %dma_wait3A_174 = arith.constant 0 : i32
      %dma_wait3A_175 = tpu.memref_slice %arg4[%dma_wait3A_173, %dma_wait3A_174] : memref<10240x128xf32, #tpu.memory_space<hbm>> -> memref<10240x128xf32, #tpu.memory_space<hbm>>
      tpu.wait_indirect_dma semaphore(%arg11 : memref<!tpu.dma_semaphore, #tpu.memory_space<semaphore_mem>>) src(%dma_wait3A_175 : memref<10240x128xf32, #tpu.memory_space<hbm>>) dst(%dma_wait3A_169 : memref<128x128xf32, #tpu.memory_space<vmem>>)
      %mul3A_176 = arith.constant 8 : i32
      %mul3A_177 = arith.muli %mul3A_176, %scan3A_28 : i32
      %add3A_178 = arith.constant 2 : i32
      %add3A_179 = arith.addi %mul3A_177, %add3A_178 : i32
      %dma_start3A_180 = arith.constant 0 : i32
      %dma_start3A_181 = arith.constant 0 : i32
      %dma_start3A_182 = arith.constant 0 : i32
      %dma_start3A_183 = tpu.memref_slice %arg9[%dma_start3A_180, %dma_start3A_181, %dma_start3A_182] : memref<2x128x128xf32, #tpu.memory_space<vmem>> -> memref<1x128x128xf32, #tpu.memory_space<vmem>>
      %dma_start3A_184 = tpu.memref_squeeze %dma_start3A_183 : memref<1x128x128xf32, #tpu.memory_space<vmem>> -> memref<128x128xf32, #tpu.memory_space<vmem>>
      %dma_start3A_185 = arith.constant 0 : i32
      %dma_start3A_186 = tpu.memref_slice %arg8[%add3A_179, %dma_start3A_185] : memref<40x128xi32, #tpu.memory_space<vmem>> -> memref<1x128xi32, #tpu.memory_space<vmem>>
      %dma_start3A_187 = tpu.memref_squeeze %dma_start3A_186 : memref<1x128xi32, #tpu.memory_space<vmem>> -> memref<128xi32, #tpu.memory_space<vmem>>
      %dma_start3A_188 = arith.constant 0 : i32
      %dma_start3A_189 = arith.constant 0 : i32
      %dma_start3A_190 = tpu.memref_slice %arg10[%dma_start3A_188, %dma_start3A_189] : memref<10240x128xf32, #tpu.memory_space<vmem_shared>> -> memref<10240x128xf32, #tpu.memory_space<vmem_shared>>
      tpu.enqueue_indirect_dma source(%dma_start3A_184 : memref<128x128xf32, #tpu.memory_space<vmem>>) target(%dma_start3A_190 : memref<10240x128xf32, #tpu.memory_space<vmem_shared>>) offsets(%dma_start3A_187 : memref<128xi32, #tpu.memory_space<vmem>>) semaphore(%arg13 : memref<!tpu.dma_semaphore, #tpu.memory_space<semaphore_mem>>) {add = true}
      %dma_wait3A_191 = arith.constant 0 : i32
      %dma_wait3A_192 = arith.constant 0 : i32
      %dma_wait3A_193 = arith.constant 0 : i32
      %dma_wait3A_194 = tpu.memref_slice %arg9[%dma_wait3A_191, %dma_wait3A_192, %dma_wait3A_193] : memref<2x128x128xf32, #tpu.memory_space<vmem>> -> memref<1x128x128xf32, #tpu.memory_space<vmem>>
      %dma_wait3A_195 = tpu.memref_squeeze %dma_wait3A_194 : memref<1x128x128xf32, #tpu.memory_space<vmem>> -> memref<128x128xf32, #tpu.memory_space<vmem>>
      %dma_wait3A_196 = arith.constant 0 : i32
      %dma_wait3A_197 = tpu.memref_slice %arg8[%add3A_179, %dma_wait3A_196] : memref<40x128xi32, #tpu.memory_space<vmem>> -> memref<1x128xi32, #tpu.memory_space<vmem>>
      %dma_wait3A_198 = tpu.memref_squeeze %dma_wait3A_197 : memref<1x128xi32, #tpu.memory_space<vmem>> -> memref<128xi32, #tpu.memory_space<vmem>>
      %dma_wait3A_199 = arith.constant 0 : i32
      %dma_wait3A_200 = arith.constant 0 : i32
      %dma_wait3A_201 = tpu.memref_slice %arg10[%dma_wait3A_199, %dma_wait3A_200] : memref<10240x128xf32, #tpu.memory_space<vmem_shared>> -> memref<10240x128xf32, #tpu.memory_space<vmem_shared>>
      tpu.wait_indirect_dma semaphore(%arg13 : memref<!tpu.dma_semaphore, #tpu.memory_space<semaphore_mem>>) src(%dma_wait3A_195 : memref<128x128xf32, #tpu.memory_space<vmem>>) dst(%dma_wait3A_201 : memref<10240x128xf32, #tpu.memory_space<vmem_shared>>)
      %mul3A_202 = arith.constant 8 : i32
      %mul3A_203 = arith.muli %mul3A_202, %scan3A_28 : i32
      %add3A_204 = arith.constant 2 : i32
      %add3A_205 = arith.addi %mul3A_203, %add3A_204 : i32
      %add3A_206 = arith.constant 2 : i32
      %add3A_207 = arith.addi %add3A_205, %add3A_206 : i32
      %dma_start3A_208 = arith.constant 0 : i32
      %dma_start3A_209 = arith.constant 0 : i32
      %dma_start3A_210 = arith.constant 0 : i32
      %dma_start3A_211 = tpu.memref_slice %arg9[%dma_start3A_208, %dma_start3A_209, %dma_start3A_210] : memref<2x128x128xf32, #tpu.memory_space<vmem>> -> memref<1x128x128xf32, #tpu.memory_space<vmem>>
      %dma_start3A_212 = tpu.memref_squeeze %dma_start3A_211 : memref<1x128x128xf32, #tpu.memory_space<vmem>> -> memref<128x128xf32, #tpu.memory_space<vmem>>
      %dma_start3A_213 = arith.constant 0 : i32
      %dma_start3A_214 = tpu.memref_slice %arg7[%add3A_207, %dma_start3A_213] : memref<40x128xi32, #tpu.memory_space<vmem>> -> memref<1x128xi32, #tpu.memory_space<vmem>>
      %dma_start3A_215 = tpu.memref_squeeze %dma_start3A_214 : memref<1x128xi32, #tpu.memory_space<vmem>> -> memref<128xi32, #tpu.memory_space<vmem>>
      %dma_start3A_216 = arith.constant 0 : i32
      %dma_start3A_217 = arith.constant 0 : i32
      %dma_start3A_218 = tpu.memref_slice %arg4[%dma_start3A_216, %dma_start3A_217] : memref<10240x128xf32, #tpu.memory_space<hbm>> -> memref<10240x128xf32, #tpu.memory_space<hbm>>
      tpu.enqueue_indirect_dma source(%dma_start3A_218 : memref<10240x128xf32, #tpu.memory_space<hbm>>) target(%dma_start3A_212 : memref<128x128xf32, #tpu.memory_space<vmem>>) offsets(%dma_start3A_215 : memref<128xi32, #tpu.memory_space<vmem>>) semaphore(%arg11 : memref<!tpu.dma_semaphore, #tpu.memory_space<semaphore_mem>>)
      %dma_wait3A_219 = arith.constant 1 : i32
      %dma_wait3A_220 = arith.constant 0 : i32
      %dma_wait3A_221 = arith.constant 0 : i32
      %dma_wait3A_222 = tpu.memref_slice %arg9[%dma_wait3A_219, %dma_wait3A_220, %dma_wait3A_221] : memref<2x128x128xf32, #tpu.memory_space<vmem>> -> memref<1x128x128xf32, #tpu.memory_space<vmem>>
      %dma_wait3A_223 = tpu.memref_squeeze %dma_wait3A_222 : memref<1x128x128xf32, #tpu.memory_space<vmem>> -> memref<128x128xf32, #tpu.memory_space<vmem>>
      %dma_wait3A_224 = arith.constant 0 : i32
      %dma_wait3A_225 = tpu.memref_slice %arg7[%add3A_153, %dma_wait3A_224] : memref<40x128xi32, #tpu.memory_space<vmem>> -> memref<1x128xi32, #tpu.memory_space<vmem>>
      %dma_wait3A_226 = tpu.memref_squeeze %dma_wait3A_225 : memref<1x128xi32, #tpu.memory_space<vmem>> -> memref<128xi32, #tpu.memory_space<vmem>>
      %dma_wait3A_227 = arith.constant 0 : i32
      %dma_wait3A_228 = arith.constant 0 : i32
      %dma_wait3A_229 = tpu.memref_slice %arg4[%dma_wait3A_227, %dma_wait3A_228] : memref<10240x128xf32, #tpu.memory_space<hbm>> -> memref<10240x128xf32, #tpu.memory_space<hbm>>
      tpu.wait_indirect_dma semaphore(%arg12 : memref<!tpu.dma_semaphore, #tpu.memory_space<semaphore_mem>>) src(%dma_wait3A_229 : memref<10240x128xf32, #tpu.memory_space<hbm>>) dst(%dma_wait3A_223 : memref<128x128xf32, #tpu.memory_space<vmem>>)
      %mul3A_230 = arith.constant 8 : i32
      %mul3A_231 = arith.muli %mul3A_230, %scan3A_28 : i32
      %add3A_232 = arith.constant 3 : i32
      %add3A_233 = arith.addi %mul3A_231, %add3A_232 : i32
      %dma_start3A_234 = arith.constant 1 : i32
      %dma_start3A_235 = arith.constant 0 : i32
      %dma_start3A_236 = arith.constant 0 : i32
      %dma_start3A_237 = tpu.memref_slice %arg9[%dma_start3A_234, %dma_start3A_235, %dma_start3A_236] : memref<2x128x128xf32, #tpu.memory_space<vmem>> -> memref<1x128x128xf32, #tpu.memory_space<vmem>>
      %dma_start3A_238 = tpu.memref_squeeze %dma_start3A_237 : memref<1x128x128xf32, #tpu.memory_space<vmem>> -> memref<128x128xf32, #tpu.memory_space<vmem>>
      %dma_start3A_239 = arith.constant 0 : i32
      %dma_start3A_240 = tpu.memref_slice %arg8[%add3A_233, %dma_start3A_239] : memref<40x128xi32, #tpu.memory_space<vmem>> -> memref<1x128xi32, #tpu.memory_space<vmem>>
      %dma_start3A_241 = tpu.memref_squeeze %dma_start3A_240 : memref<1x128xi32, #tpu.memory_space<vmem>> -> memref<128xi32, #tpu.memory_space<vmem>>
      %dma_start3A_242 = arith.constant 0 : i32
      %dma_start3A_243 = arith.constant 0 : i32
      %dma_start3A_244 = tpu.memref_slice %arg10[%dma_start3A_242, %dma_start3A_243] : memref<10240x128xf32, #tpu.memory_space<vmem_shared>> -> memref<10240x128xf32, #tpu.memory_space<vmem_shared>>
      tpu.enqueue_indirect_dma source(%dma_start3A_238 : memref<128x128xf32, #tpu.memory_space<vmem>>) target(%dma_start3A_244 : memref<10240x128xf32, #tpu.memory_space<vmem_shared>>) offsets(%dma_start3A_241 : memref<128xi32, #tpu.memory_space<vmem>>) semaphore(%arg14 : memref<!tpu.dma_semaphore, #tpu.memory_space<semaphore_mem>>) {add = true}
      %dma_wait3A_245 = arith.constant 1 : i32
      %dma_wait3A_246 = arith.constant 0 : i32
      %dma_wait3A_247 = arith.constant 0 : i32
      %dma_wait3A_248 = tpu.memref_slice %arg9[%dma_wait3A_245, %dma_wait3A_246, %dma_wait3A_247] : memref<2x128x128xf32, #tpu.memory_space<vmem>> -> memref<1x128x128xf32, #tpu.memory_space<vmem>>
      %dma_wait3A_249 = tpu.memref_squeeze %dma_wait3A_248 : memref<1x128x128xf32, #tpu.memory_space<vmem>> -> memref<128x128xf32, #tpu.memory_space<vmem>>
      %dma_wait3A_250 = arith.constant 0 : i32
      %dma_wait3A_251 = tpu.memref_slice %arg8[%add3A_233, %dma_wait3A_250] : memref<40x128xi32, #tpu.memory_space<vmem>> -> memref<1x128xi32, #tpu.memory_space<vmem>>
      %dma_wait3A_252 = tpu.memref_squeeze %dma_wait3A_251 : memref<1x128xi32, #tpu.memory_space<vmem>> -> memref<128xi32, #tpu.memory_space<vmem>>
      %dma_wait3A_253 = arith.constant 0 : i32
      %dma_wait3A_254 = arith.constant 0 : i32
      %dma_wait3A_255 = tpu.memref_slice %arg10[%dma_wait3A_253, %dma_wait3A_254] : memref<10240x128xf32, #tpu.memory_space<vmem_shared>> -> memref<10240x128xf32, #tpu.memory_space<vmem_shared>>
      tpu.wait_indirect_dma semaphore(%arg14 : memref<!tpu.dma_semaphore, #tpu.memory_space<semaphore_mem>>) src(%dma_wait3A_249 : memref<128x128xf32, #tpu.memory_space<vmem>>) dst(%dma_wait3A_255 : memref<10240x128xf32, #tpu.memory_space<vmem_shared>>)
      %mul3A_256 = arith.constant 8 : i32
      %mul3A_257 = arith.muli %mul3A_256, %scan3A_28 : i32
      %add3A_258 = arith.constant 3 : i32
      %add3A_259 = arith.addi %mul3A_257, %add3A_258 : i32
      %add3A_260 = arith.constant 2 : i32
      %add3A_261 = arith.addi %add3A_259, %add3A_260 : i32
      %dma_start3A_262 = arith.constant 1 : i32
      %dma_start3A_263 = arith.constant 0 : i32
      %dma_start3A_264 = arith.constant 0 : i32
      %dma_start3A_265 = tpu.memref_slice %arg9[%dma_start3A_262, %dma_start3A_263, %dma_start3A_264] : memref<2x128x128xf32, #tpu.memory_space<vmem>> -> memref<1x128x128xf32, #tpu.memory_space<vmem>>
      %dma_start3A_266 = tpu.memref_squeeze %dma_start3A_265 : memref<1x128x128xf32, #tpu.memory_space<vmem>> -> memref<128x128xf32, #tpu.memory_space<vmem>>
      %dma_start3A_267 = arith.constant 0 : i32
      %dma_start3A_268 = tpu.memref_slice %arg7[%add3A_261, %dma_start3A_267] : memref<40x128xi32, #tpu.memory_space<vmem>> -> memref<1x128xi32, #tpu.memory_space<vmem>>
      %dma_start3A_269 = tpu.memref_squeeze %dma_start3A_268 : memref<1x128xi32, #tpu.memory_space<vmem>> -> memref<128xi32, #tpu.memory_space<vmem>>
      %dma_start3A_270 = arith.constant 0 : i32
      %dma_start3A_271 = arith.constant 0 : i32
      %dma_start3A_272 = tpu.memref_slice %arg4[%dma_start3A_270, %dma_start3A_271] : memref<10240x128xf32, #tpu.memory_space<hbm>> -> memref<10240x128xf32, #tpu.memory_space<hbm>>
      tpu.enqueue_indirect_dma source(%dma_start3A_272 : memref<10240x128xf32, #tpu.memory_space<hbm>>) target(%dma_start3A_266 : memref<128x128xf32, #tpu.memory_space<vmem>>) offsets(%dma_start3A_269 : memref<128xi32, #tpu.memory_space<vmem>>) semaphore(%arg12 : memref<!tpu.dma_semaphore, #tpu.memory_space<semaphore_mem>>)
      %dma_wait3A_273 = arith.constant 0 : i32
      %dma_wait3A_274 = arith.constant 0 : i32
      %dma_wait3A_275 = arith.constant 0 : i32
      %dma_wait3A_276 = tpu.memref_slice %arg9[%dma_wait3A_273, %dma_wait3A_274, %dma_wait3A_275] : memref<2x128x128xf32, #tpu.memory_space<vmem>> -> memref<1x128x128xf32, #tpu.memory_space<vmem>>
      %dma_wait3A_277 = tpu.memref_squeeze %dma_wait3A_276 : memref<1x128x128xf32, #tpu.memory_space<vmem>> -> memref<128x128xf32, #tpu.memory_space<vmem>>
      %dma_wait3A_278 = arith.constant 0 : i32
      %dma_wait3A_279 = tpu.memref_slice %arg7[%add3A_207, %dma_wait3A_278] : memref<40x128xi32, #tpu.memory_space<vmem>> -> memref<1x128xi32, #tpu.memory_space<vmem>>
      %dma_wait3A_280 = tpu.memref_squeeze %dma_wait3A_279 : memref<1x128xi32, #tpu.memory_space<vmem>> -> memref<128xi32, #tpu.memory_space<vmem>>
      %dma_wait3A_281 = arith.constant 0 : i32
      %dma_wait3A_282 = arith.constant 0 : i32
      %dma_wait3A_283 = tpu.memref_slice %arg4[%dma_wait3A_281, %dma_wait3A_282] : memref<10240x128xf32, #tpu.memory_space<hbm>> -> memref<10240x128xf32, #tpu.memory_space<hbm>>
      tpu.wait_indirect_dma semaphore(%arg11 : memref<!tpu.dma_semaphore, #tpu.memory_space<semaphore_mem>>) src(%dma_wait3A_283 : memref<10240x128xf32, #tpu.memory_space<hbm>>) dst(%dma_wait3A_277 : memref<128x128xf32, #tpu.memory_space<vmem>>)
      %mul3A_284 = arith.constant 8 : i32
      %mul3A_285 = arith.muli %mul3A_284, %scan3A_28 : i32
      %add3A_286 = arith.constant 4 : i32
      %add3A_287 = arith.addi %mul3A_285, %add3A_286 : i32
      %dma_start3A_288 = arith.constant 0 : i32
      %dma_start3A_289 = arith.constant 0 : i32
      %dma_start3A_290 = arith.constant 0 : i32
      %dma_start3A_291 = tpu.memref_slice %arg9[%dma_start3A_288, %dma_start3A_289, %dma_start3A_290] : memref<2x128x128xf32, #tpu.memory_space<vmem>> -> memref<1x128x128xf32, #tpu.memory_space<vmem>>
      %dma_start3A_292 = tpu.memref_squeeze %dma_start3A_291 : memref<1x128x128xf32, #tpu.memory_space<vmem>> -> memref<128x128xf32, #tpu.memory_space<vmem>>
      %dma_start3A_293 = arith.constant 0 : i32
      %dma_start3A_294 = tpu.memref_slice %arg8[%add3A_287, %dma_start3A_293] : memref<40x128xi32, #tpu.memory_space<vmem>> -> memref<1x128xi32, #tpu.memory_space<vmem>>
      %dma_start3A_295 = tpu.memref_squeeze %dma_start3A_294 : memref<1x128xi32, #tpu.memory_space<vmem>> -> memref<128xi32, #tpu.memory_space<vmem>>
      %dma_start3A_296 = arith.constant 0 : i32
      %dma_start3A_297 = arith.constant 0 : i32
      %dma_start3A_298 = tpu.memref_slice %arg10[%dma_start3A_296, %dma_start3A_297] : memref<10240x128xf32, #tpu.memory_space<vmem_shared>> -> memref<10240x128xf32, #tpu.memory_space<vmem_shared>>
      tpu.enqueue_indirect_dma source(%dma_start3A_292 : memref<128x128xf32, #tpu.memory_space<vmem>>) target(%dma_start3A_298 : memref<10240x128xf32, #tpu.memory_space<vmem_shared>>) offsets(%dma_start3A_295 : memref<128xi32, #tpu.memory_space<vmem>>) semaphore(%arg13 : memref<!tpu.dma_semaphore, #tpu.memory_space<semaphore_mem>>) {add = true}
      %dma_wait3A_299 = arith.constant 0 : i32
      %dma_wait3A_300 = arith.constant 0 : i32
      %dma_wait3A_301 = arith.constant 0 : i32
      %dma_wait3A_302 = tpu.memref_slice %arg9[%dma_wait3A_299, %dma_wait3A_300, %dma_wait3A_301] : memref<2x128x128xf32, #tpu.memory_space<vmem>> -> memref<1x128x128xf32, #tpu.memory_space<vmem>>
      %dma_wait3A_303 = tpu.memref_squeeze %dma_wait3A_302 : memref<1x128x128xf32, #tpu.memory_space<vmem>> -> memref<128x128xf32, #tpu.memory_space<vmem>>
      %dma_wait3A_304 = arith.constant 0 : i32
      %dma_wait3A_305 = tpu.memref_slice %arg8[%add3A_287, %dma_wait3A_304] : memref<40x128xi32, #tpu.memory_space<vmem>> -> memref<1x128xi32, #tpu.memory_space<vmem>>
      %dma_wait3A_306 = tpu.memref_squeeze %dma_wait3A_305 : memref<1x128xi32, #tpu.memory_space<vmem>> -> memref<128xi32, #tpu.memory_space<vmem>>
      %dma_wait3A_307 = arith.constant 0 : i32
      %dma_wait3A_308 = arith.constant 0 : i32
      %dma_wait3A_309 = tpu.memref_slice %arg10[%dma_wait3A_307, %dma_wait3A_308] : memref<10240x128xf32, #tpu.memory_space<vmem_shared>> -> memref<10240x128xf32, #tpu.memory_space<vmem_shared>>
      tpu.wait_indirect_dma semaphore(%arg13 : memref<!tpu.dma_semaphore, #tpu.memory_space<semaphore_mem>>) src(%dma_wait3A_303 : memref<128x128xf32, #tpu.memory_space<vmem>>) dst(%dma_wait3A_309 : memref<10240x128xf32, #tpu.memory_space<vmem_shared>>)
      %mul3A_310 = arith.constant 8 : i32
      %mul3A_311 = arith.muli %mul3A_310, %scan3A_28 : i32
      %add3A_312 = arith.constant 4 : i32
      %add3A_313 = arith.addi %mul3A_311, %add3A_312 : i32
      %add3A_314 = arith.constant 2 : i32
      %add3A_315 = arith.addi %add3A_313, %add3A_314 : i32
      %dma_start3A_316 = arith.constant 0 : i32
      %dma_start3A_317 = arith.constant 0 : i32
      %dma_start3A_318 = arith.constant 0 : i32
      %dma_start3A_319 = tpu.memref_slice %arg9[%dma_start3A_316, %dma_start3A_317, %dma_start3A_318] : memref<2x128x128xf32, #tpu.memory_space<vmem>> -> memref<1x128x128xf32, #tpu.memory_space<vmem>>
      %dma_start3A_320 = tpu.memref_squeeze %dma_start3A_319 : memref<1x128x128xf32, #tpu.memory_space<vmem>> -> memref<128x128xf32, #tpu.memory_space<vmem>>
      %dma_start3A_321 = arith.constant 0 : i32
      %dma_start3A_322 = tpu.memref_slice %arg7[%add3A_315, %dma_start3A_321] : memref<40x128xi32, #tpu.memory_space<vmem>> -> memref<1x128xi32, #tpu.memory_space<vmem>>
      %dma_start3A_323 = tpu.memref_squeeze %dma_start3A_322 : memref<1x128xi32, #tpu.memory_space<vmem>> -> memref<128xi32, #tpu.memory_space<vmem>>
      %dma_start3A_324 = arith.constant 0 : i32
      %dma_start3A_325 = arith.constant 0 : i32
      %dma_start3A_326 = tpu.memref_slice %arg4[%dma_start3A_324, %dma_start3A_325] : memref<10240x128xf32, #tpu.memory_space<hbm>> -> memref<10240x128xf32, #tpu.memory_space<hbm>>
      tpu.enqueue_indirect_dma source(%dma_start3A_326 : memref<10240x128xf32, #tpu.memory_space<hbm>>) target(%dma_start3A_320 : memref<128x128xf32, #tpu.memory_space<vmem>>) offsets(%dma_start3A_323 : memref<128xi32, #tpu.memory_space<vmem>>) semaphore(%arg11 : memref<!tpu.dma_semaphore, #tpu.memory_space<semaphore_mem>>)
      %dma_wait3A_327 = arith.constant 1 : i32
      %dma_wait3A_328 = arith.constant 0 : i32
      %dma_wait3A_329 = arith.constant 0 : i32
      %dma_wait3A_330 = tpu.memref_slice %arg9[%dma_wait3A_327, %dma_wait3A_328, %dma_wait3A_329] : memref<2x128x128xf32, #tpu.memory_space<vmem>> -> memref<1x128x128xf32, #tpu.memory_space<vmem>>
      %dma_wait3A_331 = tpu.memref_squeeze %dma_wait3A_330 : memref<1x128x128xf32, #tpu.memory_space<vmem>> -> memref<128x128xf32, #tpu.memory_space<vmem>>
      %dma_wait3A_332 = arith.constant 0 : i32
      %dma_wait3A_333 = tpu.memref_slice %arg7[%add3A_261, %dma_wait3A_332] : memref<40x128xi32, #tpu.memory_space<vmem>> -> memref<1x128xi32, #tpu.memory_space<vmem>>
      %dma_wait3A_334 = tpu.memref_squeeze %dma_wait3A_333 : memref<1x128xi32, #tpu.memory_space<vmem>> -> memref<128xi32, #tpu.memory_space<vmem>>
      %dma_wait3A_335 = arith.constant 0 : i32
      %dma_wait3A_336 = arith.constant 0 : i32
      %dma_wait3A_337 = tpu.memref_slice %arg4[%dma_wait3A_335, %dma_wait3A_336] : memref<10240x128xf32, #tpu.memory_space<hbm>> -> memref<10240x128xf32, #tpu.memory_space<hbm>>
      tpu.wait_indirect_dma semaphore(%arg12 : memref<!tpu.dma_semaphore, #tpu.memory_space<semaphore_mem>>) src(%dma_wait3A_337 : memref<10240x128xf32, #tpu.memory_space<hbm>>) dst(%dma_wait3A_331 : memref<128x128xf32, #tpu.memory_space<vmem>>)
      %mul3A_338 = arith.constant 8 : i32
      %mul3A_339 = arith.muli %mul3A_338, %scan3A_28 : i32
      %add3A_340 = arith.constant 5 : i32
      %add3A_341 = arith.addi %mul3A_339, %add3A_340 : i32
      %dma_start3A_342 = arith.constant 1 : i32
      %dma_start3A_343 = arith.constant 0 : i32
      %dma_start3A_344 = arith.constant 0 : i32
      %dma_start3A_345 = tpu.memref_slice %arg9[%dma_start3A_342, %dma_start3A_343, %dma_start3A_344] : memref<2x128x128xf32, #tpu.memory_space<vmem>> -> memref<1x128x128xf32, #tpu.memory_space<vmem>>
      %dma_start3A_346 = tpu.memref_squeeze %dma_start3A_345 : memref<1x128x128xf32, #tpu.memory_space<vmem>> -> memref<128x128xf32, #tpu.memory_space<vmem>>
      %dma_start3A_347 = arith.constant 0 : i32
      %dma_start3A_348 = tpu.memref_slice %arg8[%add3A_341, %dma_start3A_347] : memref<40x128xi32, #tpu.memory_space<vmem>> -> memref<1x128xi32, #tpu.memory_space<vmem>>
      %dma_start3A_349 = tpu.memref_squeeze %dma_start3A_348 : memref<1x128xi32, #tpu.memory_space<vmem>> -> memref<128xi32, #tpu.memory_space<vmem>>
      %dma_start3A_350 = arith.constant 0 : i32
      %dma_start3A_351 = arith.constant 0 : i32
      %dma_start3A_352 = tpu.memref_slice %arg10[%dma_start3A_350, %dma_start3A_351] : memref<10240x128xf32, #tpu.memory_space<vmem_shared>> -> memref<10240x128xf32, #tpu.memory_space<vmem_shared>>
      tpu.enqueue_indirect_dma source(%dma_start3A_346 : memref<128x128xf32, #tpu.memory_space<vmem>>) target(%dma_start3A_352 : memref<10240x128xf32, #tpu.memory_space<vmem_shared>>) offsets(%dma_start3A_349 : memref<128xi32, #tpu.memory_space<vmem>>) semaphore(%arg14 : memref<!tpu.dma_semaphore, #tpu.memory_space<semaphore_mem>>) {add = true}
      %dma_wait3A_353 = arith.constant 1 : i32
      %dma_wait3A_354 = arith.constant 0 : i32
      %dma_wait3A_355 = arith.constant 0 : i32
      %dma_wait3A_356 = tpu.memref_slice %arg9[%dma_wait3A_353, %dma_wait3A_354, %dma_wait3A_355] : memref<2x128x128xf32, #tpu.memory_space<vmem>> -> memref<1x128x128xf32, #tpu.memory_space<vmem>>
      %dma_wait3A_357 = tpu.memref_squeeze %dma_wait3A_356 : memref<1x128x128xf32, #tpu.memory_space<vmem>> -> memref<128x128xf32, #tpu.memory_space<vmem>>
      %dma_wait3A_358 = arith.constant 0 : i32
      %dma_wait3A_359 = tpu.memref_slice %arg8[%add3A_341, %dma_wait3A_358] : memref<40x128xi32, #tpu.memory_space<vmem>> -> memref<1x128xi32, #tpu.memory_space<vmem>>
      %dma_wait3A_360 = tpu.memref_squeeze %dma_wait3A_359 : memref<1x128xi32, #tpu.memory_space<vmem>> -> memref<128xi32, #tpu.memory_space<vmem>>
      %dma_wait3A_361 = arith.constant 0 : i32
      %dma_wait3A_362 = arith.constant 0 : i32
      %dma_wait3A_363 = tpu.memref_slice %arg10[%dma_wait3A_361, %dma_wait3A_362] : memref<10240x128xf32, #tpu.memory_space<vmem_shared>> -> memref<10240x128xf32, #tpu.memory_space<vmem_shared>>
      tpu.wait_indirect_dma semaphore(%arg14 : memref<!tpu.dma_semaphore, #tpu.memory_space<semaphore_mem>>) src(%dma_wait3A_357 : memref<128x128xf32, #tpu.memory_space<vmem>>) dst(%dma_wait3A_363 : memref<10240x128xf32, #tpu.memory_space<vmem_shared>>)
      %mul3A_364 = arith.constant 8 : i32
      %mul3A_365 = arith.muli %mul3A_364, %scan3A_28 : i32
      %add3A_366 = arith.constant 5 : i32
      %add3A_367 = arith.addi %mul3A_365, %add3A_366 : i32
      %add3A_368 = arith.constant 2 : i32
      %add3A_369 = arith.addi %add3A_367, %add3A_368 : i32
      %dma_start3A_370 = arith.constant 1 : i32
      %dma_start3A_371 = arith.constant 0 : i32
      %dma_start3A_372 = arith.constant 0 : i32
      %dma_start3A_373 = tpu.memref_slice %arg9[%dma_start3A_370, %dma_start3A_371, %dma_start3A_372] : memref<2x128x128xf32, #tpu.memory_space<vmem>> -> memref<1x128x128xf32, #tpu.memory_space<vmem>>
      %dma_start3A_374 = tpu.memref_squeeze %dma_start3A_373 : memref<1x128x128xf32, #tpu.memory_space<vmem>> -> memref<128x128xf32, #tpu.memory_space<vmem>>
      %dma_start3A_375 = arith.constant 0 : i32
      %dma_start3A_376 = tpu.memref_slice %arg7[%add3A_369, %dma_start3A_375] : memref<40x128xi32, #tpu.memory_space<vmem>> -> memref<1x128xi32, #tpu.memory_space<vmem>>
      %dma_start3A_377 = tpu.memref_squeeze %dma_start3A_376 : memref<1x128xi32, #tpu.memory_space<vmem>> -> memref<128xi32, #tpu.memory_space<vmem>>
      %dma_start3A_378 = arith.constant 0 : i32
      %dma_start3A_379 = arith.constant 0 : i32
      %dma_start3A_380 = tpu.memref_slice %arg4[%dma_start3A_378, %dma_start3A_379] : memref<10240x128xf32, #tpu.memory_space<hbm>> -> memref<10240x128xf32, #tpu.memory_space<hbm>>
      tpu.enqueue_indirect_dma source(%dma_start3A_380 : memref<10240x128xf32, #tpu.memory_space<hbm>>) target(%dma_start3A_374 : memref<128x128xf32, #tpu.memory_space<vmem>>) offsets(%dma_start3A_377 : memref<128xi32, #tpu.memory_space<vmem>>) semaphore(%arg12 : memref<!tpu.dma_semaphore, #tpu.memory_space<semaphore_mem>>)
      %dma_wait3A_381 = arith.constant 0 : i32
      %dma_wait3A_382 = arith.constant 0 : i32
      %dma_wait3A_383 = arith.constant 0 : i32
      %dma_wait3A_384 = tpu.memref_slice %arg9[%dma_wait3A_381, %dma_wait3A_382, %dma_wait3A_383] : memref<2x128x128xf32, #tpu.memory_space<vmem>> -> memref<1x128x128xf32, #tpu.memory_space<vmem>>
      %dma_wait3A_385 = tpu.memref_squeeze %dma_wait3A_384 : memref<1x128x128xf32, #tpu.memory_space<vmem>> -> memref<128x128xf32, #tpu.memory_space<vmem>>
      %dma_wait3A_386 = arith.constant 0 : i32
      %dma_wait3A_387 = tpu.memref_slice %arg7[%add3A_315, %dma_wait3A_386] : memref<40x128xi32, #tpu.memory_space<vmem>> -> memref<1x128xi32, #tpu.memory_space<vmem>>
      %dma_wait3A_388 = tpu.memref_squeeze %dma_wait3A_387 : memref<1x128xi32, #tpu.memory_space<vmem>> -> memref<128xi32, #tpu.memory_space<vmem>>
      %dma_wait3A_389 = arith.constant 0 : i32
      %dma_wait3A_390 = arith.constant 0 : i32
      %dma_wait3A_391 = tpu.memref_slice %arg4[%dma_wait3A_389, %dma_wait3A_390] : memref<10240x128xf32, #tpu.memory_space<hbm>> -> memref<10240x128xf32, #tpu.memory_space<hbm>>
      tpu.wait_indirect_dma semaphore(%arg11 : memref<!tpu.dma_semaphore, #tpu.memory_space<semaphore_mem>>) src(%dma_wait3A_391 : memref<10240x128xf32, #tpu.memory_space<hbm>>) dst(%dma_wait3A_385 : memref<128x128xf32, #tpu.memory_space<vmem>>)
      %mul3A_392 = arith.constant 8 : i32
      %mul3A_393 = arith.muli %mul3A_392, %scan3A_28 : i32
      %add3A_394 = arith.constant 6 : i32
      %add3A_395 = arith.addi %mul3A_393, %add3A_394 : i32
      %dma_start3A_396 = arith.constant 0 : i32
      %dma_start3A_397 = arith.constant 0 : i32
      %dma_start3A_398 = arith.constant 0 : i32
      %dma_start3A_399 = tpu.memref_slice %arg9[%dma_start3A_396, %dma_start3A_397, %dma_start3A_398] : memref<2x128x128xf32, #tpu.memory_space<vmem>> -> memref<1x128x128xf32, #tpu.memory_space<vmem>>
      %dma_start3A_400 = tpu.memref_squeeze %dma_start3A_399 : memref<1x128x128xf32, #tpu.memory_space<vmem>> -> memref<128x128xf32, #tpu.memory_space<vmem>>
      %dma_start3A_401 = arith.constant 0 : i32
      %dma_start3A_402 = tpu.memref_slice %arg8[%add3A_395, %dma_start3A_401] : memref<40x128xi32, #tpu.memory_space<vmem>> -> memref<1x128xi32, #tpu.memory_space<vmem>>
      %dma_start3A_403 = tpu.memref_squeeze %dma_start3A_402 : memref<1x128xi32, #tpu.memory_space<vmem>> -> memref<128xi32, #tpu.memory_space<vmem>>
      %dma_start3A_404 = arith.constant 0 : i32
      %dma_start3A_405 = arith.constant 0 : i32
      %dma_start3A_406 = tpu.memref_slice %arg10[%dma_start3A_404, %dma_start3A_405] : memref<10240x128xf32, #tpu.memory_space<vmem_shared>> -> memref<10240x128xf32, #tpu.memory_space<vmem_shared>>
      tpu.enqueue_indirect_dma source(%dma_start3A_400 : memref<128x128xf32, #tpu.memory_space<vmem>>) target(%dma_start3A_406 : memref<10240x128xf32, #tpu.memory_space<vmem_shared>>) offsets(%dma_start3A_403 : memref<128xi32, #tpu.memory_space<vmem>>) semaphore(%arg13 : memref<!tpu.dma_semaphore, #tpu.memory_space<semaphore_mem>>) {add = true}
      %dma_wait3A_407 = arith.constant 1 : i32
      %dma_wait3A_408 = arith.constant 0 : i32
      %dma_wait3A_409 = arith.constant 0 : i32
      %dma_wait3A_410 = tpu.memref_slice %arg9[%dma_wait3A_407, %dma_wait3A_408, %dma_wait3A_409] : memref<2x128x128xf32, #tpu.memory_space<vmem>> -> memref<1x128x128xf32, #tpu.memory_space<vmem>>
      %dma_wait3A_411 = tpu.memref_squeeze %dma_wait3A_410 : memref<1x128x128xf32, #tpu.memory_space<vmem>> -> memref<128x128xf32, #tpu.memory_space<vmem>>
      %dma_wait3A_412 = arith.constant 0 : i32
      %dma_wait3A_413 = tpu.memref_slice %arg7[%add3A_369, %dma_wait3A_412] : memref<40x128xi32, #tpu.memory_space<vmem>> -> memref<1x128xi32, #tpu.memory_space<vmem>>
      %dma_wait3A_414 = tpu.memref_squeeze %dma_wait3A_413 : memref<1x128xi32, #tpu.memory_space<vmem>> -> memref<128xi32, #tpu.memory_space<vmem>>
      %dma_wait3A_415 = arith.constant 0 : i32
      %dma_wait3A_416 = arith.constant 0 : i32
      %dma_wait3A_417 = tpu.memref_slice %arg4[%dma_wait3A_415, %dma_wait3A_416] : memref<10240x128xf32, #tpu.memory_space<hbm>> -> memref<10240x128xf32, #tpu.memory_space<hbm>>
      tpu.wait_indirect_dma semaphore(%arg12 : memref<!tpu.dma_semaphore, #tpu.memory_space<semaphore_mem>>) src(%dma_wait3A_417 : memref<10240x128xf32, #tpu.memory_space<hbm>>) dst(%dma_wait3A_411 : memref<128x128xf32, #tpu.memory_space<vmem>>)
      %mul3A_418 = arith.constant 8 : i32
      %mul3A_419 = arith.muli %mul3A_418, %scan3A_28 : i32
      %add3A_420 = arith.constant 7 : i32
      %add3A_421 = arith.addi %mul3A_419, %add3A_420 : i32
      %dma_start3A_422 = arith.constant 1 : i32
      %dma_start3A_423 = arith.constant 0 : i32
      %dma_start3A_424 = arith.constant 0 : i32
      %dma_start3A_425 = tpu.memref_slice %arg9[%dma_start3A_422, %dma_start3A_423, %dma_start3A_424] : memref<2x128x128xf32, #tpu.memory_space<vmem>> -> memref<1x128x128xf32, #tpu.memory_space<vmem>>
      %dma_start3A_426 = tpu.memref_squeeze %dma_start3A_425 : memref<1x128x128xf32, #tpu.memory_space<vmem>> -> memref<128x128xf32, #tpu.memory_space<vmem>>
      %dma_start3A_427 = arith.constant 0 : i32
      %dma_start3A_428 = tpu.memref_slice %arg8[%add3A_421, %dma_start3A_427] : memref<40x128xi32, #tpu.memory_space<vmem>> -> memref<1x128xi32, #tpu.memory_space<vmem>>
      %dma_start3A_429 = tpu.memref_squeeze %dma_start3A_428 : memref<1x128xi32, #tpu.memory_space<vmem>> -> memref<128xi32, #tpu.memory_space<vmem>>
      %dma_start3A_430 = arith.constant 0 : i32
      %dma_start3A_431 = arith.constant 0 : i32
      %dma_start3A_432 = tpu.memref_slice %arg10[%dma_start3A_430, %dma_start3A_431] : memref<10240x128xf32, #tpu.memory_space<vmem_shared>> -> memref<10240x128xf32, #tpu.memory_space<vmem_shared>>
      tpu.enqueue_indirect_dma source(%dma_start3A_426 : memref<128x128xf32, #tpu.memory_space<vmem>>) target(%dma_start3A_432 : memref<10240x128xf32, #tpu.memory_space<vmem_shared>>) offsets(%dma_start3A_429 : memref<128xi32, #tpu.memory_space<vmem>>) semaphore(%arg14 : memref<!tpu.dma_semaphore, #tpu.memory_space<semaphore_mem>>) {add = true}
      %dma_wait3A_433 = arith.constant 0 : i32
      %dma_wait3A_434 = arith.constant 0 : i32
      %dma_wait3A_435 = arith.constant 0 : i32
      %dma_wait3A_436 = tpu.memref_slice %arg9[%dma_wait3A_433, %dma_wait3A_434, %dma_wait3A_435] : memref<2x128x128xf32, #tpu.memory_space<vmem>> -> memref<1x128x128xf32, #tpu.memory_space<vmem>>
      %dma_wait3A_437 = tpu.memref_squeeze %dma_wait3A_436 : memref<1x128x128xf32, #tpu.memory_space<vmem>> -> memref<128x128xf32, #tpu.memory_space<vmem>>
      %dma_wait3A_438 = arith.constant 0 : i32
      %dma_wait3A_439 = tpu.memref_slice %arg8[%add3A_395, %dma_wait3A_438] : memref<40x128xi32, #tpu.memory_space<vmem>> -> memref<1x128xi32, #tpu.memory_space<vmem>>
      %dma_wait3A_440 = tpu.memref_squeeze %dma_wait3A_439 : memref<1x128xi32, #tpu.memory_space<vmem>> -> memref<128xi32, #tpu.memory_space<vmem>>
      %dma_wait3A_441 = arith.constant 0 : i32
      %dma_wait3A_442 = arith.constant 0 : i32
      %dma_wait3A_443 = tpu.memref_slice %arg10[%dma_wait3A_441, %dma_wait3A_442] : memref<10240x128xf32, #tpu.memory_space<vmem_shared>> -> memref<10240x128xf32, #tpu.memory_space<vmem_shared>>
      tpu.wait_indirect_dma semaphore(%arg13 : memref<!tpu.dma_semaphore, #tpu.memory_space<semaphore_mem>>) src(%dma_wait3A_437 : memref<128x128xf32, #tpu.memory_space<vmem>>) dst(%dma_wait3A_443 : memref<10240x128xf32, #tpu.memory_space<vmem_shared>>)
      %dma_wait3A_444 = arith.constant 1 : i32
      %dma_wait3A_445 = arith.constant 0 : i32
      %dma_wait3A_446 = arith.constant 0 : i32
      %dma_wait3A_447 = tpu.memref_slice %arg9[%dma_wait3A_444, %dma_wait3A_445, %dma_wait3A_446] : memref<2x128x128xf32, #tpu.memory_space<vmem>> -> memref<1x128x128xf32, #tpu.memory_space<vmem>>
      %dma_wait3A_448 = tpu.memref_squeeze %dma_wait3A_447 : memref<1x128x128xf32, #tpu.memory_space<vmem>> -> memref<128x128xf32, #tpu.memory_space<vmem>>
      %dma_wait3A_449 = arith.constant 0 : i32
      %dma_wait3A_450 = tpu.memref_slice %arg8[%add3A_421, %dma_wait3A_449] : memref<40x128xi32, #tpu.memory_space<vmem>> -> memref<1x128xi32, #tpu.memory_space<vmem>>
      %dma_wait3A_451 = tpu.memref_squeeze %dma_wait3A_450 : memref<1x128xi32, #tpu.memory_space<vmem>> -> memref<128xi32, #tpu.memory_space<vmem>>
      %dma_wait3A_452 = arith.constant 0 : i32
      %dma_wait3A_453 = arith.constant 0 : i32
      %dma_wait3A_454 = tpu.memref_slice %arg10[%dma_wait3A_452, %dma_wait3A_453] : memref<10240x128xf32, #tpu.memory_space<vmem_shared>> -> memref<10240x128xf32, #tpu.memory_space<vmem_shared>>
      tpu.wait_indirect_dma semaphore(%arg14 : memref<!tpu.dma_semaphore, #tpu.memory_space<semaphore_mem>>) src(%dma_wait3A_448 : memref<128x128xf32, #tpu.memory_space<vmem>>) dst(%dma_wait3A_454 : memref<10240x128xf32, #tpu.memory_space<vmem_shared>>)
    }
    %scan3A_26 = arith.constant 5 : i32
    %barrier3A_27 = arith.constant 0 : index
    tpu.barrier barrier_id(%barrier3A_27)
    "tpu.region"() ({
      %run_scoped3A = tpu.sem_alloc : memref<!tpu.dma_semaphore, #tpu.memory_space<semaphore_mem>>
      %dma_start3A = arith.constant 0 : i32
      %dma_start3A_28 = tpu.memref_slice %arg6[%arg0, %mul3A_2, %dma_start3A] : memref<2x10240x128xf32, #tpu.memory_space<hbm>> -> memref<1x640x128xf32, #tpu.memory_space<hbm>>
      %dma_start3A_29 = tpu.memref_squeeze %dma_start3A_28 : memref<1x640x128xf32, #tpu.memory_space<hbm>> -> memref<640x128xf32, #tpu.memory_space<hbm>>
      %dma_start3A_30 = arith.constant 0 : i32
      %dma_start3A_31 = tpu.memref_slice %arg10[%mul3A_2, %dma_start3A_30] : memref<10240x128xf32, #tpu.memory_space<vmem_shared>> -> memref<640x128xf32, #tpu.memory_space<vmem_shared>>
      tpu.enqueue_dma source(%dma_start3A_31 : memref<640x128xf32, #tpu.memory_space<vmem_shared>>) target(%dma_start3A_29 : memref<640x128xf32, #tpu.memory_space<hbm>>) target_semaphore(%run_scoped3A : memref<!tpu.dma_semaphore, #tpu.memory_space<semaphore_mem>>)
      %dma_wait3A = arith.constant 0 : i32
      %dma_wait3A_32 = tpu.memref_slice %arg6[%arg0, %mul3A_2, %dma_wait3A] : memref<2x10240x128xf32, #tpu.memory_space<hbm>> -> memref<1x640x128xf32, #tpu.memory_space<hbm>>
      %dma_wait3A_33 = tpu.memref_squeeze %dma_wait3A_32 : memref<1x640x128xf32, #tpu.memory_space<hbm>> -> memref<640x128xf32, #tpu.memory_space<hbm>>
      %dma_wait3A_34 = arith.constant 0 : i32
      %dma_wait3A_35 = tpu.memref_slice %arg10[%mul3A_2, %dma_wait3A_34] : memref<10240x128xf32, #tpu.memory_space<vmem_shared>> -> memref<640x128xf32, #tpu.memory_space<vmem_shared>>
      tpu.wait_dma2 semaphore(%run_scoped3A : memref<!tpu.dma_semaphore, #tpu.memory_space<semaphore_mem>>) src(%dma_wait3A_35 : memref<640x128xf32, #tpu.memory_space<vmem_shared>>) dst(%dma_wait3A_33 : memref<640x128xf32, #tpu.memory_space<hbm>>)
      tpu.yield
    }) : () -> ()
    return
  }
}

#map = affine_map<(d0, d1) -> (0, 0)>
#map1 = affine_map<(d0, d1) -> (0, 0, 0)>
module attributes {stable_mosaic.version = 14 : i64} {
  func.func @_agg_kernel(%arg0: i32, %arg1: i32, %arg2: memref<2560x128xi32, #tpu.memory_space<hbm>>, %arg3: memref<2560x128xi32, #tpu.memory_space<hbm>>, %arg4: memref<10240x128xf32, #tpu.memory_space<hbm>>, %arg5: memref<10240x128xf32, #tpu.memory_space<hbm>>, %arg6: memref<2x10240x128xf32, #tpu.memory_space<hbm>>, %arg7: memref<40x128xi32, #tpu.memory_space<vmem>>, %arg8: memref<40x128xi32, #tpu.memory_space<vmem>>, %arg9: memref<2x128x128xf32, #tpu.memory_space<vmem>>, %arg10: memref<10240x128xf32, #tpu.memory_space<vmem_shared>>, %arg11: memref<!tpu.dma_semaphore, #tpu.memory_space<semaphore_mem>>, %arg12: memref<!tpu.dma_semaphore, #tpu.memory_space<semaphore_mem>>, %arg13: memref<!tpu.dma_semaphore, #tpu.memory_space<semaphore_mem>>, %arg14: memref<!tpu.dma_semaphore, #tpu.memory_space<semaphore_mem>>) attributes {dimension_semantics = [#tpu.dimension_semantics<core_parallel>, #tpu.dimension_semantics<subcore_parallel>], iteration_bounds = array<i64: 2, 16>, scalar_prefetch = 0 : i64, scratch_operands = 8 : i64, tpu.core_type = #tpu.core_type<sc_vector_subcore>, window_params = [{transform_indices = #map}, {transform_indices = #map}, {transform_indices = #map}, {transform_indices = #map}, {transform_indices = #map1}]} {
    %mul3A = arith.constant 16 : i32
    %mul3A_0 = arith.muli %arg0, %mul3A : i32
    %add3A = arith.addi %mul3A_0, %arg1 : i32
    %mul3A_1 = arith.constant 640 : i32
    %mul3A_2 = arith.muli %arg1, %mul3A_1 : i32
    "tpu.region"() ({
      %run_scoped3A = tpu.sem_alloc : memref<!tpu.dma_semaphore, #tpu.memory_space<semaphore_mem>>
      %dma_start3A = arith.constant 0 : i32
      %dma_start3A_28 = tpu.memref_slice %arg10[%mul3A_2, %dma_start3A] : memref<10240x128xf32, #tpu.memory_space<vmem_shared>> -> memref<640x128xf32, #tpu.memory_space<vmem_shared>>
      %dma_start3A_29 = arith.constant 0 : i32
      %dma_start3A_30 = tpu.memref_slice %arg5[%mul3A_2, %dma_start3A_29] : memref<10240x128xf32, #tpu.memory_space<hbm>> -> memref<640x128xf32, #tpu.memory_space<hbm>>
      tpu.enqueue_dma source(%dma_start3A_30 : memref<640x128xf32, #tpu.memory_space<hbm>>) target(%dma_start3A_28 : memref<640x128xf32, #tpu.memory_space<vmem_shared>>) target_semaphore(%run_scoped3A : memref<!tpu.dma_semaphore, #tpu.memory_space<semaphore_mem>>)
      %dma_wait3A = arith.constant 0 : i32
      %dma_wait3A_31 = tpu.memref_slice %arg10[%mul3A_2, %dma_wait3A] : memref<10240x128xf32, #tpu.memory_space<vmem_shared>> -> memref<640x128xf32, #tpu.memory_space<vmem_shared>>
      %dma_wait3A_32 = arith.constant 0 : i32
      %dma_wait3A_33 = tpu.memref_slice %arg5[%mul3A_2, %dma_wait3A_32] : memref<10240x128xf32, #tpu.memory_space<hbm>> -> memref<640x128xf32, #tpu.memory_space<hbm>>
      tpu.wait_dma2 semaphore(%run_scoped3A : memref<!tpu.dma_semaphore, #tpu.memory_space<semaphore_mem>>) src(%dma_wait3A_33 : memref<640x128xf32, #tpu.memory_space<hbm>>) dst(%dma_wait3A_31 : memref<640x128xf32, #tpu.memory_space<vmem_shared>>)
      tpu.yield
    }) : () -> ()
    %barrier3A = arith.constant 0 : index
    tpu.barrier barrier_id(%barrier3A)
    %mul3A_3 = arith.constant 80 : i32
    %mul3A_4 = arith.muli %add3A, %mul3A_3 : i32
    "tpu.region"() ({
      %run_scoped3A = tpu.sem_alloc : memref<!tpu.dma_semaphore, #tpu.memory_space<semaphore_mem>>
      %dma_start3A = arith.constant 0 : i32
      %dma_start3A_28 = tpu.memref_slice %arg2[%mul3A_4, %dma_start3A] : memref<2560x128xi32, #tpu.memory_space<hbm>> -> memref<40x128xi32, #tpu.memory_space<hbm>>
      %dma_start3A_29 = arith.constant 0 : i32
      %dma_start3A_30 = tpu.memref_slice %arg2[%mul3A_4, %dma_start3A_29] : memref<2560x128xi32, #tpu.memory_space<hbm>> -> memref<40x128xi32, #tpu.memory_space<hbm>>
      tpu.enqueue_dma source(%dma_start3A_30 : memref<40x128xi32, #tpu.memory_space<hbm>>) target(%arg7 : memref<40x128xi32, #tpu.memory_space<vmem>>) target_semaphore(%run_scoped3A : memref<!tpu.dma_semaphore, #tpu.memory_space<semaphore_mem>>)
      %dma_wait3A = arith.constant 0 : i32
      %dma_wait3A_31 = tpu.memref_slice %arg2[%mul3A_4, %dma_wait3A] : memref<2560x128xi32, #tpu.memory_space<hbm>> -> memref<40x128xi32, #tpu.memory_space<hbm>>
      %dma_wait3A_32 = arith.constant 0 : i32
      %dma_wait3A_33 = tpu.memref_slice %arg2[%mul3A_4, %dma_wait3A_32] : memref<2560x128xi32, #tpu.memory_space<hbm>> -> memref<40x128xi32, #tpu.memory_space<hbm>>
      tpu.wait_dma2 semaphore(%run_scoped3A : memref<!tpu.dma_semaphore, #tpu.memory_space<semaphore_mem>>) src(%dma_wait3A_33 : memref<40x128xi32, #tpu.memory_space<hbm>>) dst(%arg7 : memref<40x128xi32, #tpu.memory_space<vmem>>)
      tpu.yield
    }) : () -> ()
    %mul3A_5 = arith.constant 80 : i32
    %mul3A_6 = arith.muli %add3A, %mul3A_5 : i32
    "tpu.region"() ({
      %run_scoped3A = tpu.sem_alloc : memref<!tpu.dma_semaphore, #tpu.memory_space<semaphore_mem>>
      %dma_start3A = arith.constant 0 : i32
      %dma_start3A_28 = tpu.memref_slice %arg3[%mul3A_6, %dma_start3A] : memref<2560x128xi32, #tpu.memory_space<hbm>> -> memref<40x128xi32, #tpu.memory_space<hbm>>
      %dma_start3A_29 = arith.constant 0 : i32
      %dma_start3A_30 = tpu.memref_slice %arg3[%mul3A_6, %dma_start3A_29] : memref<2560x128xi32, #tpu.memory_space<hbm>> -> memref<40x128xi32, #tpu.memory_space<hbm>>
      tpu.enqueue_dma source(%dma_start3A_30 : memref<40x128xi32, #tpu.memory_space<hbm>>) target(%arg8 : memref<40x128xi32, #tpu.memory_space<vmem>>) target_semaphore(%run_scoped3A : memref<!tpu.dma_semaphore, #tpu.memory_space<semaphore_mem>>)
      %dma_wait3A = arith.constant 0 : i32
      %dma_wait3A_31 = tpu.memref_slice %arg3[%mul3A_6, %dma_wait3A] : memref<2560x128xi32, #tpu.memory_space<hbm>> -> memref<40x128xi32, #tpu.memory_space<hbm>>
      %dma_wait3A_32 = arith.constant 0 : i32
      %dma_wait3A_33 = tpu.memref_slice %arg3[%mul3A_6, %dma_wait3A_32] : memref<2560x128xi32, #tpu.memory_space<hbm>> -> memref<40x128xi32, #tpu.memory_space<hbm>>
      tpu.wait_dma2 semaphore(%run_scoped3A : memref<!tpu.dma_semaphore, #tpu.memory_space<semaphore_mem>>) src(%dma_wait3A_33 : memref<40x128xi32, #tpu.memory_space<hbm>>) dst(%arg8 : memref<40x128xi32, #tpu.memory_space<vmem>>)
      tpu.yield
    }) : () -> ()
    %barrier3A_7 = arith.constant 0 : index
    tpu.barrier barrier_id(%barrier3A_7)
    %scan3A = arith.constant 0 : i32
    %scan3A_8 = arith.constant 5 : i32
    %scan3A_9 = arith.addi %scan3A, %scan3A_8 : i32
    %scan3A_10 = arith.constant 1 : i32
    scf.for %scan3A_28 = %scan3A to %scan3A_9 step %scan3A_10  : i32 {
      %mul3A_29 = arith.constant 8 : i32
      %mul3A_30 = arith.muli %mul3A_29, %scan3A_28 : i32
      %add3A_31 = arith.constant 0 : i32
      %add3A_32 = arith.addi %mul3A_30, %add3A_31 : i32
      %dma_start3A = arith.constant 0 : i32
      %dma_start3A_33 = arith.constant 0 : i32
      %dma_start3A_34 = arith.constant 0 : i32
      %dma_start3A_35 = tpu.memref_slice %arg9[%dma_start3A, %dma_start3A_33, %dma_start3A_34] : memref<2x128x128xf32, #tpu.memory_space<vmem>> -> memref<1x128x128xf32, #tpu.memory_space<vmem>>
      %dma_start3A_36 = tpu.memref_squeeze %dma_start3A_35 : memref<1x128x128xf32, #tpu.memory_space<vmem>> -> memref<128x128xf32, #tpu.memory_space<vmem>>
      %dma_start3A_37 = arith.constant 0 : i32
      %dma_start3A_38 = tpu.memref_slice %arg7[%add3A_32, %dma_start3A_37] : memref<40x128xi32, #tpu.memory_space<vmem>> -> memref<1x128xi32, #tpu.memory_space<vmem>>
      %dma_start3A_39 = tpu.memref_squeeze %dma_start3A_38 : memref<1x128xi32, #tpu.memory_space<vmem>> -> memref<128xi32, #tpu.memory_space<vmem>>
      %dma_start3A_40 = arith.constant 0 : i32
      %dma_start3A_41 = arith.constant 0 : i32
      %dma_start3A_42 = tpu.memref_slice %arg4[%dma_start3A_40, %dma_start3A_41] : memref<10240x128xf32, #tpu.memory_space<hbm>> -> memref<10240x128xf32, #tpu.memory_space<hbm>>
      tpu.enqueue_indirect_dma source(%dma_start3A_42 : memref<10240x128xf32, #tpu.memory_space<hbm>>) target(%dma_start3A_36 : memref<128x128xf32, #tpu.memory_space<vmem>>) offsets(%dma_start3A_39 : memref<128xi32, #tpu.memory_space<vmem>>) semaphore(%arg11 : memref<!tpu.dma_semaphore, #tpu.memory_space<semaphore_mem>>)
      %mul3A_43 = arith.constant 8 : i32
      %mul3A_44 = arith.muli %mul3A_43, %scan3A_28 : i32
      %add3A_45 = arith.constant 1 : i32
      %add3A_46 = arith.addi %mul3A_44, %add3A_45 : i32
      %dma_start3A_47 = arith.constant 1 : i32
      %dma_start3A_48 = arith.constant 0 : i32
      %dma_start3A_49 = arith.constant 0 : i32
      %dma_start3A_50 = tpu.memref_slice %arg9[%dma_start3A_47, %dma_start3A_48, %dma_start3A_49] : memref<2x128x128xf32, #tpu.memory_space<vmem>> -> memref<1x128x128xf32, #tpu.memory_space<vmem>>
      %dma_start3A_51 = tpu.memref_squeeze %dma_start3A_50 : memref<1x128x128xf32, #tpu.memory_space<vmem>> -> memref<128x128xf32, #tpu.memory_space<vmem>>
      %dma_start3A_52 = arith.constant 0 : i32
      %dma_start3A_53 = tpu.memref_slice %arg7[%add3A_46, %dma_start3A_52] : memref<40x128xi32, #tpu.memory_space<vmem>> -> memref<1x128xi32, #tpu.memory_space<vmem>>
      %dma_start3A_54 = tpu.memref_squeeze %dma_start3A_53 : memref<1x128xi32, #tpu.memory_space<vmem>> -> memref<128xi32, #tpu.memory_space<vmem>>
      %dma_start3A_55 = arith.constant 0 : i32
      %dma_start3A_56 = arith.constant 0 : i32
      %dma_start3A_57 = tpu.memref_slice %arg4[%dma_start3A_55, %dma_start3A_56] : memref<10240x128xf32, #tpu.memory_space<hbm>> -> memref<10240x128xf32, #tpu.memory_space<hbm>>
      tpu.enqueue_indirect_dma source(%dma_start3A_57 : memref<10240x128xf32, #tpu.memory_space<hbm>>) target(%dma_start3A_51 : memref<128x128xf32, #tpu.memory_space<vmem>>) offsets(%dma_start3A_54 : memref<128xi32, #tpu.memory_space<vmem>>) semaphore(%arg12 : memref<!tpu.dma_semaphore, #tpu.memory_space<semaphore_mem>>)
      %dma_wait3A = arith.constant 0 : i32
      %dma_wait3A_58 = arith.constant 0 : i32
      %dma_wait3A_59 = arith.constant 0 : i32
      %dma_wait3A_60 = tpu.memref_slice %arg9[%dma_wait3A, %dma_wait3A_58, %dma_wait3A_59] : memref<2x128x128xf32, #tpu.memory_space<vmem>> -> memref<1x128x128xf32, #tpu.memory_space<vmem>>
      %dma_wait3A_61 = tpu.memref_squeeze %dma_wait3A_60 : memref<1x128x128xf32, #tpu.memory_space<vmem>> -> memref<128x128xf32, #tpu.memory_space<vmem>>
      %dma_wait3A_62 = arith.constant 0 : i32
      %dma_wait3A_63 = tpu.memref_slice %arg7[%add3A_32, %dma_wait3A_62] : memref<40x128xi32, #tpu.memory_space<vmem>> -> memref<1x128xi32, #tpu.memory_space<vmem>>
      %dma_wait3A_64 = tpu.memref_squeeze %dma_wait3A_63 : memref<1x128xi32, #tpu.memory_space<vmem>> -> memref<128xi32, #tpu.memory_space<vmem>>
      %dma_wait3A_65 = arith.constant 0 : i32
      %dma_wait3A_66 = arith.constant 0 : i32
      %dma_wait3A_67 = tpu.memref_slice %arg4[%dma_wait3A_65, %dma_wait3A_66] : memref<10240x128xf32, #tpu.memory_space<hbm>> -> memref<10240x128xf32, #tpu.memory_space<hbm>>
      tpu.wait_indirect_dma semaphore(%arg11 : memref<!tpu.dma_semaphore, #tpu.memory_space<semaphore_mem>>) src(%dma_wait3A_67 : memref<10240x128xf32, #tpu.memory_space<hbm>>) dst(%dma_wait3A_61 : memref<128x128xf32, #tpu.memory_space<vmem>>)
      %mul3A_68 = arith.constant 8 : i32
      %mul3A_69 = arith.muli %mul3A_68, %scan3A_28 : i32
      %add3A_70 = arith.constant 0 : i32
      %add3A_71 = arith.addi %mul3A_69, %add3A_70 : i32
      %dma_start3A_72 = arith.constant 0 : i32
      %dma_start3A_73 = arith.constant 0 : i32
      %dma_start3A_74 = arith.constant 0 : i32
      %dma_start3A_75 = tpu.memref_slice %arg9[%dma_start3A_72, %dma_start3A_73, %dma_start3A_74] : memref<2x128x128xf32, #tpu.memory_space<vmem>> -> memref<1x128x128xf32, #tpu.memory_space<vmem>>
      %dma_start3A_76 = tpu.memref_squeeze %dma_start3A_75 : memref<1x128x128xf32, #tpu.memory_space<vmem>> -> memref<128x128xf32, #tpu.memory_space<vmem>>
      %dma_start3A_77 = arith.constant 0 : i32
      %dma_start3A_78 = tpu.memref_slice %arg8[%add3A_71, %dma_start3A_77] : memref<40x128xi32, #tpu.memory_space<vmem>> -> memref<1x128xi32, #tpu.memory_space<vmem>>
      %dma_start3A_79 = tpu.memref_squeeze %dma_start3A_78 : memref<1x128xi32, #tpu.memory_space<vmem>> -> memref<128xi32, #tpu.memory_space<vmem>>
      %dma_start3A_80 = arith.constant 0 : i32
      %dma_start3A_81 = arith.constant 0 : i32
      %dma_start3A_82 = tpu.memref_slice %arg10[%dma_start3A_80, %dma_start3A_81] : memref<10240x128xf32, #tpu.memory_space<vmem_shared>> -> memref<10240x128xf32, #tpu.memory_space<vmem_shared>>
      tpu.enqueue_indirect_dma source(%dma_start3A_76 : memref<128x128xf32, #tpu.memory_space<vmem>>) target(%dma_start3A_82 : memref<10240x128xf32, #tpu.memory_space<vmem_shared>>) offsets(%dma_start3A_79 : memref<128xi32, #tpu.memory_space<vmem>>) semaphore(%arg13 : memref<!tpu.dma_semaphore, #tpu.memory_space<semaphore_mem>>) {add = true}
      %dma_wait3A_83 = arith.constant 0 : i32
      %dma_wait3A_84 = arith.constant 0 : i32
      %dma_wait3A_85 = arith.constant 0 : i32
      %dma_wait3A_86 = tpu.memref_slice %arg9[%dma_wait3A_83, %dma_wait3A_84, %dma_wait3A_85] : memref<2x128x128xf32, #tpu.memory_space<vmem>> -> memref<1x128x128xf32, #tpu.memory_space<vmem>>
      %dma_wait3A_87 = tpu.memref_squeeze %dma_wait3A_86 : memref<1x128x128xf32, #tpu.memory_space<vmem>> -> memref<128x128xf32, #tpu.memory_space<vmem>>
      %dma_wait3A_88 = arith.constant 0 : i32
      %dma_wait3A_89 = tpu.memref_slice %arg8[%add3A_71, %dma_wait3A_88] : memref<40x128xi32, #tpu.memory_space<vmem>> -> memref<1x128xi32, #tpu.memory_space<vmem>>
      %dma_wait3A_90 = tpu.memref_squeeze %dma_wait3A_89 : memref<1x128xi32, #tpu.memory_space<vmem>> -> memref<128xi32, #tpu.memory_space<vmem>>
      %dma_wait3A_91 = arith.constant 0 : i32
      %dma_wait3A_92 = arith.constant 0 : i32
      %dma_wait3A_93 = tpu.memref_slice %arg10[%dma_wait3A_91, %dma_wait3A_92] : memref<10240x128xf32, #tpu.memory_space<vmem_shared>> -> memref<10240x128xf32, #tpu.memory_space<vmem_shared>>
      tpu.wait_indirect_dma semaphore(%arg13 : memref<!tpu.dma_semaphore, #tpu.memory_space<semaphore_mem>>) src(%dma_wait3A_87 : memref<128x128xf32, #tpu.memory_space<vmem>>) dst(%dma_wait3A_93 : memref<10240x128xf32, #tpu.memory_space<vmem_shared>>)
      %mul3A_94 = arith.constant 8 : i32
      %mul3A_95 = arith.muli %mul3A_94, %scan3A_28 : i32
      %add3A_96 = arith.constant 0 : i32
      %add3A_97 = arith.addi %mul3A_95, %add3A_96 : i32
      %add3A_98 = arith.constant 2 : i32
      %add3A_99 = arith.addi %add3A_97, %add3A_98 : i32
      %dma_start3A_100 = arith.constant 0 : i32
      %dma_start3A_101 = arith.constant 0 : i32
      %dma_start3A_102 = arith.constant 0 : i32
      %dma_start3A_103 = tpu.memref_slice %arg9[%dma_start3A_100, %dma_start3A_101, %dma_start3A_102] : memref<2x128x128xf32, #tpu.memory_space<vmem>> -> memref<1x128x128xf32, #tpu.memory_space<vmem>>
      %dma_start3A_104 = tpu.memref_squeeze %dma_start3A_103 : memref<1x128x128xf32, #tpu.memory_space<vmem>> -> memref<128x128xf32, #tpu.memory_space<vmem>>
      %dma_start3A_105 = arith.constant 0 : i32
      %dma_start3A_106 = tpu.memref_slice %arg7[%add3A_99, %dma_start3A_105] : memref<40x128xi32, #tpu.memory_space<vmem>> -> memref<1x128xi32, #tpu.memory_space<vmem>>
      %dma_start3A_107 = tpu.memref_squeeze %dma_start3A_106 : memref<1x128xi32, #tpu.memory_space<vmem>> -> memref<128xi32, #tpu.memory_space<vmem>>
      %dma_start3A_108 = arith.constant 0 : i32
      %dma_start3A_109 = arith.constant 0 : i32
      %dma_start3A_110 = tpu.memref_slice %arg4[%dma_start3A_108, %dma_start3A_109] : memref<10240x128xf32, #tpu.memory_space<hbm>> -> memref<10240x128xf32, #tpu.memory_space<hbm>>
      tpu.enqueue_indirect_dma source(%dma_start3A_110 : memref<10240x128xf32, #tpu.memory_space<hbm>>) target(%dma_start3A_104 : memref<128x128xf32, #tpu.memory_space<vmem>>) offsets(%dma_start3A_107 : memref<128xi32, #tpu.memory_space<vmem>>) semaphore(%arg11 : memref<!tpu.dma_semaphore, #tpu.memory_space<semaphore_mem>>)
      %dma_wait3A_111 = arith.constant 1 : i32
      %dma_wait3A_112 = arith.constant 0 : i32
      %dma_wait3A_113 = arith.constant 0 : i32
      %dma_wait3A_114 = tpu.memref_slice %arg9[%dma_wait3A_111, %dma_wait3A_112, %dma_wait3A_113] : memref<2x128x128xf32, #tpu.memory_space<vmem>> -> memref<1x128x128xf32, #tpu.memory_space<vmem>>
      %dma_wait3A_115 = tpu.memref_squeeze %dma_wait3A_114 : memref<1x128x128xf32, #tpu.memory_space<vmem>> -> memref<128x128xf32, #tpu.memory_space<vmem>>
      %dma_wait3A_116 = arith.constant 0 : i32
      %dma_wait3A_117 = tpu.memref_slice %arg7[%add3A_46, %dma_wait3A_116] : memref<40x128xi32, #tpu.memory_space<vmem>> -> memref<1x128xi32, #tpu.memory_space<vmem>>
      %dma_wait3A_118 = tpu.memref_squeeze %dma_wait3A_117 : memref<1x128xi32, #tpu.memory_space<vmem>> -> memref<128xi32, #tpu.memory_space<vmem>>
      %dma_wait3A_119 = arith.constant 0 : i32
      %dma_wait3A_120 = arith.constant 0 : i32
      %dma_wait3A_121 = tpu.memref_slice %arg4[%dma_wait3A_119, %dma_wait3A_120] : memref<10240x128xf32, #tpu.memory_space<hbm>> -> memref<10240x128xf32, #tpu.memory_space<hbm>>
      tpu.wait_indirect_dma semaphore(%arg12 : memref<!tpu.dma_semaphore, #tpu.memory_space<semaphore_mem>>) src(%dma_wait3A_121 : memref<10240x128xf32, #tpu.memory_space<hbm>>) dst(%dma_wait3A_115 : memref<128x128xf32, #tpu.memory_space<vmem>>)
      %mul3A_122 = arith.constant 8 : i32
      %mul3A_123 = arith.muli %mul3A_122, %scan3A_28 : i32
      %add3A_124 = arith.constant 1 : i32
      %add3A_125 = arith.addi %mul3A_123, %add3A_124 : i32
      %dma_start3A_126 = arith.constant 1 : i32
      %dma_start3A_127 = arith.constant 0 : i32
      %dma_start3A_128 = arith.constant 0 : i32
      %dma_start3A_129 = tpu.memref_slice %arg9[%dma_start3A_126, %dma_start3A_127, %dma_start3A_128] : memref<2x128x128xf32, #tpu.memory_space<vmem>> -> memref<1x128x128xf32, #tpu.memory_space<vmem>>
      %dma_start3A_130 = tpu.memref_squeeze %dma_start3A_129 : memref<1x128x128xf32, #tpu.memory_space<vmem>> -> memref<128x128xf32, #tpu.memory_space<vmem>>
      %dma_start3A_131 = arith.constant 0 : i32
      %dma_start3A_132 = tpu.memref_slice %arg8[%add3A_125, %dma_start3A_131] : memref<40x128xi32, #tpu.memory_space<vmem>> -> memref<1x128xi32, #tpu.memory_space<vmem>>
      %dma_start3A_133 = tpu.memref_squeeze %dma_start3A_132 : memref<1x128xi32, #tpu.memory_space<vmem>> -> memref<128xi32, #tpu.memory_space<vmem>>
      %dma_start3A_134 = arith.constant 0 : i32
      %dma_start3A_135 = arith.constant 0 : i32
      %dma_start3A_136 = tpu.memref_slice %arg10[%dma_start3A_134, %dma_start3A_135] : memref<10240x128xf32, #tpu.memory_space<vmem_shared>> -> memref<10240x128xf32, #tpu.memory_space<vmem_shared>>
      tpu.enqueue_indirect_dma source(%dma_start3A_130 : memref<128x128xf32, #tpu.memory_space<vmem>>) target(%dma_start3A_136 : memref<10240x128xf32, #tpu.memory_space<vmem_shared>>) offsets(%dma_start3A_133 : memref<128xi32, #tpu.memory_space<vmem>>) semaphore(%arg14 : memref<!tpu.dma_semaphore, #tpu.memory_space<semaphore_mem>>) {add = true}
      %dma_wait3A_137 = arith.constant 1 : i32
      %dma_wait3A_138 = arith.constant 0 : i32
      %dma_wait3A_139 = arith.constant 0 : i32
      %dma_wait3A_140 = tpu.memref_slice %arg9[%dma_wait3A_137, %dma_wait3A_138, %dma_wait3A_139] : memref<2x128x128xf32, #tpu.memory_space<vmem>> -> memref<1x128x128xf32, #tpu.memory_space<vmem>>
      %dma_wait3A_141 = tpu.memref_squeeze %dma_wait3A_140 : memref<1x128x128xf32, #tpu.memory_space<vmem>> -> memref<128x128xf32, #tpu.memory_space<vmem>>
      %dma_wait3A_142 = arith.constant 0 : i32
      %dma_wait3A_143 = tpu.memref_slice %arg8[%add3A_125, %dma_wait3A_142] : memref<40x128xi32, #tpu.memory_space<vmem>> -> memref<1x128xi32, #tpu.memory_space<vmem>>
      %dma_wait3A_144 = tpu.memref_squeeze %dma_wait3A_143 : memref<1x128xi32, #tpu.memory_space<vmem>> -> memref<128xi32, #tpu.memory_space<vmem>>
      %dma_wait3A_145 = arith.constant 0 : i32
      %dma_wait3A_146 = arith.constant 0 : i32
      %dma_wait3A_147 = tpu.memref_slice %arg10[%dma_wait3A_145, %dma_wait3A_146] : memref<10240x128xf32, #tpu.memory_space<vmem_shared>> -> memref<10240x128xf32, #tpu.memory_space<vmem_shared>>
      tpu.wait_indirect_dma semaphore(%arg14 : memref<!tpu.dma_semaphore, #tpu.memory_space<semaphore_mem>>) src(%dma_wait3A_141 : memref<128x128xf32, #tpu.memory_space<vmem>>) dst(%dma_wait3A_147 : memref<10240x128xf32, #tpu.memory_space<vmem_shared>>)
      %mul3A_148 = arith.constant 8 : i32
      %mul3A_149 = arith.muli %mul3A_148, %scan3A_28 : i32
      %add3A_150 = arith.constant 1 : i32
      %add3A_151 = arith.addi %mul3A_149, %add3A_150 : i32
      %add3A_152 = arith.constant 2 : i32
      %add3A_153 = arith.addi %add3A_151, %add3A_152 : i32
      %dma_start3A_154 = arith.constant 1 : i32
      %dma_start3A_155 = arith.constant 0 : i32
      %dma_start3A_156 = arith.constant 0 : i32
      %dma_start3A_157 = tpu.memref_slice %arg9[%dma_start3A_154, %dma_start3A_155, %dma_start3A_156] : memref<2x128x128xf32, #tpu.memory_space<vmem>> -> memref<1x128x128xf32, #tpu.memory_space<vmem>>
      %dma_start3A_158 = tpu.memref_squeeze %dma_start3A_157 : memref<1x128x128xf32, #tpu.memory_space<vmem>> -> memref<128x128xf32, #tpu.memory_space<vmem>>
      %dma_start3A_159 = arith.constant 0 : i32
      %dma_start3A_160 = tpu.memref_slice %arg7[%add3A_153, %dma_start3A_159] : memref<40x128xi32, #tpu.memory_space<vmem>> -> memref<1x128xi32, #tpu.memory_space<vmem>>
      %dma_start3A_161 = tpu.memref_squeeze %dma_start3A_160 : memref<1x128xi32, #tpu.memory_space<vmem>> -> memref<128xi32, #tpu.memory_space<vmem>>
      %dma_start3A_162 = arith.constant 0 : i32
      %dma_start3A_163 = arith.constant 0 : i32
      %dma_start3A_164 = tpu.memref_slice %arg4[%dma_start3A_162, %dma_start3A_163] : memref<10240x128xf32, #tpu.memory_space<hbm>> -> memref<10240x128xf32, #tpu.memory_space<hbm>>
      tpu.enqueue_indirect_dma source(%dma_start3A_164 : memref<10240x128xf32, #tpu.memory_space<hbm>>) target(%dma_start3A_158 : memref<128x128xf32, #tpu.memory_space<vmem>>) offsets(%dma_start3A_161 : memref<128xi32, #tpu.memory_space<vmem>>) semaphore(%arg12 : memref<!tpu.dma_semaphore, #tpu.memory_space<semaphore_mem>>)
      %dma_wait3A_165 = arith.constant 0 : i32
      %dma_wait3A_166 = arith.constant 0 : i32
      %dma_wait3A_167 = arith.constant 0 : i32
      %dma_wait3A_168 = tpu.memref_slice %arg9[%dma_wait3A_165, %dma_wait3A_166, %dma_wait3A_167] : memref<2x128x128xf32, #tpu.memory_space<vmem>> -> memref<1x128x128xf32, #tpu.memory_space<vmem>>
      %dma_wait3A_169 = tpu.memref_squeeze %dma_wait3A_168 : memref<1x128x128xf32, #tpu.memory_space<vmem>> -> memref<128x128xf32, #tpu.memory_space<vmem>>
      %dma_wait3A_170 = arith.constant 0 : i32
      %dma_wait3A_171 = tpu.memref_slice %arg7[%add3A_99, %dma_wait3A_170] : memref<40x128xi32, #tpu.memory_space<vmem>> -> memref<1x128xi32, #tpu.memory_space<vmem>>
      %dma_wait3A_172 = tpu.memref_squeeze %dma_wait3A_171 : memref<1x128xi32, #tpu.memory_space<vmem>> -> memref<128xi32, #tpu.memory_space<vmem>>
      %dma_wait3A_173 = arith.constant 0 : i32
      %dma_wait3A_174 = arith.constant 0 : i32
      %dma_wait3A_175 = tpu.memref_slice %arg4[%dma_wait3A_173, %dma_wait3A_174] : memref<10240x128xf32, #tpu.memory_space<hbm>> -> memref<10240x128xf32, #tpu.memory_space<hbm>>
      tpu.wait_indirect_dma semaphore(%arg11 : memref<!tpu.dma_semaphore, #tpu.memory_space<semaphore_mem>>) src(%dma_wait3A_175 : memref<10240x128xf32, #tpu.memory_space<hbm>>) dst(%dma_wait3A_169 : memref<128x128xf32, #tpu.memory_space<vmem>>)
      %mul3A_176 = arith.constant 8 : i32
      %mul3A_177 = arith.muli %mul3A_176, %scan3A_28 : i32
      %add3A_178 = arith.constant 2 : i32
      %add3A_179 = arith.addi %mul3A_177, %add3A_178 : i32
      %dma_start3A_180 = arith.constant 0 : i32
      %dma_start3A_181 = arith.constant 0 : i32
      %dma_start3A_182 = arith.constant 0 : i32
      %dma_start3A_183 = tpu.memref_slice %arg9[%dma_start3A_180, %dma_start3A_181, %dma_start3A_182] : memref<2x128x128xf32, #tpu.memory_space<vmem>> -> memref<1x128x128xf32, #tpu.memory_space<vmem>>
      %dma_start3A_184 = tpu.memref_squeeze %dma_start3A_183 : memref<1x128x128xf32, #tpu.memory_space<vmem>> -> memref<128x128xf32, #tpu.memory_space<vmem>>
      %dma_start3A_185 = arith.constant 0 : i32
      %dma_start3A_186 = tpu.memref_slice %arg8[%add3A_179, %dma_start3A_185] : memref<40x128xi32, #tpu.memory_space<vmem>> -> memref<1x128xi32, #tpu.memory_space<vmem>>
      %dma_start3A_187 = tpu.memref_squeeze %dma_start3A_186 : memref<1x128xi32, #tpu.memory_space<vmem>> -> memref<128xi32, #tpu.memory_space<vmem>>
      %dma_start3A_188 = arith.constant 0 : i32
      %dma_start3A_189 = arith.constant 0 : i32
      %dma_start3A_190 = tpu.memref_slice %arg10[%dma_start3A_188, %dma_start3A_189] : memref<10240x128xf32, #tpu.memory_space<vmem_shared>> -> memref<10240x128xf32, #tpu.memory_space<vmem_shared>>
      tpu.enqueue_indirect_dma source(%dma_start3A_184 : memref<128x128xf32, #tpu.memory_space<vmem>>) target(%dma_start3A_190 : memref<10240x128xf32, #tpu.memory_space<vmem_shared>>) offsets(%dma_start3A_187 : memref<128xi32, #tpu.memory_space<vmem>>) semaphore(%arg13 : memref<!tpu.dma_semaphore, #tpu.memory_space<semaphore_mem>>) {add = true}
      %dma_wait3A_191 = arith.constant 0 : i32
      %dma_wait3A_192 = arith.constant 0 : i32
      %dma_wait3A_193 = arith.constant 0 : i32
      %dma_wait3A_194 = tpu.memref_slice %arg9[%dma_wait3A_191, %dma_wait3A_192, %dma_wait3A_193] : memref<2x128x128xf32, #tpu.memory_space<vmem>> -> memref<1x128x128xf32, #tpu.memory_space<vmem>>
      %dma_wait3A_195 = tpu.memref_squeeze %dma_wait3A_194 : memref<1x128x128xf32, #tpu.memory_space<vmem>> -> memref<128x128xf32, #tpu.memory_space<vmem>>
      %dma_wait3A_196 = arith.constant 0 : i32
      %dma_wait3A_197 = tpu.memref_slice %arg8[%add3A_179, %dma_wait3A_196] : memref<40x128xi32, #tpu.memory_space<vmem>> -> memref<1x128xi32, #tpu.memory_space<vmem>>
      %dma_wait3A_198 = tpu.memref_squeeze %dma_wait3A_197 : memref<1x128xi32, #tpu.memory_space<vmem>> -> memref<128xi32, #tpu.memory_space<vmem>>
      %dma_wait3A_199 = arith.constant 0 : i32
      %dma_wait3A_200 = arith.constant 0 : i32
      %dma_wait3A_201 = tpu.memref_slice %arg10[%dma_wait3A_199, %dma_wait3A_200] : memref<10240x128xf32, #tpu.memory_space<vmem_shared>> -> memref<10240x128xf32, #tpu.memory_space<vmem_shared>>
      tpu.wait_indirect_dma semaphore(%arg13 : memref<!tpu.dma_semaphore, #tpu.memory_space<semaphore_mem>>) src(%dma_wait3A_195 : memref<128x128xf32, #tpu.memory_space<vmem>>) dst(%dma_wait3A_201 : memref<10240x128xf32, #tpu.memory_space<vmem_shared>>)
      %mul3A_202 = arith.constant 8 : i32
      %mul3A_203 = arith.muli %mul3A_202, %scan3A_28 : i32
      %add3A_204 = arith.constant 2 : i32
      %add3A_205 = arith.addi %mul3A_203, %add3A_204 : i32
      %add3A_206 = arith.constant 2 : i32
      %add3A_207 = arith.addi %add3A_205, %add3A_206 : i32
      %dma_start3A_208 = arith.constant 0 : i32
      %dma_start3A_209 = arith.constant 0 : i32
      %dma_start3A_210 = arith.constant 0 : i32
      %dma_start3A_211 = tpu.memref_slice %arg9[%dma_start3A_208, %dma_start3A_209, %dma_start3A_210] : memref<2x128x128xf32, #tpu.memory_space<vmem>> -> memref<1x128x128xf32, #tpu.memory_space<vmem>>
      %dma_start3A_212 = tpu.memref_squeeze %dma_start3A_211 : memref<1x128x128xf32, #tpu.memory_space<vmem>> -> memref<128x128xf32, #tpu.memory_space<vmem>>
      %dma_start3A_213 = arith.constant 0 : i32
      %dma_start3A_214 = tpu.memref_slice %arg7[%add3A_207, %dma_start3A_213] : memref<40x128xi32, #tpu.memory_space<vmem>> -> memref<1x128xi32, #tpu.memory_space<vmem>>
      %dma_start3A_215 = tpu.memref_squeeze %dma_start3A_214 : memref<1x128xi32, #tpu.memory_space<vmem>> -> memref<128xi32, #tpu.memory_space<vmem>>
      %dma_start3A_216 = arith.constant 0 : i32
      %dma_start3A_217 = arith.constant 0 : i32
      %dma_start3A_218 = tpu.memref_slice %arg4[%dma_start3A_216, %dma_start3A_217] : memref<10240x128xf32, #tpu.memory_space<hbm>> -> memref<10240x128xf32, #tpu.memory_space<hbm>>
      tpu.enqueue_indirect_dma source(%dma_start3A_218 : memref<10240x128xf32, #tpu.memory_space<hbm>>) target(%dma_start3A_212 : memref<128x128xf32, #tpu.memory_space<vmem>>) offsets(%dma_start3A_215 : memref<128xi32, #tpu.memory_space<vmem>>) semaphore(%arg11 : memref<!tpu.dma_semaphore, #tpu.memory_space<semaphore_mem>>)
      %dma_wait3A_219 = arith.constant 1 : i32
      %dma_wait3A_220 = arith.constant 0 : i32
      %dma_wait3A_221 = arith.constant 0 : i32
      %dma_wait3A_222 = tpu.memref_slice %arg9[%dma_wait3A_219, %dma_wait3A_220, %dma_wait3A_221] : memref<2x128x128xf32, #tpu.memory_space<vmem>> -> memref<1x128x128xf32, #tpu.memory_space<vmem>>
      %dma_wait3A_223 = tpu.memref_squeeze %dma_wait3A_222 : memref<1x128x128xf32, #tpu.memory_space<vmem>> -> memref<128x128xf32, #tpu.memory_space<vmem>>
      %dma_wait3A_224 = arith.constant 0 : i32
      %dma_wait3A_225 = tpu.memref_slice %arg7[%add3A_153, %dma_wait3A_224] : memref<40x128xi32, #tpu.memory_space<vmem>> -> memref<1x128xi32, #tpu.memory_space<vmem>>
      %dma_wait3A_226 = tpu.memref_squeeze %dma_wait3A_225 : memref<1x128xi32, #tpu.memory_space<vmem>> -> memref<128xi32, #tpu.memory_space<vmem>>
      %dma_wait3A_227 = arith.constant 0 : i32
      %dma_wait3A_228 = arith.constant 0 : i32
      %dma_wait3A_229 = tpu.memref_slice %arg4[%dma_wait3A_227, %dma_wait3A_228] : memref<10240x128xf32, #tpu.memory_space<hbm>> -> memref<10240x128xf32, #tpu.memory_space<hbm>>
      tpu.wait_indirect_dma semaphore(%arg12 : memref<!tpu.dma_semaphore, #tpu.memory_space<semaphore_mem>>) src(%dma_wait3A_229 : memref<10240x128xf32, #tpu.memory_space<hbm>>) dst(%dma_wait3A_223 : memref<128x128xf32, #tpu.memory_space<vmem>>)
      %mul3A_230 = arith.constant 8 : i32
      %mul3A_231 = arith.muli %mul3A_230, %scan3A_28 : i32
      %add3A_232 = arith.constant 3 : i32
      %add3A_233 = arith.addi %mul3A_231, %add3A_232 : i32
      %dma_start3A_234 = arith.constant 1 : i32
      %dma_start3A_235 = arith.constant 0 : i32
      %dma_start3A_236 = arith.constant 0 : i32
      %dma_start3A_237 = tpu.memref_slice %arg9[%dma_start3A_234, %dma_start3A_235, %dma_start3A_236] : memref<2x128x128xf32, #tpu.memory_space<vmem>> -> memref<1x128x128xf32, #tpu.memory_space<vmem>>
      %dma_start3A_238 = tpu.memref_squeeze %dma_start3A_237 : memref<1x128x128xf32, #tpu.memory_space<vmem>> -> memref<128x128xf32, #tpu.memory_space<vmem>>
      %dma_start3A_239 = arith.constant 0 : i32
      %dma_start3A_240 = tpu.memref_slice %arg8[%add3A_233, %dma_start3A_239] : memref<40x128xi32, #tpu.memory_space<vmem>> -> memref<1x128xi32, #tpu.memory_space<vmem>>
      %dma_start3A_241 = tpu.memref_squeeze %dma_start3A_240 : memref<1x128xi32, #tpu.memory_space<vmem>> -> memref<128xi32, #tpu.memory_space<vmem>>
      %dma_start3A_242 = arith.constant 0 : i32
      %dma_start3A_243 = arith.constant 0 : i32
      %dma_start3A_244 = tpu.memref_slice %arg10[%dma_start3A_242, %dma_start3A_243] : memref<10240x128xf32, #tpu.memory_space<vmem_shared>> -> memref<10240x128xf32, #tpu.memory_space<vmem_shared>>
      tpu.enqueue_indirect_dma source(%dma_start3A_238 : memref<128x128xf32, #tpu.memory_space<vmem>>) target(%dma_start3A_244 : memref<10240x128xf32, #tpu.memory_space<vmem_shared>>) offsets(%dma_start3A_241 : memref<128xi32, #tpu.memory_space<vmem>>) semaphore(%arg14 : memref<!tpu.dma_semaphore, #tpu.memory_space<semaphore_mem>>) {add = true}
      %dma_wait3A_245 = arith.constant 1 : i32
      %dma_wait3A_246 = arith.constant 0 : i32
      %dma_wait3A_247 = arith.constant 0 : i32
      %dma_wait3A_248 = tpu.memref_slice %arg9[%dma_wait3A_245, %dma_wait3A_246, %dma_wait3A_247] : memref<2x128x128xf32, #tpu.memory_space<vmem>> -> memref<1x128x128xf32, #tpu.memory_space<vmem>>
      %dma_wait3A_249 = tpu.memref_squeeze %dma_wait3A_248 : memref<1x128x128xf32, #tpu.memory_space<vmem>> -> memref<128x128xf32, #tpu.memory_space<vmem>>
      %dma_wait3A_250 = arith.constant 0 : i32
      %dma_wait3A_251 = tpu.memref_slice %arg8[%add3A_233, %dma_wait3A_250] : memref<40x128xi32, #tpu.memory_space<vmem>> -> memref<1x128xi32, #tpu.memory_space<vmem>>
      %dma_wait3A_252 = tpu.memref_squeeze %dma_wait3A_251 : memref<1x128xi32, #tpu.memory_space<vmem>> -> memref<128xi32, #tpu.memory_space<vmem>>
      %dma_wait3A_253 = arith.constant 0 : i32
      %dma_wait3A_254 = arith.constant 0 : i32
      %dma_wait3A_255 = tpu.memref_slice %arg10[%dma_wait3A_253, %dma_wait3A_254] : memref<10240x128xf32, #tpu.memory_space<vmem_shared>> -> memref<10240x128xf32, #tpu.memory_space<vmem_shared>>
      tpu.wait_indirect_dma semaphore(%arg14 : memref<!tpu.dma_semaphore, #tpu.memory_space<semaphore_mem>>) src(%dma_wait3A_249 : memref<128x128xf32, #tpu.memory_space<vmem>>) dst(%dma_wait3A_255 : memref<10240x128xf32, #tpu.memory_space<vmem_shared>>)
      %mul3A_256 = arith.constant 8 : i32
      %mul3A_257 = arith.muli %mul3A_256, %scan3A_28 : i32
      %add3A_258 = arith.constant 3 : i32
      %add3A_259 = arith.addi %mul3A_257, %add3A_258 : i32
      %add3A_260 = arith.constant 2 : i32
      %add3A_261 = arith.addi %add3A_259, %add3A_260 : i32
      %dma_start3A_262 = arith.constant 1 : i32
      %dma_start3A_263 = arith.constant 0 : i32
      %dma_start3A_264 = arith.constant 0 : i32
      %dma_start3A_265 = tpu.memref_slice %arg9[%dma_start3A_262, %dma_start3A_263, %dma_start3A_264] : memref<2x128x128xf32, #tpu.memory_space<vmem>> -> memref<1x128x128xf32, #tpu.memory_space<vmem>>
      %dma_start3A_266 = tpu.memref_squeeze %dma_start3A_265 : memref<1x128x128xf32, #tpu.memory_space<vmem>> -> memref<128x128xf32, #tpu.memory_space<vmem>>
      %dma_start3A_267 = arith.constant 0 : i32
      %dma_start3A_268 = tpu.memref_slice %arg7[%add3A_261, %dma_start3A_267] : memref<40x128xi32, #tpu.memory_space<vmem>> -> memref<1x128xi32, #tpu.memory_space<vmem>>
      %dma_start3A_269 = tpu.memref_squeeze %dma_start3A_268 : memref<1x128xi32, #tpu.memory_space<vmem>> -> memref<128xi32, #tpu.memory_space<vmem>>
      %dma_start3A_270 = arith.constant 0 : i32
      %dma_start3A_271 = arith.constant 0 : i32
      %dma_start3A_272 = tpu.memref_slice %arg4[%dma_start3A_270, %dma_start3A_271] : memref<10240x128xf32, #tpu.memory_space<hbm>> -> memref<10240x128xf32, #tpu.memory_space<hbm>>
      tpu.enqueue_indirect_dma source(%dma_start3A_272 : memref<10240x128xf32, #tpu.memory_space<hbm>>) target(%dma_start3A_266 : memref<128x128xf32, #tpu.memory_space<vmem>>) offsets(%dma_start3A_269 : memref<128xi32, #tpu.memory_space<vmem>>) semaphore(%arg12 : memref<!tpu.dma_semaphore, #tpu.memory_space<semaphore_mem>>)
      %dma_wait3A_273 = arith.constant 0 : i32
      %dma_wait3A_274 = arith.constant 0 : i32
      %dma_wait3A_275 = arith.constant 0 : i32
      %dma_wait3A_276 = tpu.memref_slice %arg9[%dma_wait3A_273, %dma_wait3A_274, %dma_wait3A_275] : memref<2x128x128xf32, #tpu.memory_space<vmem>> -> memref<1x128x128xf32, #tpu.memory_space<vmem>>
      %dma_wait3A_277 = tpu.memref_squeeze %dma_wait3A_276 : memref<1x128x128xf32, #tpu.memory_space<vmem>> -> memref<128x128xf32, #tpu.memory_space<vmem>>
      %dma_wait3A_278 = arith.constant 0 : i32
      %dma_wait3A_279 = tpu.memref_slice %arg7[%add3A_207, %dma_wait3A_278] : memref<40x128xi32, #tpu.memory_space<vmem>> -> memref<1x128xi32, #tpu.memory_space<vmem>>
      %dma_wait3A_280 = tpu.memref_squeeze %dma_wait3A_279 : memref<1x128xi32, #tpu.memory_space<vmem>> -> memref<128xi32, #tpu.memory_space<vmem>>
      %dma_wait3A_281 = arith.constant 0 : i32
      %dma_wait3A_282 = arith.constant 0 : i32
      %dma_wait3A_283 = tpu.memref_slice %arg4[%dma_wait3A_281, %dma_wait3A_282] : memref<10240x128xf32, #tpu.memory_space<hbm>> -> memref<10240x128xf32, #tpu.memory_space<hbm>>
      tpu.wait_indirect_dma semaphore(%arg11 : memref<!tpu.dma_semaphore, #tpu.memory_space<semaphore_mem>>) src(%dma_wait3A_283 : memref<10240x128xf32, #tpu.memory_space<hbm>>) dst(%dma_wait3A_277 : memref<128x128xf32, #tpu.memory_space<vmem>>)
      %mul3A_284 = arith.constant 8 : i32
      %mul3A_285 = arith.muli %mul3A_284, %scan3A_28 : i32
      %add3A_286 = arith.constant 4 : i32
      %add3A_287 = arith.addi %mul3A_285, %add3A_286 : i32
      %dma_start3A_288 = arith.constant 0 : i32
      %dma_start3A_289 = arith.constant 0 : i32
      %dma_start3A_290 = arith.constant 0 : i32
      %dma_start3A_291 = tpu.memref_slice %arg9[%dma_start3A_288, %dma_start3A_289, %dma_start3A_290] : memref<2x128x128xf32, #tpu.memory_space<vmem>> -> memref<1x128x128xf32, #tpu.memory_space<vmem>>
      %dma_start3A_292 = tpu.memref_squeeze %dma_start3A_291 : memref<1x128x128xf32, #tpu.memory_space<vmem>> -> memref<128x128xf32, #tpu.memory_space<vmem>>
      %dma_start3A_293 = arith.constant 0 : i32
      %dma_start3A_294 = tpu.memref_slice %arg8[%add3A_287, %dma_start3A_293] : memref<40x128xi32, #tpu.memory_space<vmem>> -> memref<1x128xi32, #tpu.memory_space<vmem>>
      %dma_start3A_295 = tpu.memref_squeeze %dma_start3A_294 : memref<1x128xi32, #tpu.memory_space<vmem>> -> memref<128xi32, #tpu.memory_space<vmem>>
      %dma_start3A_296 = arith.constant 0 : i32
      %dma_start3A_297 = arith.constant 0 : i32
      %dma_start3A_298 = tpu.memref_slice %arg10[%dma_start3A_296, %dma_start3A_297] : memref<10240x128xf32, #tpu.memory_space<vmem_shared>> -> memref<10240x128xf32, #tpu.memory_space<vmem_shared>>
      tpu.enqueue_indirect_dma source(%dma_start3A_292 : memref<128x128xf32, #tpu.memory_space<vmem>>) target(%dma_start3A_298 : memref<10240x128xf32, #tpu.memory_space<vmem_shared>>) offsets(%dma_start3A_295 : memref<128xi32, #tpu.memory_space<vmem>>) semaphore(%arg13 : memref<!tpu.dma_semaphore, #tpu.memory_space<semaphore_mem>>) {add = true}
      %dma_wait3A_299 = arith.constant 0 : i32
      %dma_wait3A_300 = arith.constant 0 : i32
      %dma_wait3A_301 = arith.constant 0 : i32
      %dma_wait3A_302 = tpu.memref_slice %arg9[%dma_wait3A_299, %dma_wait3A_300, %dma_wait3A_301] : memref<2x128x128xf32, #tpu.memory_space<vmem>> -> memref<1x128x128xf32, #tpu.memory_space<vmem>>
      %dma_wait3A_303 = tpu.memref_squeeze %dma_wait3A_302 : memref<1x128x128xf32, #tpu.memory_space<vmem>> -> memref<128x128xf32, #tpu.memory_space<vmem>>
      %dma_wait3A_304 = arith.constant 0 : i32
      %dma_wait3A_305 = tpu.memref_slice %arg8[%add3A_287, %dma_wait3A_304] : memref<40x128xi32, #tpu.memory_space<vmem>> -> memref<1x128xi32, #tpu.memory_space<vmem>>
      %dma_wait3A_306 = tpu.memref_squeeze %dma_wait3A_305 : memref<1x128xi32, #tpu.memory_space<vmem>> -> memref<128xi32, #tpu.memory_space<vmem>>
      %dma_wait3A_307 = arith.constant 0 : i32
      %dma_wait3A_308 = arith.constant 0 : i32
      %dma_wait3A_309 = tpu.memref_slice %arg10[%dma_wait3A_307, %dma_wait3A_308] : memref<10240x128xf32, #tpu.memory_space<vmem_shared>> -> memref<10240x128xf32, #tpu.memory_space<vmem_shared>>
      tpu.wait_indirect_dma semaphore(%arg13 : memref<!tpu.dma_semaphore, #tpu.memory_space<semaphore_mem>>) src(%dma_wait3A_303 : memref<128x128xf32, #tpu.memory_space<vmem>>) dst(%dma_wait3A_309 : memref<10240x128xf32, #tpu.memory_space<vmem_shared>>)
      %mul3A_310 = arith.constant 8 : i32
      %mul3A_311 = arith.muli %mul3A_310, %scan3A_28 : i32
      %add3A_312 = arith.constant 4 : i32
      %add3A_313 = arith.addi %mul3A_311, %add3A_312 : i32
      %add3A_314 = arith.constant 2 : i32
      %add3A_315 = arith.addi %add3A_313, %add3A_314 : i32
      %dma_start3A_316 = arith.constant 0 : i32
      %dma_start3A_317 = arith.constant 0 : i32
      %dma_start3A_318 = arith.constant 0 : i32
      %dma_start3A_319 = tpu.memref_slice %arg9[%dma_start3A_316, %dma_start3A_317, %dma_start3A_318] : memref<2x128x128xf32, #tpu.memory_space<vmem>> -> memref<1x128x128xf32, #tpu.memory_space<vmem>>
      %dma_start3A_320 = tpu.memref_squeeze %dma_start3A_319 : memref<1x128x128xf32, #tpu.memory_space<vmem>> -> memref<128x128xf32, #tpu.memory_space<vmem>>
      %dma_start3A_321 = arith.constant 0 : i32
      %dma_start3A_322 = tpu.memref_slice %arg7[%add3A_315, %dma_start3A_321] : memref<40x128xi32, #tpu.memory_space<vmem>> -> memref<1x128xi32, #tpu.memory_space<vmem>>
      %dma_start3A_323 = tpu.memref_squeeze %dma_start3A_322 : memref<1x128xi32, #tpu.memory_space<vmem>> -> memref<128xi32, #tpu.memory_space<vmem>>
      %dma_start3A_324 = arith.constant 0 : i32
      %dma_start3A_325 = arith.constant 0 : i32
      %dma_start3A_326 = tpu.memref_slice %arg4[%dma_start3A_324, %dma_start3A_325] : memref<10240x128xf32, #tpu.memory_space<hbm>> -> memref<10240x128xf32, #tpu.memory_space<hbm>>
      tpu.enqueue_indirect_dma source(%dma_start3A_326 : memref<10240x128xf32, #tpu.memory_space<hbm>>) target(%dma_start3A_320 : memref<128x128xf32, #tpu.memory_space<vmem>>) offsets(%dma_start3A_323 : memref<128xi32, #tpu.memory_space<vmem>>) semaphore(%arg11 : memref<!tpu.dma_semaphore, #tpu.memory_space<semaphore_mem>>)
      %dma_wait3A_327 = arith.constant 1 : i32
      %dma_wait3A_328 = arith.constant 0 : i32
      %dma_wait3A_329 = arith.constant 0 : i32
      %dma_wait3A_330 = tpu.memref_slice %arg9[%dma_wait3A_327, %dma_wait3A_328, %dma_wait3A_329] : memref<2x128x128xf32, #tpu.memory_space<vmem>> -> memref<1x128x128xf32, #tpu.memory_space<vmem>>
      %dma_wait3A_331 = tpu.memref_squeeze %dma_wait3A_330 : memref<1x128x128xf32, #tpu.memory_space<vmem>> -> memref<128x128xf32, #tpu.memory_space<vmem>>
      %dma_wait3A_332 = arith.constant 0 : i32
      %dma_wait3A_333 = tpu.memref_slice %arg7[%add3A_261, %dma_wait3A_332] : memref<40x128xi32, #tpu.memory_space<vmem>> -> memref<1x128xi32, #tpu.memory_space<vmem>>
      %dma_wait3A_334 = tpu.memref_squeeze %dma_wait3A_333 : memref<1x128xi32, #tpu.memory_space<vmem>> -> memref<128xi32, #tpu.memory_space<vmem>>
      %dma_wait3A_335 = arith.constant 0 : i32
      %dma_wait3A_336 = arith.constant 0 : i32
      %dma_wait3A_337 = tpu.memref_slice %arg4[%dma_wait3A_335, %dma_wait3A_336] : memref<10240x128xf32, #tpu.memory_space<hbm>> -> memref<10240x128xf32, #tpu.memory_space<hbm>>
      tpu.wait_indirect_dma semaphore(%arg12 : memref<!tpu.dma_semaphore, #tpu.memory_space<semaphore_mem>>) src(%dma_wait3A_337 : memref<10240x128xf32, #tpu.memory_space<hbm>>) dst(%dma_wait3A_331 : memref<128x128xf32, #tpu.memory_space<vmem>>)
      %mul3A_338 = arith.constant 8 : i32
      %mul3A_339 = arith.muli %mul3A_338, %scan3A_28 : i32
      %add3A_340 = arith.constant 5 : i32
      %add3A_341 = arith.addi %mul3A_339, %add3A_340 : i32
      %dma_start3A_342 = arith.constant 1 : i32
      %dma_start3A_343 = arith.constant 0 : i32
      %dma_start3A_344 = arith.constant 0 : i32
      %dma_start3A_345 = tpu.memref_slice %arg9[%dma_start3A_342, %dma_start3A_343, %dma_start3A_344] : memref<2x128x128xf32, #tpu.memory_space<vmem>> -> memref<1x128x128xf32, #tpu.memory_space<vmem>>
      %dma_start3A_346 = tpu.memref_squeeze %dma_start3A_345 : memref<1x128x128xf32, #tpu.memory_space<vmem>> -> memref<128x128xf32, #tpu.memory_space<vmem>>
      %dma_start3A_347 = arith.constant 0 : i32
      %dma_start3A_348 = tpu.memref_slice %arg8[%add3A_341, %dma_start3A_347] : memref<40x128xi32, #tpu.memory_space<vmem>> -> memref<1x128xi32, #tpu.memory_space<vmem>>
      %dma_start3A_349 = tpu.memref_squeeze %dma_start3A_348 : memref<1x128xi32, #tpu.memory_space<vmem>> -> memref<128xi32, #tpu.memory_space<vmem>>
      %dma_start3A_350 = arith.constant 0 : i32
      %dma_start3A_351 = arith.constant 0 : i32
      %dma_start3A_352 = tpu.memref_slice %arg10[%dma_start3A_350, %dma_start3A_351] : memref<10240x128xf32, #tpu.memory_space<vmem_shared>> -> memref<10240x128xf32, #tpu.memory_space<vmem_shared>>
      tpu.enqueue_indirect_dma source(%dma_start3A_346 : memref<128x128xf32, #tpu.memory_space<vmem>>) target(%dma_start3A_352 : memref<10240x128xf32, #tpu.memory_space<vmem_shared>>) offsets(%dma_start3A_349 : memref<128xi32, #tpu.memory_space<vmem>>) semaphore(%arg14 : memref<!tpu.dma_semaphore, #tpu.memory_space<semaphore_mem>>) {add = true}
      %dma_wait3A_353 = arith.constant 1 : i32
      %dma_wait3A_354 = arith.constant 0 : i32
      %dma_wait3A_355 = arith.constant 0 : i32
      %dma_wait3A_356 = tpu.memref_slice %arg9[%dma_wait3A_353, %dma_wait3A_354, %dma_wait3A_355] : memref<2x128x128xf32, #tpu.memory_space<vmem>> -> memref<1x128x128xf32, #tpu.memory_space<vmem>>
      %dma_wait3A_357 = tpu.memref_squeeze %dma_wait3A_356 : memref<1x128x128xf32, #tpu.memory_space<vmem>> -> memref<128x128xf32, #tpu.memory_space<vmem>>
      %dma_wait3A_358 = arith.constant 0 : i32
      %dma_wait3A_359 = tpu.memref_slice %arg8[%add3A_341, %dma_wait3A_358] : memref<40x128xi32, #tpu.memory_space<vmem>> -> memref<1x128xi32, #tpu.memory_space<vmem>>
      %dma_wait3A_360 = tpu.memref_squeeze %dma_wait3A_359 : memref<1x128xi32, #tpu.memory_space<vmem>> -> memref<128xi32, #tpu.memory_space<vmem>>
      %dma_wait3A_361 = arith.constant 0 : i32
      %dma_wait3A_362 = arith.constant 0 : i32
      %dma_wait3A_363 = tpu.memref_slice %arg10[%dma_wait3A_361, %dma_wait3A_362] : memref<10240x128xf32, #tpu.memory_space<vmem_shared>> -> memref<10240x128xf32, #tpu.memory_space<vmem_shared>>
      tpu.wait_indirect_dma semaphore(%arg14 : memref<!tpu.dma_semaphore, #tpu.memory_space<semaphore_mem>>) src(%dma_wait3A_357 : memref<128x128xf32, #tpu.memory_space<vmem>>) dst(%dma_wait3A_363 : memref<10240x128xf32, #tpu.memory_space<vmem_shared>>)
      %mul3A_364 = arith.constant 8 : i32
      %mul3A_365 = arith.muli %mul3A_364, %scan3A_28 : i32
      %add3A_366 = arith.constant 5 : i32
      %add3A_367 = arith.addi %mul3A_365, %add3A_366 : i32
      %add3A_368 = arith.constant 2 : i32
      %add3A_369 = arith.addi %add3A_367, %add3A_368 : i32
      %dma_start3A_370 = arith.constant 1 : i32
      %dma_start3A_371 = arith.constant 0 : i32
      %dma_start3A_372 = arith.constant 0 : i32
      %dma_start3A_373 = tpu.memref_slice %arg9[%dma_start3A_370, %dma_start3A_371, %dma_start3A_372] : memref<2x128x128xf32, #tpu.memory_space<vmem>> -> memref<1x128x128xf32, #tpu.memory_space<vmem>>
      %dma_start3A_374 = tpu.memref_squeeze %dma_start3A_373 : memref<1x128x128xf32, #tpu.memory_space<vmem>> -> memref<128x128xf32, #tpu.memory_space<vmem>>
      %dma_start3A_375 = arith.constant 0 : i32
      %dma_start3A_376 = tpu.memref_slice %arg7[%add3A_369, %dma_start3A_375] : memref<40x128xi32, #tpu.memory_space<vmem>> -> memref<1x128xi32, #tpu.memory_space<vmem>>
      %dma_start3A_377 = tpu.memref_squeeze %dma_start3A_376 : memref<1x128xi32, #tpu.memory_space<vmem>> -> memref<128xi32, #tpu.memory_space<vmem>>
      %dma_start3A_378 = arith.constant 0 : i32
      %dma_start3A_379 = arith.constant 0 : i32
      %dma_start3A_380 = tpu.memref_slice %arg4[%dma_start3A_378, %dma_start3A_379] : memref<10240x128xf32, #tpu.memory_space<hbm>> -> memref<10240x128xf32, #tpu.memory_space<hbm>>
      tpu.enqueue_indirect_dma source(%dma_start3A_380 : memref<10240x128xf32, #tpu.memory_space<hbm>>) target(%dma_start3A_374 : memref<128x128xf32, #tpu.memory_space<vmem>>) offsets(%dma_start3A_377 : memref<128xi32, #tpu.memory_space<vmem>>) semaphore(%arg12 : memref<!tpu.dma_semaphore, #tpu.memory_space<semaphore_mem>>)
      %dma_wait3A_381 = arith.constant 0 : i32
      %dma_wait3A_382 = arith.constant 0 : i32
      %dma_wait3A_383 = arith.constant 0 : i32
      %dma_wait3A_384 = tpu.memref_slice %arg9[%dma_wait3A_381, %dma_wait3A_382, %dma_wait3A_383] : memref<2x128x128xf32, #tpu.memory_space<vmem>> -> memref<1x128x128xf32, #tpu.memory_space<vmem>>
      %dma_wait3A_385 = tpu.memref_squeeze %dma_wait3A_384 : memref<1x128x128xf32, #tpu.memory_space<vmem>> -> memref<128x128xf32, #tpu.memory_space<vmem>>
      %dma_wait3A_386 = arith.constant 0 : i32
      %dma_wait3A_387 = tpu.memref_slice %arg7[%add3A_315, %dma_wait3A_386] : memref<40x128xi32, #tpu.memory_space<vmem>> -> memref<1x128xi32, #tpu.memory_space<vmem>>
      %dma_wait3A_388 = tpu.memref_squeeze %dma_wait3A_387 : memref<1x128xi32, #tpu.memory_space<vmem>> -> memref<128xi32, #tpu.memory_space<vmem>>
      %dma_wait3A_389 = arith.constant 0 : i32
      %dma_wait3A_390 = arith.constant 0 : i32
      %dma_wait3A_391 = tpu.memref_slice %arg4[%dma_wait3A_389, %dma_wait3A_390] : memref<10240x128xf32, #tpu.memory_space<hbm>> -> memref<10240x128xf32, #tpu.memory_space<hbm>>
      tpu.wait_indirect_dma semaphore(%arg11 : memref<!tpu.dma_semaphore, #tpu.memory_space<semaphore_mem>>) src(%dma_wait3A_391 : memref<10240x128xf32, #tpu.memory_space<hbm>>) dst(%dma_wait3A_385 : memref<128x128xf32, #tpu.memory_space<vmem>>)
      %mul3A_392 = arith.constant 8 : i32
      %mul3A_393 = arith.muli %mul3A_392, %scan3A_28 : i32
      %add3A_394 = arith.constant 6 : i32
      %add3A_395 = arith.addi %mul3A_393, %add3A_394 : i32
      %dma_start3A_396 = arith.constant 0 : i32
      %dma_start3A_397 = arith.constant 0 : i32
      %dma_start3A_398 = arith.constant 0 : i32
      %dma_start3A_399 = tpu.memref_slice %arg9[%dma_start3A_396, %dma_start3A_397, %dma_start3A_398] : memref<2x128x128xf32, #tpu.memory_space<vmem>> -> memref<1x128x128xf32, #tpu.memory_space<vmem>>
      %dma_start3A_400 = tpu.memref_squeeze %dma_start3A_399 : memref<1x128x128xf32, #tpu.memory_space<vmem>> -> memref<128x128xf32, #tpu.memory_space<vmem>>
      %dma_start3A_401 = arith.constant 0 : i32
      %dma_start3A_402 = tpu.memref_slice %arg8[%add3A_395, %dma_start3A_401] : memref<40x128xi32, #tpu.memory_space<vmem>> -> memref<1x128xi32, #tpu.memory_space<vmem>>
      %dma_start3A_403 = tpu.memref_squeeze %dma_start3A_402 : memref<1x128xi32, #tpu.memory_space<vmem>> -> memref<128xi32, #tpu.memory_space<vmem>>
      %dma_start3A_404 = arith.constant 0 : i32
      %dma_start3A_405 = arith.constant 0 : i32
      %dma_start3A_406 = tpu.memref_slice %arg10[%dma_start3A_404, %dma_start3A_405] : memref<10240x128xf32, #tpu.memory_space<vmem_shared>> -> memref<10240x128xf32, #tpu.memory_space<vmem_shared>>
      tpu.enqueue_indirect_dma source(%dma_start3A_400 : memref<128x128xf32, #tpu.memory_space<vmem>>) target(%dma_start3A_406 : memref<10240x128xf32, #tpu.memory_space<vmem_shared>>) offsets(%dma_start3A_403 : memref<128xi32, #tpu.memory_space<vmem>>) semaphore(%arg13 : memref<!tpu.dma_semaphore, #tpu.memory_space<semaphore_mem>>) {add = true}
      %dma_wait3A_407 = arith.constant 1 : i32
      %dma_wait3A_408 = arith.constant 0 : i32
      %dma_wait3A_409 = arith.constant 0 : i32
      %dma_wait3A_410 = tpu.memref_slice %arg9[%dma_wait3A_407, %dma_wait3A_408, %dma_wait3A_409] : memref<2x128x128xf32, #tpu.memory_space<vmem>> -> memref<1x128x128xf32, #tpu.memory_space<vmem>>
      %dma_wait3A_411 = tpu.memref_squeeze %dma_wait3A_410 : memref<1x128x128xf32, #tpu.memory_space<vmem>> -> memref<128x128xf32, #tpu.memory_space<vmem>>
      %dma_wait3A_412 = arith.constant 0 : i32
      %dma_wait3A_413 = tpu.memref_slice %arg7[%add3A_369, %dma_wait3A_412] : memref<40x128xi32, #tpu.memory_space<vmem>> -> memref<1x128xi32, #tpu.memory_space<vmem>>
      %dma_wait3A_414 = tpu.memref_squeeze %dma_wait3A_413 : memref<1x128xi32, #tpu.memory_space<vmem>> -> memref<128xi32, #tpu.memory_space<vmem>>
      %dma_wait3A_415 = arith.constant 0 : i32
      %dma_wait3A_416 = arith.constant 0 : i32
      %dma_wait3A_417 = tpu.memref_slice %arg4[%dma_wait3A_415, %dma_wait3A_416] : memref<10240x128xf32, #tpu.memory_space<hbm>> -> memref<10240x128xf32, #tpu.memory_space<hbm>>
      tpu.wait_indirect_dma semaphore(%arg12 : memref<!tpu.dma_semaphore, #tpu.memory_space<semaphore_mem>>) src(%dma_wait3A_417 : memref<10240x128xf32, #tpu.memory_space<hbm>>) dst(%dma_wait3A_411 : memref<128x128xf32, #tpu.memory_space<vmem>>)
      %mul3A_418 = arith.constant 8 : i32
      %mul3A_419 = arith.muli %mul3A_418, %scan3A_28 : i32
      %add3A_420 = arith.constant 7 : i32
      %add3A_421 = arith.addi %mul3A_419, %add3A_420 : i32
      %dma_start3A_422 = arith.constant 1 : i32
      %dma_start3A_423 = arith.constant 0 : i32
      %dma_start3A_424 = arith.constant 0 : i32
      %dma_start3A_425 = tpu.memref_slice %arg9[%dma_start3A_422, %dma_start3A_423, %dma_start3A_424] : memref<2x128x128xf32, #tpu.memory_space<vmem>> -> memref<1x128x128xf32, #tpu.memory_space<vmem>>
      %dma_start3A_426 = tpu.memref_squeeze %dma_start3A_425 : memref<1x128x128xf32, #tpu.memory_space<vmem>> -> memref<128x128xf32, #tpu.memory_space<vmem>>
      %dma_start3A_427 = arith.constant 0 : i32
      %dma_start3A_428 = tpu.memref_slice %arg8[%add3A_421, %dma_start3A_427] : memref<40x128xi32, #tpu.memory_space<vmem>> -> memref<1x128xi32, #tpu.memory_space<vmem>>
      %dma_start3A_429 = tpu.memref_squeeze %dma_start3A_428 : memref<1x128xi32, #tpu.memory_space<vmem>> -> memref<128xi32, #tpu.memory_space<vmem>>
      %dma_start3A_430 = arith.constant 0 : i32
      %dma_start3A_431 = arith.constant 0 : i32
      %dma_start3A_432 = tpu.memref_slice %arg10[%dma_start3A_430, %dma_start3A_431] : memref<10240x128xf32, #tpu.memory_space<vmem_shared>> -> memref<10240x128xf32, #tpu.memory_space<vmem_shared>>
      tpu.enqueue_indirect_dma source(%dma_start3A_426 : memref<128x128xf32, #tpu.memory_space<vmem>>) target(%dma_start3A_432 : memref<10240x128xf32, #tpu.memory_space<vmem_shared>>) offsets(%dma_start3A_429 : memref<128xi32, #tpu.memory_space<vmem>>) semaphore(%arg14 : memref<!tpu.dma_semaphore, #tpu.memory_space<semaphore_mem>>) {add = true}
      %dma_wait3A_433 = arith.constant 0 : i32
      %dma_wait3A_434 = arith.constant 0 : i32
      %dma_wait3A_435 = arith.constant 0 : i32
      %dma_wait3A_436 = tpu.memref_slice %arg9[%dma_wait3A_433, %dma_wait3A_434, %dma_wait3A_435] : memref<2x128x128xf32, #tpu.memory_space<vmem>> -> memref<1x128x128xf32, #tpu.memory_space<vmem>>
      %dma_wait3A_437 = tpu.memref_squeeze %dma_wait3A_436 : memref<1x128x128xf32, #tpu.memory_space<vmem>> -> memref<128x128xf32, #tpu.memory_space<vmem>>
      %dma_wait3A_438 = arith.constant 0 : i32
      %dma_wait3A_439 = tpu.memref_slice %arg8[%add3A_395, %dma_wait3A_438] : memref<40x128xi32, #tpu.memory_space<vmem>> -> memref<1x128xi32, #tpu.memory_space<vmem>>
      %dma_wait3A_440 = tpu.memref_squeeze %dma_wait3A_439 : memref<1x128xi32, #tpu.memory_space<vmem>> -> memref<128xi32, #tpu.memory_space<vmem>>
      %dma_wait3A_441 = arith.constant 0 : i32
      %dma_wait3A_442 = arith.constant 0 : i32
      %dma_wait3A_443 = tpu.memref_slice %arg10[%dma_wait3A_441, %dma_wait3A_442] : memref<10240x128xf32, #tpu.memory_space<vmem_shared>> -> memref<10240x128xf32, #tpu.memory_space<vmem_shared>>
      tpu.wait_indirect_dma semaphore(%arg13 : memref<!tpu.dma_semaphore, #tpu.memory_space<semaphore_mem>>) src(%dma_wait3A_437 : memref<128x128xf32, #tpu.memory_space<vmem>>) dst(%dma_wait3A_443 : memref<10240x128xf32, #tpu.memory_space<vmem_shared>>)
      %dma_wait3A_444 = arith.constant 1 : i32
      %dma_wait3A_445 = arith.constant 0 : i32
      %dma_wait3A_446 = arith.constant 0 : i32
      %dma_wait3A_447 = tpu.memref_slice %arg9[%dma_wait3A_444, %dma_wait3A_445, %dma_wait3A_446] : memref<2x128x128xf32, #tpu.memory_space<vmem>> -> memref<1x128x128xf32, #tpu.memory_space<vmem>>
      %dma_wait3A_448 = tpu.memref_squeeze %dma_wait3A_447 : memref<1x128x128xf32, #tpu.memory_space<vmem>> -> memref<128x128xf32, #tpu.memory_space<vmem>>
      %dma_wait3A_449 = arith.constant 0 : i32
      %dma_wait3A_450 = tpu.memref_slice %arg8[%add3A_421, %dma_wait3A_449] : memref<40x128xi32, #tpu.memory_space<vmem>> -> memref<1x128xi32, #tpu.memory_space<vmem>>
      %dma_wait3A_451 = tpu.memref_squeeze %dma_wait3A_450 : memref<1x128xi32, #tpu.memory_space<vmem>> -> memref<128xi32, #tpu.memory_space<vmem>>
      %dma_wait3A_452 = arith.constant 0 : i32
      %dma_wait3A_453 = arith.constant 0 : i32
      %dma_wait3A_454 = tpu.memref_slice %arg10[%dma_wait3A_452, %dma_wait3A_453] : memref<10240x128xf32, #tpu.memory_space<vmem_shared>> -> memref<10240x128xf32, #tpu.memory_space<vmem_shared>>
      tpu.wait_indirect_dma semaphore(%arg14 : memref<!tpu.dma_semaphore, #tpu.memory_space<semaphore_mem>>) src(%dma_wait3A_448 : memref<128x128xf32, #tpu.memory_space<vmem>>) dst(%dma_wait3A_454 : memref<10240x128xf32, #tpu.memory_space<vmem_shared>>)
    }
    %scan3A_11 = arith.constant 5 : i32
    %barrier3A_12 = arith.constant 0 : index
    tpu.barrier barrier_id(%barrier3A_12)
    %mul3A_13 = arith.constant 80 : i32
    %mul3A_14 = arith.muli %add3A, %mul3A_13 : i32
    %add3A_15 = arith.constant 40 : i32
    %add3A_16 = arith.addi %mul3A_14, %add3A_15 : i32
    "tpu.region"() ({
      %run_scoped3A = tpu.sem_alloc : memref<!tpu.dma_semaphore, #tpu.memory_space<semaphore_mem>>
      %dma_start3A = arith.constant 0 : i32
      %dma_start3A_28 = tpu.memref_slice %arg2[%add3A_16, %dma_start3A] : memref<2560x128xi32, #tpu.memory_space<hbm>> -> memref<40x128xi32, #tpu.memory_space<hbm>>
      %dma_start3A_29 = arith.constant 0 : i32
      %dma_start3A_30 = tpu.memref_slice %arg2[%add3A_16, %dma_start3A_29] : memref<2560x128xi32, #tpu.memory_space<hbm>> -> memref<40x128xi32, #tpu.memory_space<hbm>>
      tpu.enqueue_dma source(%dma_start3A_30 : memref<40x128xi32, #tpu.memory_space<hbm>>) target(%arg7 : memref<40x128xi32, #tpu.memory_space<vmem>>) target_semaphore(%run_scoped3A : memref<!tpu.dma_semaphore, #tpu.memory_space<semaphore_mem>>)
      %dma_wait3A = arith.constant 0 : i32
      %dma_wait3A_31 = tpu.memref_slice %arg2[%add3A_16, %dma_wait3A] : memref<2560x128xi32, #tpu.memory_space<hbm>> -> memref<40x128xi32, #tpu.memory_space<hbm>>
      %dma_wait3A_32 = arith.constant 0 : i32
      %dma_wait3A_33 = tpu.memref_slice %arg2[%add3A_16, %dma_wait3A_32] : memref<2560x128xi32, #tpu.memory_space<hbm>> -> memref<40x128xi32, #tpu.memory_space<hbm>>
      tpu.wait_dma2 semaphore(%run_scoped3A : memref<!tpu.dma_semaphore, #tpu.memory_space<semaphore_mem>>) src(%dma_wait3A_33 : memref<40x128xi32, #tpu.memory_space<hbm>>) dst(%arg7 : memref<40x128xi32, #tpu.memory_space<vmem>>)
      tpu.yield
    }) : () -> ()
    %mul3A_17 = arith.constant 80 : i32
    %mul3A_18 = arith.muli %add3A, %mul3A_17 : i32
    %add3A_19 = arith.constant 40 : i32
    %add3A_20 = arith.addi %mul3A_18, %add3A_19 : i32
    "tpu.region"() ({
      %run_scoped3A = tpu.sem_alloc : memref<!tpu.dma_semaphore, #tpu.memory_space<semaphore_mem>>
      %dma_start3A = arith.constant 0 : i32
      %dma_start3A_28 = tpu.memref_slice %arg3[%add3A_20, %dma_start3A] : memref<2560x128xi32, #tpu.memory_space<hbm>> -> memref<40x128xi32, #tpu.memory_space<hbm>>
      %dma_start3A_29 = arith.constant 0 : i32
      %dma_start3A_30 = tpu.memref_slice %arg3[%add3A_20, %dma_start3A_29] : memref<2560x128xi32, #tpu.memory_space<hbm>> -> memref<40x128xi32, #tpu.memory_space<hbm>>
      tpu.enqueue_dma source(%dma_start3A_30 : memref<40x128xi32, #tpu.memory_space<hbm>>) target(%arg8 : memref<40x128xi32, #tpu.memory_space<vmem>>) target_semaphore(%run_scoped3A : memref<!tpu.dma_semaphore, #tpu.memory_space<semaphore_mem>>)
      %dma_wait3A = arith.constant 0 : i32
      %dma_wait3A_31 = tpu.memref_slice %arg3[%add3A_20, %dma_wait3A] : memref<2560x128xi32, #tpu.memory_space<hbm>> -> memref<40x128xi32, #tpu.memory_space<hbm>>
      %dma_wait3A_32 = arith.constant 0 : i32
      %dma_wait3A_33 = tpu.memref_slice %arg3[%add3A_20, %dma_wait3A_32] : memref<2560x128xi32, #tpu.memory_space<hbm>> -> memref<40x128xi32, #tpu.memory_space<hbm>>
      tpu.wait_dma2 semaphore(%run_scoped3A : memref<!tpu.dma_semaphore, #tpu.memory_space<semaphore_mem>>) src(%dma_wait3A_33 : memref<40x128xi32, #tpu.memory_space<hbm>>) dst(%arg8 : memref<40x128xi32, #tpu.memory_space<vmem>>)
      tpu.yield
    }) : () -> ()
    %barrier3A_21 = arith.constant 0 : index
    tpu.barrier barrier_id(%barrier3A_21)
    %scan3A_22 = arith.constant 0 : i32
    %scan3A_23 = arith.constant 5 : i32
    %scan3A_24 = arith.addi %scan3A_22, %scan3A_23 : i32
    %scan3A_25 = arith.constant 1 : i32
    scf.for %scan3A_28 = %scan3A_22 to %scan3A_24 step %scan3A_25  : i32 {
      %mul3A_29 = arith.constant 8 : i32
      %mul3A_30 = arith.muli %mul3A_29, %scan3A_28 : i32
      %add3A_31 = arith.constant 0 : i32
      %add3A_32 = arith.addi %mul3A_30, %add3A_31 : i32
      %dma_start3A = arith.constant 0 : i32
      %dma_start3A_33 = arith.constant 0 : i32
      %dma_start3A_34 = arith.constant 0 : i32
      %dma_start3A_35 = tpu.memref_slice %arg9[%dma_start3A, %dma_start3A_33, %dma_start3A_34] : memref<2x128x128xf32, #tpu.memory_space<vmem>> -> memref<1x128x128xf32, #tpu.memory_space<vmem>>
      %dma_start3A_36 = tpu.memref_squeeze %dma_start3A_35 : memref<1x128x128xf32, #tpu.memory_space<vmem>> -> memref<128x128xf32, #tpu.memory_space<vmem>>
      %dma_start3A_37 = arith.constant 0 : i32
      %dma_start3A_38 = tpu.memref_slice %arg7[%add3A_32, %dma_start3A_37] : memref<40x128xi32, #tpu.memory_space<vmem>> -> memref<1x128xi32, #tpu.memory_space<vmem>>
      %dma_start3A_39 = tpu.memref_squeeze %dma_start3A_38 : memref<1x128xi32, #tpu.memory_space<vmem>> -> memref<128xi32, #tpu.memory_space<vmem>>
      %dma_start3A_40 = arith.constant 0 : i32
      %dma_start3A_41 = arith.constant 0 : i32
      %dma_start3A_42 = tpu.memref_slice %arg4[%dma_start3A_40, %dma_start3A_41] : memref<10240x128xf32, #tpu.memory_space<hbm>> -> memref<10240x128xf32, #tpu.memory_space<hbm>>
      tpu.enqueue_indirect_dma source(%dma_start3A_42 : memref<10240x128xf32, #tpu.memory_space<hbm>>) target(%dma_start3A_36 : memref<128x128xf32, #tpu.memory_space<vmem>>) offsets(%dma_start3A_39 : memref<128xi32, #tpu.memory_space<vmem>>) semaphore(%arg11 : memref<!tpu.dma_semaphore, #tpu.memory_space<semaphore_mem>>)
      %mul3A_43 = arith.constant 8 : i32
      %mul3A_44 = arith.muli %mul3A_43, %scan3A_28 : i32
      %add3A_45 = arith.constant 1 : i32
      %add3A_46 = arith.addi %mul3A_44, %add3A_45 : i32
      %dma_start3A_47 = arith.constant 1 : i32
      %dma_start3A_48 = arith.constant 0 : i32
      %dma_start3A_49 = arith.constant 0 : i32
      %dma_start3A_50 = tpu.memref_slice %arg9[%dma_start3A_47, %dma_start3A_48, %dma_start3A_49] : memref<2x128x128xf32, #tpu.memory_space<vmem>> -> memref<1x128x128xf32, #tpu.memory_space<vmem>>
      %dma_start3A_51 = tpu.memref_squeeze %dma_start3A_50 : memref<1x128x128xf32, #tpu.memory_space<vmem>> -> memref<128x128xf32, #tpu.memory_space<vmem>>
      %dma_start3A_52 = arith.constant 0 : i32
      %dma_start3A_53 = tpu.memref_slice %arg7[%add3A_46, %dma_start3A_52] : memref<40x128xi32, #tpu.memory_space<vmem>> -> memref<1x128xi32, #tpu.memory_space<vmem>>
      %dma_start3A_54 = tpu.memref_squeeze %dma_start3A_53 : memref<1x128xi32, #tpu.memory_space<vmem>> -> memref<128xi32, #tpu.memory_space<vmem>>
      %dma_start3A_55 = arith.constant 0 : i32
      %dma_start3A_56 = arith.constant 0 : i32
      %dma_start3A_57 = tpu.memref_slice %arg4[%dma_start3A_55, %dma_start3A_56] : memref<10240x128xf32, #tpu.memory_space<hbm>> -> memref<10240x128xf32, #tpu.memory_space<hbm>>
      tpu.enqueue_indirect_dma source(%dma_start3A_57 : memref<10240x128xf32, #tpu.memory_space<hbm>>) target(%dma_start3A_51 : memref<128x128xf32, #tpu.memory_space<vmem>>) offsets(%dma_start3A_54 : memref<128xi32, #tpu.memory_space<vmem>>) semaphore(%arg12 : memref<!tpu.dma_semaphore, #tpu.memory_space<semaphore_mem>>)
      %dma_wait3A = arith.constant 0 : i32
      %dma_wait3A_58 = arith.constant 0 : i32
      %dma_wait3A_59 = arith.constant 0 : i32
      %dma_wait3A_60 = tpu.memref_slice %arg9[%dma_wait3A, %dma_wait3A_58, %dma_wait3A_59] : memref<2x128x128xf32, #tpu.memory_space<vmem>> -> memref<1x128x128xf32, #tpu.memory_space<vmem>>
      %dma_wait3A_61 = tpu.memref_squeeze %dma_wait3A_60 : memref<1x128x128xf32, #tpu.memory_space<vmem>> -> memref<128x128xf32, #tpu.memory_space<vmem>>
      %dma_wait3A_62 = arith.constant 0 : i32
      %dma_wait3A_63 = tpu.memref_slice %arg7[%add3A_32, %dma_wait3A_62] : memref<40x128xi32, #tpu.memory_space<vmem>> -> memref<1x128xi32, #tpu.memory_space<vmem>>
      %dma_wait3A_64 = tpu.memref_squeeze %dma_wait3A_63 : memref<1x128xi32, #tpu.memory_space<vmem>> -> memref<128xi32, #tpu.memory_space<vmem>>
      %dma_wait3A_65 = arith.constant 0 : i32
      %dma_wait3A_66 = arith.constant 0 : i32
      %dma_wait3A_67 = tpu.memref_slice %arg4[%dma_wait3A_65, %dma_wait3A_66] : memref<10240x128xf32, #tpu.memory_space<hbm>> -> memref<10240x128xf32, #tpu.memory_space<hbm>>
      tpu.wait_indirect_dma semaphore(%arg11 : memref<!tpu.dma_semaphore, #tpu.memory_space<semaphore_mem>>) src(%dma_wait3A_67 : memref<10240x128xf32, #tpu.memory_space<hbm>>) dst(%dma_wait3A_61 : memref<128x128xf32, #tpu.memory_space<vmem>>)
      %mul3A_68 = arith.constant 8 : i32
      %mul3A_69 = arith.muli %mul3A_68, %scan3A_28 : i32
      %add3A_70 = arith.constant 0 : i32
      %add3A_71 = arith.addi %mul3A_69, %add3A_70 : i32
      %dma_start3A_72 = arith.constant 0 : i32
      %dma_start3A_73 = arith.constant 0 : i32
      %dma_start3A_74 = arith.constant 0 : i32
      %dma_start3A_75 = tpu.memref_slice %arg9[%dma_start3A_72, %dma_start3A_73, %dma_start3A_74] : memref<2x128x128xf32, #tpu.memory_space<vmem>> -> memref<1x128x128xf32, #tpu.memory_space<vmem>>
      %dma_start3A_76 = tpu.memref_squeeze %dma_start3A_75 : memref<1x128x128xf32, #tpu.memory_space<vmem>> -> memref<128x128xf32, #tpu.memory_space<vmem>>
      %dma_start3A_77 = arith.constant 0 : i32
      %dma_start3A_78 = tpu.memref_slice %arg8[%add3A_71, %dma_start3A_77] : memref<40x128xi32, #tpu.memory_space<vmem>> -> memref<1x128xi32, #tpu.memory_space<vmem>>
      %dma_start3A_79 = tpu.memref_squeeze %dma_start3A_78 : memref<1x128xi32, #tpu.memory_space<vmem>> -> memref<128xi32, #tpu.memory_space<vmem>>
      %dma_start3A_80 = arith.constant 0 : i32
      %dma_start3A_81 = arith.constant 0 : i32
      %dma_start3A_82 = tpu.memref_slice %arg10[%dma_start3A_80, %dma_start3A_81] : memref<10240x128xf32, #tpu.memory_space<vmem_shared>> -> memref<10240x128xf32, #tpu.memory_space<vmem_shared>>
      tpu.enqueue_indirect_dma source(%dma_start3A_76 : memref<128x128xf32, #tpu.memory_space<vmem>>) target(%dma_start3A_82 : memref<10240x128xf32, #tpu.memory_space<vmem_shared>>) offsets(%dma_start3A_79 : memref<128xi32, #tpu.memory_space<vmem>>) semaphore(%arg13 : memref<!tpu.dma_semaphore, #tpu.memory_space<semaphore_mem>>) {add = true}
      %dma_wait3A_83 = arith.constant 0 : i32
      %dma_wait3A_84 = arith.constant 0 : i32
      %dma_wait3A_85 = arith.constant 0 : i32
      %dma_wait3A_86 = tpu.memref_slice %arg9[%dma_wait3A_83, %dma_wait3A_84, %dma_wait3A_85] : memref<2x128x128xf32, #tpu.memory_space<vmem>> -> memref<1x128x128xf32, #tpu.memory_space<vmem>>
      %dma_wait3A_87 = tpu.memref_squeeze %dma_wait3A_86 : memref<1x128x128xf32, #tpu.memory_space<vmem>> -> memref<128x128xf32, #tpu.memory_space<vmem>>
      %dma_wait3A_88 = arith.constant 0 : i32
      %dma_wait3A_89 = tpu.memref_slice %arg8[%add3A_71, %dma_wait3A_88] : memref<40x128xi32, #tpu.memory_space<vmem>> -> memref<1x128xi32, #tpu.memory_space<vmem>>
      %dma_wait3A_90 = tpu.memref_squeeze %dma_wait3A_89 : memref<1x128xi32, #tpu.memory_space<vmem>> -> memref<128xi32, #tpu.memory_space<vmem>>
      %dma_wait3A_91 = arith.constant 0 : i32
      %dma_wait3A_92 = arith.constant 0 : i32
      %dma_wait3A_93 = tpu.memref_slice %arg10[%dma_wait3A_91, %dma_wait3A_92] : memref<10240x128xf32, #tpu.memory_space<vmem_shared>> -> memref<10240x128xf32, #tpu.memory_space<vmem_shared>>
      tpu.wait_indirect_dma semaphore(%arg13 : memref<!tpu.dma_semaphore, #tpu.memory_space<semaphore_mem>>) src(%dma_wait3A_87 : memref<128x128xf32, #tpu.memory_space<vmem>>) dst(%dma_wait3A_93 : memref<10240x128xf32, #tpu.memory_space<vmem_shared>>)
      %mul3A_94 = arith.constant 8 : i32
      %mul3A_95 = arith.muli %mul3A_94, %scan3A_28 : i32
      %add3A_96 = arith.constant 0 : i32
      %add3A_97 = arith.addi %mul3A_95, %add3A_96 : i32
      %add3A_98 = arith.constant 2 : i32
      %add3A_99 = arith.addi %add3A_97, %add3A_98 : i32
      %dma_start3A_100 = arith.constant 0 : i32
      %dma_start3A_101 = arith.constant 0 : i32
      %dma_start3A_102 = arith.constant 0 : i32
      %dma_start3A_103 = tpu.memref_slice %arg9[%dma_start3A_100, %dma_start3A_101, %dma_start3A_102] : memref<2x128x128xf32, #tpu.memory_space<vmem>> -> memref<1x128x128xf32, #tpu.memory_space<vmem>>
      %dma_start3A_104 = tpu.memref_squeeze %dma_start3A_103 : memref<1x128x128xf32, #tpu.memory_space<vmem>> -> memref<128x128xf32, #tpu.memory_space<vmem>>
      %dma_start3A_105 = arith.constant 0 : i32
      %dma_start3A_106 = tpu.memref_slice %arg7[%add3A_99, %dma_start3A_105] : memref<40x128xi32, #tpu.memory_space<vmem>> -> memref<1x128xi32, #tpu.memory_space<vmem>>
      %dma_start3A_107 = tpu.memref_squeeze %dma_start3A_106 : memref<1x128xi32, #tpu.memory_space<vmem>> -> memref<128xi32, #tpu.memory_space<vmem>>
      %dma_start3A_108 = arith.constant 0 : i32
      %dma_start3A_109 = arith.constant 0 : i32
      %dma_start3A_110 = tpu.memref_slice %arg4[%dma_start3A_108, %dma_start3A_109] : memref<10240x128xf32, #tpu.memory_space<hbm>> -> memref<10240x128xf32, #tpu.memory_space<hbm>>
      tpu.enqueue_indirect_dma source(%dma_start3A_110 : memref<10240x128xf32, #tpu.memory_space<hbm>>) target(%dma_start3A_104 : memref<128x128xf32, #tpu.memory_space<vmem>>) offsets(%dma_start3A_107 : memref<128xi32, #tpu.memory_space<vmem>>) semaphore(%arg11 : memref<!tpu.dma_semaphore, #tpu.memory_space<semaphore_mem>>)
      %dma_wait3A_111 = arith.constant 1 : i32
      %dma_wait3A_112 = arith.constant 0 : i32
      %dma_wait3A_113 = arith.constant 0 : i32
      %dma_wait3A_114 = tpu.memref_slice %arg9[%dma_wait3A_111, %dma_wait3A_112, %dma_wait3A_113] : memref<2x128x128xf32, #tpu.memory_space<vmem>> -> memref<1x128x128xf32, #tpu.memory_space<vmem>>
      %dma_wait3A_115 = tpu.memref_squeeze %dma_wait3A_114 : memref<1x128x128xf32, #tpu.memory_space<vmem>> -> memref<128x128xf32, #tpu.memory_space<vmem>>
      %dma_wait3A_116 = arith.constant 0 : i32
      %dma_wait3A_117 = tpu.memref_slice %arg7[%add3A_46, %dma_wait3A_116] : memref<40x128xi32, #tpu.memory_space<vmem>> -> memref<1x128xi32, #tpu.memory_space<vmem>>
      %dma_wait3A_118 = tpu.memref_squeeze %dma_wait3A_117 : memref<1x128xi32, #tpu.memory_space<vmem>> -> memref<128xi32, #tpu.memory_space<vmem>>
      %dma_wait3A_119 = arith.constant 0 : i32
      %dma_wait3A_120 = arith.constant 0 : i32
      %dma_wait3A_121 = tpu.memref_slice %arg4[%dma_wait3A_119, %dma_wait3A_120] : memref<10240x128xf32, #tpu.memory_space<hbm>> -> memref<10240x128xf32, #tpu.memory_space<hbm>>
      tpu.wait_indirect_dma semaphore(%arg12 : memref<!tpu.dma_semaphore, #tpu.memory_space<semaphore_mem>>) src(%dma_wait3A_121 : memref<10240x128xf32, #tpu.memory_space<hbm>>) dst(%dma_wait3A_115 : memref<128x128xf32, #tpu.memory_space<vmem>>)
      %mul3A_122 = arith.constant 8 : i32
      %mul3A_123 = arith.muli %mul3A_122, %scan3A_28 : i32
      %add3A_124 = arith.constant 1 : i32
      %add3A_125 = arith.addi %mul3A_123, %add3A_124 : i32
      %dma_start3A_126 = arith.constant 1 : i32
      %dma_start3A_127 = arith.constant 0 : i32
      %dma_start3A_128 = arith.constant 0 : i32
      %dma_start3A_129 = tpu.memref_slice %arg9[%dma_start3A_126, %dma_start3A_127, %dma_start3A_128] : memref<2x128x128xf32, #tpu.memory_space<vmem>> -> memref<1x128x128xf32, #tpu.memory_space<vmem>>
      %dma_start3A_130 = tpu.memref_squeeze %dma_start3A_129 : memref<1x128x128xf32, #tpu.memory_space<vmem>> -> memref<128x128xf32, #tpu.memory_space<vmem>>
      %dma_start3A_131 = arith.constant 0 : i32
      %dma_start3A_132 = tpu.memref_slice %arg8[%add3A_125, %dma_start3A_131] : memref<40x128xi32, #tpu.memory_space<vmem>> -> memref<1x128xi32, #tpu.memory_space<vmem>>
      %dma_start3A_133 = tpu.memref_squeeze %dma_start3A_132 : memref<1x128xi32, #tpu.memory_space<vmem>> -> memref<128xi32, #tpu.memory_space<vmem>>
      %dma_start3A_134 = arith.constant 0 : i32
      %dma_start3A_135 = arith.constant 0 : i32
      %dma_start3A_136 = tpu.memref_slice %arg10[%dma_start3A_134, %dma_start3A_135] : memref<10240x128xf32, #tpu.memory_space<vmem_shared>> -> memref<10240x128xf32, #tpu.memory_space<vmem_shared>>
      tpu.enqueue_indirect_dma source(%dma_start3A_130 : memref<128x128xf32, #tpu.memory_space<vmem>>) target(%dma_start3A_136 : memref<10240x128xf32, #tpu.memory_space<vmem_shared>>) offsets(%dma_start3A_133 : memref<128xi32, #tpu.memory_space<vmem>>) semaphore(%arg14 : memref<!tpu.dma_semaphore, #tpu.memory_space<semaphore_mem>>) {add = true}
      %dma_wait3A_137 = arith.constant 1 : i32
      %dma_wait3A_138 = arith.constant 0 : i32
      %dma_wait3A_139 = arith.constant 0 : i32
      %dma_wait3A_140 = tpu.memref_slice %arg9[%dma_wait3A_137, %dma_wait3A_138, %dma_wait3A_139] : memref<2x128x128xf32, #tpu.memory_space<vmem>> -> memref<1x128x128xf32, #tpu.memory_space<vmem>>
      %dma_wait3A_141 = tpu.memref_squeeze %dma_wait3A_140 : memref<1x128x128xf32, #tpu.memory_space<vmem>> -> memref<128x128xf32, #tpu.memory_space<vmem>>
      %dma_wait3A_142 = arith.constant 0 : i32
      %dma_wait3A_143 = tpu.memref_slice %arg8[%add3A_125, %dma_wait3A_142] : memref<40x128xi32, #tpu.memory_space<vmem>> -> memref<1x128xi32, #tpu.memory_space<vmem>>
      %dma_wait3A_144 = tpu.memref_squeeze %dma_wait3A_143 : memref<1x128xi32, #tpu.memory_space<vmem>> -> memref<128xi32, #tpu.memory_space<vmem>>
      %dma_wait3A_145 = arith.constant 0 : i32
      %dma_wait3A_146 = arith.constant 0 : i32
      %dma_wait3A_147 = tpu.memref_slice %arg10[%dma_wait3A_145, %dma_wait3A_146] : memref<10240x128xf32, #tpu.memory_space<vmem_shared>> -> memref<10240x128xf32, #tpu.memory_space<vmem_shared>>
      tpu.wait_indirect_dma semaphore(%arg14 : memref<!tpu.dma_semaphore, #tpu.memory_space<semaphore_mem>>) src(%dma_wait3A_141 : memref<128x128xf32, #tpu.memory_space<vmem>>) dst(%dma_wait3A_147 : memref<10240x128xf32, #tpu.memory_space<vmem_shared>>)
      %mul3A_148 = arith.constant 8 : i32
      %mul3A_149 = arith.muli %mul3A_148, %scan3A_28 : i32
      %add3A_150 = arith.constant 1 : i32
      %add3A_151 = arith.addi %mul3A_149, %add3A_150 : i32
      %add3A_152 = arith.constant 2 : i32
      %add3A_153 = arith.addi %add3A_151, %add3A_152 : i32
      %dma_start3A_154 = arith.constant 1 : i32
      %dma_start3A_155 = arith.constant 0 : i32
      %dma_start3A_156 = arith.constant 0 : i32
      %dma_start3A_157 = tpu.memref_slice %arg9[%dma_start3A_154, %dma_start3A_155, %dma_start3A_156] : memref<2x128x128xf32, #tpu.memory_space<vmem>> -> memref<1x128x128xf32, #tpu.memory_space<vmem>>
      %dma_start3A_158 = tpu.memref_squeeze %dma_start3A_157 : memref<1x128x128xf32, #tpu.memory_space<vmem>> -> memref<128x128xf32, #tpu.memory_space<vmem>>
      %dma_start3A_159 = arith.constant 0 : i32
      %dma_start3A_160 = tpu.memref_slice %arg7[%add3A_153, %dma_start3A_159] : memref<40x128xi32, #tpu.memory_space<vmem>> -> memref<1x128xi32, #tpu.memory_space<vmem>>
      %dma_start3A_161 = tpu.memref_squeeze %dma_start3A_160 : memref<1x128xi32, #tpu.memory_space<vmem>> -> memref<128xi32, #tpu.memory_space<vmem>>
      %dma_start3A_162 = arith.constant 0 : i32
      %dma_start3A_163 = arith.constant 0 : i32
      %dma_start3A_164 = tpu.memref_slice %arg4[%dma_start3A_162, %dma_start3A_163] : memref<10240x128xf32, #tpu.memory_space<hbm>> -> memref<10240x128xf32, #tpu.memory_space<hbm>>
      tpu.enqueue_indirect_dma source(%dma_start3A_164 : memref<10240x128xf32, #tpu.memory_space<hbm>>) target(%dma_start3A_158 : memref<128x128xf32, #tpu.memory_space<vmem>>) offsets(%dma_start3A_161 : memref<128xi32, #tpu.memory_space<vmem>>) semaphore(%arg12 : memref<!tpu.dma_semaphore, #tpu.memory_space<semaphore_mem>>)
      %dma_wait3A_165 = arith.constant 0 : i32
      %dma_wait3A_166 = arith.constant 0 : i32
      %dma_wait3A_167 = arith.constant 0 : i32
      %dma_wait3A_168 = tpu.memref_slice %arg9[%dma_wait3A_165, %dma_wait3A_166, %dma_wait3A_167] : memref<2x128x128xf32, #tpu.memory_space<vmem>> -> memref<1x128x128xf32, #tpu.memory_space<vmem>>
      %dma_wait3A_169 = tpu.memref_squeeze %dma_wait3A_168 : memref<1x128x128xf32, #tpu.memory_space<vmem>> -> memref<128x128xf32, #tpu.memory_space<vmem>>
      %dma_wait3A_170 = arith.constant 0 : i32
      %dma_wait3A_171 = tpu.memref_slice %arg7[%add3A_99, %dma_wait3A_170] : memref<40x128xi32, #tpu.memory_space<vmem>> -> memref<1x128xi32, #tpu.memory_space<vmem>>
      %dma_wait3A_172 = tpu.memref_squeeze %dma_wait3A_171 : memref<1x128xi32, #tpu.memory_space<vmem>> -> memref<128xi32, #tpu.memory_space<vmem>>
      %dma_wait3A_173 = arith.constant 0 : i32
      %dma_wait3A_174 = arith.constant 0 : i32
      %dma_wait3A_175 = tpu.memref_slice %arg4[%dma_wait3A_173, %dma_wait3A_174] : memref<10240x128xf32, #tpu.memory_space<hbm>> -> memref<10240x128xf32, #tpu.memory_space<hbm>>
      tpu.wait_indirect_dma semaphore(%arg11 : memref<!tpu.dma_semaphore, #tpu.memory_space<semaphore_mem>>) src(%dma_wait3A_175 : memref<10240x128xf32, #tpu.memory_space<hbm>>) dst(%dma_wait3A_169 : memref<128x128xf32, #tpu.memory_space<vmem>>)
      %mul3A_176 = arith.constant 8 : i32
      %mul3A_177 = arith.muli %mul3A_176, %scan3A_28 : i32
      %add3A_178 = arith.constant 2 : i32
      %add3A_179 = arith.addi %mul3A_177, %add3A_178 : i32
      %dma_start3A_180 = arith.constant 0 : i32
      %dma_start3A_181 = arith.constant 0 : i32
      %dma_start3A_182 = arith.constant 0 : i32
      %dma_start3A_183 = tpu.memref_slice %arg9[%dma_start3A_180, %dma_start3A_181, %dma_start3A_182] : memref<2x128x128xf32, #tpu.memory_space<vmem>> -> memref<1x128x128xf32, #tpu.memory_space<vmem>>
      %dma_start3A_184 = tpu.memref_squeeze %dma_start3A_183 : memref<1x128x128xf32, #tpu.memory_space<vmem>> -> memref<128x128xf32, #tpu.memory_space<vmem>>
      %dma_start3A_185 = arith.constant 0 : i32
      %dma_start3A_186 = tpu.memref_slice %arg8[%add3A_179, %dma_start3A_185] : memref<40x128xi32, #tpu.memory_space<vmem>> -> memref<1x128xi32, #tpu.memory_space<vmem>>
      %dma_start3A_187 = tpu.memref_squeeze %dma_start3A_186 : memref<1x128xi32, #tpu.memory_space<vmem>> -> memref<128xi32, #tpu.memory_space<vmem>>
      %dma_start3A_188 = arith.constant 0 : i32
      %dma_start3A_189 = arith.constant 0 : i32
      %dma_start3A_190 = tpu.memref_slice %arg10[%dma_start3A_188, %dma_start3A_189] : memref<10240x128xf32, #tpu.memory_space<vmem_shared>> -> memref<10240x128xf32, #tpu.memory_space<vmem_shared>>
      tpu.enqueue_indirect_dma source(%dma_start3A_184 : memref<128x128xf32, #tpu.memory_space<vmem>>) target(%dma_start3A_190 : memref<10240x128xf32, #tpu.memory_space<vmem_shared>>) offsets(%dma_start3A_187 : memref<128xi32, #tpu.memory_space<vmem>>) semaphore(%arg13 : memref<!tpu.dma_semaphore, #tpu.memory_space<semaphore_mem>>) {add = true}
      %dma_wait3A_191 = arith.constant 0 : i32
      %dma_wait3A_192 = arith.constant 0 : i32
      %dma_wait3A_193 = arith.constant 0 : i32
      %dma_wait3A_194 = tpu.memref_slice %arg9[%dma_wait3A_191, %dma_wait3A_192, %dma_wait3A_193] : memref<2x128x128xf32, #tpu.memory_space<vmem>> -> memref<1x128x128xf32, #tpu.memory_space<vmem>>
      %dma_wait3A_195 = tpu.memref_squeeze %dma_wait3A_194 : memref<1x128x128xf32, #tpu.memory_space<vmem>> -> memref<128x128xf32, #tpu.memory_space<vmem>>
      %dma_wait3A_196 = arith.constant 0 : i32
      %dma_wait3A_197 = tpu.memref_slice %arg8[%add3A_179, %dma_wait3A_196] : memref<40x128xi32, #tpu.memory_space<vmem>> -> memref<1x128xi32, #tpu.memory_space<vmem>>
      %dma_wait3A_198 = tpu.memref_squeeze %dma_wait3A_197 : memref<1x128xi32, #tpu.memory_space<vmem>> -> memref<128xi32, #tpu.memory_space<vmem>>
      %dma_wait3A_199 = arith.constant 0 : i32
      %dma_wait3A_200 = arith.constant 0 : i32
      %dma_wait3A_201 = tpu.memref_slice %arg10[%dma_wait3A_199, %dma_wait3A_200] : memref<10240x128xf32, #tpu.memory_space<vmem_shared>> -> memref<10240x128xf32, #tpu.memory_space<vmem_shared>>
      tpu.wait_indirect_dma semaphore(%arg13 : memref<!tpu.dma_semaphore, #tpu.memory_space<semaphore_mem>>) src(%dma_wait3A_195 : memref<128x128xf32, #tpu.memory_space<vmem>>) dst(%dma_wait3A_201 : memref<10240x128xf32, #tpu.memory_space<vmem_shared>>)
      %mul3A_202 = arith.constant 8 : i32
      %mul3A_203 = arith.muli %mul3A_202, %scan3A_28 : i32
      %add3A_204 = arith.constant 2 : i32
      %add3A_205 = arith.addi %mul3A_203, %add3A_204 : i32
      %add3A_206 = arith.constant 2 : i32
      %add3A_207 = arith.addi %add3A_205, %add3A_206 : i32
      %dma_start3A_208 = arith.constant 0 : i32
      %dma_start3A_209 = arith.constant 0 : i32
      %dma_start3A_210 = arith.constant 0 : i32
      %dma_start3A_211 = tpu.memref_slice %arg9[%dma_start3A_208, %dma_start3A_209, %dma_start3A_210] : memref<2x128x128xf32, #tpu.memory_space<vmem>> -> memref<1x128x128xf32, #tpu.memory_space<vmem>>
      %dma_start3A_212 = tpu.memref_squeeze %dma_start3A_211 : memref<1x128x128xf32, #tpu.memory_space<vmem>> -> memref<128x128xf32, #tpu.memory_space<vmem>>
      %dma_start3A_213 = arith.constant 0 : i32
      %dma_start3A_214 = tpu.memref_slice %arg7[%add3A_207, %dma_start3A_213] : memref<40x128xi32, #tpu.memory_space<vmem>> -> memref<1x128xi32, #tpu.memory_space<vmem>>
      %dma_start3A_215 = tpu.memref_squeeze %dma_start3A_214 : memref<1x128xi32, #tpu.memory_space<vmem>> -> memref<128xi32, #tpu.memory_space<vmem>>
      %dma_start3A_216 = arith.constant 0 : i32
      %dma_start3A_217 = arith.constant 0 : i32
      %dma_start3A_218 = tpu.memref_slice %arg4[%dma_start3A_216, %dma_start3A_217] : memref<10240x128xf32, #tpu.memory_space<hbm>> -> memref<10240x128xf32, #tpu.memory_space<hbm>>
      tpu.enqueue_indirect_dma source(%dma_start3A_218 : memref<10240x128xf32, #tpu.memory_space<hbm>>) target(%dma_start3A_212 : memref<128x128xf32, #tpu.memory_space<vmem>>) offsets(%dma_start3A_215 : memref<128xi32, #tpu.memory_space<vmem>>) semaphore(%arg11 : memref<!tpu.dma_semaphore, #tpu.memory_space<semaphore_mem>>)
      %dma_wait3A_219 = arith.constant 1 : i32
      %dma_wait3A_220 = arith.constant 0 : i32
      %dma_wait3A_221 = arith.constant 0 : i32
      %dma_wait3A_222 = tpu.memref_slice %arg9[%dma_wait3A_219, %dma_wait3A_220, %dma_wait3A_221] : memref<2x128x128xf32, #tpu.memory_space<vmem>> -> memref<1x128x128xf32, #tpu.memory_space<vmem>>
      %dma_wait3A_223 = tpu.memref_squeeze %dma_wait3A_222 : memref<1x128x128xf32, #tpu.memory_space<vmem>> -> memref<128x128xf32, #tpu.memory_space<vmem>>
      %dma_wait3A_224 = arith.constant 0 : i32
      %dma_wait3A_225 = tpu.memref_slice %arg7[%add3A_153, %dma_wait3A_224] : memref<40x128xi32, #tpu.memory_space<vmem>> -> memref<1x128xi32, #tpu.memory_space<vmem>>
      %dma_wait3A_226 = tpu.memref_squeeze %dma_wait3A_225 : memref<1x128xi32, #tpu.memory_space<vmem>> -> memref<128xi32, #tpu.memory_space<vmem>>
      %dma_wait3A_227 = arith.constant 0 : i32
      %dma_wait3A_228 = arith.constant 0 : i32
      %dma_wait3A_229 = tpu.memref_slice %arg4[%dma_wait3A_227, %dma_wait3A_228] : memref<10240x128xf32, #tpu.memory_space<hbm>> -> memref<10240x128xf32, #tpu.memory_space<hbm>>
      tpu.wait_indirect_dma semaphore(%arg12 : memref<!tpu.dma_semaphore, #tpu.memory_space<semaphore_mem>>) src(%dma_wait3A_229 : memref<10240x128xf32, #tpu.memory_space<hbm>>) dst(%dma_wait3A_223 : memref<128x128xf32, #tpu.memory_space<vmem>>)
      %mul3A_230 = arith.constant 8 : i32
      %mul3A_231 = arith.muli %mul3A_230, %scan3A_28 : i32
      %add3A_232 = arith.constant 3 : i32
      %add3A_233 = arith.addi %mul3A_231, %add3A_232 : i32
      %dma_start3A_234 = arith.constant 1 : i32
      %dma_start3A_235 = arith.constant 0 : i32
      %dma_start3A_236 = arith.constant 0 : i32
      %dma_start3A_237 = tpu.memref_slice %arg9[%dma_start3A_234, %dma_start3A_235, %dma_start3A_236] : memref<2x128x128xf32, #tpu.memory_space<vmem>> -> memref<1x128x128xf32, #tpu.memory_space<vmem>>
      %dma_start3A_238 = tpu.memref_squeeze %dma_start3A_237 : memref<1x128x128xf32, #tpu.memory_space<vmem>> -> memref<128x128xf32, #tpu.memory_space<vmem>>
      %dma_start3A_239 = arith.constant 0 : i32
      %dma_start3A_240 = tpu.memref_slice %arg8[%add3A_233, %dma_start3A_239] : memref<40x128xi32, #tpu.memory_space<vmem>> -> memref<1x128xi32, #tpu.memory_space<vmem>>
      %dma_start3A_241 = tpu.memref_squeeze %dma_start3A_240 : memref<1x128xi32, #tpu.memory_space<vmem>> -> memref<128xi32, #tpu.memory_space<vmem>>
      %dma_start3A_242 = arith.constant 0 : i32
      %dma_start3A_243 = arith.constant 0 : i32
      %dma_start3A_244 = tpu.memref_slice %arg10[%dma_start3A_242, %dma_start3A_243] : memref<10240x128xf32, #tpu.memory_space<vmem_shared>> -> memref<10240x128xf32, #tpu.memory_space<vmem_shared>>
      tpu.enqueue_indirect_dma source(%dma_start3A_238 : memref<128x128xf32, #tpu.memory_space<vmem>>) target(%dma_start3A_244 : memref<10240x128xf32, #tpu.memory_space<vmem_shared>>) offsets(%dma_start3A_241 : memref<128xi32, #tpu.memory_space<vmem>>) semaphore(%arg14 : memref<!tpu.dma_semaphore, #tpu.memory_space<semaphore_mem>>) {add = true}
      %dma_wait3A_245 = arith.constant 1 : i32
      %dma_wait3A_246 = arith.constant 0 : i32
      %dma_wait3A_247 = arith.constant 0 : i32
      %dma_wait3A_248 = tpu.memref_slice %arg9[%dma_wait3A_245, %dma_wait3A_246, %dma_wait3A_247] : memref<2x128x128xf32, #tpu.memory_space<vmem>> -> memref<1x128x128xf32, #tpu.memory_space<vmem>>
      %dma_wait3A_249 = tpu.memref_squeeze %dma_wait3A_248 : memref<1x128x128xf32, #tpu.memory_space<vmem>> -> memref<128x128xf32, #tpu.memory_space<vmem>>
      %dma_wait3A_250 = arith.constant 0 : i32
      %dma_wait3A_251 = tpu.memref_slice %arg8[%add3A_233, %dma_wait3A_250] : memref<40x128xi32, #tpu.memory_space<vmem>> -> memref<1x128xi32, #tpu.memory_space<vmem>>
      %dma_wait3A_252 = tpu.memref_squeeze %dma_wait3A_251 : memref<1x128xi32, #tpu.memory_space<vmem>> -> memref<128xi32, #tpu.memory_space<vmem>>
      %dma_wait3A_253 = arith.constant 0 : i32
      %dma_wait3A_254 = arith.constant 0 : i32
      %dma_wait3A_255 = tpu.memref_slice %arg10[%dma_wait3A_253, %dma_wait3A_254] : memref<10240x128xf32, #tpu.memory_space<vmem_shared>> -> memref<10240x128xf32, #tpu.memory_space<vmem_shared>>
      tpu.wait_indirect_dma semaphore(%arg14 : memref<!tpu.dma_semaphore, #tpu.memory_space<semaphore_mem>>) src(%dma_wait3A_249 : memref<128x128xf32, #tpu.memory_space<vmem>>) dst(%dma_wait3A_255 : memref<10240x128xf32, #tpu.memory_space<vmem_shared>>)
      %mul3A_256 = arith.constant 8 : i32
      %mul3A_257 = arith.muli %mul3A_256, %scan3A_28 : i32
      %add3A_258 = arith.constant 3 : i32
      %add3A_259 = arith.addi %mul3A_257, %add3A_258 : i32
      %add3A_260 = arith.constant 2 : i32
      %add3A_261 = arith.addi %add3A_259, %add3A_260 : i32
      %dma_start3A_262 = arith.constant 1 : i32
      %dma_start3A_263 = arith.constant 0 : i32
      %dma_start3A_264 = arith.constant 0 : i32
      %dma_start3A_265 = tpu.memref_slice %arg9[%dma_start3A_262, %dma_start3A_263, %dma_start3A_264] : memref<2x128x128xf32, #tpu.memory_space<vmem>> -> memref<1x128x128xf32, #tpu.memory_space<vmem>>
      %dma_start3A_266 = tpu.memref_squeeze %dma_start3A_265 : memref<1x128x128xf32, #tpu.memory_space<vmem>> -> memref<128x128xf32, #tpu.memory_space<vmem>>
      %dma_start3A_267 = arith.constant 0 : i32
      %dma_start3A_268 = tpu.memref_slice %arg7[%add3A_261, %dma_start3A_267] : memref<40x128xi32, #tpu.memory_space<vmem>> -> memref<1x128xi32, #tpu.memory_space<vmem>>
      %dma_start3A_269 = tpu.memref_squeeze %dma_start3A_268 : memref<1x128xi32, #tpu.memory_space<vmem>> -> memref<128xi32, #tpu.memory_space<vmem>>
      %dma_start3A_270 = arith.constant 0 : i32
      %dma_start3A_271 = arith.constant 0 : i32
      %dma_start3A_272 = tpu.memref_slice %arg4[%dma_start3A_270, %dma_start3A_271] : memref<10240x128xf32, #tpu.memory_space<hbm>> -> memref<10240x128xf32, #tpu.memory_space<hbm>>
      tpu.enqueue_indirect_dma source(%dma_start3A_272 : memref<10240x128xf32, #tpu.memory_space<hbm>>) target(%dma_start3A_266 : memref<128x128xf32, #tpu.memory_space<vmem>>) offsets(%dma_start3A_269 : memref<128xi32, #tpu.memory_space<vmem>>) semaphore(%arg12 : memref<!tpu.dma_semaphore, #tpu.memory_space<semaphore_mem>>)
      %dma_wait3A_273 = arith.constant 0 : i32
      %dma_wait3A_274 = arith.constant 0 : i32
      %dma_wait3A_275 = arith.constant 0 : i32
      %dma_wait3A_276 = tpu.memref_slice %arg9[%dma_wait3A_273, %dma_wait3A_274, %dma_wait3A_275] : memref<2x128x128xf32, #tpu.memory_space<vmem>> -> memref<1x128x128xf32, #tpu.memory_space<vmem>>
      %dma_wait3A_277 = tpu.memref_squeeze %dma_wait3A_276 : memref<1x128x128xf32, #tpu.memory_space<vmem>> -> memref<128x128xf32, #tpu.memory_space<vmem>>
      %dma_wait3A_278 = arith.constant 0 : i32
      %dma_wait3A_279 = tpu.memref_slice %arg7[%add3A_207, %dma_wait3A_278] : memref<40x128xi32, #tpu.memory_space<vmem>> -> memref<1x128xi32, #tpu.memory_space<vmem>>
      %dma_wait3A_280 = tpu.memref_squeeze %dma_wait3A_279 : memref<1x128xi32, #tpu.memory_space<vmem>> -> memref<128xi32, #tpu.memory_space<vmem>>
      %dma_wait3A_281 = arith.constant 0 : i32
      %dma_wait3A_282 = arith.constant 0 : i32
      %dma_wait3A_283 = tpu.memref_slice %arg4[%dma_wait3A_281, %dma_wait3A_282] : memref<10240x128xf32, #tpu.memory_space<hbm>> -> memref<10240x128xf32, #tpu.memory_space<hbm>>
      tpu.wait_indirect_dma semaphore(%arg11 : memref<!tpu.dma_semaphore, #tpu.memory_space<semaphore_mem>>) src(%dma_wait3A_283 : memref<10240x128xf32, #tpu.memory_space<hbm>>) dst(%dma_wait3A_277 : memref<128x128xf32, #tpu.memory_space<vmem>>)
      %mul3A_284 = arith.constant 8 : i32
      %mul3A_285 = arith.muli %mul3A_284, %scan3A_28 : i32
      %add3A_286 = arith.constant 4 : i32
      %add3A_287 = arith.addi %mul3A_285, %add3A_286 : i32
      %dma_start3A_288 = arith.constant 0 : i32
      %dma_start3A_289 = arith.constant 0 : i32
      %dma_start3A_290 = arith.constant 0 : i32
      %dma_start3A_291 = tpu.memref_slice %arg9[%dma_start3A_288, %dma_start3A_289, %dma_start3A_290] : memref<2x128x128xf32, #tpu.memory_space<vmem>> -> memref<1x128x128xf32, #tpu.memory_space<vmem>>
      %dma_start3A_292 = tpu.memref_squeeze %dma_start3A_291 : memref<1x128x128xf32, #tpu.memory_space<vmem>> -> memref<128x128xf32, #tpu.memory_space<vmem>>
      %dma_start3A_293 = arith.constant 0 : i32
      %dma_start3A_294 = tpu.memref_slice %arg8[%add3A_287, %dma_start3A_293] : memref<40x128xi32, #tpu.memory_space<vmem>> -> memref<1x128xi32, #tpu.memory_space<vmem>>
      %dma_start3A_295 = tpu.memref_squeeze %dma_start3A_294 : memref<1x128xi32, #tpu.memory_space<vmem>> -> memref<128xi32, #tpu.memory_space<vmem>>
      %dma_start3A_296 = arith.constant 0 : i32
      %dma_start3A_297 = arith.constant 0 : i32
      %dma_start3A_298 = tpu.memref_slice %arg10[%dma_start3A_296, %dma_start3A_297] : memref<10240x128xf32, #tpu.memory_space<vmem_shared>> -> memref<10240x128xf32, #tpu.memory_space<vmem_shared>>
      tpu.enqueue_indirect_dma source(%dma_start3A_292 : memref<128x128xf32, #tpu.memory_space<vmem>>) target(%dma_start3A_298 : memref<10240x128xf32, #tpu.memory_space<vmem_shared>>) offsets(%dma_start3A_295 : memref<128xi32, #tpu.memory_space<vmem>>) semaphore(%arg13 : memref<!tpu.dma_semaphore, #tpu.memory_space<semaphore_mem>>) {add = true}
      %dma_wait3A_299 = arith.constant 0 : i32
      %dma_wait3A_300 = arith.constant 0 : i32
      %dma_wait3A_301 = arith.constant 0 : i32
      %dma_wait3A_302 = tpu.memref_slice %arg9[%dma_wait3A_299, %dma_wait3A_300, %dma_wait3A_301] : memref<2x128x128xf32, #tpu.memory_space<vmem>> -> memref<1x128x128xf32, #tpu.memory_space<vmem>>
      %dma_wait3A_303 = tpu.memref_squeeze %dma_wait3A_302 : memref<1x128x128xf32, #tpu.memory_space<vmem>> -> memref<128x128xf32, #tpu.memory_space<vmem>>
      %dma_wait3A_304 = arith.constant 0 : i32
      %dma_wait3A_305 = tpu.memref_slice %arg8[%add3A_287, %dma_wait3A_304] : memref<40x128xi32, #tpu.memory_space<vmem>> -> memref<1x128xi32, #tpu.memory_space<vmem>>
      %dma_wait3A_306 = tpu.memref_squeeze %dma_wait3A_305 : memref<1x128xi32, #tpu.memory_space<vmem>> -> memref<128xi32, #tpu.memory_space<vmem>>
      %dma_wait3A_307 = arith.constant 0 : i32
      %dma_wait3A_308 = arith.constant 0 : i32
      %dma_wait3A_309 = tpu.memref_slice %arg10[%dma_wait3A_307, %dma_wait3A_308] : memref<10240x128xf32, #tpu.memory_space<vmem_shared>> -> memref<10240x128xf32, #tpu.memory_space<vmem_shared>>
      tpu.wait_indirect_dma semaphore(%arg13 : memref<!tpu.dma_semaphore, #tpu.memory_space<semaphore_mem>>) src(%dma_wait3A_303 : memref<128x128xf32, #tpu.memory_space<vmem>>) dst(%dma_wait3A_309 : memref<10240x128xf32, #tpu.memory_space<vmem_shared>>)
      %mul3A_310 = arith.constant 8 : i32
      %mul3A_311 = arith.muli %mul3A_310, %scan3A_28 : i32
      %add3A_312 = arith.constant 4 : i32
      %add3A_313 = arith.addi %mul3A_311, %add3A_312 : i32
      %add3A_314 = arith.constant 2 : i32
      %add3A_315 = arith.addi %add3A_313, %add3A_314 : i32
      %dma_start3A_316 = arith.constant 0 : i32
      %dma_start3A_317 = arith.constant 0 : i32
      %dma_start3A_318 = arith.constant 0 : i32
      %dma_start3A_319 = tpu.memref_slice %arg9[%dma_start3A_316, %dma_start3A_317, %dma_start3A_318] : memref<2x128x128xf32, #tpu.memory_space<vmem>> -> memref<1x128x128xf32, #tpu.memory_space<vmem>>
      %dma_start3A_320 = tpu.memref_squeeze %dma_start3A_319 : memref<1x128x128xf32, #tpu.memory_space<vmem>> -> memref<128x128xf32, #tpu.memory_space<vmem>>
      %dma_start3A_321 = arith.constant 0 : i32
      %dma_start3A_322 = tpu.memref_slice %arg7[%add3A_315, %dma_start3A_321] : memref<40x128xi32, #tpu.memory_space<vmem>> -> memref<1x128xi32, #tpu.memory_space<vmem>>
      %dma_start3A_323 = tpu.memref_squeeze %dma_start3A_322 : memref<1x128xi32, #tpu.memory_space<vmem>> -> memref<128xi32, #tpu.memory_space<vmem>>
      %dma_start3A_324 = arith.constant 0 : i32
      %dma_start3A_325 = arith.constant 0 : i32
      %dma_start3A_326 = tpu.memref_slice %arg4[%dma_start3A_324, %dma_start3A_325] : memref<10240x128xf32, #tpu.memory_space<hbm>> -> memref<10240x128xf32, #tpu.memory_space<hbm>>
      tpu.enqueue_indirect_dma source(%dma_start3A_326 : memref<10240x128xf32, #tpu.memory_space<hbm>>) target(%dma_start3A_320 : memref<128x128xf32, #tpu.memory_space<vmem>>) offsets(%dma_start3A_323 : memref<128xi32, #tpu.memory_space<vmem>>) semaphore(%arg11 : memref<!tpu.dma_semaphore, #tpu.memory_space<semaphore_mem>>)
      %dma_wait3A_327 = arith.constant 1 : i32
      %dma_wait3A_328 = arith.constant 0 : i32
      %dma_wait3A_329 = arith.constant 0 : i32
      %dma_wait3A_330 = tpu.memref_slice %arg9[%dma_wait3A_327, %dma_wait3A_328, %dma_wait3A_329] : memref<2x128x128xf32, #tpu.memory_space<vmem>> -> memref<1x128x128xf32, #tpu.memory_space<vmem>>
      %dma_wait3A_331 = tpu.memref_squeeze %dma_wait3A_330 : memref<1x128x128xf32, #tpu.memory_space<vmem>> -> memref<128x128xf32, #tpu.memory_space<vmem>>
      %dma_wait3A_332 = arith.constant 0 : i32
      %dma_wait3A_333 = tpu.memref_slice %arg7[%add3A_261, %dma_wait3A_332] : memref<40x128xi32, #tpu.memory_space<vmem>> -> memref<1x128xi32, #tpu.memory_space<vmem>>
      %dma_wait3A_334 = tpu.memref_squeeze %dma_wait3A_333 : memref<1x128xi32, #tpu.memory_space<vmem>> -> memref<128xi32, #tpu.memory_space<vmem>>
      %dma_wait3A_335 = arith.constant 0 : i32
      %dma_wait3A_336 = arith.constant 0 : i32
      %dma_wait3A_337 = tpu.memref_slice %arg4[%dma_wait3A_335, %dma_wait3A_336] : memref<10240x128xf32, #tpu.memory_space<hbm>> -> memref<10240x128xf32, #tpu.memory_space<hbm>>
      tpu.wait_indirect_dma semaphore(%arg12 : memref<!tpu.dma_semaphore, #tpu.memory_space<semaphore_mem>>) src(%dma_wait3A_337 : memref<10240x128xf32, #tpu.memory_space<hbm>>) dst(%dma_wait3A_331 : memref<128x128xf32, #tpu.memory_space<vmem>>)
      %mul3A_338 = arith.constant 8 : i32
      %mul3A_339 = arith.muli %mul3A_338, %scan3A_28 : i32
      %add3A_340 = arith.constant 5 : i32
      %add3A_341 = arith.addi %mul3A_339, %add3A_340 : i32
      %dma_start3A_342 = arith.constant 1 : i32
      %dma_start3A_343 = arith.constant 0 : i32
      %dma_start3A_344 = arith.constant 0 : i32
      %dma_start3A_345 = tpu.memref_slice %arg9[%dma_start3A_342, %dma_start3A_343, %dma_start3A_344] : memref<2x128x128xf32, #tpu.memory_space<vmem>> -> memref<1x128x128xf32, #tpu.memory_space<vmem>>
      %dma_start3A_346 = tpu.memref_squeeze %dma_start3A_345 : memref<1x128x128xf32, #tpu.memory_space<vmem>> -> memref<128x128xf32, #tpu.memory_space<vmem>>
      %dma_start3A_347 = arith.constant 0 : i32
      %dma_start3A_348 = tpu.memref_slice %arg8[%add3A_341, %dma_start3A_347] : memref<40x128xi32, #tpu.memory_space<vmem>> -> memref<1x128xi32, #tpu.memory_space<vmem>>
      %dma_start3A_349 = tpu.memref_squeeze %dma_start3A_348 : memref<1x128xi32, #tpu.memory_space<vmem>> -> memref<128xi32, #tpu.memory_space<vmem>>
      %dma_start3A_350 = arith.constant 0 : i32
      %dma_start3A_351 = arith.constant 0 : i32
      %dma_start3A_352 = tpu.memref_slice %arg10[%dma_start3A_350, %dma_start3A_351] : memref<10240x128xf32, #tpu.memory_space<vmem_shared>> -> memref<10240x128xf32, #tpu.memory_space<vmem_shared>>
      tpu.enqueue_indirect_dma source(%dma_start3A_346 : memref<128x128xf32, #tpu.memory_space<vmem>>) target(%dma_start3A_352 : memref<10240x128xf32, #tpu.memory_space<vmem_shared>>) offsets(%dma_start3A_349 : memref<128xi32, #tpu.memory_space<vmem>>) semaphore(%arg14 : memref<!tpu.dma_semaphore, #tpu.memory_space<semaphore_mem>>) {add = true}
      %dma_wait3A_353 = arith.constant 1 : i32
      %dma_wait3A_354 = arith.constant 0 : i32
      %dma_wait3A_355 = arith.constant 0 : i32
      %dma_wait3A_356 = tpu.memref_slice %arg9[%dma_wait3A_353, %dma_wait3A_354, %dma_wait3A_355] : memref<2x128x128xf32, #tpu.memory_space<vmem>> -> memref<1x128x128xf32, #tpu.memory_space<vmem>>
      %dma_wait3A_357 = tpu.memref_squeeze %dma_wait3A_356 : memref<1x128x128xf32, #tpu.memory_space<vmem>> -> memref<128x128xf32, #tpu.memory_space<vmem>>
      %dma_wait3A_358 = arith.constant 0 : i32
      %dma_wait3A_359 = tpu.memref_slice %arg8[%add3A_341, %dma_wait3A_358] : memref<40x128xi32, #tpu.memory_space<vmem>> -> memref<1x128xi32, #tpu.memory_space<vmem>>
      %dma_wait3A_360 = tpu.memref_squeeze %dma_wait3A_359 : memref<1x128xi32, #tpu.memory_space<vmem>> -> memref<128xi32, #tpu.memory_space<vmem>>
      %dma_wait3A_361 = arith.constant 0 : i32
      %dma_wait3A_362 = arith.constant 0 : i32
      %dma_wait3A_363 = tpu.memref_slice %arg10[%dma_wait3A_361, %dma_wait3A_362] : memref<10240x128xf32, #tpu.memory_space<vmem_shared>> -> memref<10240x128xf32, #tpu.memory_space<vmem_shared>>
      tpu.wait_indirect_dma semaphore(%arg14 : memref<!tpu.dma_semaphore, #tpu.memory_space<semaphore_mem>>) src(%dma_wait3A_357 : memref<128x128xf32, #tpu.memory_space<vmem>>) dst(%dma_wait3A_363 : memref<10240x128xf32, #tpu.memory_space<vmem_shared>>)
      %mul3A_364 = arith.constant 8 : i32
      %mul3A_365 = arith.muli %mul3A_364, %scan3A_28 : i32
      %add3A_366 = arith.constant 5 : i32
      %add3A_367 = arith.addi %mul3A_365, %add3A_366 : i32
      %add3A_368 = arith.constant 2 : i32
      %add3A_369 = arith.addi %add3A_367, %add3A_368 : i32
      %dma_start3A_370 = arith.constant 1 : i32
      %dma_start3A_371 = arith.constant 0 : i32
      %dma_start3A_372 = arith.constant 0 : i32
      %dma_start3A_373 = tpu.memref_slice %arg9[%dma_start3A_370, %dma_start3A_371, %dma_start3A_372] : memref<2x128x128xf32, #tpu.memory_space<vmem>> -> memref<1x128x128xf32, #tpu.memory_space<vmem>>
      %dma_start3A_374 = tpu.memref_squeeze %dma_start3A_373 : memref<1x128x128xf32, #tpu.memory_space<vmem>> -> memref<128x128xf32, #tpu.memory_space<vmem>>
      %dma_start3A_375 = arith.constant 0 : i32
      %dma_start3A_376 = tpu.memref_slice %arg7[%add3A_369, %dma_start3A_375] : memref<40x128xi32, #tpu.memory_space<vmem>> -> memref<1x128xi32, #tpu.memory_space<vmem>>
      %dma_start3A_377 = tpu.memref_squeeze %dma_start3A_376 : memref<1x128xi32, #tpu.memory_space<vmem>> -> memref<128xi32, #tpu.memory_space<vmem>>
      %dma_start3A_378 = arith.constant 0 : i32
      %dma_start3A_379 = arith.constant 0 : i32
      %dma_start3A_380 = tpu.memref_slice %arg4[%dma_start3A_378, %dma_start3A_379] : memref<10240x128xf32, #tpu.memory_space<hbm>> -> memref<10240x128xf32, #tpu.memory_space<hbm>>
      tpu.enqueue_indirect_dma source(%dma_start3A_380 : memref<10240x128xf32, #tpu.memory_space<hbm>>) target(%dma_start3A_374 : memref<128x128xf32, #tpu.memory_space<vmem>>) offsets(%dma_start3A_377 : memref<128xi32, #tpu.memory_space<vmem>>) semaphore(%arg12 : memref<!tpu.dma_semaphore, #tpu.memory_space<semaphore_mem>>)
      %dma_wait3A_381 = arith.constant 0 : i32
      %dma_wait3A_382 = arith.constant 0 : i32
      %dma_wait3A_383 = arith.constant 0 : i32
      %dma_wait3A_384 = tpu.memref_slice %arg9[%dma_wait3A_381, %dma_wait3A_382, %dma_wait3A_383] : memref<2x128x128xf32, #tpu.memory_space<vmem>> -> memref<1x128x128xf32, #tpu.memory_space<vmem>>
      %dma_wait3A_385 = tpu.memref_squeeze %dma_wait3A_384 : memref<1x128x128xf32, #tpu.memory_space<vmem>> -> memref<128x128xf32, #tpu.memory_space<vmem>>
      %dma_wait3A_386 = arith.constant 0 : i32
      %dma_wait3A_387 = tpu.memref_slice %arg7[%add3A_315, %dma_wait3A_386] : memref<40x128xi32, #tpu.memory_space<vmem>> -> memref<1x128xi32, #tpu.memory_space<vmem>>
      %dma_wait3A_388 = tpu.memref_squeeze %dma_wait3A_387 : memref<1x128xi32, #tpu.memory_space<vmem>> -> memref<128xi32, #tpu.memory_space<vmem>>
      %dma_wait3A_389 = arith.constant 0 : i32
      %dma_wait3A_390 = arith.constant 0 : i32
      %dma_wait3A_391 = tpu.memref_slice %arg4[%dma_wait3A_389, %dma_wait3A_390] : memref<10240x128xf32, #tpu.memory_space<hbm>> -> memref<10240x128xf32, #tpu.memory_space<hbm>>
      tpu.wait_indirect_dma semaphore(%arg11 : memref<!tpu.dma_semaphore, #tpu.memory_space<semaphore_mem>>) src(%dma_wait3A_391 : memref<10240x128xf32, #tpu.memory_space<hbm>>) dst(%dma_wait3A_385 : memref<128x128xf32, #tpu.memory_space<vmem>>)
      %mul3A_392 = arith.constant 8 : i32
      %mul3A_393 = arith.muli %mul3A_392, %scan3A_28 : i32
      %add3A_394 = arith.constant 6 : i32
      %add3A_395 = arith.addi %mul3A_393, %add3A_394 : i32
      %dma_start3A_396 = arith.constant 0 : i32
      %dma_start3A_397 = arith.constant 0 : i32
      %dma_start3A_398 = arith.constant 0 : i32
      %dma_start3A_399 = tpu.memref_slice %arg9[%dma_start3A_396, %dma_start3A_397, %dma_start3A_398] : memref<2x128x128xf32, #tpu.memory_space<vmem>> -> memref<1x128x128xf32, #tpu.memory_space<vmem>>
      %dma_start3A_400 = tpu.memref_squeeze %dma_start3A_399 : memref<1x128x128xf32, #tpu.memory_space<vmem>> -> memref<128x128xf32, #tpu.memory_space<vmem>>
      %dma_start3A_401 = arith.constant 0 : i32
      %dma_start3A_402 = tpu.memref_slice %arg8[%add3A_395, %dma_start3A_401] : memref<40x128xi32, #tpu.memory_space<vmem>> -> memref<1x128xi32, #tpu.memory_space<vmem>>
      %dma_start3A_403 = tpu.memref_squeeze %dma_start3A_402 : memref<1x128xi32, #tpu.memory_space<vmem>> -> memref<128xi32, #tpu.memory_space<vmem>>
      %dma_start3A_404 = arith.constant 0 : i32
      %dma_start3A_405 = arith.constant 0 : i32
      %dma_start3A_406 = tpu.memref_slice %arg10[%dma_start3A_404, %dma_start3A_405] : memref<10240x128xf32, #tpu.memory_space<vmem_shared>> -> memref<10240x128xf32, #tpu.memory_space<vmem_shared>>
      tpu.enqueue_indirect_dma source(%dma_start3A_400 : memref<128x128xf32, #tpu.memory_space<vmem>>) target(%dma_start3A_406 : memref<10240x128xf32, #tpu.memory_space<vmem_shared>>) offsets(%dma_start3A_403 : memref<128xi32, #tpu.memory_space<vmem>>) semaphore(%arg13 : memref<!tpu.dma_semaphore, #tpu.memory_space<semaphore_mem>>) {add = true}
      %dma_wait3A_407 = arith.constant 1 : i32
      %dma_wait3A_408 = arith.constant 0 : i32
      %dma_wait3A_409 = arith.constant 0 : i32
      %dma_wait3A_410 = tpu.memref_slice %arg9[%dma_wait3A_407, %dma_wait3A_408, %dma_wait3A_409] : memref<2x128x128xf32, #tpu.memory_space<vmem>> -> memref<1x128x128xf32, #tpu.memory_space<vmem>>
      %dma_wait3A_411 = tpu.memref_squeeze %dma_wait3A_410 : memref<1x128x128xf32, #tpu.memory_space<vmem>> -> memref<128x128xf32, #tpu.memory_space<vmem>>
      %dma_wait3A_412 = arith.constant 0 : i32
      %dma_wait3A_413 = tpu.memref_slice %arg7[%add3A_369, %dma_wait3A_412] : memref<40x128xi32, #tpu.memory_space<vmem>> -> memref<1x128xi32, #tpu.memory_space<vmem>>
      %dma_wait3A_414 = tpu.memref_squeeze %dma_wait3A_413 : memref<1x128xi32, #tpu.memory_space<vmem>> -> memref<128xi32, #tpu.memory_space<vmem>>
      %dma_wait3A_415 = arith.constant 0 : i32
      %dma_wait3A_416 = arith.constant 0 : i32
      %dma_wait3A_417 = tpu.memref_slice %arg4[%dma_wait3A_415, %dma_wait3A_416] : memref<10240x128xf32, #tpu.memory_space<hbm>> -> memref<10240x128xf32, #tpu.memory_space<hbm>>
      tpu.wait_indirect_dma semaphore(%arg12 : memref<!tpu.dma_semaphore, #tpu.memory_space<semaphore_mem>>) src(%dma_wait3A_417 : memref<10240x128xf32, #tpu.memory_space<hbm>>) dst(%dma_wait3A_411 : memref<128x128xf32, #tpu.memory_space<vmem>>)
      %mul3A_418 = arith.constant 8 : i32
      %mul3A_419 = arith.muli %mul3A_418, %scan3A_28 : i32
      %add3A_420 = arith.constant 7 : i32
      %add3A_421 = arith.addi %mul3A_419, %add3A_420 : i32
      %dma_start3A_422 = arith.constant 1 : i32
      %dma_start3A_423 = arith.constant 0 : i32
      %dma_start3A_424 = arith.constant 0 : i32
      %dma_start3A_425 = tpu.memref_slice %arg9[%dma_start3A_422, %dma_start3A_423, %dma_start3A_424] : memref<2x128x128xf32, #tpu.memory_space<vmem>> -> memref<1x128x128xf32, #tpu.memory_space<vmem>>
      %dma_start3A_426 = tpu.memref_squeeze %dma_start3A_425 : memref<1x128x128xf32, #tpu.memory_space<vmem>> -> memref<128x128xf32, #tpu.memory_space<vmem>>
      %dma_start3A_427 = arith.constant 0 : i32
      %dma_start3A_428 = tpu.memref_slice %arg8[%add3A_421, %dma_start3A_427] : memref<40x128xi32, #tpu.memory_space<vmem>> -> memref<1x128xi32, #tpu.memory_space<vmem>>
      %dma_start3A_429 = tpu.memref_squeeze %dma_start3A_428 : memref<1x128xi32, #tpu.memory_space<vmem>> -> memref<128xi32, #tpu.memory_space<vmem>>
      %dma_start3A_430 = arith.constant 0 : i32
      %dma_start3A_431 = arith.constant 0 : i32
      %dma_start3A_432 = tpu.memref_slice %arg10[%dma_start3A_430, %dma_start3A_431] : memref<10240x128xf32, #tpu.memory_space<vmem_shared>> -> memref<10240x128xf32, #tpu.memory_space<vmem_shared>>
      tpu.enqueue_indirect_dma source(%dma_start3A_426 : memref<128x128xf32, #tpu.memory_space<vmem>>) target(%dma_start3A_432 : memref<10240x128xf32, #tpu.memory_space<vmem_shared>>) offsets(%dma_start3A_429 : memref<128xi32, #tpu.memory_space<vmem>>) semaphore(%arg14 : memref<!tpu.dma_semaphore, #tpu.memory_space<semaphore_mem>>) {add = true}
      %dma_wait3A_433 = arith.constant 0 : i32
      %dma_wait3A_434 = arith.constant 0 : i32
      %dma_wait3A_435 = arith.constant 0 : i32
      %dma_wait3A_436 = tpu.memref_slice %arg9[%dma_wait3A_433, %dma_wait3A_434, %dma_wait3A_435] : memref<2x128x128xf32, #tpu.memory_space<vmem>> -> memref<1x128x128xf32, #tpu.memory_space<vmem>>
      %dma_wait3A_437 = tpu.memref_squeeze %dma_wait3A_436 : memref<1x128x128xf32, #tpu.memory_space<vmem>> -> memref<128x128xf32, #tpu.memory_space<vmem>>
      %dma_wait3A_438 = arith.constant 0 : i32
      %dma_wait3A_439 = tpu.memref_slice %arg8[%add3A_395, %dma_wait3A_438] : memref<40x128xi32, #tpu.memory_space<vmem>> -> memref<1x128xi32, #tpu.memory_space<vmem>>
      %dma_wait3A_440 = tpu.memref_squeeze %dma_wait3A_439 : memref<1x128xi32, #tpu.memory_space<vmem>> -> memref<128xi32, #tpu.memory_space<vmem>>
      %dma_wait3A_441 = arith.constant 0 : i32
      %dma_wait3A_442 = arith.constant 0 : i32
      %dma_wait3A_443 = tpu.memref_slice %arg10[%dma_wait3A_441, %dma_wait3A_442] : memref<10240x128xf32, #tpu.memory_space<vmem_shared>> -> memref<10240x128xf32, #tpu.memory_space<vmem_shared>>
      tpu.wait_indirect_dma semaphore(%arg13 : memref<!tpu.dma_semaphore, #tpu.memory_space<semaphore_mem>>) src(%dma_wait3A_437 : memref<128x128xf32, #tpu.memory_space<vmem>>) dst(%dma_wait3A_443 : memref<10240x128xf32, #tpu.memory_space<vmem_shared>>)
      %dma_wait3A_444 = arith.constant 1 : i32
      %dma_wait3A_445 = arith.constant 0 : i32
      %dma_wait3A_446 = arith.constant 0 : i32
      %dma_wait3A_447 = tpu.memref_slice %arg9[%dma_wait3A_444, %dma_wait3A_445, %dma_wait3A_446] : memref<2x128x128xf32, #tpu.memory_space<vmem>> -> memref<1x128x128xf32, #tpu.memory_space<vmem>>
      %dma_wait3A_448 = tpu.memref_squeeze %dma_wait3A_447 : memref<1x128x128xf32, #tpu.memory_space<vmem>> -> memref<128x128xf32, #tpu.memory_space<vmem>>
      %dma_wait3A_449 = arith.constant 0 : i32
      %dma_wait3A_450 = tpu.memref_slice %arg8[%add3A_421, %dma_wait3A_449] : memref<40x128xi32, #tpu.memory_space<vmem>> -> memref<1x128xi32, #tpu.memory_space<vmem>>
      %dma_wait3A_451 = tpu.memref_squeeze %dma_wait3A_450 : memref<1x128xi32, #tpu.memory_space<vmem>> -> memref<128xi32, #tpu.memory_space<vmem>>
      %dma_wait3A_452 = arith.constant 0 : i32
      %dma_wait3A_453 = arith.constant 0 : i32
      %dma_wait3A_454 = tpu.memref_slice %arg10[%dma_wait3A_452, %dma_wait3A_453] : memref<10240x128xf32, #tpu.memory_space<vmem_shared>> -> memref<10240x128xf32, #tpu.memory_space<vmem_shared>>
      tpu.wait_indirect_dma semaphore(%arg14 : memref<!tpu.dma_semaphore, #tpu.memory_space<semaphore_mem>>) src(%dma_wait3A_448 : memref<128x128xf32, #tpu.memory_space<vmem>>) dst(%dma_wait3A_454 : memref<10240x128xf32, #tpu.memory_space<vmem_shared>>)
    }
    %scan3A_26 = arith.constant 5 : i32
    %barrier3A_27 = arith.constant 0 : index
    tpu.barrier barrier_id(%barrier3A_27)
    "tpu.region"() ({
      %run_scoped3A = tpu.sem_alloc : memref<!tpu.dma_semaphore, #tpu.memory_space<semaphore_mem>>
      %dma_start3A = arith.constant 0 : i32
      %dma_start3A_28 = tpu.memref_slice %arg6[%arg0, %mul3A_2, %dma_start3A] : memref<2x10240x128xf32, #tpu.memory_space<hbm>> -> memref<1x640x128xf32, #tpu.memory_space<hbm>>
      %dma_start3A_29 = tpu.memref_squeeze %dma_start3A_28 : memref<1x640x128xf32, #tpu.memory_space<hbm>> -> memref<640x128xf32, #tpu.memory_space<hbm>>
      %dma_start3A_30 = arith.constant 0 : i32
      %dma_start3A_31 = tpu.memref_slice %arg10[%mul3A_2, %dma_start3A_30] : memref<10240x128xf32, #tpu.memory_space<vmem_shared>> -> memref<640x128xf32, #tpu.memory_space<vmem_shared>>
      tpu.enqueue_dma source(%dma_start3A_31 : memref<640x128xf32, #tpu.memory_space<vmem_shared>>) target(%dma_start3A_29 : memref<640x128xf32, #tpu.memory_space<hbm>>) target_semaphore(%run_scoped3A : memref<!tpu.dma_semaphore, #tpu.memory_space<semaphore_mem>>)
      %dma_wait3A = arith.constant 0 : i32
      %dma_wait3A_32 = tpu.memref_slice %arg6[%arg0, %mul3A_2, %dma_wait3A] : memref<2x10240x128xf32, #tpu.memory_space<hbm>> -> memref<1x640x128xf32, #tpu.memory_space<hbm>>
      %dma_wait3A_33 = tpu.memref_squeeze %dma_wait3A_32 : memref<1x640x128xf32, #tpu.memory_space<hbm>> -> memref<640x128xf32, #tpu.memory_space<hbm>>
      %dma_wait3A_34 = arith.constant 0 : i32
      %dma_wait3A_35 = tpu.memref_slice %arg10[%mul3A_2, %dma_wait3A_34] : memref<10240x128xf32, #tpu.memory_space<vmem_shared>> -> memref<640x128xf32, #tpu.memory_space<vmem_shared>>
      tpu.wait_dma2 semaphore(%run_scoped3A : memref<!tpu.dma_semaphore, #tpu.memory_space<semaphore_mem>>) src(%dma_wait3A_35 : memref<640x128xf32, #tpu.memory_space<vmem_shared>>) dst(%dma_wait3A_33 : memref<640x128xf32, #tpu.memory_space<hbm>>)
      tpu.yield
    }) : () -> ()
    return
  }
}

module attributes {stable_mosaic.version = 14 : i64} {
  func.func @_mm_scale_body(%arg0: i32, %arg1: memref<2048x128xf32, #tpu.memory_space<vmem>>, %arg2: memref<128x128xf32, #tpu.memory_space<vmem>>, %arg3: memref<2048x1xf32, #tpu.memory_space<vmem>>, %arg4: memref<2048x1xf32, #tpu.memory_space<vmem>>, %arg5: memref<2048x128xf32, #tpu.memory_space<vmem>>) attributes {dimension_semantics = [#tpu.dimension_semantics<arbitrary>], iteration_bounds = array<i64: 5>, scalar_prefetch = 0 : i64, scratch_operands = 0 : i64, tpu.core_type = #tpu.core_type<tc>, window_params = [{transform_indices = @transform_0, window_bounds = array<i64: 2048, 128>}, {pipeline_mode = #tpu.pipeline_mode<synchronous>, transform_indices = @transform_1, window_bounds = array<i64: 128, 128>}, {transform_indices = @transform_2, window_bounds = array<i64: 2048, 1>}, {transform_indices = @transform_3, window_bounds = array<i64: 2048, 1>}, {transform_indices = @transform_4, window_bounds = array<i64: 2048, 128>}]} {
    %get3A = arith.constant 0 : index
    %get3A_0 = arith.constant 0 : index
    %get3A_1 = vector.load %arg3[%get3A, %get3A_0] : memref<2048x1xf32, #tpu.memory_space<vmem>>, vector<2048x1xf32>
    %get3A_2 = arith.constant 0 : index
    %get3A_3 = arith.constant 0 : index
    %get3A_4 = vector.load %arg4[%get3A_2, %get3A_3] : memref<2048x1xf32, #tpu.memory_space<vmem>>, vector<2048x1xf32>
    %add3A = arith.addf %get3A_1, %get3A_4 : vector<2048x1xf32>
    %add3A_5 = arith.constant 1.000000e+00 : f32
    %add3A_6 = vector.broadcast %add3A_5 : f32 to vector<2048x1xf32>
    %add3A_7 = arith.addf %add3A, %add3A_6 : vector<2048x1xf32>
    %rsqrt3A = math.rsqrt %add3A_7 : vector<2048x1xf32>
    %get3A_8 = arith.constant 0 : index
    %get3A_9 = arith.constant 0 : index
    %get3A_10 = vector.load %arg1[%get3A_8, %get3A_9] : memref<2048x128xf32, #tpu.memory_space<vmem>>, vector<2048x128xf32>
    %get3A_11 = arith.constant 0 : index
    %get3A_12 = arith.constant 0 : index
    %get3A_13 = vector.load %arg2[%get3A_11, %get3A_12] : memref<128x128xf32, #tpu.memory_space<vmem>>, vector<128x128xf32>
    %dot_general3A = arith.constant dense<0.000000e+00> : vector<2048x128xf32>
    %dot_general3A_14 = tpu.matmul %get3A_10, %get3A_13, %dot_general3A {dimension_numbers = #tpu.dot_dimension_numbers<[1], [0], [0], [1], [0, 0, 1, 1], [], []>, transpose_lhs_hint = false} : vector<2048x128xf32>, vector<128x128xf32>, vector<2048x128xf32> -> vector<2048x128xf32>
    %mul3A = vector.broadcast %rsqrt3A : vector<2048x1xf32> to vector<2048x128xf32>
    %mul3A_15 = arith.mulf %dot_general3A_14, %mul3A : vector<2048x128xf32>
    %swap3A = arith.constant 0 : index
    %swap3A_16 = arith.constant 0 : index
    %swap3A_17 = vector.load %arg5[%swap3A, %swap3A_16] : memref<2048x128xf32, #tpu.memory_space<vmem>>, vector<2048x128xf32>
    tpu.vector_store %arg5[%swap3A, %swap3A_16], %mul3A_15 {strides = array<i32>} : memref<2048x128xf32, #tpu.memory_space<vmem>>, vector<2048x128xf32>,
    return
  }
  func.func @transform_0(%arg0: i32) -> (i32, i32) {
    %c0_i32 = arith.constant 0 : i32
    %c0_i32_0 = arith.constant 0 : i32
    return %arg0, %c0_i32 : i32, i32
  }
  func.func @transform_1(%arg0: i32) -> (i32, i32) {
    %c0_i32 = arith.constant 0 : i32
    %c0_i32_0 = arith.constant 0 : i32
    %c0_i32_1 = arith.constant 0 : i32
    return %c0_i32, %c0_i32_0 : i32, i32
  }
  func.func @transform_2(%arg0: i32) -> (i32, i32) {
    %c0_i32 = arith.constant 0 : i32
    %c0_i32_0 = arith.constant 0 : i32
    return %arg0, %c0_i32 : i32, i32
  }
  func.func @transform_3(%arg0: i32) -> (i32, i32) {
    %c0_i32 = arith.constant 0 : i32
    %c0_i32_0 = arith.constant 0 : i32
    return %arg0, %c0_i32 : i32, i32
  }
  func.func @transform_4(%arg0: i32) -> (i32, i32) {
    %c0_i32 = arith.constant 0 : i32
    %c0_i32_0 = arith.constant 0 : i32
    return %arg0, %c0_i32 : i32, i32
  }
}

module attributes {stable_mosaic.version = 14 : i64} {
  func.func @_combine_mm_body(%arg0: i32, %arg1: memref<2048x128xf32, #tpu.memory_space<vmem>>, %arg2: memref<2048x128xf32, #tpu.memory_space<vmem>>, %arg3: memref<2048x128xf32, #tpu.memory_space<vmem>>, %arg4: memref<2048x1xf32, #tpu.memory_space<vmem>>, %arg5: memref<2048x1xf32, #tpu.memory_space<vmem>>, %arg6: memref<1x128xf32, #tpu.memory_space<vmem>>, %arg7: memref<128x128xf32, #tpu.memory_space<vmem>>, %arg8: memref<2048x128xf32, #tpu.memory_space<vmem>>) attributes {dimension_semantics = [#tpu.dimension_semantics<arbitrary>], iteration_bounds = array<i64: 5>, scalar_prefetch = 0 : i64, scratch_operands = 0 : i64, tpu.core_type = #tpu.core_type<tc>, window_params = [{transform_indices = @transform_0, window_bounds = array<i64: 2048, 128>}, {transform_indices = @transform_1, window_bounds = array<i64: 2048, 128>}, {transform_indices = @transform_2, window_bounds = array<i64: 2048, 128>}, {transform_indices = @transform_3, window_bounds = array<i64: 2048, 1>}, {transform_indices = @transform_4, window_bounds = array<i64: 2048, 1>}, {pipeline_mode = #tpu.pipeline_mode<synchronous>, transform_indices = @transform_5, window_bounds = array<i64: 1, 128>}, {pipeline_mode = #tpu.pipeline_mode<synchronous>, transform_indices = @transform_6, window_bounds = array<i64: 128, 128>}, {transform_indices = @transform_7, window_bounds = array<i64: 2048, 128>}]} {
    %get3A = arith.constant 0 : index
    %get3A_0 = arith.constant 0 : index
    %get3A_1 = vector.load %arg4[%get3A, %get3A_0] : memref<2048x1xf32, #tpu.memory_space<vmem>>, vector<2048x1xf32>
    %get3A_2 = arith.constant 0 : index
    %get3A_3 = arith.constant 0 : index
    %get3A_4 = vector.load %arg5[%get3A_2, %get3A_3] : memref<2048x1xf32, #tpu.memory_space<vmem>>, vector<2048x1xf32>
    %add3A = arith.addf %get3A_1, %get3A_4 : vector<2048x1xf32>
    %add3A_5 = arith.constant 1.000000e+00 : f32
    %add3A_6 = vector.broadcast %add3A_5 : f32 to vector<2048x1xf32>
    %add3A_7 = arith.addf %add3A, %add3A_6 : vector<2048x1xf32>
    %rsqrt3A = math.rsqrt %add3A_7 : vector<2048x1xf32>
    %get3A_8 = arith.constant 0 : index
    %get3A_9 = arith.constant 0 : index
    %get3A_10 = vector.load %arg1[%get3A_8, %get3A_9] : memref<2048x128xf32, #tpu.memory_space<vmem>>, vector<2048x128xf32>
    %get3A_11 = arith.constant 0 : index
    %get3A_12 = arith.constant 0 : index
    %get3A_13 = vector.load %arg2[%get3A_11, %get3A_12] : memref<2048x128xf32, #tpu.memory_space<vmem>>, vector<2048x128xf32>
    %add3A_14 = arith.addf %get3A_10, %get3A_13 : vector<2048x128xf32>
    %get3A_15 = arith.constant 0 : index
    %get3A_16 = arith.constant 0 : index
    %get3A_17 = vector.load %arg3[%get3A_15, %get3A_16] : memref<2048x128xf32, #tpu.memory_space<vmem>>, vector<2048x128xf32>
    %add3A_18 = arith.addf %add3A_14, %get3A_17 : vector<2048x128xf32>
    %mul3A = vector.broadcast %rsqrt3A : vector<2048x1xf32> to vector<2048x128xf32>
    %mul3A_19 = arith.mulf %add3A_18, %mul3A : vector<2048x128xf32>
    %get3A_20 = arith.constant 0 : index
    %get3A_21 = arith.constant 0 : index
    %get3A_22 = vector.load %arg6[%get3A_20, %get3A_21] : memref<1x128xf32, #tpu.memory_space<vmem>>, vector<1x128xf32>
    %add3A_23 = vector.broadcast %get3A_22 : vector<1x128xf32> to vector<2048x128xf32>
    %add3A_24 = arith.addf %mul3A_19, %add3A_23 : vector<2048x128xf32>
    %max3A = arith.constant 0.000000e+00 : f32
    %max3A_25 = vector.broadcast %max3A : f32 to vector<2048x128xf32>
    %max3A_26 = arith.maximumf %add3A_24, %max3A_25 : vector<2048x128xf32>
    %get3A_27 = arith.constant 0 : index
    %get3A_28 = arith.constant 0 : index
    %get3A_29 = vector.load %arg7[%get3A_27, %get3A_28] : memref<128x128xf32, #tpu.memory_space<vmem>>, vector<128x128xf32>
    %dot_general3A = arith.constant dense<0.000000e+00> : vector<2048x128xf32>
    %dot_general3A_30 = tpu.matmul %max3A_26, %get3A_29, %dot_general3A {dimension_numbers = #tpu.dot_dimension_numbers<[1], [0], [0], [1], [0, 0, 1, 1], [], []>, transpose_lhs_hint = false} : vector<2048x128xf32>, vector<128x128xf32>, vector<2048x128xf32> -> vector<2048x128xf32>
    %mul3A_31 = vector.broadcast %rsqrt3A : vector<2048x1xf32> to vector<2048x128xf32>
    %mul3A_32 = arith.mulf %dot_general3A_30, %mul3A_31 : vector<2048x128xf32>
    %swap3A = arith.constant 0 : index
    %swap3A_33 = arith.constant 0 : index
    %swap3A_34 = vector.load %arg8[%swap3A, %swap3A_33] : memref<2048x128xf32, #tpu.memory_space<vmem>>, vector<2048x128xf32>
    tpu.vector_store %arg8[%swap3A, %swap3A_33], %mul3A_32 {strides = array<i32>} : memref<2048x128xf32, #tpu.memory_space<vmem>>, vector<2048x128xf32>,
    return
  }
  func.func @transform_0(%arg0: i32) -> (i32, i32) {
    %c0_i32 = arith.constant 0 : i32
    %c0_i32_0 = arith.constant 0 : i32
    return %arg0, %c0_i32 : i32, i32
  }
  func.func @transform_1(%arg0: i32) -> (i32, i32) {
    %c0_i32 = arith.constant 0 : i32
    %c0_i32_0 = arith.constant 0 : i32
    return %arg0, %c0_i32 : i32, i32
  }
  func.func @transform_2(%arg0: i32) -> (i32, i32) {
    %c0_i32 = arith.constant 0 : i32
    %c0_i32_0 = arith.constant 0 : i32
    return %arg0, %c0_i32 : i32, i32
  }
  func.func @transform_3(%arg0: i32) -> (i32, i32) {
    %c0_i32 = arith.constant 0 : i32
    %c0_i32_0 = arith.constant 0 : i32
    return %arg0, %c0_i32 : i32, i32
  }
  func.func @transform_4(%arg0: i32) -> (i32, i32) {
    %c0_i32 = arith.constant 0 : i32
    %c0_i32_0 = arith.constant 0 : i32
    return %arg0, %c0_i32 : i32, i32
  }
  func.func @transform_5(%arg0: i32) -> (i32, i32) {
    %c0_i32 = arith.constant 0 : i32
    %c0_i32_0 = arith.constant 0 : i32
    %c0_i32_1 = arith.constant 0 : i32
    return %c0_i32, %c0_i32_0 : i32, i32
  }
  func.func @transform_6(%arg0: i32) -> (i32, i32) {
    %c0_i32 = arith.constant 0 : i32
    %c0_i32_0 = arith.constant 0 : i32
    %c0_i32_1 = arith.constant 0 : i32
    return %c0_i32, %c0_i32_0 : i32, i32
  }
  func.func @transform_7(%arg0: i32) -> (i32, i32) {
    %c0_i32 = arith.constant 0 : i32
    %c0_i32_0 = arith.constant 0 : i32
    return %arg0, %c0_i32 : i32, i32
  }
}

module attributes {stable_mosaic.version = 14 : i64} {
  func.func @_final_body(%arg0: i32, %arg1: memref<2048x128xf32, #tpu.memory_space<vmem>>, %arg2: memref<2048x128xf32, #tpu.memory_space<vmem>>, %arg3: memref<2048x128xf32, #tpu.memory_space<vmem>>, %arg4: memref<2048x1xf32, #tpu.memory_space<vmem>>, %arg5: memref<2048x1xf32, #tpu.memory_space<vmem>>, %arg6: memref<1x128xf32, #tpu.memory_space<vmem>>, %arg7: memref<2048x128xf32, #tpu.memory_space<vmem>>) attributes {dimension_semantics = [#tpu.dimension_semantics<arbitrary>], iteration_bounds = array<i64: 5>, scalar_prefetch = 0 : i64, scratch_operands = 0 : i64, tpu.core_type = #tpu.core_type<tc>, window_params = [{transform_indices = @transform_0, window_bounds = array<i64: 2048, 128>}, {transform_indices = @transform_1, window_bounds = array<i64: 2048, 128>}, {transform_indices = @transform_2, window_bounds = array<i64: 2048, 128>}, {transform_indices = @transform_3, window_bounds = array<i64: 2048, 1>}, {transform_indices = @transform_4, window_bounds = array<i64: 2048, 1>}, {pipeline_mode = #tpu.pipeline_mode<synchronous>, transform_indices = @transform_5, window_bounds = array<i64: 1, 128>}, {transform_indices = @transform_6, window_bounds = array<i64: 2048, 128>}]} {
    %get3A = arith.constant 0 : index
    %get3A_0 = arith.constant 0 : index
    %get3A_1 = vector.load %arg4[%get3A, %get3A_0] : memref<2048x1xf32, #tpu.memory_space<vmem>>, vector<2048x1xf32>
    %get3A_2 = arith.constant 0 : index
    %get3A_3 = arith.constant 0 : index
    %get3A_4 = vector.load %arg5[%get3A_2, %get3A_3] : memref<2048x1xf32, #tpu.memory_space<vmem>>, vector<2048x1xf32>
    %add3A = arith.addf %get3A_1, %get3A_4 : vector<2048x1xf32>
    %add3A_5 = arith.constant 1.000000e+00 : f32
    %add3A_6 = vector.broadcast %add3A_5 : f32 to vector<2048x1xf32>
    %add3A_7 = arith.addf %add3A, %add3A_6 : vector<2048x1xf32>
    %rsqrt3A = math.rsqrt %add3A_7 : vector<2048x1xf32>
    %get3A_8 = arith.constant 0 : index
    %get3A_9 = arith.constant 0 : index
    %get3A_10 = vector.load %arg1[%get3A_8, %get3A_9] : memref<2048x128xf32, #tpu.memory_space<vmem>>, vector<2048x128xf32>
    %get3A_11 = arith.constant 0 : index
    %get3A_12 = arith.constant 0 : index
    %get3A_13 = vector.load %arg2[%get3A_11, %get3A_12] : memref<2048x128xf32, #tpu.memory_space<vmem>>, vector<2048x128xf32>
    %add3A_14 = arith.addf %get3A_10, %get3A_13 : vector<2048x128xf32>
    %get3A_15 = arith.constant 0 : index
    %get3A_16 = arith.constant 0 : index
    %get3A_17 = vector.load %arg3[%get3A_15, %get3A_16] : memref<2048x128xf32, #tpu.memory_space<vmem>>, vector<2048x128xf32>
    %add3A_18 = arith.addf %add3A_14, %get3A_17 : vector<2048x128xf32>
    %mul3A = vector.broadcast %rsqrt3A : vector<2048x1xf32> to vector<2048x128xf32>
    %mul3A_19 = arith.mulf %add3A_18, %mul3A : vector<2048x128xf32>
    %get3A_20 = arith.constant 0 : index
    %get3A_21 = arith.constant 0 : index
    %get3A_22 = vector.load %arg6[%get3A_20, %get3A_21] : memref<1x128xf32, #tpu.memory_space<vmem>>, vector<1x128xf32>
    %add3A_23 = vector.broadcast %get3A_22 : vector<1x128xf32> to vector<2048x128xf32>
    %add3A_24 = arith.addf %mul3A_19, %add3A_23 : vector<2048x128xf32>
    %swap3A = arith.constant 0 : index
    %swap3A_25 = arith.constant 0 : index
    %swap3A_26 = vector.load %arg7[%swap3A, %swap3A_25] : memref<2048x128xf32, #tpu.memory_space<vmem>>, vector<2048x128xf32>
    tpu.vector_store %arg7[%swap3A, %swap3A_25], %add3A_24 {strides = array<i32>} : memref<2048x128xf32, #tpu.memory_space<vmem>>, vector<2048x128xf32>,
    return
  }
  func.func @transform_0(%arg0: i32) -> (i32, i32) {
    %c0_i32 = arith.constant 0 : i32
    %c0_i32_0 = arith.constant 0 : i32
    return %arg0, %c0_i32 : i32, i32
  }
  func.func @transform_1(%arg0: i32) -> (i32, i32) {
    %c0_i32 = arith.constant 0 : i32
    %c0_i32_0 = arith.constant 0 : i32
    return %arg0, %c0_i32 : i32, i32
  }
  func.func @transform_2(%arg0: i32) -> (i32, i32) {
    %c0_i32 = arith.constant 0 : i32
    %c0_i32_0 = arith.constant 0 : i32
    return %arg0, %c0_i32 : i32, i32
  }
  func.func @transform_3(%arg0: i32) -> (i32, i32) {
    %c0_i32 = arith.constant 0 : i32
    %c0_i32_0 = arith.constant 0 : i32
    return %arg0, %c0_i32 : i32, i32
  }
  func.func @transform_4(%arg0: i32) -> (i32, i32) {
    %c0_i32 = arith.constant 0 : i32
    %c0_i32_0 = arith.constant 0 : i32
    return %arg0, %c0_i32 : i32, i32
  }
  func.func @transform_5(%arg0: i32) -> (i32, i32) {
    %c0_i32 = arith.constant 0 : i32
    %c0_i32_0 = arith.constant 0 : i32
    %c0_i32_1 = arith.constant 0 : i32
    return %c0_i32, %c0_i32_0 : i32, i32
  }
  func.func @transform_6(%arg0: i32) -> (i32, i32) {
    %c0_i32 = arith.constant 0 : i32
    %c0_i32_0 = arith.constant 0 : i32
    return %arg0, %c0_i32 : i32, i32
  }
}

</mosaic_0001>

<sc_bundles>
// kernel: kernel.11.cloned.1.call-start
scs
__scs_entry_jumppad:
0x0: {  	(pc) =	sbr.rel $0x88, $3  }
0x1: {  	(tag) =	ssettag $0x0;
	lr =	simm.s32 $0x1  }
0x2: {  	[smem:$0x3F9B] =	sst lr;
	_ =	strace $0xD0000000  }
0x3: {  	_ = 	snop  }
0x4: {  	_ = 	snop  }
0x5: {  	_ = 	snop  }
0x6: {  	_ = 	snop  }
0x7: {  	_ = 	snop  }
__scs_overlays_trampoline_lowered:
0x8: {  	[smem:$0x3FAA] =	sst s0  }
0x9: {  	[smem:$0x3FAB] =	sst s1  }
0xa: {  	[smem:$0x3FAC] =	sst s2  }
0xb: {  	[smem:$0x3FAD] =	sst s3  }
0xc: {  	[smem:$0x3FAE] =	sst s4  }
0xd: {  	[smem:$0x3FAF] =	sst s5  }
0xe: {  	[smem:$0x3FB0] =	sst s6  }
0xf: {  	[smem:$0x3FB1] =	sst s7  }
0x10: {  	[smem:$0x3FB2] =	sst s8  }
0x11: {  	[smem:$0x3FB3] =	sst s9;
	s0 =	simm.s32 @!p0 $0x0  }
0x12: {  	s1 =	sld [smem:$0x3F99];
	s0 =	simm.s32 @p0 $0x1  }
0x13: {  	[smem:$0x3FB4] =	sst s0;
	s0 =	simm.s32 @!p1 $0x0  }
0x14: {  	s2 =	sld [smem:$0x3F98];
	s0 =	simm.s32 @p1 $0x1  }
0x15: {  	[smem:$0x3FB5] =	sst s0;
	s0 =	simm.s32 @!p2 $0x0  }
0x16: {  	s3 =	sld [smem:$0x3FDB];
	s0 =	simm.s32 @p2 $0x1  }
0x17: {  	s4 =	simm.s32 $0x1BF5;
	[smem:$0x3FB7] =	sst s0  }
0x18: {  	s0 =	sld [smem:$0x3F9A];
	_ =	swait.ge [sflag:s4], $0x0  }
0x19: {  	s7 =	sld [smem:$0x3F9B]  }
0x1a: {  	s8 =	sadd.s32 $0xFFFFE003, lr  }
0x1b: {  	s9 =	sadd.s32 $0xFFFFFEF7, lr;
	s5 =	simm.s32 $0xFFFFFFFF;
	p2 =	slt.u32 s8, $0xFFFFF086  }
0x1c: {  	p1 =	slt.u32 s9, $0xF7A;
	s5 =	simm.s32 @!p2 $0x0  }
0x1d: {  	s5 =	simm.s32 @p1 $0x1;
	p0 =	seq.s32 s7, s2  }
0x1e: {  	s7 =	smul.u32 @!p0 $0xF7A, s2;
	p2 =	seq.s32 @!p0 s5, $0x0  }
0x1f: {  	s9 =	smul.u32 $0xF7A, s1;
	s8 =	simm.s32 @!p0 $0x1BF5;
	p2 =	por !p2, p0  }
0x20: {  	[sflag:s8] =	ssyncset.s32 @!p0 $0xFFFFF086;
	s6 =	sadd.s32 @!p0 s3, s7;
	s7 =	simm.s32 @!p0 $0x108  }
0x21: {  	s3 =	sadd.s32 s3, s9;
	s6 =	sadd.s32 @!p0 $0x88, s6;
	s7 =	simm.s32 @p2 $0x1082  }
0x22: {  	[simem:s7], [sflag:s8] =	dma.local @!p0 [hbm:s6], $0xF7A  }
0x23: {  	s9 =	sor.u32 $0xD0000000, s2;
	s6 =	simm.s32 $0x108;
	_ =	swait.ge @!p0 [sflag:s8], $0x0  }
0x24: {  	s3 =	sadd.s32 $0x88, s3;
	s6 =	simm.s32 @!p1 $0x1082;
	[sflag:s4] =	ssyncset.s32 $0xFFFFF086  }
0x25: {  	[simem:s6], [sflag:s4] =	dma.local [hbm:s3], $0xF7A  }
0x26: {  	[smem:$0x3F9B] =	sst s1;
	(tag) =	ssettag s2;
	_ =	strace s9  }
0x27: {  	s1 =	sld [smem:$0x3FAB]  }
0x28: {  	s2 =	sld [smem:$0x3FAC]  }
0x29: {  	s4 =	sld [smem:$0x3FAE]  }
0x2a: {  	p0 =	seq.s32 s5, $0x0;
	s5 =	sld [smem:$0x3FAF]  }
0x2b: {  	s6 =	sld [smem:$0x3FB0]  }
0x2c: {  	s7 =	sld [smem:$0x3FB1]  }
0x2d: {  	s3 =	simm.s32 $0x108;
	s8 =	sld [smem:$0x3FB2]  }
0x2e: {  	s3 =	simm.s32 @!p0 $0x1082;
	s9 =	sld [smem:$0x3FB3]  }
0x2f: {  	lr =	sadd.s32 s0, s3;
	s0 =	sld [smem:$0x3FAA]  }
0x30: {  	s3 =	sld [smem:$0x3FAD]  }
0x31: {  	[smem:$0x3FB6] =	sst s10  }
0x32: {  	s10 =	sld [smem:$0x3FB4];
	_ =	sdelay $0x3  }
0x33: {  	p0 =	seq.s32 s10, $0x1;
	s10 =	sld [smem:$0x3FB6];
	_ =	sdelay $0x3  }
0x34: {  	[smem:$0x3FB6] =	sst s10  }
0x35: {  	s10 =	sld [smem:$0x3FB5];
	_ =	sdelay $0x3  }
0x36: {  	p1 =	seq.s32 s10, $0x1;
	s10 =	sld [smem:$0x3FB6];
	_ =	sdelay $0x3  }
0x37: {  	[smem:$0x3FB6] =	sst s10  }
0x38: {  	s10 =	sld [smem:$0x3FB7]  }
0x39: {  	_ = 	snop;
	(pc) =	sbr.ind lr, $3  }
0x3a: {  	_ = 	snop  }
0x3b: {  	_ = 	snop  }
0x3c: {  	p2 =	seq.s32 s10, $0x1;
	s10 =	sld [smem:$0x3FB6]  }
0x3d: {  	_ =	shalt  }
0x3e: {  	_ =	shalt  }
0x3f: {  	_ =	shalt  }
0x40: {  	_ =	shalt  }
0x41: {  	_ =	shalt  }
0x42: {  	_ =	shalt  }
0x43: {  	_ =	shalt  }
0x44: {  	_ =	shalt  }
0x45: {  	_ =	shalt  }
0x46: {  	_ =	shalt  }
0x47: {  	_ =	shalt  }
0x48: {  	_ =	shalt  }
0x49: {  	_ =	shalt  }
0x4a: {  	_ =	shalt  }
0x4b: {  	_ =	shalt  }
0x4c: {  	_ =	shalt  }
0x4d: {  	_ =	shalt  }
0x4e: {  	_ =	shalt  }
0x4f: {  	_ =	shalt  }
0x50: {  	_ =	shalt  }
0x51: {  	_ =	shalt  }
0x52: {  	_ =	shalt  }
0x53: {  	_ =	shalt  }
0x54: {  	_ =	shalt  }
0x55: {  	_ =	shalt  }
0x56: {  	_ =	shalt  }
0x57: {  	_ =	shalt  }
0x58: {  	_ =	shalt  }
0x59: {  	_ =	shalt  }
0x5a: {  	_ =	shalt  }
0x5b: {  	_ =	shalt  }
0x5c: {  	_ =	shalt  }
0x5d: {  	_ =	shalt  }
0x5e: {  	_ =	shalt  }
0x5f: {  	_ =	shalt  }
0x60: {  	_ =	shalt  }
0x61: {  	_ =	shalt  }
0x62: {  	_ =	shalt  }
0x63: {  	_ =	shalt  }
0x64: {  	_ =	shalt  }
0x65: {  	_ =	shalt  }
0x66: {  	_ =	shalt  }
0x67: {  	_ =	shalt  }
0x68: {  	_ =	shalt  }
0x69: {  	_ =	shalt  }
0x6a: {  	_ =	shalt  }
0x6b: {  	_ =	shalt  }
0x6c: {  	_ =	shalt  }
0x6d: {  	_ =	shalt  }
0x6e: {  	_ =	shalt  }
0x6f: {  	_ =	shalt  }
0x70: {  	_ =	shalt  }
0x71: {  	_ =	shalt  }
0x72: {  	_ =	shalt  }
0x73: {  	_ =	shalt  }
0x74: {  	_ =	shalt  }
0x75: {  	_ =	shalt  }
0x76: {  	_ =	shalt  }
0x77: {  	_ =	shalt  }
0x78: {  	_ =	shalt  }
0x79: {  	_ =	shalt  }
0x7a: {  	_ =	shalt  }
0x7b: {  	_ =	shalt  }
0x7c: {  	_ =	shalt  }
0x7d: {  	_ =	shalt  }
0x7e: {  	_ =	shalt  }
0x7f: {  	_ =	shalt  }
0x80: {  	_ =	shalt  }
0x81: {  	_ =	shalt  }
0x82: {  	_ =	shalt  }
0x83: {  	_ =	shalt  }
0x84: {  	_ =	shalt  }
0x85: {  	_ =	shalt  }
0x86: {  	_ =	shalt  }
0x87: {  	_ =	shalt  }
.Lfunc_end0:
.L_simem_size_0:
called_computation.1_lowered:
.L_overlay_start_0:
0x88: {  	s2 =	sld [smem:$0x3FD9]  }
0x89: {  	s3 =	sld [smem:$0x3FFE];
	_ =	sdelay $0x1  }
0x8a: {  	s1 =	srdreg.scid  }
0x8b: {  	s0 =	sand.u32 $0x1, s1  }
0x8c: {  	s17 =	sshll.u32 s0, $0xA;
	s2 =	sadd.s32 s3, s2  }
0x8d: {  	s2 =	sadd.s32 s2, s17  }
0x8e: {  	[smem:$0x3FC2] =	sst s2  }
0x8f: {  	_ = 	snop  }
0x90: {  	s2 =	sld [smem:$0x3FD0];
	(tm) =	ssettm $0x1  }
0x91: {  	s18 =	sld [smem:$0x3FFB];
	_ =	sdelay $0x3  }
0x92: {  	_ =	strace s18  }
0x93: {  	s3 =	sld [smem:$0x3FFC];
	_ =	sdelay $0x3  }
0x94: {  	_ =	strace s3  }
0x95: {  	s3 =	sld [smem:$0x3FFD];
	_ =	sdelay $0x3  }
0x96: {  	_ =	strace s3  }
0x97: {  	_ =	strace $0x8FFFFFFF  }
0x98: {  	s19 =	sld [smem:$0x3FDB];
	_ =	sdelay $0x1  }
0x99: {  	s4 =	simm.s32 $_scs_section_size  }
0x9a: {  	s5 =	simm.s32 $_size__tile_overlayer_lowered;
	s6 =	simm.s32 $_tile_overlayer_lowered  }
0x9b: {  	s22 =	simm.s32 $0x1BFF;
	s21 =	sshll.u32 s6, $0x1;
	s3 =	sadd.s32 s4, s19  }
0x9c: {  	s7 =	simm.s32 $0x0;
	s20 =	sshll.u32 s5, $0x1;
	s5 =	sadd.s32 s21, s3  }
0x9d: {  	[timem:s7], [sflag:s22] =	dma.local [hbm:s5], s20  }
0x9e: {  	_ =	swait.ge [sflag:s22], s20  }
0x9f: {  	s4 =	ssub.s32 $0x0, s20;
	[sflag:s22] =	ssyncset.done $0x0  }
0xa0: {  	[sflag:s22] =	ssyncadd.s32 s4;
	_ =	sdelay $0x1  }
0xa1: {  	s23 =	simm.s32 $0x1B8B  }
0xa2: {  	_ =	swait.ge [sflag:s23], $0x1  }
0xa3: {  	[sflag:s23] =	ssyncset.done $0x0  }
0xa4: {  	s25 =	simm.s32 $0x1B8E;
	s24 =	sld [smem:$0x3FFE];
	[sflag:s23] =	ssyncadd.s32 $0xFFFFFFFF  }
0xa5: {  	s26 =	simm.s32 $execute0_lowered;
	[smem:$0x3FD2] =	sst s25  }
0xa6: {  	s5 =	sshll.u32 s26, $0x1;
	_ =	strace $0x80000049;
	[dreg:$0x1] =	wrdreg $0xFFFFFFFF  }
0xa7: {  	s28 =	simm.s32 $_size_execute0_lowered;
	s3 =	sadd.s32 s3, s5;
	[dreg:$0x0] =	wrdreg $0x0  }
0xa8: {  	s5 =	sshll.u32 s28, $0x1;
	[dreg:$0x2] =	wrdreg s3  }
0xa9: {  	[dreg:$0x3] =	wrdreg s5  }
0xaa: {  	[dreg:$0x4] =	wrdreg $0xC0  }
0xab: {  	_ =	task [dreg:s7], $0x5FFFF  }
0xac: {  	[dreg:$0x1] =	wrdreg $0xFFFFFFFF  }
0xad: {  	[dreg:$0x0] =	wrdreg $0x60  }
0xae: {  	[dreg:$0x2] =	wrdreg s24  }
0xaf: {  	[dreg:$0x3] =	wrdreg s2  }
0xb0: {  	[dreg:$0x4] =	wrdreg $0xA8000  }
0xb1: {  	[dreg:$0x5] =	wrdreg $0x9  }
0xb2: {  	_ =	task.clear_ibuf [dreg:s7], $0x6FFFF;
	_ =	strace $0x90000049  }
0xb3: {  	s29 =	simm.s32 $0x9;
	_ =	strace $0x8000004B  }
0xb4: {  	_ =	swait.ge [sflag:s29], $0x1  }
0xb5: {  	[sflag:s29] =	ssyncadd.s32 $0xFFFFFFFF  }
0xb6: {  	_ =	strace $0x9000004B  }
0xb7: {  	_ =	sfence  }
0xb8: {  	s30 =	sld [smem:$0x0];
	_ =	sdelay $0x2  }
0xb9: {  	s31 =	sshll.u32 s1, $0xD;
	s1 =	sshrl.u32 s1, $0x2  }
0xba: {  	s3 =	sand.u32 $0x4000, s31;
	s1 =	sadd.s32 s1, s30  }
0xbb: {  	s0 =	sor.u32 s3, s0;
	s1 =	sshll.u32 s1, $0x11  }
0xbc: {  	s0 =	sor.u32 s1, s0  }
0xbd: {  	s0 =	sadd.s32 $0x8F2B, s0  }
0xbe: {  	[sflag:s0] =	ssyncadd.remote.s32 $0x1  }
0xbf: {  	_ =	sfence.sel $0xFFFF  }
0xc0: {  	[dreg:$0x0] =	wrdreg $0xFFFFFFFF;
	(pc) =	sbr.abs _section_cstart, $3  }
0xc1: {  	[dreg:$0x1] =	wrdreg $0xFFFFFFFF  }
0xc2: {  	_ =	task.clear_ibuf [dreg:s7], $0x2FFFF;
	_ =	strace $0x9FFFFFFF  }
0xc3: {  	(tm) =	ssettm $0x7FFFFFFF  }
tec
execute0_lowered:
.L_overlay_start_1:
0x0: {  	(tag) =	ssettag $0x1  }
0x1: {  	s5 =	rddreg [dreg:$0x0]  }
0x2: {  	s10 =	rddreg [dreg:$0x1]  }
0x3: {  	s2 =	rddreg [dreg:$0x2]  }
0x4: {  	s0 =	rddreg [dreg:$0x3]  }
0x5: {  	s1 =	stileid.u32;
	s4 =	srdreg.scid  }
0x6: {  	s3 =	simm.s32 $0x0;
	s16 =	simm.s32 $0x80;
	s17 =	simm.s32 $0x2800  }
0x7: {  	s18 =	simm.s32 $0x6800;
	s19 =	simm.s32 $0x1;
	s20 =	simm.s32 $0x3  }
0x8: {  	s21 =	simm.s32 $0x2;
	s22 =	simm.s32 $0x4;
	s23 =	simm.s32 $0x0  }
0x9: {  	s6 =	smul.u32 $0x14000, s1;
	s7 =	sand.u32 $0x1, s4;
	[smem:$0x7FF] =	sst s3  }
0xa: {  	s9 =	sadd.s32 $0x2E00, s5;
	s12 =	smul.u32 $0x50000, s1;
	s29 =	sshll.u32 s1, $0x6  }
0xb: {  	s4 =	smul.u32 $0x140000, s7;
	_ =	strace $0x8000004A;
	s11 =	ssub.s32 $0x2, s7  }
0xc: {  	s7 =	sshll.u32 s7, $0x4;
	s8 =	sshrl.u32 s6, $0x3;
	s25 =	sshrl.u32 s11, $0x1  }
0xd: {  	s26 =	sor.u32 s1, s7;
	s28 =	sshrl.u32 s12, $0x2;
	s6 =	sadd.s32 s6, s4  }
0xe: {  	s4 =	sadd.s32 $0x85600, s5;
	s8 =	sadd.s32 s8, s5;
	s7 =	smul.u32 $0x2800, s26  }
0xf: {  	s14 =	ssub.s32 s11, s25;
	s15 =	sadd.s32 s28, s2;
	s30 =	smul.u32 $0x500, s26  }
0x10: {  	s6 =	sshrl.u32 s6, $0x3;
	s12 =	smax.u32 s14, $0x1;
	s14 =	simm.s32 $0x5  }
0x11: {  	s13 =	sadd.s32 s6, s5;
	s5 =	sadd.s32 $0xD600, s8;
	s31 =	sshrl.u32 s7, $0x3  }
0x12: {  	s6 =	sor.u32 $0x1C05, s29;
	s7 =	sadd.s32 s9, s30;
	s11 =	sadd.s32 $0x280, s31  }
0x13: {  	s8 =	sadd.s32 s10, s30;
	s9 =	sadd.s32 s9, s11;
	s10 =	sadd.s32 s10, s11  }
0x14: {  	s11 =	sadd.s32 $0xAD600, s13;
	s13 =	sshrl.u32 s15, $0x3;
	s15 =	simm.s32 $0x1400  }
.LBB2_1:
0x15: {  	[spmem:s13], [sflag:s6] =	dma.local [hbm:s5], $0x2800  }
0x16: {  	_ =	swait.ge [sflag:s14], $0x2800  }
0x17: {  	[sflag:s14] =	ssyncset.done $0x0  }
0x18: {  	[sflag:s14] =	ssyncadd.s32 $0xFFFFD800  }
0x19: {  	[bflag:$0x0] =	sbarrier.arrive $0xFFFF  }
0x1a: {  	[tilespmem:s3], [sflag:$0x5] =	stream.linear.gather [hbm4b:s7+s3], $0x1400, $0x38;
	[tilespmem:$0x1E800] =	vst v63  }
0x1b: {  	_ =	swait.ge [sflag:s14], $0x1400  }
0x1c: {  	[sflag:s14] =	ssyncset.done $0x0  }
0x1d: {  	[sflag:s14] =	ssyncadd.s32 $0xFFFFEC00  }
0x1e: {  	[tilespmem:s15], [sflag:$0x5] =	stream.linear.gather [hbm4b:s8+s3], $0x1400, $0x38;
	[tilespmem:$0x1E800] =	vst v63  }
0x1f: {  	_ =	swait.ge [sflag:s14], $0x1400  }
0x20: {  	[sflag:s14] =	ssyncset.done $0x0  }
0x21: {  	[sflag:s14] =	ssyncadd.s32 $0xFFFFEC00  }
0x22: {  	s24 =	simm.s32 $0x0;
	[bflag:$0x0] =	sbarrier.arrive $0xFFFF  }
0x23: {  	[tilespmem:s17], [sflag:$0x1] =	stream.indirect.gather [hbm4b:s4+s16], $0x80, s24, s16, $0xb8;
	[tilespmem:$0x1E800] =	vst v63  }
0x24: {  	s25 =	simm.s32 $0x80  }
0x25: {  	[tilespmem:s18], [sflag:$0x2] =	stream.indirect.gather [hbm4b:s4+s16], $0x80, s25, s16, $0xb8;
	[tilespmem:$0x1E800] =	vst v63  }
0x26: {  	_ =	swait.ge [sflag:s19], $0x4000  }
0x27: {  	[sflag:s19] =	ssyncset.done $0x0  }
0x28: {  	s26 =	simm.s32 $0x1400;
	[sflag:s19] =	ssyncadd.s32 $0xFFFFC000  }
0x29: {  	[spmem:s2] =	stream.indirect.scatter.add.f32 [tilespmem:s17], [sflag:$0x3], $0x80, s26, s16, $0xb8;
	[tilespmem:$0x1E800] =	vst v63  }
0x2a: {  	_ =	swait.ge [sflag:s20], $0x4000  }
0x2b: {  	[sflag:s20] =	ssyncset.done $0x0  }
0x2c: {  	s29 =	simm.s32 $0x100;
	[sflag:s20] =	ssyncadd.s32 $0xFFFFC000  }
0x2d: {  	[tilespmem:s17], [sflag:$0x1] =	stream.indirect.gather [hbm4b:s4+s16], $0x80, s29, s16, $0xb8;
	[tilespmem:$0x1E800] =	vst v63  }
0x2e: {  	_ =	swait.ge [sflag:s21], $0x4000  }
0x2f: {  	[sflag:s21] =	ssyncset.done $0x0  }
0x30: {  	s30 =	simm.s32 $0x1480;
	[sflag:s21] =	ssyncadd.s32 $0xFFFFC000  }
0x31: {  	[spmem:s2] =	stream.indirect.scatter.add.f32 [tilespmem:s18], [sflag:$0x4], $0x80, s30, s16, $0xb8;
	[tilespmem:$0x1E800] =	vst v63  }
0x32: {  	_ =	swait.ge [sflag:s22], $0x4000  }
0x33: {  	[sflag:s22] =	ssyncset.done $0x0  }
0x34: {  	s31 =	simm.s32 $0x180;
	[sflag:s22] =	ssyncadd.s32 $0xFFFFC000  }
0x35: {  	[tilespmem:s18], [sflag:$0x2] =	stream.indirect.gather [hbm4b:s4+s16], $0x80, s31, s16, $0xb8;
	[tilespmem:$0x1E800] =	vst v63  }
0x36: {  	_ =	swait.ge [sflag:s19], $0x4000  }
0x37: {  	[sflag:s19] =	ssyncset.done $0x0  }
0x38: {  	s25 =	simm.s32 $0x1500;
	[sflag:s19] =	ssyncadd.s32 $0xFFFFC000  }
0x39: {  	[spmem:s2] =	stream.indirect.scatter.add.f32 [tilespmem:s17], [sflag:$0x3], $0x80, s25, s16, $0xb8;
	[tilespmem:$0x1E800] =	vst v63  }
0x3a: {  	_ =	swait.ge [sflag:s20], $0x4000  }
0x3b: {  	[sflag:s20] =	ssyncset.done $0x0  }
0x3c: {  	s26 =	simm.s32 $0x200;
	[sflag:s20] =	ssyncadd.s32 $0xFFFFC000  }
0x3d: {  	[tilespmem:s17], [sflag:$0x1] =	stream.indirect.gather [hbm4b:s4+s16], $0x80, s26, s16, $0xb8;
	[tilespmem:$0x1E800] =	vst v63  }
0x3e: {  	_ =	swait.ge [sflag:s21], $0x4000  }
0x3f: {  	[sflag:s21] =	ssyncset.done $0x0  }
0x40: {  	s29 =	simm.s32 $0x1580;
	[sflag:s21] =	ssyncadd.s32 $0xFFFFC000  }
0x41: {  	[spmem:s2] =	stream.indirect.scatter.add.f32 [tilespmem:s18], [sflag:$0x4], $0x80, s29, s16, $0xb8;
	[tilespmem:$0x1E800] =	vst v63  }
0x42: {  	_ =	swait.ge [sflag:s22], $0x4000  }
0x43: {  	[sflag:s22] =	ssyncset.done $0x0  }
0x44: {  	s30 =	simm.s32 $0x280;
	[sflag:s22] =	ssyncadd.s32 $0xFFFFC000  }
0x45: {  	[tilespmem:s18], [sflag:$0x2] =	stream.indirect.gather [hbm4b:s4+s16], $0x80, s30, s16, $0xb8;
	[tilespmem:$0x1E800] =	vst v63  }
0x46: {  	_ =	swait.ge [sflag:s19], $0x4000  }
0x47: {  	[sflag:s19] =	ssyncset.done $0x0  }
0x48: {  	s31 =	simm.s32 $0x1600;
	[sflag:s19] =	ssyncadd.s32 $0xFFFFC000  }
0x49: {  	[spmem:s2] =	stream.indirect.scatter.add.f32 [tilespmem:s17], [sflag:$0x3], $0x80, s31, s16, $0xb8;
	[tilespmem:$0x1E800] =	vst v63  }
0x4a: {  	_ =	swait.ge [sflag:s20], $0x4000  }
0x4b: {  	[sflag:s20] =	ssyncset.done $0x0  }
0x4c: {  	s25 =	simm.s32 $0x300;
	[sflag:s20] =	ssyncadd.s32 $0xFFFFC000  }
0x4d: {  	[tilespmem:s17], [sflag:$0x1] =	stream.indirect.gather [hbm4b:s4+s16], $0x80, s25, s16, $0xb8;
	[tilespmem:$0x1E800] =	vst v63  }
0x4e: {  	_ =	swait.ge [sflag:s21], $0x4000  }
0x4f: {  	[sflag:s21] =	ssyncset.done $0x0  }
0x50: {  	s26 =	simm.s32 $0x1680;
	[sflag:s21] =	ssyncadd.s32 $0xFFFFC000  }
0x51: {  	[spmem:s2] =	stream.indirect.scatter.add.f32 [tilespmem:s18], [sflag:$0x4], $0x80, s26, s16, $0xb8;
	[tilespmem:$0x1E800] =	vst v63  }
0x52: {  	_ =	swait.ge [sflag:s22], $0x4000  }
0x53: {  	[sflag:s22] =	ssyncset.done $0x0  }
0x54: {  	s29 =	simm.s32 $0x380;
	[sflag:s22] =	ssyncadd.s32 $0xFFFFC000  }
0x55: {  	[tilespmem:s18], [sflag:$0x2] =	stream.indirect.gather [hbm4b:s4+s16], $0x80, s29, s16, $0xb8;
	[tilespmem:$0x1E800] =	vst v63  }
0x56: {  	_ =	swait.ge [sflag:s19], $0x4000  }
0x57: {  	[sflag:s19] =	ssyncset.done $0x0  }
0x58: {  	s30 =	simm.s32 $0x1700;
	[sflag:s19] =	ssyncadd.s32 $0xFFFFC000  }
0x59: {  	[spmem:s2] =	stream.indirect.scatter.add.f32 [tilespmem:s17], [sflag:$0x3], $0x80, s30, s16, $0xb8;
	[tilespmem:$0x1E800] =	vst v63  }
0x5a: {  	_ =	swait.ge [sflag:s21], $0x4000  }
0x5b: {  	[sflag:s21] =	ssyncset.done $0x0  }
0x5c: {  	s31 =	simm.s32 $0x1780;
	[sflag:s21] =	ssyncadd.s32 $0xFFFFC000  }
0x5d: {  	[spmem:s2] =	stream.indirect.scatter.add.f32 [tilespmem:s18], [sflag:$0x4], $0x80, s31, s16, $0xb8;
	[tilespmem:$0x1E800] =	vst v63  }
0x5e: {  	_ =	swait.ge [sflag:s20], $0x4000  }
0x5f: {  	[sflag:s20] =	ssyncset.done $0x0  }
0x60: {  	[sflag:s20] =	ssyncadd.s32 $0xFFFFC000  }
0x61: {  	_ =	swait.ge [sflag:s22], $0x4000  }
0x62: {  	s28 =	simm.s32 $0x2000;
	s24 =	simm.s32 $0x1000;
	[sflag:s22] =	ssyncset.done $0x0  }
.LBB2_2:
0x63: {  	s26 =	sshra.s32 s24, $0x2  }
0x64: {  	[sflag:s22] =	ssyncadd.s32 $0xFFFFC000;
	s24 =	smov.u32 s28;
	s25 =	sadd.s32 $0x1000, s28  }
0x65: {  	[tilespmem:s17], [sflag:$0x1] =	stream.indirect.gather [hbm4b:s4+s16], $0x80, s26, s16, $0xb8;
	[tilespmem:$0x1E800] =	vst v63  }
0x66: {  	p0 =	sne.s32 s28, $0x4000;
	s28 =	sadd.s32 $0x80, s26  }
0x67: {  	[tilespmem:s18], [sflag:$0x2] =	stream.indirect.gather [hbm4b:s4+s16], $0x80, s28, s16, $0xb8;
	[tilespmem:$0x1E800] =	vst v63  }
0x68: {  	_ =	swait.ge [sflag:s19], $0x4000  }
0x69: {  	[sflag:s19] =	ssyncset.done $0x0  }
0x6a: {  	s28 =	sadd.s32 $0x1400, s26;
	[sflag:s19] =	ssyncadd.s32 $0xFFFFC000  }
0x6b: {  	[spmem:s2] =	stream.indirect.scatter.add.f32 [tilespmem:s17], [sflag:$0x3], $0x80, s28, s16, $0xb8;
	[tilespmem:$0x1E800] =	vst v63  }
0x6c: {  	_ =	swait.ge [sflag:s20], $0x4000  }
0x6d: {  	[sflag:s20] =	ssyncset.done $0x0  }
0x6e: {  	s28 =	sadd.s32 $0x100, s26;
	[sflag:s20] =	ssyncadd.s32 $0xFFFFC000  }
0x6f: {  	[tilespmem:s17], [sflag:$0x1] =	stream.indirect.gather [hbm4b:s4+s16], $0x80, s28, s16, $0xb8;
	[tilespmem:$0x1E800] =	vst v63  }
0x70: {  	_ =	swait.ge [sflag:s21], $0x4000  }
0x71: {  	[sflag:s21] =	ssyncset.done $0x0  }
0x72: {  	s28 =	sadd.s32 $0x1480, s26;
	[sflag:s21] =	ssyncadd.s32 $0xFFFFC000  }
0x73: {  	[spmem:s2] =	stream.indirect.scatter.add.f32 [tilespmem:s18], [sflag:$0x4], $0x80, s28, s16, $0xb8;
	[tilespmem:$0x1E800] =	vst v63  }
0x74: {  	_ =	swait.ge [sflag:s22], $0x4000  }
0x75: {  	[sflag:s22] =	ssyncset.done $0x0  }
0x76: {  	s28 =	sadd.s32 $0x180, s26;
	[sflag:s22] =	ssyncadd.s32 $0xFFFFC000  }
0x77: {  	[tilespmem:s18], [sflag:$0x2] =	stream.indirect.gather [hbm4b:s4+s16], $0x80, s28, s16, $0xb8;
	[tilespmem:$0x1E800] =	vst v63  }
0x78: {  	_ =	swait.ge [sflag:s19], $0x4000  }
0x79: {  	[sflag:s19] =	ssyncset.done $0x0  }
0x7a: {  	s28 =	sadd.s32 $0x1500, s26;
	[sflag:s19] =	ssyncadd.s32 $0xFFFFC000  }
0x7b: {  	[spmem:s2] =	stream.indirect.scatter.add.f32 [tilespmem:s17], [sflag:$0x3], $0x80, s28, s16, $0xb8;
	[tilespmem:$0x1E800] =	vst v63  }
0x7c: {  	_ =	swait.ge [sflag:s20], $0x4000  }
0x7d: {  	[sflag:s20] =	ssyncset.done $0x0  }
0x7e: {  	s28 =	sadd.s32 $0x200, s26;
	[sflag:s20] =	ssyncadd.s32 $0xFFFFC000  }
0x7f: {  	[tilespmem:s17], [sflag:$0x1] =	stream.indirect.gather [hbm4b:s4+s16], $0x80, s28, s16, $0xb8;
	[tilespmem:$0x1E800] =	vst v63  }
0x80: {  	_ =	swait.ge [sflag:s21], $0x4000  }
0x81: {  	[sflag:s21] =	ssyncset.done $0x0  }
0x82: {  	s28 =	sadd.s32 $0x1580, s26;
	[sflag:s21] =	ssyncadd.s32 $0xFFFFC000  }
0x83: {  	[spmem:s2] =	stream.indirect.scatter.add.f32 [tilespmem:s18], [sflag:$0x4], $0x80, s28, s16, $0xb8;
	[tilespmem:$0x1E800] =	vst v63  }
0x84: {  	_ =	swait.ge [sflag:s22], $0x4000  }
0x85: {  	[sflag:s22] =	ssyncset.done $0x0  }
0x86: {  	s28 =	sadd.s32 $0x280, s26;
	[sflag:s22] =	ssyncadd.s32 $0xFFFFC000  }
0x87: {  	[tilespmem:s18], [sflag:$0x2] =	stream.indirect.gather [hbm4b:s4+s16], $0x80, s28, s16, $0xb8;
	[tilespmem:$0x1E800] =	vst v63  }
0x88: {  	_ =	swait.ge [sflag:s19], $0x4000  }
0x89: {  	[sflag:s19] =	ssyncset.done $0x0  }
0x8a: {  	s28 =	sadd.s32 $0x1600, s26;
	[sflag:s19] =	ssyncadd.s32 $0xFFFFC000  }
0x8b: {  	[spmem:s2] =	stream.indirect.scatter.add.f32 [tilespmem:s17], [sflag:$0x3], $0x80, s28, s16, $0xb8;
	[tilespmem:$0x1E800] =	vst v63  }
0x8c: {  	_ =	swait.ge [sflag:s20], $0x4000  }
0x8d: {  	[sflag:s20] =	ssyncset.done $0x0  }
0x8e: {  	s28 =	sadd.s32 $0x300, s26;
	[sflag:s20] =	ssyncadd.s32 $0xFFFFC000  }
0x8f: {  	[tilespmem:s17], [sflag:$0x1] =	stream.indirect.gather [hbm4b:s4+s16], $0x80, s28, s16, $0xb8;
	[tilespmem:$0x1E800] =	vst v63  }
0x90: {  	_ =	swait.ge [sflag:s21], $0x4000  }
0x91: {  	[sflag:s21] =	ssyncset.done $0x0  }
0x92: {  	s28 =	sadd.s32 $0x1680, s26;
	[sflag:s21] =	ssyncadd.s32 $0xFFFFC000  }
0x93: {  	[spmem:s2] =	stream.indirect.scatter.add.f32 [tilespmem:s18], [sflag:$0x4], $0x80, s28, s16, $0xb8;
	[tilespmem:$0x1E800] =	vst v63  }
0x94: {  	_ =	swait.ge [sflag:s22], $0x4000  }
0x95: {  	[sflag:s22] =	ssyncset.done $0x0  }
0x96: {  	s28 =	sadd.s32 $0x380, s26;
	[sflag:s22] =	ssyncadd.s32 $0xFFFFC000  }
0x97: {  	[tilespmem:s18], [sflag:$0x2] =	stream.indirect.gather [hbm4b:s4+s16], $0x80, s28, s16, $0xb8;
	[tilespmem:$0x1E800] =	vst v63  }
0x98: {  	_ =	swait.ge [sflag:s19], $0x4000  }
0x99: {  	[sflag:s19] =	ssyncset.done $0x0  }
0x9a: {  	s28 =	sadd.s32 $0x1700, s26;
	[sflag:s19] =	ssyncadd.s32 $0xFFFFC000  }
0x9b: {  	[spmem:s2] =	stream.indirect.scatter.add.f32 [tilespmem:s17], [sflag:$0x3], $0x80, s28, s16, $0xb8;
	[tilespmem:$0x1E800] =	vst v63  }
0x9c: {  	_ =	swait.ge [sflag:s21], $0x4000  }
0x9d: {  	[sflag:s21] =	ssyncset.done $0x0  }
0x9e: {  	s26 =	sadd.s32 $0x1780, s26;
	[sflag:s21] =	ssyncadd.s32 $0xFFFFC000  }
0x9f: {  	[spmem:s2] =	stream.indirect.scatter.add.f32 [tilespmem:s18], [sflag:$0x4], $0x80, s26, s16, $0xb8;
	[tilespmem:$0x1E800] =	vst v63  }
.Ltmp0:
0xa0: {  	_ =	swait.ge [sflag:s20], $0x4000;
	(pc) =	sbr.rel @p0 .LBB2_2-.Ltmp0, $4  }
0xa1: {  	[sflag:s20] =	ssyncset.done $0x0  }
0xa2: {  	[sflag:s20] =	ssyncadd.s32 $0xFFFFC000  }
0xa3: {  	_ =	swait.ge [sflag:s22], $0x4000  }
0xa4: {  	s28 =	smov.u32 s25;
	[sflag:s22] =	ssyncset.done $0x0  }
0xa5: {  	s24 =	sshra.s32 s24, $0x2;
	[sflag:s22] =	ssyncadd.s32 $0xFFFFC000  }
0xa6: {  	[tilespmem:s17], [sflag:$0x1] =	stream.indirect.gather [hbm4b:s4+s16], $0x80, s24, s16, $0xb8;
	[tilespmem:$0x1E800] =	vst v63  }
0xa7: {  	s25 =	sadd.s32 $0x80, s24  }
0xa8: {  	[tilespmem:s18], [sflag:$0x2] =	stream.indirect.gather [hbm4b:s4+s16], $0x80, s25, s16, $0xb8;
	[tilespmem:$0x1E800] =	vst v63  }
0xa9: {  	_ =	swait.ge [sflag:s19], $0x4000  }
0xaa: {  	[sflag:s19] =	ssyncset.done $0x0  }
0xab: {  	s29 =	sadd.s32 $0x1400, s24;
	[sflag:s19] =	ssyncadd.s32 $0xFFFFC000  }
0xac: {  	[spmem:s2] =	stream.indirect.scatter.add.f32 [tilespmem:s17], [sflag:$0x3], $0x80, s29, s16, $0xb8;
	[tilespmem:$0x1E800] =	vst v63  }
0xad: {  	_ =	swait.ge [sflag:s20], $0x4000  }
0xae: {  	[sflag:s20] =	ssyncset.done $0x0  }
0xaf: {  	s30 =	sadd.s32 $0x100, s24;
	[sflag:s20] =	ssyncadd.s32 $0xFFFFC000  }
0xb0: {  	[tilespmem:s17], [sflag:$0x1] =	stream.indirect.gather [hbm4b:s4+s16], $0x80, s30, s16, $0xb8;
	[tilespmem:$0x1E800] =	vst v63  }
0xb1: {  	_ =	swait.ge [sflag:s21], $0x4000  }
0xb2: {  	[sflag:s21] =	ssyncset.done $0x0  }
0xb3: {  	s31 =	sadd.s32 $0x1480, s24;
	[sflag:s21] =	ssyncadd.s32 $0xFFFFC000  }
0xb4: {  	[spmem:s2] =	stream.indirect.scatter.add.f32 [tilespmem:s18], [sflag:$0x4], $0x80, s31, s16, $0xb8;
	[tilespmem:$0x1E800] =	vst v63  }
0xb5: {  	_ =	swait.ge [sflag:s22], $0x4000  }
0xb6: {  	[sflag:s22] =	ssyncset.done $0x0  }
0xb7: {  	s26 =	sadd.s32 $0x180, s24;
	[sflag:s22] =	ssyncadd.s32 $0xFFFFC000  }
0xb8: {  	[tilespmem:s18], [sflag:$0x2] =	stream.indirect.gather [hbm4b:s4+s16], $0x80, s26, s16, $0xb8;
	[tilespmem:$0x1E800] =	vst v63  }
0xb9: {  	_ =	swait.ge [sflag:s19], $0x4000  }
0xba: {  	[sflag:s19] =	ssyncset.done $0x0  }
0xbb: {  	s29 =	sadd.s32 $0x1500, s24;
	[sflag:s19] =	ssyncadd.s32 $0xFFFFC000  }
0xbc: {  	[spmem:s2] =	stream.indirect.scatter.add.f32 [tilespmem:s17], [sflag:$0x3], $0x80, s29, s16, $0xb8;
	[tilespmem:$0x1E800] =	vst v63  }
0xbd: {  	_ =	swait.ge [sflag:s20], $0x4000  }
0xbe: {  	[sflag:s20] =	ssyncset.done $0x0  }
0xbf: {  	s30 =	sadd.s32 $0x200, s24;
	[sflag:s20] =	ssyncadd.s32 $0xFFFFC000  }
0xc0: {  	[tilespmem:s17], [sflag:$0x1] =	stream.indirect.gather [hbm4b:s4+s16], $0x80, s30, s16, $0xb8;
	[tilespmem:$0x1E800] =	vst v63  }
0xc1: {  	_ =	swait.ge [sflag:s21], $0x4000  }
0xc2: {  	[sflag:s21] =	ssyncset.done $0x0  }
0xc3: {  	s31 =	sadd.s32 $0x1580, s24;
	[sflag:s21] =	ssyncadd.s32 $0xFFFFC000  }
0xc4: {  	[spmem:s2] =	stream.indirect.scatter.add.f32 [tilespmem:s18], [sflag:$0x4], $0x80, s31, s16, $0xb8;
	[tilespmem:$0x1E800] =	vst v63  }
0xc5: {  	_ =	swait.ge [sflag:s22], $0x4000  }
0xc6: {  	[sflag:s22] =	ssyncset.done $0x0  }
0xc7: {  	s26 =	sadd.s32 $0x280, s24;
	[sflag:s22] =	ssyncadd.s32 $0xFFFFC000  }
0xc8: {  	[tilespmem:s18], [sflag:$0x2] =	stream.indirect.gather [hbm4b:s4+s16], $0x80, s26, s16, $0xb8;
	[tilespmem:$0x1E800] =	vst v63  }
0xc9: {  	_ =	swait.ge [sflag:s19], $0x4000  }
0xca: {  	[sflag:s19] =	ssyncset.done $0x0  }
0xcb: {  	s29 =	sadd.s32 $0x1600, s24;
	[sflag:s19] =	ssyncadd.s32 $0xFFFFC000  }
0xcc: {  	[spmem:s2] =	stream.indirect.scatter.add.f32 [tilespmem:s17], [sflag:$0x3], $0x80, s29, s16, $0xb8;
	[tilespmem:$0x1E800] =	vst v63  }
0xcd: {  	_ =	swait.ge [sflag:s20], $0x4000  }
0xce: {  	[sflag:s20] =	ssyncset.done $0x0  }
0xcf: {  	s30 =	sadd.s32 $0x300, s24;
	[sflag:s20] =	ssyncadd.s32 $0xFFFFC000  }
0xd0: {  	[tilespmem:s17], [sflag:$0x1] =	stream.indirect.gather [hbm4b:s4+s16], $0x80, s30, s16, $0xb8;
	[tilespmem:$0x1E800] =	vst v63  }
0xd1: {  	_ =	swait.ge [sflag:s21], $0x4000  }
0xd2: {  	[sflag:s21] =	ssyncset.done $0x0  }
0xd3: {  	s31 =	sadd.s32 $0x1680, s24;
	[sflag:s21] =	ssyncadd.s32 $0xFFFFC000  }
0xd4: {  	[spmem:s2] =	stream.indirect.scatter.add.f32 [tilespmem:s18], [sflag:$0x4], $0x80, s31, s16, $0xb8;
	[tilespmem:$0x1E800] =	vst v63  }
0xd5: {  	_ =	swait.ge [sflag:s22], $0x4000  }
0xd6: {  	[sflag:s22] =	ssyncset.done $0x0  }
0xd7: {  	s26 =	sadd.s32 $0x380, s24;
	[sflag:s22] =	ssyncadd.s32 $0xFFFFC000  }
0xd8: {  	[tilespmem:s18], [sflag:$0x2] =	stream.indirect.gather [hbm4b:s4+s16], $0x80, s26, s16, $0xb8;
	[tilespmem:$0x1E800] =	vst v63  }
0xd9: {  	_ =	swait.ge [sflag:s19], $0x4000  }
0xda: {  	[sflag:s19] =	ssyncset.done $0x0  }
0xdb: {  	s29 =	sadd.s32 $0x1700, s24;
	[sflag:s19] =	ssyncadd.s32 $0xFFFFC000  }
0xdc: {  	[spmem:s2] =	stream.indirect.scatter.add.f32 [tilespmem:s17], [sflag:$0x3], $0x80, s29, s16, $0xb8;
	[tilespmem:$0x1E800] =	vst v63  }
0xdd: {  	_ =	swait.ge [sflag:s21], $0x4000  }
0xde: {  	[sflag:s21] =	ssyncset.done $0x0  }
0xdf: {  	s24 =	sadd.s32 $0x1780, s24;
	[sflag:s21] =	ssyncadd.s32 $0xFFFFC000  }
0xe0: {  	[spmem:s2] =	stream.indirect.scatter.add.f32 [tilespmem:s18], [sflag:$0x4], $0x80, s24, s16, $0xb8;
	[tilespmem:$0x1E800] =	vst v63  }
0xe1: {  	_ =	swait.ge [sflag:s20], $0x4000  }
0xe2: {  	[sflag:s20] =	ssyncset.done $0x0  }
0xe3: {  	[sflag:s20] =	ssyncadd.s32 $0xFFFFC000  }
0xe4: {  	_ =	swait.ge [sflag:s22], $0x4000  }
0xe5: {  	[sflag:s22] =	ssyncset.done $0x0  }
0xe6: {  	[sflag:s22] =	ssyncadd.s32 $0xFFFFC000  }
0xe7: {  	s30 =	simm.s32 $0x0;
	[bflag:$0x0] =	sbarrier.arrive $0xFFFF  }
0xe8: {  	[tilespmem:s30], [sflag:$0x5] =	stream.linear.gather [hbm4b:s9+s30], $0x1400, $0x38;
	[tilespmem:$0x1E800] =	vst v63  }
0xe9: {  	_ =	swait.ge [sflag:s14], $0x1400  }
0xea: {  	[sflag:s14] =	ssyncset.done $0x0  }
0xeb: {  	[sflag:s14] =	ssyncadd.s32 $0xFFFFEC00  }
0xec: {  	[tilespmem:s15], [sflag:$0x5] =	stream.linear.gather [hbm4b:s10+s30], $0x1400, $0x38;
	[tilespmem:$0x1E800] =	vst v63  }
0xed: {  	_ =	swait.ge [sflag:s14], $0x1400  }
0xee: {  	[sflag:s14] =	ssyncset.done $0x0  }
0xef: {  	[sflag:s14] =	ssyncadd.s32 $0xFFFFEC00  }
0xf0: {  	s31 =	simm.s32 $0x0;
	[bflag:$0x0] =	sbarrier.arrive $0xFFFF  }
0xf1: {  	[tilespmem:s17], [sflag:$0x1] =	stream.indirect.gather [hbm4b:s4+s16], $0x80, s31, s16, $0xb8;
	[tilespmem:$0x1E800] =	vst v63  }
0xf2: {  	s25 =	simm.s32 $0x80  }
0xf3: {  	[tilespmem:s18], [sflag:$0x2] =	stream.indirect.gather [hbm4b:s4+s16], $0x80, s25, s16, $0xb8;
	[tilespmem:$0x1E800] =	vst v63  }
0xf4: {  	_ =	swait.ge [sflag:s19], $0x4000  }
0xf5: {  	[sflag:s19] =	ssyncset.done $0x0  }
0xf6: {  	s26 =	simm.s32 $0x1400;
	[sflag:s19] =	ssyncadd.s32 $0xFFFFC000  }
0xf7: {  	[spmem:s2] =	stream.indirect.scatter.add.f32 [tilespmem:s17], [sflag:$0x3], $0x80, s26, s16, $0xb8;
	[tilespmem:$0x1E800] =	vst v63  }
0xf8: {  	_ =	swait.ge [sflag:s20], $0x4000  }
0xf9: {  	[sflag:s20] =	ssyncset.done $0x0  }
0xfa: {  	s29 =	simm.s32 $0x100;
	[sflag:s20] =	ssyncadd.s32 $0xFFFFC000  }
0xfb: {  	[tilespmem:s17], [sflag:$0x1] =	stream.indirect.gather [hbm4b:s4+s16], $0x80, s29, s16, $0xb8;
	[tilespmem:$0x1E800] =	vst v63  }
0xfc: {  	_ =	swait.ge [sflag:s21], $0x4000  }
0xfd: {  	[sflag:s21] =	ssyncset.done $0x0  }
0xfe: {  	s30 =	simm.s32 $0x1480;
	[sflag:s21] =	ssyncadd.s32 $0xFFFFC000  }
0xff: {  	[spmem:s2] =	stream.indirect.scatter.add.f32 [tilespmem:s18], [sflag:$0x4], $0x80, s30, s16, $0xb8;
	[tilespmem:$0x1E800] =	vst v63  }
0x100: {  	_ =	swait.ge [sflag:s22], $0x4000  }
0x101: {  	[sflag:s22] =	ssyncset.done $0x0  }
0x102: {  	s31 =	simm.s32 $0x180;
	[sflag:s22] =	ssyncadd.s32 $0xFFFFC000  }
0x103: {  	[tilespmem:s18], [sflag:$0x2] =	stream.indirect.gather [hbm4b:s4+s16], $0x80, s31, s16, $0xb8;
	[tilespmem:$0x1E800] =	vst v63  }
0x104: {  	_ =	swait.ge [sflag:s19], $0x4000  }
0x105: {  	[sflag:s19] =	ssyncset.done $0x0  }
0x106: {  	s25 =	simm.s32 $0x1500;
	[sflag:s19] =	ssyncadd.s32 $0xFFFFC000  }
0x107: {  	[spmem:s2] =	stream.indirect.scatter.add.f32 [tilespmem:s17], [sflag:$0x3], $0x80, s25, s16, $0xb8;
	[tilespmem:$0x1E800] =	vst v63  }
0x108: {  	_ =	swait.ge [sflag:s20], $0x4000  }
0x109: {  	[sflag:s20] =	ssyncset.done $0x0  }
0x10a: {  	s26 =	simm.s32 $0x200;
	[sflag:s20] =	ssyncadd.s32 $0xFFFFC000  }
0x10b: {  	[tilespmem:s17], [sflag:$0x1] =	stream.indirect.gather [hbm4b:s4+s16], $0x80, s26, s16, $0xb8;
	[tilespmem:$0x1E800] =	vst v63  }
0x10c: {  	_ =	swait.ge [sflag:s21], $0x4000  }
0x10d: {  	[sflag:s21] =	ssyncset.done $0x0  }
0x10e: {  	s29 =	simm.s32 $0x1580;
	[sflag:s21] =	ssyncadd.s32 $0xFFFFC000  }
0x10f: {  	[spmem:s2] =	stream.indirect.scatter.add.f32 [tilespmem:s18], [sflag:$0x4], $0x80, s29, s16, $0xb8;
	[tilespmem:$0x1E800] =	vst v63  }
0x110: {  	_ =	swait.ge [sflag:s22], $0x4000  }
0x111: {  	[sflag:s22] =	ssyncset.done $0x0  }
0x112: {  	s30 =	simm.s32 $0x280;
	[sflag:s22] =	ssyncadd.s32 $0xFFFFC000  }
0x113: {  	[tilespmem:s18], [sflag:$0x2] =	stream.indirect.gather [hbm4b:s4+s16], $0x80, s30, s16, $0xb8;
	[tilespmem:$0x1E800] =	vst v63  }
0x114: {  	_ =	swait.ge [sflag:s19], $0x4000  }
0x115: {  	[sflag:s19] =	ssyncset.done $0x0  }
0x116: {  	s31 =	simm.s32 $0x1600;
	[sflag:s19] =	ssyncadd.s32 $0xFFFFC000  }
0x117: {  	[spmem:s2] =	stream.indirect.scatter.add.f32 [tilespmem:s17], [sflag:$0x3], $0x80, s31, s16, $0xb8;
	[tilespmem:$0x1E800] =	vst v63  }
0x118: {  	_ =	swait.ge [sflag:s20], $0x4000  }
0x119: {  	[sflag:s20] =	ssyncset.done $0x0  }
0x11a: {  	s25 =	simm.s32 $0x300;
	[sflag:s20] =	ssyncadd.s32 $0xFFFFC000  }
0x11b: {  	[tilespmem:s17], [sflag:$0x1] =	stream.indirect.gather [hbm4b:s4+s16], $0x80, s25, s16, $0xb8;
	[tilespmem:$0x1E800] =	vst v63  }
0x11c: {  	_ =	swait.ge [sflag:s21], $0x4000  }
0x11d: {  	[sflag:s21] =	ssyncset.done $0x0  }
0x11e: {  	s26 =	simm.s32 $0x1680;
	[sflag:s21] =	ssyncadd.s32 $0xFFFFC000  }
0x11f: {  	[spmem:s2] =	stream.indirect.scatter.add.f32 [tilespmem:s18], [sflag:$0x4], $0x80, s26, s16, $0xb8;
	[tilespmem:$0x1E800] =	vst v63  }
0x120: {  	_ =	swait.ge [sflag:s22], $0x4000  }
0x121: {  	[sflag:s22] =	ssyncset.done $0x0  }
0x122: {  	s29 =	simm.s32 $0x380;
	[sflag:s22] =	ssyncadd.s32 $0xFFFFC000  }
0x123: {  	[tilespmem:s18], [sflag:$0x2] =	stream.indirect.gather [hbm4b:s4+s16], $0x80, s29, s16, $0xb8;
	[tilespmem:$0x1E800] =	vst v63  }
0x124: {  	_ =	swait.ge [sflag:s19], $0x4000  }
0x125: {  	[sflag:s19] =	ssyncset.done $0x0  }
0x126: {  	s30 =	simm.s32 $0x1700;
	[sflag:s19] =	ssyncadd.s32 $0xFFFFC000  }
0x127: {  	[spmem:s2] =	stream.indirect.scatter.add.f32 [tilespmem:s17], [sflag:$0x3], $0x80, s30, s16, $0xb8;
	[tilespmem:$0x1E800] =	vst v63  }
0x128: {  	_ =	swait.ge [sflag:s21], $0x4000  }
0x129: {  	[sflag:s21] =	ssyncset.done $0x0  }
0x12a: {  	s31 =	simm.s32 $0x1780;
	[sflag:s21] =	ssyncadd.s32 $0xFFFFC000  }
0x12b: {  	[spmem:s2] =	stream.indirect.scatter.add.f32 [tilespmem:s18], [sflag:$0x4], $0x80, s31, s16, $0xb8;
	[tilespmem:$0x1E800] =	vst v63  }
0x12c: {  	_ =	swait.ge [sflag:s20], $0x4000  }
0x12d: {  	[sflag:s20] =	ssyncset.done $0x0  }
0x12e: {  	[sflag:s20] =	ssyncadd.s32 $0xFFFFC000  }
0x12f: {  	_ =	swait.ge [sflag:s22], $0x4000  }
0x130: {  	s28 =	simm.s32 $0x2000;
	s24 =	simm.s32 $0x1000;
	[sflag:s22] =	ssyncset.done $0x0  }
.LBB2_4:
0x131: {  	s26 =	sshra.s32 s24, $0x2  }
0x132: {  	[sflag:s22] =	ssyncadd.s32 $0xFFFFC000;
	s24 =	smov.u32 s28;
	s25 =	sadd.s32 $0x1000, s28  }
0x133: {  	[tilespmem:s17], [sflag:$0x1] =	stream.indirect.gather [hbm4b:s4+s16], $0x80, s26, s16, $0xb8;
	[tilespmem:$0x1E800] =	vst v63  }
0x134: {  	p0 =	sne.s32 s28, $0x4000;
	s28 =	sadd.s32 $0x80, s26  }
0x135: {  	[tilespmem:s18], [sflag:$0x2] =	stream.indirect.gather [hbm4b:s4+s16], $0x80, s28, s16, $0xb8;
	[tilespmem:$0x1E800] =	vst v63  }
0x136: {  	_ =	swait.ge [sflag:s19], $0x4000  }
0x137: {  	[sflag:s19] =	ssyncset.done $0x0  }
0x138: {  	s28 =	sadd.s32 $0x1400, s26;
	[sflag:s19] =	ssyncadd.s32 $0xFFFFC000  }
0x139: {  	[spmem:s2] =	stream.indirect.scatter.add.f32 [tilespmem:s17], [sflag:$0x3], $0x80, s28, s16, $0xb8;
	[tilespmem:$0x1E800] =	vst v63  }
0x13a: {  	_ =	swait.ge [sflag:s20], $0x4000  }
0x13b: {  	[sflag:s20] =	ssyncset.done $0x0  }
0x13c: {  	s28 =	sadd.s32 $0x100, s26;
	[sflag:s20] =	ssyncadd.s32 $0xFFFFC000  }
0x13d: {  	[tilespmem:s17], [sflag:$0x1] =	stream.indirect.gather [hbm4b:s4+s16], $0x80, s28, s16, $0xb8;
	[tilespmem:$0x1E800] =	vst v63  }
0x13e: {  	_ =	swait.ge [sflag:s21], $0x4000  }
0x13f: {  	[sflag:s21] =	ssyncset.done $0x0  }
0x140: {  	s28 =	sadd.s32 $0x1480, s26;
	[sflag:s21] =	ssyncadd.s32 $0xFFFFC000  }
0x141: {  	[spmem:s2] =	stream.indirect.scatter.add.f32 [tilespmem:s18], [sflag:$0x4], $0x80, s28, s16, $0xb8;
	[tilespmem:$0x1E800] =	vst v63  }
0x142: {  	_ =	swait.ge [sflag:s22], $0x4000  }
0x143: {  	[sflag:s22] =	ssyncset.done $0x0  }
0x144: {  	s28 =	sadd.s32 $0x180, s26;
	[sflag:s22] =	ssyncadd.s32 $0xFFFFC000  }
0x145: {  	[tilespmem:s18], [sflag:$0x2] =	stream.indirect.gather [hbm4b:s4+s16], $0x80, s28, s16, $0xb8;
	[tilespmem:$0x1E800] =	vst v63  }
0x146: {  	_ =	swait.ge [sflag:s19], $0x4000  }
0x147: {  	[sflag:s19] =	ssyncset.done $0x0  }
0x148: {  	s28 =	sadd.s32 $0x1500, s26;
	[sflag:s19] =	ssyncadd.s32 $0xFFFFC000  }
0x149: {  	[spmem:s2] =	stream.indirect.scatter.add.f32 [tilespmem:s17], [sflag:$0x3], $0x80, s28, s16, $0xb8;
	[tilespmem:$0x1E800] =	vst v63  }
0x14a: {  	_ =	swait.ge [sflag:s20], $0x4000  }
0x14b: {  	[sflag:s20] =	ssyncset.done $0x0  }
0x14c: {  	s28 =	sadd.s32 $0x200, s26;
	[sflag:s20] =	ssyncadd.s32 $0xFFFFC000  }
0x14d: {  	[tilespmem:s17], [sflag:$0x1] =	stream.indirect.gather [hbm4b:s4+s16], $0x80, s28, s16, $0xb8;
	[tilespmem:$0x1E800] =	vst v63  }
0x14e: {  	_ =	swait.ge [sflag:s21], $0x4000  }
0x14f: {  	[sflag:s21] =	ssyncset.done $0x0  }
0x150: {  	s28 =	sadd.s32 $0x1580, s26;
	[sflag:s21] =	ssyncadd.s32 $0xFFFFC000  }
0x151: {  	[spmem:s2] =	stream.indirect.scatter.add.f32 [tilespmem:s18], [sflag:$0x4], $0x80, s28, s16, $0xb8;
	[tilespmem:$0x1E800] =	vst v63  }
0x152: {  	_ =	swait.ge [sflag:s22], $0x4000  }
0x153: {  	[sflag:s22] =	ssyncset.done $0x0  }
0x154: {  	s28 =	sadd.s32 $0x280, s26;
	[sflag:s22] =	ssyncadd.s32 $0xFFFFC000  }
0x155: {  	[tilespmem:s18], [sflag:$0x2] =	stream.indirect.gather [hbm4b:s4+s16], $0x80, s28, s16, $0xb8;
	[tilespmem:$0x1E800] =	vst v63  }
0x156: {  	_ =	swait.ge [sflag:s19], $0x4000  }
0x157: {  	[sflag:s19] =	ssyncset.done $0x0  }
0x158: {  	s28 =	sadd.s32 $0x1600, s26;
	[sflag:s19] =	ssyncadd.s32 $0xFFFFC000  }
0x159: {  	[spmem:s2] =	stream.indirect.scatter.add.f32 [tilespmem:s17], [sflag:$0x3], $0x80, s28, s16, $0xb8;
	[tilespmem:$0x1E800] =	vst v63  }
0x15a: {  	_ =	swait.ge [sflag:s20], $0x4000  }
0x15b: {  	[sflag:s20] =	ssyncset.done $0x0  }
0x15c: {  	s28 =	sadd.s32 $0x300, s26;
	[sflag:s20] =	ssyncadd.s32 $0xFFFFC000  }
0x15d: {  	[tilespmem:s17], [sflag:$0x1] =	stream.indirect.gather [hbm4b:s4+s16], $0x80, s28, s16, $0xb8;
	[tilespmem:$0x1E800] =	vst v63  }
0x15e: {  	_ =	swait.ge [sflag:s21], $0x4000  }
0x15f: {  	[sflag:s21] =	ssyncset.done $0x0  }
0x160: {  	s28 =	sadd.s32 $0x1680, s26;
	[sflag:s21] =	ssyncadd.s32 $0xFFFFC000  }
0x161: {  	[spmem:s2] =	stream.indirect.scatter.add.f32 [tilespmem:s18], [sflag:$0x4], $0x80, s28, s16, $0xb8;
	[tilespmem:$0x1E800] =	vst v63  }
0x162: {  	_ =	swait.ge [sflag:s22], $0x4000  }
0x163: {  	[sflag:s22] =	ssyncset.done $0x0  }
0x164: {  	s28 =	sadd.s32 $0x380, s26;
	[sflag:s22] =	ssyncadd.s32 $0xFFFFC000  }
0x165: {  	[tilespmem:s18], [sflag:$0x2] =	stream.indirect.gather [hbm4b:s4+s16], $0x80, s28, s16, $0xb8;
	[tilespmem:$0x1E800] =	vst v63  }
0x166: {  	_ =	swait.ge [sflag:s19], $0x4000  }
0x167: {  	[sflag:s19] =	ssyncset.done $0x0  }
0x168: {  	s28 =	sadd.s32 $0x1700, s26;
	[sflag:s19] =	ssyncadd.s32 $0xFFFFC000  }
0x169: {  	[spmem:s2] =	stream.indirect.scatter.add.f32 [tilespmem:s17], [sflag:$0x3], $0x80, s28, s16, $0xb8;
	[tilespmem:$0x1E800] =	vst v63  }
0x16a: {  	_ =	swait.ge [sflag:s21], $0x4000  }
0x16b: {  	[sflag:s21] =	ssyncset.done $0x0  }
0x16c: {  	s26 =	sadd.s32 $0x1780, s26;
	[sflag:s21] =	ssyncadd.s32 $0xFFFFC000  }
0x16d: {  	[spmem:s2] =	stream.indirect.scatter.add.f32 [tilespmem:s18], [sflag:$0x4], $0x80, s26, s16, $0xb8;
	[tilespmem:$0x1E800] =	vst v63  }
.Ltmp1:
0x16e: {  	_ =	swait.ge [sflag:s20], $0x4000;
	(pc) =	sbr.rel @p0 .LBB2_4-.Ltmp1, $4  }
0x16f: {  	[sflag:s20] =	ssyncset.done $0x0  }
0x170: {  	[sflag:s20] =	ssyncadd.s32 $0xFFFFC000  }
0x171: {  	_ =	swait.ge [sflag:s22], $0x4000  }
0x172: {  	s28 =	smov.u32 s25;
	[sflag:s22] =	ssyncset.done $0x0  }
0x173: {  	s24 =	sshra.s32 s24, $0x2;
	[sflag:s22] =	ssyncadd.s32 $0xFFFFC000  }
0x174: {  	[tilespmem:s17], [sflag:$0x1] =	stream.indirect.gather [hbm4b:s4+s16], $0x80, s24, s16, $0xb8;
	[tilespmem:$0x1E800] =	vst v63  }
0x175: {  	s25 =	sadd.s32 $0x80, s24  }
0x176: {  	[tilespmem:s18], [sflag:$0x2] =	stream.indirect.gather [hbm4b:s4+s16], $0x80, s25, s16, $0xb8;
	[tilespmem:$0x1E800] =	vst v63  }
0x177: {  	_ =	swait.ge [sflag:s19], $0x4000  }
0x178: {  	[sflag:s19] =	ssyncset.done $0x0  }
0x179: {  	s29 =	sadd.s32 $0x1400, s24;
	[sflag:s19] =	ssyncadd.s32 $0xFFFFC000  }
0x17a: {  	[spmem:s2] =	stream.indirect.scatter.add.f32 [tilespmem:s17], [sflag:$0x3], $0x80, s29, s16, $0xb8;
	[tilespmem:$0x1E800] =	vst v63  }
0x17b: {  	_ =	swait.ge [sflag:s20], $0x4000  }
0x17c: {  	[sflag:s20] =	ssyncset.done $0x0  }
0x17d: {  	s30 =	sadd.s32 $0x100, s24;
	[sflag:s20] =	ssyncadd.s32 $0xFFFFC000  }
0x17e: {  	[tilespmem:s17], [sflag:$0x1] =	stream.indirect.gather [hbm4b:s4+s16], $0x80, s30, s16, $0xb8;
	[tilespmem:$0x1E800] =	vst v63  }
0x17f: {  	_ =	swait.ge [sflag:s21], $0x4000  }
0x180: {  	[sflag:s21] =	ssyncset.done $0x0  }
0x181: {  	s31 =	sadd.s32 $0x1480, s24;
	[sflag:s21] =	ssyncadd.s32 $0xFFFFC000  }
0x182: {  	[spmem:s2] =	stream.indirect.scatter.add.f32 [tilespmem:s18], [sflag:$0x4], $0x80, s31, s16, $0xb8;
	[tilespmem:$0x1E800] =	vst v63  }
0x183: {  	_ =	swait.ge [sflag:s22], $0x4000  }
0x184: {  	[sflag:s22] =	ssyncset.done $0x0  }
0x185: {  	s26 =	sadd.s32 $0x180, s24;
	[sflag:s22] =	ssyncadd.s32 $0xFFFFC000  }
0x186: {  	[tilespmem:s18], [sflag:$0x2] =	stream.indirect.gather [hbm4b:s4+s16], $0x80, s26, s16, $0xb8;
	[tilespmem:$0x1E800] =	vst v63  }
0x187: {  	_ =	swait.ge [sflag:s19], $0x4000  }
0x188: {  	[sflag:s19] =	ssyncset.done $0x0  }
0x189: {  	s28 =	sadd.s32 $0x1500, s24;
	[sflag:s19] =	ssyncadd.s32 $0xFFFFC000  }
0x18a: {  	[spmem:s2] =	stream.indirect.scatter.add.f32 [tilespmem:s17], [sflag:$0x3], $0x80, s28, s16, $0xb8;
	[tilespmem:$0x1E800] =	vst v63  }
0x18b: {  	_ =	swait.ge [sflag:s20], $0x4000  }
0x18c: {  	[sflag:s20] =	ssyncset.done $0x0  }
0x18d: {  	s29 =	sadd.s32 $0x200, s24;
	[sflag:s20] =	ssyncadd.s32 $0xFFFFC000  }
0x18e: {  	[tilespmem:s17], [sflag:$0x1] =	stream.indirect.gather [hbm4b:s4+s16], $0x80, s29, s16, $0xb8;
	[tilespmem:$0x1E800] =	vst v63  }
0x18f: {  	_ =	swait.ge [sflag:s21], $0x4000  }
0x190: {  	[sflag:s21] =	ssyncset.done $0x0  }
0x191: {  	s30 =	sadd.s32 $0x1580, s24;
	[sflag:s21] =	ssyncadd.s32 $0xFFFFC000  }
0x192: {  	[spmem:s2] =	stream.indirect.scatter.add.f32 [tilespmem:s18], [sflag:$0x4], $0x80, s30, s16, $0xb8;
	[tilespmem:$0x1E800] =	vst v63  }
0x193: {  	_ =	swait.ge [sflag:s22], $0x4000  }
0x194: {  	[sflag:s22] =	ssyncset.done $0x0  }
0x195: {  	s31 =	sadd.s32 $0x280, s24;
	[sflag:s22] =	ssyncadd.s32 $0xFFFFC000  }
0x196: {  	[tilespmem:s18], [sflag:$0x2] =	stream.indirect.gather [hbm4b:s4+s16], $0x80, s31, s16, $0xb8;
	[tilespmem:$0x1E800] =	vst v63  }
0x197: {  	_ =	swait.ge [sflag:s19], $0x4000  }
0x198: {  	[sflag:s19] =	ssyncset.done $0x0  }
0x199: {  	s26 =	sadd.s32 $0x1600, s24;
	[sflag:s19] =	ssyncadd.s32 $0xFFFFC000  }
0x19a: {  	[spmem:s2] =	stream.indirect.scatter.add.f32 [tilespmem:s17], [sflag:$0x3], $0x80, s26, s16, $0xb8;
	[tilespmem:$0x1E800] =	vst v63  }
0x19b: {  	_ =	swait.ge [sflag:s20], $0x4000  }
0x19c: {  	[sflag:s20] =	ssyncset.done $0x0  }
0x19d: {  	s28 =	sadd.s32 $0x300, s24;
	[sflag:s20] =	ssyncadd.s32 $0xFFFFC000  }
0x19e: {  	[tilespmem:s17], [sflag:$0x1] =	stream.indirect.gather [hbm4b:s4+s16], $0x80, s28, s16, $0xb8;
	[tilespmem:$0x1E800] =	vst v63  }
0x19f: {  	_ =	swait.ge [sflag:s21], $0x4000  }
0x1a0: {  	[sflag:s21] =	ssyncset.done $0x0  }
0x1a1: {  	s29 =	sadd.s32 $0x1680, s24;
	[sflag:s21] =	ssyncadd.s32 $0xFFFFC000  }
0x1a2: {  	[spmem:s2] =	stream.indirect.scatter.add.f32 [tilespmem:s18], [sflag:$0x4], $0x80, s29, s16, $0xb8;
	[tilespmem:$0x1E800] =	vst v63  }
0x1a3: {  	_ =	swait.ge [sflag:s22], $0x4000  }
0x1a4: {  	[sflag:s22] =	ssyncset.done $0x0  }
0x1a5: {  	s30 =	sadd.s32 $0x380, s24;
	[sflag:s22] =	ssyncadd.s32 $0xFFFFC000  }
0x1a6: {  	[tilespmem:s18], [sflag:$0x2] =	stream.indirect.gather [hbm4b:s4+s16], $0x80, s30, s16, $0xb8;
	[tilespmem:$0x1E800] =	vst v63  }
0x1a7: {  	_ =	swait.ge [sflag:s19], $0x4000  }
0x1a8: {  	[sflag:s19] =	ssyncset.done $0x0  }
0x1a9: {  	s31 =	sadd.s32 $0x1700, s24;
	[sflag:s19] =	ssyncadd.s32 $0xFFFFC000  }
0x1aa: {  	[spmem:s2] =	stream.indirect.scatter.add.f32 [tilespmem:s17], [sflag:$0x3], $0x80, s31, s16, $0xb8;
	[tilespmem:$0x1E800] =	vst v63  }
0x1ab: {  	_ =	swait.ge [sflag:s21], $0x4000  }
0x1ac: {  	[sflag:s21] =	ssyncset.done $0x0  }
0x1ad: {  	s24 =	sadd.s32 $0x1780, s24;
	[sflag:s21] =	ssyncadd.s32 $0xFFFFC000  }
0x1ae: {  	[spmem:s2] =	stream.indirect.scatter.add.f32 [tilespmem:s18], [sflag:$0x4], $0x80, s24, s16, $0xb8;
	[tilespmem:$0x1E800] =	vst v63  }
0x1af: {  	_ =	swait.ge [sflag:s20], $0x4000  }
0x1b0: {  	[sflag:s20] =	ssyncset.done $0x0  }
0x1b1: {  	[sflag:s20] =	ssyncadd.s32 $0xFFFFC000  }
0x1b2: {  	_ =	swait.ge [sflag:s22], $0x4000  }
0x1b3: {  	s23 =	sadd.s32 $0x1, s23;
	[sflag:s22] =	ssyncset.done $0x0  }
0x1b4: {  	p0 =	sne.s32 s23, s12;
	[sflag:s22] =	ssyncadd.s32 $0xFFFFC000  }
.Ltmp2:
0x1b5: {  	[bflag:$0x0] =	sbarrier.arrive $0xFFFF;
	(pc) =	sbr.rel @p0 .LBB2_1-.Ltmp2, $4  }
0x1b6: {  	[hbm:s11], [sflag:s6] =	dma.local [spmem:s13], $0x2800  }
0x1b7: {  	_ =	swait.ge [sflag:s14], $0x2800  }
0x1b8: {  	[sflag:s14] =	ssyncset.done $0x0  }
0x1b9: {  	[sflag:s14] =	ssyncadd.s32 $0xFFFFD800  }
0x1ba: {  	_ =	sfence.sel $0x180000  }
0x1bb: {  	[bflag:$0x0] =	sbarrier.arrive $0xFFFF  }
0x1bc: {  	p0 =	sne.s32 s1, $0x0;
	_ =	strace $0x9000004A  }
0x1bd: {  	s0 =	sadd.s32 @!p0 $0x100000, s0;
	[bflag:$0x2] =	sbarrier.arrive $0xFFFF  }
0x1be: {  	[sflag:s0] =	ssyncadd.tile.s32 @!p0 $0x1;
	_ =	shalt  }
.Lfunc_end2:
_tile_overlayer_lowered:
.L_overlay_start_2:
0x1bf: {  	(tag) =	ssettag $0x2  }
0x1c0: {  	s0 =	rddreg [dreg:$0x0];
	s2 =	stileid.u32  }
0x1c1: {  	s1 =	rddreg [dreg:$0x1];
	p0 =	sne.s32 s2, $0x0  }
0x1c2: {  	s3 =	rddreg [dreg:$0x2];
	[bflag:$0x3] =	sbarrier.arrive $0xFFFF;
	s2 =	simm.s32 @!p0 $0x1C05  }
0x1c3: {  	[timem:s3], [sflag:s2] =	dma.local @!p0 [hbm:s0], s1  }
0x1c4: {  	s0 =	simm.s32 @!p0 $0x5  }
0x1c5: {  	_ =	swait.ge @!p0 [sflag:s0], s1  }
0x1c6: {  	s1 =	ssub.s32 @!p0 $0x0, s1;
	[sflag:s0] =	ssyncset.done @!p0 $0x0  }
0x1c7: {  	[sflag:s0] =	ssyncadd.s32 @!p0 s1  }
0x1c8: {  	[bflag:$0x3] =	sbarrier.arrive $0xFFFF  }
0x1c9: {  	_ =	shalt  }

// kernel: kernel.14.cloned.1.call-start
scs
__scs_entry_jumppad:
0x0: {  	(pc) =	sbr.rel $0x88, $3  }
0x1: {  	(tag) =	ssettag $0x0;
	lr =	simm.s32 $0x1  }
0x2: {  	[smem:$0x3F9B] =	sst lr;
	_ =	strace $0xD0000000  }
0x3: {  	_ = 	snop  }
0x4: {  	_ = 	snop  }
0x5: {  	_ = 	snop  }
0x6: {  	_ = 	snop  }
0x7: {  	_ = 	snop  }
__scs_overlays_trampoline_lowered:
0x8: {  	[smem:$0x3FAA] =	sst s0  }
0x9: {  	[smem:$0x3FAB] =	sst s1  }
0xa: {  	[smem:$0x3FAC] =	sst s2  }
0xb: {  	[smem:$0x3FAD] =	sst s3  }
0xc: {  	[smem:$0x3FAE] =	sst s4  }
0xd: {  	[smem:$0x3FAF] =	sst s5  }
0xe: {  	[smem:$0x3FB0] =	sst s6  }
0xf: {  	[smem:$0x3FB1] =	sst s7  }
0x10: {  	[smem:$0x3FB2] =	sst s8  }
0x11: {  	[smem:$0x3FB3] =	sst s9;
	s0 =	simm.s32 @!p0 $0x0  }
0x12: {  	s1 =	sld [smem:$0x3F99];
	s0 =	simm.s32 @p0 $0x1  }
0x13: {  	[smem:$0x3FB4] =	sst s0;
	s0 =	simm.s32 @!p1 $0x0  }
0x14: {  	s2 =	sld [smem:$0x3F98];
	s0 =	simm.s32 @p1 $0x1  }
0x15: {  	[smem:$0x3FB5] =	sst s0;
	s0 =	simm.s32 @!p2 $0x0  }
0x16: {  	s3 =	sld [smem:$0x3FDB];
	s0 =	simm.s32 @p2 $0x1  }
0x17: {  	s4 =	simm.s32 $0x1BF5;
	[smem:$0x3FB7] =	sst s0  }
0x18: {  	s0 =	sld [smem:$0x3F9A];
	_ =	swait.ge [sflag:s4], $0x0  }
0x19: {  	s7 =	sld [smem:$0x3F9B]  }
0x1a: {  	s8 =	sadd.s32 $0xFFFFE003, lr  }
0x1b: {  	s9 =	sadd.s32 $0xFFFFFEF7, lr;
	s5 =	simm.s32 $0xFFFFFFFF;
	p2 =	slt.u32 s8, $0xFFFFF086  }
0x1c: {  	p1 =	slt.u32 s9, $0xF7A;
	s5 =	simm.s32 @!p2 $0x0  }
0x1d: {  	s5 =	simm.s32 @p1 $0x1;
	p0 =	seq.s32 s7, s2  }
0x1e: {  	s7 =	smul.u32 @!p0 $0xF7A, s2;
	p2 =	seq.s32 @!p0 s5, $0x0  }
0x1f: {  	s9 =	smul.u32 $0xF7A, s1;
	s8 =	simm.s32 @!p0 $0x1BF5;
	p2 =	por !p2, p0  }
0x20: {  	[sflag:s8] =	ssyncset.s32 @!p0 $0xFFFFF086;
	s6 =	sadd.s32 @!p0 s3, s7;
	s7 =	simm.s32 @!p0 $0x108  }
0x21: {  	s3 =	sadd.s32 s3, s9;
	s6 =	sadd.s32 @!p0 $0x88, s6;
	s7 =	simm.s32 @p2 $0x1082  }
0x22: {  	[simem:s7], [sflag:s8] =	dma.local @!p0 [hbm:s6], $0xF7A  }
0x23: {  	s9 =	sor.u32 $0xD0000000, s2;
	s6 =	simm.s32 $0x108;
	_ =	swait.ge @!p0 [sflag:s8], $0x0  }
0x24: {  	s3 =	sadd.s32 $0x88, s3;
	s6 =	simm.s32 @!p1 $0x1082;
	[sflag:s4] =	ssyncset.s32 $0xFFFFF086  }
0x25: {  	[simem:s6], [sflag:s4] =	dma.local [hbm:s3], $0xF7A  }
0x26: {  	[smem:$0x3F9B] =	sst s1;
	(tag) =	ssettag s2;
	_ =	strace s9  }
0x27: {  	s1 =	sld [smem:$0x3FAB]  }
0x28: {  	s2 =	sld [smem:$0x3FAC]  }
0x29: {  	s4 =	sld [smem:$0x3FAE]  }
0x2a: {  	p0 =	seq.s32 s5, $0x0;
	s5 =	sld [smem:$0x3FAF]  }
0x2b: {  	s6 =	sld [smem:$0x3FB0]  }
0x2c: {  	s7 =	sld [smem:$0x3FB1]  }
0x2d: {  	s3 =	simm.s32 $0x108;
	s8 =	sld [smem:$0x3FB2]  }
0x2e: {  	s3 =	simm.s32 @!p0 $0x1082;
	s9 =	sld [smem:$0x3FB3]  }
0x2f: {  	lr =	sadd.s32 s0, s3;
	s0 =	sld [smem:$0x3FAA]  }
0x30: {  	s3 =	sld [smem:$0x3FAD]  }
0x31: {  	[smem:$0x3FB6] =	sst s10  }
0x32: {  	s10 =	sld [smem:$0x3FB4];
	_ =	sdelay $0x3  }
0x33: {  	p0 =	seq.s32 s10, $0x1;
	s10 =	sld [smem:$0x3FB6];
	_ =	sdelay $0x3  }
0x34: {  	[smem:$0x3FB6] =	sst s10  }
0x35: {  	s10 =	sld [smem:$0x3FB5];
	_ =	sdelay $0x3  }
0x36: {  	p1 =	seq.s32 s10, $0x1;
	s10 =	sld [smem:$0x3FB6];
	_ =	sdelay $0x3  }
0x37: {  	[smem:$0x3FB6] =	sst s10  }
0x38: {  	s10 =	sld [smem:$0x3FB7]  }
0x39: {  	_ = 	snop;
	(pc) =	sbr.ind lr, $3  }
0x3a: {  	_ = 	snop  }
0x3b: {  	_ = 	snop  }
0x3c: {  	p2 =	seq.s32 s10, $0x1;
	s10 =	sld [smem:$0x3FB6]  }
0x3d: {  	_ =	shalt  }
0x3e: {  	_ =	shalt  }
0x3f: {  	_ =	shalt  }
0x40: {  	_ =	shalt  }
0x41: {  	_ =	shalt  }
0x42: {  	_ =	shalt  }
0x43: {  	_ =	shalt  }
0x44: {  	_ =	shalt  }
0x45: {  	_ =	shalt  }
0x46: {  	_ =	shalt  }
0x47: {  	_ =	shalt  }
0x48: {  	_ =	shalt  }
0x49: {  	_ =	shalt  }
0x4a: {  	_ =	shalt  }
0x4b: {  	_ =	shalt  }
0x4c: {  	_ =	shalt  }
0x4d: {  	_ =	shalt  }
0x4e: {  	_ =	shalt  }
0x4f: {  	_ =	shalt  }
0x50: {  	_ =	shalt  }
0x51: {  	_ =	shalt  }
0x52: {  	_ =	shalt  }
0x53: {  	_ =	shalt  }
0x54: {  	_ =	shalt  }
0x55: {  	_ =	shalt  }
0x56: {  	_ =	shalt  }
0x57: {  	_ =	shalt  }
0x58: {  	_ =	shalt  }
0x59: {  	_ =	shalt  }
0x5a: {  	_ =	shalt  }
0x5b: {  	_ =	shalt  }
0x5c: {  	_ =	shalt  }
0x5d: {  	_ =	shalt  }
0x5e: {  	_ =	shalt  }
0x5f: {  	_ =	shalt  }
0x60: {  	_ =	shalt  }
0x61: {  	_ =	shalt  }
0x62: {  	_ =	shalt  }
0x63: {  	_ =	shalt  }
0x64: {  	_ =	shalt  }
0x65: {  	_ =	shalt  }
0x66: {  	_ =	shalt  }
0x67: {  	_ =	shalt  }
0x68: {  	_ =	shalt  }
0x69: {  	_ =	shalt  }
0x6a: {  	_ =	shalt  }
0x6b: {  	_ =	shalt  }
0x6c: {  	_ =	shalt  }
0x6d: {  	_ =	shalt  }
0x6e: {  	_ =	shalt  }
0x6f: {  	_ =	shalt  }
0x70: {  	_ =	shalt  }
0x71: {  	_ =	shalt  }
0x72: {  	_ =	shalt  }
0x73: {  	_ =	shalt  }
0x74: {  	_ =	shalt  }
0x75: {  	_ =	shalt  }
0x76: {  	_ =	shalt  }
0x77: {  	_ =	shalt  }
0x78: {  	_ =	shalt  }
0x79: {  	_ =	shalt  }
0x7a: {  	_ =	shalt  }
0x7b: {  	_ =	shalt  }
0x7c: {  	_ =	shalt  }
0x7d: {  	_ =	shalt  }
0x7e: {  	_ =	shalt  }
0x7f: {  	_ =	shalt  }
0x80: {  	_ =	shalt  }
0x81: {  	_ =	shalt  }
0x82: {  	_ =	shalt  }
0x83: {  	_ =	shalt  }
0x84: {  	_ =	shalt  }
0x85: {  	_ =	shalt  }
0x86: {  	_ =	shalt  }
0x87: {  	_ =	shalt  }
.Lfunc_end0:
.L_simem_size_0:
called_computation.2_lowered:
.L_overlay_start_0:
0x88: {  	s2 =	sld [smem:$0x3FD9]  }
0x89: {  	s3 =	sld [smem:$0x3FFE];
	_ =	sdelay $0x1  }
0x8a: {  	s1 =	srdreg.scid  }
0x8b: {  	s0 =	sand.u32 $0x1, s1  }
0x8c: {  	s17 =	sshll.u32 s0, $0xA;
	s2 =	sadd.s32 s3, s2  }
0x8d: {  	s2 =	sadd.s32 s2, s17  }
0x8e: {  	[smem:$0x3FC2] =	sst s2  }
0x8f: {  	_ = 	snop  }
0x90: {  	s2 =	sld [smem:$0x3FD0];
	(tm) =	ssettm $0x1  }
0x91: {  	s18 =	sld [smem:$0x3FFB];
	_ =	sdelay $0x3  }
0x92: {  	_ =	strace s18  }
0x93: {  	s3 =	sld [smem:$0x3FFC];
	_ =	sdelay $0x3  }
0x94: {  	_ =	strace s3  }
0x95: {  	s3 =	sld [smem:$0x3FFD];
	_ =	sdelay $0x3  }
0x96: {  	_ =	strace s3  }
0x97: {  	_ =	strace $0x8FFFFFFF  }
0x98: {  	s19 =	sld [smem:$0x3FDB];
	_ =	sdelay $0x1  }
0x99: {  	s4 =	simm.s32 $_scs_section_size  }
0x9a: {  	s5 =	simm.s32 $_size__tile_overlayer_lowered;
	s6 =	simm.s32 $_tile_overlayer_lowered  }
0x9b: {  	s22 =	simm.s32 $0x1BFF;
	s21 =	sshll.u32 s6, $0x1;
	s3 =	sadd.s32 s4, s19  }
0x9c: {  	s7 =	simm.s32 $0x0;
	s20 =	sshll.u32 s5, $0x1;
	s5 =	sadd.s32 s21, s3  }
0x9d: {  	[timem:s7], [sflag:s22] =	dma.local [hbm:s5], s20  }
0x9e: {  	_ =	swait.ge [sflag:s22], s20  }
0x9f: {  	s4 =	ssub.s32 $0x0, s20;
	[sflag:s22] =	ssyncset.done $0x0  }
0xa0: {  	[sflag:s22] =	ssyncadd.s32 s4;
	_ =	sdelay $0x1  }
0xa1: {  	s23 =	simm.s32 $0x1B8B  }
0xa2: {  	_ =	swait.ge [sflag:s23], $0x1  }
0xa3: {  	[sflag:s23] =	ssyncset.done $0x0  }
0xa4: {  	s25 =	simm.s32 $0x1B8E;
	s24 =	sld [smem:$0x3FFE];
	[sflag:s23] =	ssyncadd.s32 $0xFFFFFFFF  }
0xa5: {  	s26 =	simm.s32 $execute0_lowered;
	[smem:$0x3FD2] =	sst s25  }
0xa6: {  	s5 =	sshll.u32 s26, $0x1;
	_ =	strace $0x8000004C;
	[dreg:$0x1] =	wrdreg $0xFFFFFFFF  }
0xa7: {  	s28 =	simm.s32 $_size_execute0_lowered;
	s3 =	sadd.s32 s3, s5;
	[dreg:$0x0] =	wrdreg $0x0  }
0xa8: {  	s5 =	sshll.u32 s28, $0x1;
	[dreg:$0x2] =	wrdreg s3  }
0xa9: {  	[dreg:$0x3] =	wrdreg s5  }
0xaa: {  	[dreg:$0x4] =	wrdreg $0xC0  }
0xab: {  	_ =	task [dreg:s7], $0x5FFFF  }
0xac: {  	[dreg:$0x1] =	wrdreg $0xFFFFFFFF  }
0xad: {  	[dreg:$0x0] =	wrdreg $0x60  }
0xae: {  	[dreg:$0x2] =	wrdreg s24  }
0xaf: {  	[dreg:$0x3] =	wrdreg s2  }
0xb0: {  	[dreg:$0x4] =	wrdreg $0xA8000  }
0xb1: {  	[dreg:$0x5] =	wrdreg $0x9  }
0xb2: {  	_ =	task.clear_ibuf [dreg:s7], $0x6FFFF;
	_ =	strace $0x9000004C  }
0xb3: {  	s29 =	simm.s32 $0x9;
	_ =	strace $0x8000004E  }
0xb4: {  	_ =	swait.ge [sflag:s29], $0x1  }
0xb5: {  	[sflag:s29] =	ssyncadd.s32 $0xFFFFFFFF  }
0xb6: {  	_ =	strace $0x9000004E  }
0xb7: {  	_ =	sfence  }
0xb8: {  	s30 =	sld [smem:$0x0];
	_ =	sdelay $0x2  }
0xb9: {  	s31 =	sshll.u32 s1, $0xD;
	s1 =	sshrl.u32 s1, $0x2  }
0xba: {  	s3 =	sand.u32 $0x4000, s31;
	s1 =	sadd.s32 s1, s30  }
0xbb: {  	s0 =	sor.u32 s3, s0;
	s1 =	sshll.u32 s1, $0x11  }
0xbc: {  	s0 =	sor.u32 s1, s0  }
0xbd: {  	s0 =	sadd.s32 $0x8F2B, s0  }
0xbe: {  	[sflag:s0] =	ssyncadd.remote.s32 $0x1  }
0xbf: {  	_ =	sfence.sel $0xFFFF  }
0xc0: {  	[dreg:$0x0] =	wrdreg $0xFFFFFFFF;
	(pc) =	sbr.abs _section_cstart, $3  }
0xc1: {  	[dreg:$0x1] =	wrdreg $0xFFFFFFFF  }
0xc2: {  	_ =	task.clear_ibuf [dreg:s7], $0x2FFFF;
	_ =	strace $0x9FFFFFFF  }
0xc3: {  	(tm) =	ssettm $0x7FFFFFFF  }
tec
execute0_lowered:
.L_overlay_start_1:
0x0: {  	(tag) =	ssettag $0x1  }
0x1: {  	s5 =	rddreg [dreg:$0x0]  }
0x2: {  	s10 =	rddreg [dreg:$0x1]  }
0x3: {  	s2 =	rddreg [dreg:$0x2]  }
0x4: {  	s0 =	rddreg [dreg:$0x3]  }
0x5: {  	s1 =	stileid.u32;
	s4 =	srdreg.scid  }
0x6: {  	s3 =	simm.s32 $0x0;
	s16 =	simm.s32 $0x80;
	s17 =	simm.s32 $0x2800  }
0x7: {  	s18 =	simm.s32 $0x6800;
	s19 =	simm.s32 $0x1;
	s20 =	simm.s32 $0x3  }
0x8: {  	s21 =	simm.s32 $0x2;
	s22 =	simm.s32 $0x4;
	s23 =	simm.s32 $0x0  }
0x9: {  	s6 =	smul.u32 $0x14000, s1;
	s7 =	sand.u32 $0x1, s4;
	[smem:$0x7FF] =	sst s3  }
0xa: {  	s9 =	sadd.s32 $0x2E00, s5;
	s12 =	smul.u32 $0x50000, s1;
	s29 =	sshll.u32 s1, $0x6  }
0xb: {  	s4 =	smul.u32 $0x140000, s7;
	_ =	strace $0x8000004D;
	s11 =	ssub.s32 $0x2, s7  }
0xc: {  	s7 =	sshll.u32 s7, $0x4;
	s8 =	sshrl.u32 s6, $0x3;
	s25 =	sshrl.u32 s11, $0x1  }
0xd: {  	s26 =	sor.u32 s1, s7;
	s28 =	sshrl.u32 s12, $0x2;
	s6 =	sadd.s32 s6, s4  }
0xe: {  	s4 =	sadd.s32 $0x85600, s5;
	s8 =	sadd.s32 s8, s5;
	s7 =	smul.u32 $0x2800, s26  }
0xf: {  	s14 =	ssub.s32 s11, s25;
	s15 =	sadd.s32 s28, s2;
	s30 =	smul.u32 $0x500, s26  }
0x10: {  	s6 =	sshrl.u32 s6, $0x3;
	s12 =	smax.u32 s14, $0x1;
	s14 =	simm.s32 $0x5  }
0x11: {  	s13 =	sadd.s32 s6, s5;
	s5 =	sadd.s32 $0xD600, s8;
	s31 =	sshrl.u32 s7, $0x3  }
0x12: {  	s6 =	sor.u32 $0x1C05, s29;
	s7 =	sadd.s32 s9, s30;
	s11 =	sadd.s32 $0x280, s31  }
0x13: {  	s8 =	sadd.s32 s10, s30;
	s9 =	sadd.s32 s9, s11;
	s10 =	sadd.s32 s10, s11  }
0x14: {  	s11 =	sadd.s32 $0xAD600, s13;
	s13 =	sshrl.u32 s15, $0x3;
	s15 =	simm.s32 $0x1400  }
.LBB2_1:
0x15: {  	[spmem:s13], [sflag:s6] =	dma.local [hbm:s5], $0x2800  }
0x16: {  	_ =	swait.ge [sflag:s14], $0x2800  }
0x17: {  	[sflag:s14] =	ssyncset.done $0x0  }
0x18: {  	[sflag:s14] =	ssyncadd.s32 $0xFFFFD800  }
0x19: {  	[bflag:$0x0] =	sbarrier.arrive $0xFFFF  }
0x1a: {  	[tilespmem:s3], [sflag:$0x5] =	stream.linear.gather [hbm4b:s7+s3], $0x1400, $0x38;
	[tilespmem:$0x1E800] =	vst v63  }
0x1b: {  	_ =	swait.ge [sflag:s14], $0x1400  }
0x1c: {  	[sflag:s14] =	ssyncset.done $0x0  }
0x1d: {  	[sflag:s14] =	ssyncadd.s32 $0xFFFFEC00  }
0x1e: {  	[tilespmem:s15], [sflag:$0x5] =	stream.linear.gather [hbm4b:s8+s3], $0x1400, $0x38;
	[tilespmem:$0x1E800] =	vst v63  }
0x1f: {  	_ =	swait.ge [sflag:s14], $0x1400  }
0x20: {  	[sflag:s14] =	ssyncset.done $0x0  }
0x21: {  	[sflag:s14] =	ssyncadd.s32 $0xFFFFEC00  }
0x22: {  	s24 =	simm.s32 $0x0;
	[bflag:$0x0] =	sbarrier.arrive $0xFFFF  }
0x23: {  	[tilespmem:s17], [sflag:$0x1] =	stream.indirect.gather [hbm4b:s4+s16], $0x80, s24, s16, $0xb8;
	[tilespmem:$0x1E800] =	vst v63  }
0x24: {  	s25 =	simm.s32 $0x80  }
0x25: {  	[tilespmem:s18], [sflag:$0x2] =	stream.indirect.gather [hbm4b:s4+s16], $0x80, s25, s16, $0xb8;
	[tilespmem:$0x1E800] =	vst v63  }
0x26: {  	_ =	swait.ge [sflag:s19], $0x4000  }
0x27: {  	[sflag:s19] =	ssyncset.done $0x0  }
0x28: {  	s26 =	simm.s32 $0x1400;
	[sflag:s19] =	ssyncadd.s32 $0xFFFFC000  }
0x29: {  	[spmem:s2] =	stream.indirect.scatter.add.f32 [tilespmem:s17], [sflag:$0x3], $0x80, s26, s16, $0xb8;
	[tilespmem:$0x1E800] =	vst v63  }
0x2a: {  	_ =	swait.ge [sflag:s20], $0x4000  }
0x2b: {  	[sflag:s20] =	ssyncset.done $0x0  }
0x2c: {  	s29 =	simm.s32 $0x100;
	[sflag:s20] =	ssyncadd.s32 $0xFFFFC000  }
0x2d: {  	[tilespmem:s17], [sflag:$0x1] =	stream.indirect.gather [hbm4b:s4+s16], $0x80, s29, s16, $0xb8;
	[tilespmem:$0x1E800] =	vst v63  }
0x2e: {  	_ =	swait.ge [sflag:s21], $0x4000  }
0x2f: {  	[sflag:s21] =	ssyncset.done $0x0  }
0x30: {  	s30 =	simm.s32 $0x1480;
	[sflag:s21] =	ssyncadd.s32 $0xFFFFC000  }
0x31: {  	[spmem:s2] =	stream.indirect.scatter.add.f32 [tilespmem:s18], [sflag:$0x4], $0x80, s30, s16, $0xb8;
	[tilespmem:$0x1E800] =	vst v63  }
0x32: {  	_ =	swait.ge [sflag:s22], $0x4000  }
0x33: {  	[sflag:s22] =	ssyncset.done $0x0  }
0x34: {  	s31 =	simm.s32 $0x180;
	[sflag:s22] =	ssyncadd.s32 $0xFFFFC000  }
0x35: {  	[tilespmem:s18], [sflag:$0x2] =	stream.indirect.gather [hbm4b:s4+s16], $0x80, s31, s16, $0xb8;
	[tilespmem:$0x1E800] =	vst v63  }
0x36: {  	_ =	swait.ge [sflag:s19], $0x4000  }
0x37: {  	[sflag:s19] =	ssyncset.done $0x0  }
0x38: {  	s25 =	simm.s32 $0x1500;
	[sflag:s19] =	ssyncadd.s32 $0xFFFFC000  }
0x39: {  	[spmem:s2] =	stream.indirect.scatter.add.f32 [tilespmem:s17], [sflag:$0x3], $0x80, s25, s16, $0xb8;
	[tilespmem:$0x1E800] =	vst v63  }
0x3a: {  	_ =	swait.ge [sflag:s20], $0x4000  }
0x3b: {  	[sflag:s20] =	ssyncset.done $0x0  }
0x3c: {  	s26 =	simm.s32 $0x200;
	[sflag:s20] =	ssyncadd.s32 $0xFFFFC000  }
0x3d: {  	[tilespmem:s17], [sflag:$0x1] =	stream.indirect.gather [hbm4b:s4+s16], $0x80, s26, s16, $0xb8;
	[tilespmem:$0x1E800] =	vst v63  }
0x3e: {  	_ =	swait.ge [sflag:s21], $0x4000  }
0x3f: {  	[sflag:s21] =	ssyncset.done $0x0  }
0x40: {  	s29 =	simm.s32 $0x1580;
	[sflag:s21] =	ssyncadd.s32 $0xFFFFC000  }
0x41: {  	[spmem:s2] =	stream.indirect.scatter.add.f32 [tilespmem:s18], [sflag:$0x4], $0x80, s29, s16, $0xb8;
	[tilespmem:$0x1E800] =	vst v63  }
0x42: {  	_ =	swait.ge [sflag:s22], $0x4000  }
0x43: {  	[sflag:s22] =	ssyncset.done $0x0  }
0x44: {  	s30 =	simm.s32 $0x280;
	[sflag:s22] =	ssyncadd.s32 $0xFFFFC000  }
0x45: {  	[tilespmem:s18], [sflag:$0x2] =	stream.indirect.gather [hbm4b:s4+s16], $0x80, s30, s16, $0xb8;
	[tilespmem:$0x1E800] =	vst v63  }
0x46: {  	_ =	swait.ge [sflag:s19], $0x4000  }
0x47: {  	[sflag:s19] =	ssyncset.done $0x0  }
0x48: {  	s31 =	simm.s32 $0x1600;
	[sflag:s19] =	ssyncadd.s32 $0xFFFFC000  }
0x49: {  	[spmem:s2] =	stream.indirect.scatter.add.f32 [tilespmem:s17], [sflag:$0x3], $0x80, s31, s16, $0xb8;
	[tilespmem:$0x1E800] =	vst v63  }
0x4a: {  	_ =	swait.ge [sflag:s20], $0x4000  }
0x4b: {  	[sflag:s20] =	ssyncset.done $0x0  }
0x4c: {  	s25 =	simm.s32 $0x300;
	[sflag:s20] =	ssyncadd.s32 $0xFFFFC000  }
0x4d: {  	[tilespmem:s17], [sflag:$0x1] =	stream.indirect.gather [hbm4b:s4+s16], $0x80, s25, s16, $0xb8;
	[tilespmem:$0x1E800] =	vst v63  }
0x4e: {  	_ =	swait.ge [sflag:s21], $0x4000  }
0x4f: {  	[sflag:s21] =	ssyncset.done $0x0  }
0x50: {  	s26 =	simm.s32 $0x1680;
	[sflag:s21] =	ssyncadd.s32 $0xFFFFC000  }
0x51: {  	[spmem:s2] =	stream.indirect.scatter.add.f32 [tilespmem:s18], [sflag:$0x4], $0x80, s26, s16, $0xb8;
	[tilespmem:$0x1E800] =	vst v63  }
0x52: {  	_ =	swait.ge [sflag:s22], $0x4000  }
0x53: {  	[sflag:s22] =	ssyncset.done $0x0  }
0x54: {  	s29 =	simm.s32 $0x380;
	[sflag:s22] =	ssyncadd.s32 $0xFFFFC000  }
0x55: {  	[tilespmem:s18], [sflag:$0x2] =	stream.indirect.gather [hbm4b:s4+s16], $0x80, s29, s16, $0xb8;
	[tilespmem:$0x1E800] =	vst v63  }
0x56: {  	_ =	swait.ge [sflag:s19], $0x4000  }
0x57: {  	[sflag:s19] =	ssyncset.done $0x0  }
0x58: {  	s30 =	simm.s32 $0x1700;
	[sflag:s19] =	ssyncadd.s32 $0xFFFFC000  }
0x59: {  	[spmem:s2] =	stream.indirect.scatter.add.f32 [tilespmem:s17], [sflag:$0x3], $0x80, s30, s16, $0xb8;
	[tilespmem:$0x1E800] =	vst v63  }
0x5a: {  	_ =	swait.ge [sflag:s21], $0x4000  }
0x5b: {  	[sflag:s21] =	ssyncset.done $0x0  }
0x5c: {  	s31 =	simm.s32 $0x1780;
	[sflag:s21] =	ssyncadd.s32 $0xFFFFC000  }
0x5d: {  	[spmem:s2] =	stream.indirect.scatter.add.f32 [tilespmem:s18], [sflag:$0x4], $0x80, s31, s16, $0xb8;
	[tilespmem:$0x1E800] =	vst v63  }
0x5e: {  	_ =	swait.ge [sflag:s20], $0x4000  }
0x5f: {  	[sflag:s20] =	ssyncset.done $0x0  }
0x60: {  	[sflag:s20] =	ssyncadd.s32 $0xFFFFC000  }
0x61: {  	_ =	swait.ge [sflag:s22], $0x4000  }
0x62: {  	s28 =	simm.s32 $0x2000;
	s24 =	simm.s32 $0x1000;
	[sflag:s22] =	ssyncset.done $0x0  }
.LBB2_2:
0x63: {  	s26 =	sshra.s32 s24, $0x2  }
0x64: {  	[sflag:s22] =	ssyncadd.s32 $0xFFFFC000;
	s24 =	smov.u32 s28;
	s25 =	sadd.s32 $0x1000, s28  }
0x65: {  	[tilespmem:s17], [sflag:$0x1] =	stream.indirect.gather [hbm4b:s4+s16], $0x80, s26, s16, $0xb8;
	[tilespmem:$0x1E800] =	vst v63  }
0x66: {  	p0 =	sne.s32 s28, $0x4000;
	s28 =	sadd.s32 $0x80, s26  }
0x67: {  	[tilespmem:s18], [sflag:$0x2] =	stream.indirect.gather [hbm4b:s4+s16], $0x80, s28, s16, $0xb8;
	[tilespmem:$0x1E800] =	vst v63  }
0x68: {  	_ =	swait.ge [sflag:s19], $0x4000  }
0x69: {  	[sflag:s19] =	ssyncset.done $0x0  }
0x6a: {  	s28 =	sadd.s32 $0x1400, s26;
	[sflag:s19] =	ssyncadd.s32 $0xFFFFC000  }
0x6b: {  	[spmem:s2] =	stream.indirect.scatter.add.f32 [tilespmem:s17], [sflag:$0x3], $0x80, s28, s16, $0xb8;
	[tilespmem:$0x1E800] =	vst v63  }
0x6c: {  	_ =	swait.ge [sflag:s20], $0x4000  }
0x6d: {  	[sflag:s20] =	ssyncset.done $0x0  }
0x6e: {  	s28 =	sadd.s32 $0x100, s26;
	[sflag:s20] =	ssyncadd.s32 $0xFFFFC000  }
0x6f: {  	[tilespmem:s17], [sflag:$0x1] =	stream.indirect.gather [hbm4b:s4+s16], $0x80, s28, s16, $0xb8;
	[tilespmem:$0x1E800] =	vst v63  }
0x70: {  	_ =	swait.ge [sflag:s21], $0x4000  }
0x71: {  	[sflag:s21] =	ssyncset.done $0x0  }
0x72: {  	s28 =	sadd.s32 $0x1480, s26;
	[sflag:s21] =	ssyncadd.s32 $0xFFFFC000  }
0x73: {  	[spmem:s2] =	stream.indirect.scatter.add.f32 [tilespmem:s18], [sflag:$0x4], $0x80, s28, s16, $0xb8;
	[tilespmem:$0x1E800] =	vst v63  }
0x74: {  	_ =	swait.ge [sflag:s22], $0x4000  }
0x75: {  	[sflag:s22] =	ssyncset.done $0x0  }
0x76: {  	s28 =	sadd.s32 $0x180, s26;
	[sflag:s22] =	ssyncadd.s32 $0xFFFFC000  }
0x77: {  	[tilespmem:s18], [sflag:$0x2] =	stream.indirect.gather [hbm4b:s4+s16], $0x80, s28, s16, $0xb8;
	[tilespmem:$0x1E800] =	vst v63  }
0x78: {  	_ =	swait.ge [sflag:s19], $0x4000  }
0x79: {  	[sflag:s19] =	ssyncset.done $0x0  }
0x7a: {  	s28 =	sadd.s32 $0x1500, s26;
	[sflag:s19] =	ssyncadd.s32 $0xFFFFC000  }
0x7b: {  	[spmem:s2] =	stream.indirect.scatter.add.f32 [tilespmem:s17], [sflag:$0x3], $0x80, s28, s16, $0xb8;
	[tilespmem:$0x1E800] =	vst v63  }
0x7c: {  	_ =	swait.ge [sflag:s20], $0x4000  }
0x7d: {  	[sflag:s20] =	ssyncset.done $0x0  }
0x7e: {  	s28 =	sadd.s32 $0x200, s26;
	[sflag:s20] =	ssyncadd.s32 $0xFFFFC000  }
0x7f: {  	[tilespmem:s17], [sflag:$0x1] =	stream.indirect.gather [hbm4b:s4+s16], $0x80, s28, s16, $0xb8;
	[tilespmem:$0x1E800] =	vst v63  }
0x80: {  	_ =	swait.ge [sflag:s21], $0x4000  }
0x81: {  	[sflag:s21] =	ssyncset.done $0x0  }
0x82: {  	s28 =	sadd.s32 $0x1580, s26;
	[sflag:s21] =	ssyncadd.s32 $0xFFFFC000  }
0x83: {  	[spmem:s2] =	stream.indirect.scatter.add.f32 [tilespmem:s18], [sflag:$0x4], $0x80, s28, s16, $0xb8;
	[tilespmem:$0x1E800] =	vst v63  }
0x84: {  	_ =	swait.ge [sflag:s22], $0x4000  }
0x85: {  	[sflag:s22] =	ssyncset.done $0x0  }
0x86: {  	s28 =	sadd.s32 $0x280, s26;
	[sflag:s22] =	ssyncadd.s32 $0xFFFFC000  }
0x87: {  	[tilespmem:s18], [sflag:$0x2] =	stream.indirect.gather [hbm4b:s4+s16], $0x80, s28, s16, $0xb8;
	[tilespmem:$0x1E800] =	vst v63  }
0x88: {  	_ =	swait.ge [sflag:s19], $0x4000  }
0x89: {  	[sflag:s19] =	ssyncset.done $0x0  }
0x8a: {  	s28 =	sadd.s32 $0x1600, s26;
	[sflag:s19] =	ssyncadd.s32 $0xFFFFC000  }
0x8b: {  	[spmem:s2] =	stream.indirect.scatter.add.f32 [tilespmem:s17], [sflag:$0x3], $0x80, s28, s16, $0xb8;
	[tilespmem:$0x1E800] =	vst v63  }
0x8c: {  	_ =	swait.ge [sflag:s20], $0x4000  }
0x8d: {  	[sflag:s20] =	ssyncset.done $0x0  }
0x8e: {  	s28 =	sadd.s32 $0x300, s26;
	[sflag:s20] =	ssyncadd.s32 $0xFFFFC000  }
0x8f: {  	[tilespmem:s17], [sflag:$0x1] =	stream.indirect.gather [hbm4b:s4+s16], $0x80, s28, s16, $0xb8;
	[tilespmem:$0x1E800] =	vst v63  }
0x90: {  	_ =	swait.ge [sflag:s21], $0x4000  }
0x91: {  	[sflag:s21] =	ssyncset.done $0x0  }
0x92: {  	s28 =	sadd.s32 $0x1680, s26;
	[sflag:s21] =	ssyncadd.s32 $0xFFFFC000  }
0x93: {  	[spmem:s2] =	stream.indirect.scatter.add.f32 [tilespmem:s18], [sflag:$0x4], $0x80, s28, s16, $0xb8;
	[tilespmem:$0x1E800] =	vst v63  }
0x94: {  	_ =	swait.ge [sflag:s22], $0x4000  }
0x95: {  	[sflag:s22] =	ssyncset.done $0x0  }
0x96: {  	s28 =	sadd.s32 $0x380, s26;
	[sflag:s22] =	ssyncadd.s32 $0xFFFFC000  }
0x97: {  	[tilespmem:s18], [sflag:$0x2] =	stream.indirect.gather [hbm4b:s4+s16], $0x80, s28, s16, $0xb8;
	[tilespmem:$0x1E800] =	vst v63  }
0x98: {  	_ =	swait.ge [sflag:s19], $0x4000  }
0x99: {  	[sflag:s19] =	ssyncset.done $0x0  }
0x9a: {  	s28 =	sadd.s32 $0x1700, s26;
	[sflag:s19] =	ssyncadd.s32 $0xFFFFC000  }
0x9b: {  	[spmem:s2] =	stream.indirect.scatter.add.f32 [tilespmem:s17], [sflag:$0x3], $0x80, s28, s16, $0xb8;
	[tilespmem:$0x1E800] =	vst v63  }
0x9c: {  	_ =	swait.ge [sflag:s21], $0x4000  }
0x9d: {  	[sflag:s21] =	ssyncset.done $0x0  }
0x9e: {  	s26 =	sadd.s32 $0x1780, s26;
	[sflag:s21] =	ssyncadd.s32 $0xFFFFC000  }
0x9f: {  	[spmem:s2] =	stream.indirect.scatter.add.f32 [tilespmem:s18], [sflag:$0x4], $0x80, s26, s16, $0xb8;
	[tilespmem:$0x1E800] =	vst v63  }
.Ltmp0:
0xa0: {  	_ =	swait.ge [sflag:s20], $0x4000;
	(pc) =	sbr.rel @p0 .LBB2_2-.Ltmp0, $4  }
0xa1: {  	[sflag:s20] =	ssyncset.done $0x0  }
0xa2: {  	[sflag:s20] =	ssyncadd.s32 $0xFFFFC000  }
0xa3: {  	_ =	swait.ge [sflag:s22], $0x4000  }
0xa4: {  	s28 =	smov.u32 s25;
	[sflag:s22] =	ssyncset.done $0x0  }
0xa5: {  	s24 =	sshra.s32 s24, $0x2;
	[sflag:s22] =	ssyncadd.s32 $0xFFFFC000  }
0xa6: {  	[tilespmem:s17], [sflag:$0x1] =	stream.indirect.gather [hbm4b:s4+s16], $0x80, s24, s16, $0xb8;
	[tilespmem:$0x1E800] =	vst v63  }
0xa7: {  	s25 =	sadd.s32 $0x80, s24  }
0xa8: {  	[tilespmem:s18], [sflag:$0x2] =	stream.indirect.gather [hbm4b:s4+s16], $0x80, s25, s16, $0xb8;
	[tilespmem:$0x1E800] =	vst v63  }
0xa9: {  	_ =	swait.ge [sflag:s19], $0x4000  }
0xaa: {  	[sflag:s19] =	ssyncset.done $0x0  }
0xab: {  	s29 =	sadd.s32 $0x1400, s24;
	[sflag:s19] =	ssyncadd.s32 $0xFFFFC000  }
0xac: {  	[spmem:s2] =	stream.indirect.scatter.add.f32 [tilespmem:s17], [sflag:$0x3], $0x80, s29, s16, $0xb8;
	[tilespmem:$0x1E800] =	vst v63  }
0xad: {  	_ =	swait.ge [sflag:s20], $0x4000  }
0xae: {  	[sflag:s20] =	ssyncset.done $0x0  }
0xaf: {  	s30 =	sadd.s32 $0x100, s24;
	[sflag:s20] =	ssyncadd.s32 $0xFFFFC000  }
0xb0: {  	[tilespmem:s17], [sflag:$0x1] =	stream.indirect.gather [hbm4b:s4+s16], $0x80, s30, s16, $0xb8;
	[tilespmem:$0x1E800] =	vst v63  }
0xb1: {  	_ =	swait.ge [sflag:s21], $0x4000  }
0xb2: {  	[sflag:s21] =	ssyncset.done $0x0  }
0xb3: {  	s31 =	sadd.s32 $0x1480, s24;
	[sflag:s21] =	ssyncadd.s32 $0xFFFFC000  }
0xb4: {  	[spmem:s2] =	stream.indirect.scatter.add.f32 [tilespmem:s18], [sflag:$0x4], $0x80, s31, s16, $0xb8;
	[tilespmem:$0x1E800] =	vst v63  }
0xb5: {  	_ =	swait.ge [sflag:s22], $0x4000  }
0xb6: {  	[sflag:s22] =	ssyncset.done $0x0  }
0xb7: {  	s26 =	sadd.s32 $0x180, s24;
	[sflag:s22] =	ssyncadd.s32 $0xFFFFC000  }
0xb8: {  	[tilespmem:s18], [sflag:$0x2] =	stream.indirect.gather [hbm4b:s4+s16], $0x80, s26, s16, $0xb8;
	[tilespmem:$0x1E800] =	vst v63  }
0xb9: {  	_ =	swait.ge [sflag:s19], $0x4000  }
0xba: {  	[sflag:s19] =	ssyncset.done $0x0  }
0xbb: {  	s29 =	sadd.s32 $0x1500, s24;
	[sflag:s19] =	ssyncadd.s32 $0xFFFFC000  }
0xbc: {  	[spmem:s2] =	stream.indirect.scatter.add.f32 [tilespmem:s17], [sflag:$0x3], $0x80, s29, s16, $0xb8;
	[tilespmem:$0x1E800] =	vst v63  }
0xbd: {  	_ =	swait.ge [sflag:s20], $0x4000  }
0xbe: {  	[sflag:s20] =	ssyncset.done $0x0  }
0xbf: {  	s30 =	sadd.s32 $0x200, s24;
	[sflag:s20] =	ssyncadd.s32 $0xFFFFC000  }
0xc0: {  	[tilespmem:s17], [sflag:$0x1] =	stream.indirect.gather [hbm4b:s4+s16], $0x80, s30, s16, $0xb8;
	[tilespmem:$0x1E800] =	vst v63  }
0xc1: {  	_ =	swait.ge [sflag:s21], $0x4000  }
0xc2: {  	[sflag:s21] =	ssyncset.done $0x0  }
0xc3: {  	s31 =	sadd.s32 $0x1580, s24;
	[sflag:s21] =	ssyncadd.s32 $0xFFFFC000  }
0xc4: {  	[spmem:s2] =	stream.indirect.scatter.add.f32 [tilespmem:s18], [sflag:$0x4], $0x80, s31, s16, $0xb8;
	[tilespmem:$0x1E800] =	vst v63  }
0xc5: {  	_ =	swait.ge [sflag:s22], $0x4000  }
0xc6: {  	[sflag:s22] =	ssyncset.done $0x0  }
0xc7: {  	s26 =	sadd.s32 $0x280, s24;
	[sflag:s22] =	ssyncadd.s32 $0xFFFFC000  }
0xc8: {  	[tilespmem:s18], [sflag:$0x2] =	stream.indirect.gather [hbm4b:s4+s16], $0x80, s26, s16, $0xb8;
	[tilespmem:$0x1E800] =	vst v63  }
0xc9: {  	_ =	swait.ge [sflag:s19], $0x4000  }
0xca: {  	[sflag:s19] =	ssyncset.done $0x0  }
0xcb: {  	s29 =	sadd.s32 $0x1600, s24;
	[sflag:s19] =	ssyncadd.s32 $0xFFFFC000  }
0xcc: {  	[spmem:s2] =	stream.indirect.scatter.add.f32 [tilespmem:s17], [sflag:$0x3], $0x80, s29, s16, $0xb8;
	[tilespmem:$0x1E800] =	vst v63  }
0xcd: {  	_ =	swait.ge [sflag:s20], $0x4000  }
0xce: {  	[sflag:s20] =	ssyncset.done $0x0  }
0xcf: {  	s30 =	sadd.s32 $0x300, s24;
	[sflag:s20] =	ssyncadd.s32 $0xFFFFC000  }
0xd0: {  	[tilespmem:s17], [sflag:$0x1] =	stream.indirect.gather [hbm4b:s4+s16], $0x80, s30, s16, $0xb8;
	[tilespmem:$0x1E800] =	vst v63  }
0xd1: {  	_ =	swait.ge [sflag:s21], $0x4000  }
0xd2: {  	[sflag:s21] =	ssyncset.done $0x0  }
0xd3: {  	s31 =	sadd.s32 $0x1680, s24;
	[sflag:s21] =	ssyncadd.s32 $0xFFFFC000  }
0xd4: {  	[spmem:s2] =	stream.indirect.scatter.add.f32 [tilespmem:s18], [sflag:$0x4], $0x80, s31, s16, $0xb8;
	[tilespmem:$0x1E800] =	vst v63  }
0xd5: {  	_ =	swait.ge [sflag:s22], $0x4000  }
0xd6: {  	[sflag:s22] =	ssyncset.done $0x0  }
0xd7: {  	s26 =	sadd.s32 $0x380, s24;
	[sflag:s22] =	ssyncadd.s32 $0xFFFFC000  }
0xd8: {  	[tilespmem:s18], [sflag:$0x2] =	stream.indirect.gather [hbm4b:s4+s16], $0x80, s26, s16, $0xb8;
	[tilespmem:$0x1E800] =	vst v63  }
0xd9: {  	_ =	swait.ge [sflag:s19], $0x4000  }
0xda: {  	[sflag:s19] =	ssyncset.done $0x0  }
0xdb: {  	s29 =	sadd.s32 $0x1700, s24;
	[sflag:s19] =	ssyncadd.s32 $0xFFFFC000  }
0xdc: {  	[spmem:s2] =	stream.indirect.scatter.add.f32 [tilespmem:s17], [sflag:$0x3], $0x80, s29, s16, $0xb8;
	[tilespmem:$0x1E800] =	vst v63  }
0xdd: {  	_ =	swait.ge [sflag:s21], $0x4000  }
0xde: {  	[sflag:s21] =	ssyncset.done $0x0  }
0xdf: {  	s24 =	sadd.s32 $0x1780, s24;
	[sflag:s21] =	ssyncadd.s32 $0xFFFFC000  }
0xe0: {  	[spmem:s2] =	stream.indirect.scatter.add.f32 [tilespmem:s18], [sflag:$0x4], $0x80, s24, s16, $0xb8;
	[tilespmem:$0x1E800] =	vst v63  }
0xe1: {  	_ =	swait.ge [sflag:s20], $0x4000  }
0xe2: {  	[sflag:s20] =	ssyncset.done $0x0  }
0xe3: {  	[sflag:s20] =	ssyncadd.s32 $0xFFFFC000  }
0xe4: {  	_ =	swait.ge [sflag:s22], $0x4000  }
0xe5: {  	[sflag:s22] =	ssyncset.done $0x0  }
0xe6: {  	[sflag:s22] =	ssyncadd.s32 $0xFFFFC000  }
0xe7: {  	s30 =	simm.s32 $0x0;
	[bflag:$0x0] =	sbarrier.arrive $0xFFFF  }
0xe8: {  	[tilespmem:s30], [sflag:$0x5] =	stream.linear.gather [hbm4b:s9+s30], $0x1400, $0x38;
	[tilespmem:$0x1E800] =	vst v63  }
0xe9: {  	_ =	swait.ge [sflag:s14], $0x1400  }
0xea: {  	[sflag:s14] =	ssyncset.done $0x0  }
0xeb: {  	[sflag:s14] =	ssyncadd.s32 $0xFFFFEC00  }
0xec: {  	[tilespmem:s15], [sflag:$0x5] =	stream.linear.gather [hbm4b:s10+s30], $0x1400, $0x38;
	[tilespmem:$0x1E800] =	vst v63  }
0xed: {  	_ =	swait.ge [sflag:s14], $0x1400  }
0xee: {  	[sflag:s14] =	ssyncset.done $0x0  }
0xef: {  	[sflag:s14] =	ssyncadd.s32 $0xFFFFEC00  }
0xf0: {  	s31 =	simm.s32 $0x0;
	[bflag:$0x0] =	sbarrier.arrive $0xFFFF  }
0xf1: {  	[tilespmem:s17], [sflag:$0x1] =	stream.indirect.gather [hbm4b:s4+s16], $0x80, s31, s16, $0xb8;
	[tilespmem:$0x1E800] =	vst v63  }
0xf2: {  	s25 =	simm.s32 $0x80  }
0xf3: {  	[tilespmem:s18], [sflag:$0x2] =	stream.indirect.gather [hbm4b:s4+s16], $0x80, s25, s16, $0xb8;
	[tilespmem:$0x1E800] =	vst v63  }
0xf4: {  	_ =	swait.ge [sflag:s19], $0x4000  }
0xf5: {  	[sflag:s19] =	ssyncset.done $0x0  }
0xf6: {  	s26 =	simm.s32 $0x1400;
	[sflag:s19] =	ssyncadd.s32 $0xFFFFC000  }
0xf7: {  	[spmem:s2] =	stream.indirect.scatter.add.f32 [tilespmem:s17], [sflag:$0x3], $0x80, s26, s16, $0xb8;
	[tilespmem:$0x1E800] =	vst v63  }
0xf8: {  	_ =	swait.ge [sflag:s20], $0x4000  }
0xf9: {  	[sflag:s20] =	ssyncset.done $0x0  }
0xfa: {  	s29 =	simm.s32 $0x100;
	[sflag:s20] =	ssyncadd.s32 $0xFFFFC000  }
0xfb: {  	[tilespmem:s17], [sflag:$0x1] =	stream.indirect.gather [hbm4b:s4+s16], $0x80, s29, s16, $0xb8;
	[tilespmem:$0x1E800] =	vst v63  }
0xfc: {  	_ =	swait.ge [sflag:s21], $0x4000  }
0xfd: {  	[sflag:s21] =	ssyncset.done $0x0  }
0xfe: {  	s30 =	simm.s32 $0x1480;
	[sflag:s21] =	ssyncadd.s32 $0xFFFFC000  }
0xff: {  	[spmem:s2] =	stream.indirect.scatter.add.f32 [tilespmem:s18], [sflag:$0x4], $0x80, s30, s16, $0xb8;
	[tilespmem:$0x1E800] =	vst v63  }
0x100: {  	_ =	swait.ge [sflag:s22], $0x4000  }
0x101: {  	[sflag:s22] =	ssyncset.done $0x0  }
0x102: {  	s31 =	simm.s32 $0x180;
	[sflag:s22] =	ssyncadd.s32 $0xFFFFC000  }
0x103: {  	[tilespmem:s18], [sflag:$0x2] =	stream.indirect.gather [hbm4b:s4+s16], $0x80, s31, s16, $0xb8;
	[tilespmem:$0x1E800] =	vst v63  }
0x104: {  	_ =	swait.ge [sflag:s19], $0x4000  }
0x105: {  	[sflag:s19] =	ssyncset.done $0x0  }
0x106: {  	s25 =	simm.s32 $0x1500;
	[sflag:s19] =	ssyncadd.s32 $0xFFFFC000  }
0x107: {  	[spmem:s2] =	stream.indirect.scatter.add.f32 [tilespmem:s17], [sflag:$0x3], $0x80, s25, s16, $0xb8;
	[tilespmem:$0x1E800] =	vst v63  }
0x108: {  	_ =	swait.ge [sflag:s20], $0x4000  }
0x109: {  	[sflag:s20] =	ssyncset.done $0x0  }
0x10a: {  	s26 =	simm.s32 $0x200;
	[sflag:s20] =	ssyncadd.s32 $0xFFFFC000  }
0x10b: {  	[tilespmem:s17], [sflag:$0x1] =	stream.indirect.gather [hbm4b:s4+s16], $0x80, s26, s16, $0xb8;
	[tilespmem:$0x1E800] =	vst v63  }
0x10c: {  	_ =	swait.ge [sflag:s21], $0x4000  }
0x10d: {  	[sflag:s21] =	ssyncset.done $0x0  }
0x10e: {  	s29 =	simm.s32 $0x1580;
	[sflag:s21] =	ssyncadd.s32 $0xFFFFC000  }
0x10f: {  	[spmem:s2] =	stream.indirect.scatter.add.f32 [tilespmem:s18], [sflag:$0x4], $0x80, s29, s16, $0xb8;
	[tilespmem:$0x1E800] =	vst v63  }
0x110: {  	_ =	swait.ge [sflag:s22], $0x4000  }
0x111: {  	[sflag:s22] =	ssyncset.done $0x0  }
0x112: {  	s30 =	simm.s32 $0x280;
	[sflag:s22] =	ssyncadd.s32 $0xFFFFC000  }
0x113: {  	[tilespmem:s18], [sflag:$0x2] =	stream.indirect.gather [hbm4b:s4+s16], $0x80, s30, s16, $0xb8;
	[tilespmem:$0x1E800] =	vst v63  }
0x114: {  	_ =	swait.ge [sflag:s19], $0x4000  }
0x115: {  	[sflag:s19] =	ssyncset.done $0x0  }
0x116: {  	s31 =	simm.s32 $0x1600;
	[sflag:s19] =	ssyncadd.s32 $0xFFFFC000  }
0x117: {  	[spmem:s2] =	stream.indirect.scatter.add.f32 [tilespmem:s17], [sflag:$0x3], $0x80, s31, s16, $0xb8;
	[tilespmem:$0x1E800] =	vst v63  }
0x118: {  	_ =	swait.ge [sflag:s20], $0x4000  }
0x119: {  	[sflag:s20] =	ssyncset.done $0x0  }
0x11a: {  	s25 =	simm.s32 $0x300;
	[sflag:s20] =	ssyncadd.s32 $0xFFFFC000  }
0x11b: {  	[tilespmem:s17], [sflag:$0x1] =	stream.indirect.gather [hbm4b:s4+s16], $0x80, s25, s16, $0xb8;
	[tilespmem:$0x1E800] =	vst v63  }
0x11c: {  	_ =	swait.ge [sflag:s21], $0x4000  }
0x11d: {  	[sflag:s21] =	ssyncset.done $0x0  }
0x11e: {  	s26 =	simm.s32 $0x1680;
	[sflag:s21] =	ssyncadd.s32 $0xFFFFC000  }
0x11f: {  	[spmem:s2] =	stream.indirect.scatter.add.f32 [tilespmem:s18], [sflag:$0x4], $0x80, s26, s16, $0xb8;
	[tilespmem:$0x1E800] =	vst v63  }
0x120: {  	_ =	swait.ge [sflag:s22], $0x4000  }
0x121: {  	[sflag:s22] =	ssyncset.done $0x0  }
0x122: {  	s29 =	simm.s32 $0x380;
	[sflag:s22] =	ssyncadd.s32 $0xFFFFC000  }
0x123: {  	[tilespmem:s18], [sflag:$0x2] =	stream.indirect.gather [hbm4b:s4+s16], $0x80, s29, s16, $0xb8;
	[tilespmem:$0x1E800] =	vst v63  }
0x124: {  	_ =	swait.ge [sflag:s19], $0x4000  }
0x125: {  	[sflag:s19] =	ssyncset.done $0x0  }
0x126: {  	s30 =	simm.s32 $0x1700;
	[sflag:s19] =	ssyncadd.s32 $0xFFFFC000  }
0x127: {  	[spmem:s2] =	stream.indirect.scatter.add.f32 [tilespmem:s17], [sflag:$0x3], $0x80, s30, s16, $0xb8;
	[tilespmem:$0x1E800] =	vst v63  }
0x128: {  	_ =	swait.ge [sflag:s21], $0x4000  }
0x129: {  	[sflag:s21] =	ssyncset.done $0x0  }
0x12a: {  	s31 =	simm.s32 $0x1780;
	[sflag:s21] =	ssyncadd.s32 $0xFFFFC000  }
0x12b: {  	[spmem:s2] =	stream.indirect.scatter.add.f32 [tilespmem:s18], [sflag:$0x4], $0x80, s31, s16, $0xb8;
	[tilespmem:$0x1E800] =	vst v63  }
0x12c: {  	_ =	swait.ge [sflag:s20], $0x4000  }
0x12d: {  	[sflag:s20] =	ssyncset.done $0x0  }
0x12e: {  	[sflag:s20] =	ssyncadd.s32 $0xFFFFC000  }
0x12f: {  	_ =	swait.ge [sflag:s22], $0x4000  }
0x130: {  	s28 =	simm.s32 $0x2000;
	s24 =	simm.s32 $0x1000;
	[sflag:s22] =	ssyncset.done $0x0  }
.LBB2_4:
0x131: {  	s26 =	sshra.s32 s24, $0x2  }
0x132: {  	[sflag:s22] =	ssyncadd.s32 $0xFFFFC000;
	s24 =	smov.u32 s28;
	s25 =	sadd.s32 $0x1000, s28  }
0x133: {  	[tilespmem:s17], [sflag:$0x1] =	stream.indirect.gather [hbm4b:s4+s16], $0x80, s26, s16, $0xb8;
	[tilespmem:$0x1E800] =	vst v63  }
0x134: {  	p0 =	sne.s32 s28, $0x4000;
	s28 =	sadd.s32 $0x80, s26  }
0x135: {  	[tilespmem:s18], [sflag:$0x2] =	stream.indirect.gather [hbm4b:s4+s16], $0x80, s28, s16, $0xb8;
	[tilespmem:$0x1E800] =	vst v63  }
0x136: {  	_ =	swait.ge [sflag:s19], $0x4000  }
0x137: {  	[sflag:s19] =	ssyncset.done $0x0  }
0x138: {  	s28 =	sadd.s32 $0x1400, s26;
	[sflag:s19] =	ssyncadd.s32 $0xFFFFC000  }
0x139: {  	[spmem:s2] =	stream.indirect.scatter.add.f32 [tilespmem:s17], [sflag:$0x3], $0x80, s28, s16, $0xb8;
	[tilespmem:$0x1E800] =	vst v63  }
0x13a: {  	_ =	swait.ge [sflag:s20], $0x4000  }
0x13b: {  	[sflag:s20] =	ssyncset.done $0x0  }
0x13c: {  	s28 =	sadd.s32 $0x100, s26;
	[sflag:s20] =	ssyncadd.s32 $0xFFFFC000  }
0x13d: {  	[tilespmem:s17], [sflag:$0x1] =	stream.indirect.gather [hbm4b:s4+s16], $0x80, s28, s16, $0xb8;
	[tilespmem:$0x1E800] =	vst v63  }
0x13e: {  	_ =	swait.ge [sflag:s21], $0x4000  }
0x13f: {  	[sflag:s21] =	ssyncset.done $0x0  }
0x140: {  	s28 =	sadd.s32 $0x1480, s26;
	[sflag:s21] =	ssyncadd.s32 $0xFFFFC000  }
0x141: {  	[spmem:s2] =	stream.indirect.scatter.add.f32 [tilespmem:s18], [sflag:$0x4], $0x80, s28, s16, $0xb8;
	[tilespmem:$0x1E800] =	vst v63  }
0x142: {  	_ =	swait.ge [sflag:s22], $0x4000  }
0x143: {  	[sflag:s22] =	ssyncset.done $0x0  }
0x144: {  	s28 =	sadd.s32 $0x180, s26;
	[sflag:s22] =	ssyncadd.s32 $0xFFFFC000  }
0x145: {  	[tilespmem:s18], [sflag:$0x2] =	stream.indirect.gather [hbm4b:s4+s16], $0x80, s28, s16, $0xb8;
	[tilespmem:$0x1E800] =	vst v63  }
0x146: {  	_ =	swait.ge [sflag:s19], $0x4000  }
0x147: {  	[sflag:s19] =	ssyncset.done $0x0  }
0x148: {  	s28 =	sadd.s32 $0x1500, s26;
	[sflag:s19] =	ssyncadd.s32 $0xFFFFC000  }
0x149: {  	[spmem:s2] =	stream.indirect.scatter.add.f32 [tilespmem:s17], [sflag:$0x3], $0x80, s28, s16, $0xb8;
	[tilespmem:$0x1E800] =	vst v63  }
0x14a: {  	_ =	swait.ge [sflag:s20], $0x4000  }
0x14b: {  	[sflag:s20] =	ssyncset.done $0x0  }
0x14c: {  	s28 =	sadd.s32 $0x200, s26;
	[sflag:s20] =	ssyncadd.s32 $0xFFFFC000  }
0x14d: {  	[tilespmem:s17], [sflag:$0x1] =	stream.indirect.gather [hbm4b:s4+s16], $0x80, s28, s16, $0xb8;
	[tilespmem:$0x1E800] =	vst v63  }
0x14e: {  	_ =	swait.ge [sflag:s21], $0x4000  }
0x14f: {  	[sflag:s21] =	ssyncset.done $0x0  }
0x150: {  	s28 =	sadd.s32 $0x1580, s26;
	[sflag:s21] =	ssyncadd.s32 $0xFFFFC000  }
0x151: {  	[spmem:s2] =	stream.indirect.scatter.add.f32 [tilespmem:s18], [sflag:$0x4], $0x80, s28, s16, $0xb8;
	[tilespmem:$0x1E800] =	vst v63  }
0x152: {  	_ =	swait.ge [sflag:s22], $0x4000  }
0x153: {  	[sflag:s22] =	ssyncset.done $0x0  }
0x154: {  	s28 =	sadd.s32 $0x280, s26;
	[sflag:s22] =	ssyncadd.s32 $0xFFFFC000  }
0x155: {  	[tilespmem:s18], [sflag:$0x2] =	stream.indirect.gather [hbm4b:s4+s16], $0x80, s28, s16, $0xb8;
	[tilespmem:$0x1E800] =	vst v63  }
0x156: {  	_ =	swait.ge [sflag:s19], $0x4000  }
0x157: {  	[sflag:s19] =	ssyncset.done $0x0  }
0x158: {  	s28 =	sadd.s32 $0x1600, s26;
	[sflag:s19] =	ssyncadd.s32 $0xFFFFC000  }
0x159: {  	[spmem:s2] =	stream.indirect.scatter.add.f32 [tilespmem:s17], [sflag:$0x3], $0x80, s28, s16, $0xb8;
	[tilespmem:$0x1E800] =	vst v63  }
0x15a: {  	_ =	swait.ge [sflag:s20], $0x4000  }
0x15b: {  	[sflag:s20] =	ssyncset.done $0x0  }
0x15c: {  	s28 =	sadd.s32 $0x300, s26;
	[sflag:s20] =	ssyncadd.s32 $0xFFFFC000  }
0x15d: {  	[tilespmem:s17], [sflag:$0x1] =	stream.indirect.gather [hbm4b:s4+s16], $0x80, s28, s16, $0xb8;
	[tilespmem:$0x1E800] =	vst v63  }
0x15e: {  	_ =	swait.ge [sflag:s21], $0x4000  }
0x15f: {  	[sflag:s21] =	ssyncset.done $0x0  }
0x160: {  	s28 =	sadd.s32 $0x1680, s26;
	[sflag:s21] =	ssyncadd.s32 $0xFFFFC000  }
0x161: {  	[spmem:s2] =	stream.indirect.scatter.add.f32 [tilespmem:s18], [sflag:$0x4], $0x80, s28, s16, $0xb8;
	[tilespmem:$0x1E800] =	vst v63  }
0x162: {  	_ =	swait.ge [sflag:s22], $0x4000  }
0x163: {  	[sflag:s22] =	ssyncset.done $0x0  }
0x164: {  	s28 =	sadd.s32 $0x380, s26;
	[sflag:s22] =	ssyncadd.s32 $0xFFFFC000  }
0x165: {  	[tilespmem:s18], [sflag:$0x2] =	stream.indirect.gather [hbm4b:s4+s16], $0x80, s28, s16, $0xb8;
	[tilespmem:$0x1E800] =	vst v63  }
0x166: {  	_ =	swait.ge [sflag:s19], $0x4000  }
0x167: {  	[sflag:s19] =	ssyncset.done $0x0  }
0x168: {  	s28 =	sadd.s32 $0x1700, s26;
	[sflag:s19] =	ssyncadd.s32 $0xFFFFC000  }
0x169: {  	[spmem:s2] =	stream.indirect.scatter.add.f32 [tilespmem:s17], [sflag:$0x3], $0x80, s28, s16, $0xb8;
	[tilespmem:$0x1E800] =	vst v63  }
0x16a: {  	_ =	swait.ge [sflag:s21], $0x4000  }
0x16b: {  	[sflag:s21] =	ssyncset.done $0x0  }
0x16c: {  	s26 =	sadd.s32 $0x1780, s26;
	[sflag:s21] =	ssyncadd.s32 $0xFFFFC000  }
0x16d: {  	[spmem:s2] =	stream.indirect.scatter.add.f32 [tilespmem:s18], [sflag:$0x4], $0x80, s26, s16, $0xb8;
	[tilespmem:$0x1E800] =	vst v63  }
.Ltmp1:
0x16e: {  	_ =	swait.ge [sflag:s20], $0x4000;
	(pc) =	sbr.rel @p0 .LBB2_4-.Ltmp1, $4  }
0x16f: {  	[sflag:s20] =	ssyncset.done $0x0  }
0x170: {  	[sflag:s20] =	ssyncadd.s32 $0xFFFFC000  }
0x171: {  	_ =	swait.ge [sflag:s22], $0x4000  }
0x172: {  	s28 =	smov.u32 s25;
	[sflag:s22] =	ssyncset.done $0x0  }
0x173: {  	s24 =	sshra.s32 s24, $0x2;
	[sflag:s22] =	ssyncadd.s32 $0xFFFFC000  }
0x174: {  	[tilespmem:s17], [sflag:$0x1] =	stream.indirect.gather [hbm4b:s4+s16], $0x80, s24, s16, $0xb8;
	[tilespmem:$0x1E800] =	vst v63  }
0x175: {  	s25 =	sadd.s32 $0x80, s24  }
0x176: {  	[tilespmem:s18], [sflag:$0x2] =	stream.indirect.gather [hbm4b:s4+s16], $0x80, s25, s16, $0xb8;
	[tilespmem:$0x1E800] =	vst v63  }
0x177: {  	_ =	swait.ge [sflag:s19], $0x4000  }
0x178: {  	[sflag:s19] =	ssyncset.done $0x0  }
0x179: {  	s29 =	sadd.s32 $0x1400, s24;
	[sflag:s19] =	ssyncadd.s32 $0xFFFFC000  }
0x17a: {  	[spmem:s2] =	stream.indirect.scatter.add.f32 [tilespmem:s17], [sflag:$0x3], $0x80, s29, s16, $0xb8;
	[tilespmem:$0x1E800] =	vst v63  }
0x17b: {  	_ =	swait.ge [sflag:s20], $0x4000  }
0x17c: {  	[sflag:s20] =	ssyncset.done $0x0  }
0x17d: {  	s30 =	sadd.s32 $0x100, s24;
	[sflag:s20] =	ssyncadd.s32 $0xFFFFC000  }
0x17e: {  	[tilespmem:s17], [sflag:$0x1] =	stream.indirect.gather [hbm4b:s4+s16], $0x80, s30, s16, $0xb8;
	[tilespmem:$0x1E800] =	vst v63  }
0x17f: {  	_ =	swait.ge [sflag:s21], $0x4000  }
0x180: {  	[sflag:s21] =	ssyncset.done $0x0  }
0x181: {  	s31 =	sadd.s32 $0x1480, s24;
	[sflag:s21] =	ssyncadd.s32 $0xFFFFC000  }
0x182: {  	[spmem:s2] =	stream.indirect.scatter.add.f32 [tilespmem:s18], [sflag:$0x4], $0x80, s31, s16, $0xb8;
	[tilespmem:$0x1E800] =	vst v63  }
0x183: {  	_ =	swait.ge [sflag:s22], $0x4000  }
0x184: {  	[sflag:s22] =	ssyncset.done $0x0  }
0x185: {  	s26 =	sadd.s32 $0x180, s24;
	[sflag:s22] =	ssyncadd.s32 $0xFFFFC000  }
0x186: {  	[tilespmem:s18], [sflag:$0x2] =	stream.indirect.gather [hbm4b:s4+s16], $0x80, s26, s16, $0xb8;
	[tilespmem:$0x1E800] =	vst v63  }
0x187: {  	_ =	swait.ge [sflag:s19], $0x4000  }
0x188: {  	[sflag:s19] =	ssyncset.done $0x0  }
0x189: {  	s28 =	sadd.s32 $0x1500, s24;
	[sflag:s19] =	ssyncadd.s32 $0xFFFFC000  }
0x18a: {  	[spmem:s2] =	stream.indirect.scatter.add.f32 [tilespmem:s17], [sflag:$0x3], $0x80, s28, s16, $0xb8;
	[tilespmem:$0x1E800] =	vst v63  }
0x18b: {  	_ =	swait.ge [sflag:s20], $0x4000  }
0x18c: {  	[sflag:s20] =	ssyncset.done $0x0  }
0x18d: {  	s29 =	sadd.s32 $0x200, s24;
	[sflag:s20] =	ssyncadd.s32 $0xFFFFC000  }
0x18e: {  	[tilespmem:s17], [sflag:$0x1] =	stream.indirect.gather [hbm4b:s4+s16], $0x80, s29, s16, $0xb8;
	[tilespmem:$0x1E800] =	vst v63  }
0x18f: {  	_ =	swait.ge [sflag:s21], $0x4000  }
0x190: {  	[sflag:s21] =	ssyncset.done $0x0  }
0x191: {  	s30 =	sadd.s32 $0x1580, s24;
	[sflag:s21] =	ssyncadd.s32 $0xFFFFC000  }
0x192: {  	[spmem:s2] =	stream.indirect.scatter.add.f32 [tilespmem:s18], [sflag:$0x4], $0x80, s30, s16, $0xb8;
	[tilespmem:$0x1E800] =	vst v63  }
0x193: {  	_ =	swait.ge [sflag:s22], $0x4000  }
0x194: {  	[sflag:s22] =	ssyncset.done $0x0  }
0x195: {  	s31 =	sadd.s32 $0x280, s24;
	[sflag:s22] =	ssyncadd.s32 $0xFFFFC000  }
0x196: {  	[tilespmem:s18], [sflag:$0x2] =	stream.indirect.gather [hbm4b:s4+s16], $0x80, s31, s16, $0xb8;
	[tilespmem:$0x1E800] =	vst v63  }
0x197: {  	_ =	swait.ge [sflag:s19], $0x4000  }
0x198: {  	[sflag:s19] =	ssyncset.done $0x0  }
0x199: {  	s26 =	sadd.s32 $0x1600, s24;
	[sflag:s19] =	ssyncadd.s32 $0xFFFFC000  }
0x19a: {  	[spmem:s2] =	stream.indirect.scatter.add.f32 [tilespmem:s17], [sflag:$0x3], $0x80, s26, s16, $0xb8;
	[tilespmem:$0x1E800] =	vst v63  }
0x19b: {  	_ =	swait.ge [sflag:s20], $0x4000  }
0x19c: {  	[sflag:s20] =	ssyncset.done $0x0  }
0x19d: {  	s28 =	sadd.s32 $0x300, s24;
	[sflag:s20] =	ssyncadd.s32 $0xFFFFC000  }
0x19e: {  	[tilespmem:s17], [sflag:$0x1] =	stream.indirect.gather [hbm4b:s4+s16], $0x80, s28, s16, $0xb8;
	[tilespmem:$0x1E800] =	vst v63  }
0x19f: {  	_ =	swait.ge [sflag:s21], $0x4000  }
0x1a0: {  	[sflag:s21] =	ssyncset.done $0x0  }
0x1a1: {  	s29 =	sadd.s32 $0x1680, s24;
	[sflag:s21] =	ssyncadd.s32 $0xFFFFC000  }
0x1a2: {  	[spmem:s2] =	stream.indirect.scatter.add.f32 [tilespmem:s18], [sflag:$0x4], $0x80, s29, s16, $0xb8;
	[tilespmem:$0x1E800] =	vst v63  }
0x1a3: {  	_ =	swait.ge [sflag:s22], $0x4000  }
0x1a4: {  	[sflag:s22] =	ssyncset.done $0x0  }
0x1a5: {  	s30 =	sadd.s32 $0x380, s24;
	[sflag:s22] =	ssyncadd.s32 $0xFFFFC000  }
0x1a6: {  	[tilespmem:s18], [sflag:$0x2] =	stream.indirect.gather [hbm4b:s4+s16], $0x80, s30, s16, $0xb8;
	[tilespmem:$0x1E800] =	vst v63  }
0x1a7: {  	_ =	swait.ge [sflag:s19], $0x4000  }
0x1a8: {  	[sflag:s19] =	ssyncset.done $0x0  }
0x1a9: {  	s31 =	sadd.s32 $0x1700, s24;
	[sflag:s19] =	ssyncadd.s32 $0xFFFFC000  }
0x1aa: {  	[spmem:s2] =	stream.indirect.scatter.add.f32 [tilespmem:s17], [sflag:$0x3], $0x80, s31, s16, $0xb8;
	[tilespmem:$0x1E800] =	vst v63  }
0x1ab: {  	_ =	swait.ge [sflag:s21], $0x4000  }
0x1ac: {  	[sflag:s21] =	ssyncset.done $0x0  }
0x1ad: {  	s24 =	sadd.s32 $0x1780, s24;
	[sflag:s21] =	ssyncadd.s32 $0xFFFFC000  }
0x1ae: {  	[spmem:s2] =	stream.indirect.scatter.add.f32 [tilespmem:s18], [sflag:$0x4], $0x80, s24, s16, $0xb8;
	[tilespmem:$0x1E800] =	vst v63  }
0x1af: {  	_ =	swait.ge [sflag:s20], $0x4000  }
0x1b0: {  	[sflag:s20] =	ssyncset.done $0x0  }
0x1b1: {  	[sflag:s20] =	ssyncadd.s32 $0xFFFFC000  }
0x1b2: {  	_ =	swait.ge [sflag:s22], $0x4000  }
0x1b3: {  	s23 =	sadd.s32 $0x1, s23;
	[sflag:s22] =	ssyncset.done $0x0  }
0x1b4: {  	p0 =	sne.s32 s23, s12;
	[sflag:s22] =	ssyncadd.s32 $0xFFFFC000  }
.Ltmp2:
0x1b5: {  	[bflag:$0x0] =	sbarrier.arrive $0xFFFF;
	(pc) =	sbr.rel @p0 .LBB2_1-.Ltmp2, $4  }
0x1b6: {  	[hbm:s11], [sflag:s6] =	dma.local [spmem:s13], $0x2800  }
0x1b7: {  	_ =	swait.ge [sflag:s14], $0x2800  }
0x1b8: {  	[sflag:s14] =	ssyncset.done $0x0  }
0x1b9: {  	[sflag:s14] =	ssyncadd.s32 $0xFFFFD800  }
0x1ba: {  	_ =	sfence.sel $0x180000  }
0x1bb: {  	[bflag:$0x0] =	sbarrier.arrive $0xFFFF  }
0x1bc: {  	p0 =	sne.s32 s1, $0x0;
	_ =	strace $0x9000004D  }
0x1bd: {  	s0 =	sadd.s32 @!p0 $0x100000, s0;
	[bflag:$0x2] =	sbarrier.arrive $0xFFFF  }
0x1be: {  	[sflag:s0] =	ssyncadd.tile.s32 @!p0 $0x1;
	_ =	shalt  }
.Lfunc_end2:
_tile_overlayer_lowered:
.L_overlay_start_2:
0x1bf: {  	(tag) =	ssettag $0x2  }
0x1c0: {  	s0 =	rddreg [dreg:$0x0];
	s2 =	stileid.u32  }
0x1c1: {  	s1 =	rddreg [dreg:$0x1];
	p0 =	sne.s32 s2, $0x0  }
0x1c2: {  	s3 =	rddreg [dreg:$0x2];
	[bflag:$0x3] =	sbarrier.arrive $0xFFFF;
	s2 =	simm.s32 @!p0 $0x1C05  }
0x1c3: {  	[timem:s3], [sflag:s2] =	dma.local @!p0 [hbm:s0], s1  }
0x1c4: {  	s0 =	simm.s32 @!p0 $0x5  }
0x1c5: {  	_ =	swait.ge @!p0 [sflag:s0], s1  }
0x1c6: {  	s1 =	ssub.s32 @!p0 $0x0, s1;
	[sflag:s0] =	ssyncset.done @!p0 $0x0  }
0x1c7: {  	[sflag:s0] =	ssyncadd.s32 @!p0 s1  }
0x1c8: {  	[bflag:$0x3] =	sbarrier.arrive $0xFFFF  }
0x1c9: {  	_ =	shalt  }

// kernel: kernel.8.cloned.1.call-start
scs
__scs_entry_jumppad:
0x0: {  	(pc) =	sbr.rel $0x88, $3  }
0x1: {  	(tag) =	ssettag $0x0;
	lr =	simm.s32 $0x1  }
0x2: {  	[smem:$0x3F9B] =	sst lr;
	_ =	strace $0xD0000000  }
0x3: {  	_ = 	snop  }
0x4: {  	_ = 	snop  }
0x5: {  	_ = 	snop  }
0x6: {  	_ = 	snop  }
0x7: {  	_ = 	snop  }
__scs_overlays_trampoline_lowered:
0x8: {  	[smem:$0x3FAA] =	sst s0  }
0x9: {  	[smem:$0x3FAB] =	sst s1  }
0xa: {  	[smem:$0x3FAC] =	sst s2  }
0xb: {  	[smem:$0x3FAD] =	sst s3  }
0xc: {  	[smem:$0x3FAE] =	sst s4  }
0xd: {  	[smem:$0x3FAF] =	sst s5  }
0xe: {  	[smem:$0x3FB0] =	sst s6  }
0xf: {  	[smem:$0x3FB1] =	sst s7  }
0x10: {  	[smem:$0x3FB2] =	sst s8  }
0x11: {  	[smem:$0x3FB3] =	sst s9;
	s0 =	simm.s32 @!p0 $0x0  }
0x12: {  	s1 =	sld [smem:$0x3F99];
	s0 =	simm.s32 @p0 $0x1  }
0x13: {  	[smem:$0x3FB4] =	sst s0;
	s0 =	simm.s32 @!p1 $0x0  }
0x14: {  	s2 =	sld [smem:$0x3F98];
	s0 =	simm.s32 @p1 $0x1  }
0x15: {  	[smem:$0x3FB5] =	sst s0;
	s0 =	simm.s32 @!p2 $0x0  }
0x16: {  	s3 =	sld [smem:$0x3FDB];
	s0 =	simm.s32 @p2 $0x1  }
0x17: {  	s4 =	simm.s32 $0x1BF5;
	[smem:$0x3FB7] =	sst s0  }
0x18: {  	s0 =	sld [smem:$0x3F9A];
	_ =	swait.ge [sflag:s4], $0x0  }
0x19: {  	s7 =	sld [smem:$0x3F9B]  }
0x1a: {  	s8 =	sadd.s32 $0xFFFFE003, lr  }
0x1b: {  	s9 =	sadd.s32 $0xFFFFFEF7, lr;
	s5 =	simm.s32 $0xFFFFFFFF;
	p2 =	slt.u32 s8, $0xFFFFF086  }
0x1c: {  	p1 =	slt.u32 s9, $0xF7A;
	s5 =	simm.s32 @!p2 $0x0  }
0x1d: {  	s5 =	simm.s32 @p1 $0x1;
	p0 =	seq.s32 s7, s2  }
0x1e: {  	s7 =	smul.u32 @!p0 $0xF7A, s2;
	p2 =	seq.s32 @!p0 s5, $0x0  }
0x1f: {  	s9 =	smul.u32 $0xF7A, s1;
	s8 =	simm.s32 @!p0 $0x1BF5;
	p2 =	por !p2, p0  }
0x20: {  	[sflag:s8] =	ssyncset.s32 @!p0 $0xFFFFF086;
	s6 =	sadd.s32 @!p0 s3, s7;
	s7 =	simm.s32 @!p0 $0x108  }
0x21: {  	s3 =	sadd.s32 s3, s9;
	s6 =	sadd.s32 @!p0 $0x88, s6;
	s7 =	simm.s32 @p2 $0x1082  }
0x22: {  	[simem:s7], [sflag:s8] =	dma.local @!p0 [hbm:s6], $0xF7A  }
0x23: {  	s9 =	sor.u32 $0xD0000000, s2;
	s6 =	simm.s32 $0x108;
	_ =	swait.ge @!p0 [sflag:s8], $0x0  }
0x24: {  	s3 =	sadd.s32 $0x88, s3;
	s6 =	simm.s32 @!p1 $0x1082;
	[sflag:s4] =	ssyncset.s32 $0xFFFFF086  }
0x25: {  	[simem:s6], [sflag:s4] =	dma.local [hbm:s3], $0xF7A  }
0x26: {  	[smem:$0x3F9B] =	sst s1;
	(tag) =	ssettag s2;
	_ =	strace s9  }
0x27: {  	s1 =	sld [smem:$0x3FAB]  }
0x28: {  	s2 =	sld [smem:$0x3FAC]  }
0x29: {  	s4 =	sld [smem:$0x3FAE]  }
0x2a: {  	p0 =	seq.s32 s5, $0x0;
	s5 =	sld [smem:$0x3FAF]  }
0x2b: {  	s6 =	sld [smem:$0x3FB0]  }
0x2c: {  	s7 =	sld [smem:$0x3FB1]  }
0x2d: {  	s3 =	simm.s32 $0x108;
	s8 =	sld [smem:$0x3FB2]  }
0x2e: {  	s3 =	simm.s32 @!p0 $0x1082;
	s9 =	sld [smem:$0x3FB3]  }
0x2f: {  	lr =	sadd.s32 s0, s3;
	s0 =	sld [smem:$0x3FAA]  }
0x30: {  	s3 =	sld [smem:$0x3FAD]  }
0x31: {  	[smem:$0x3FB6] =	sst s10  }
0x32: {  	s10 =	sld [smem:$0x3FB4];
	_ =	sdelay $0x3  }
0x33: {  	p0 =	seq.s32 s10, $0x1;
	s10 =	sld [smem:$0x3FB6];
	_ =	sdelay $0x3  }
0x34: {  	[smem:$0x3FB6] =	sst s10  }
0x35: {  	s10 =	sld [smem:$0x3FB5];
	_ =	sdelay $0x3  }
0x36: {  	p1 =	seq.s32 s10, $0x1;
	s10 =	sld [smem:$0x3FB6];
	_ =	sdelay $0x3  }
0x37: {  	[smem:$0x3FB6] =	sst s10  }
0x38: {  	s10 =	sld [smem:$0x3FB7]  }
0x39: {  	_ = 	snop;
	(pc) =	sbr.ind lr, $3  }
0x3a: {  	_ = 	snop  }
0x3b: {  	_ = 	snop  }
0x3c: {  	p2 =	seq.s32 s10, $0x1;
	s10 =	sld [smem:$0x3FB6]  }
0x3d: {  	_ =	shalt  }
0x3e: {  	_ =	shalt  }
0x3f: {  	_ =	shalt  }
0x40: {  	_ =	shalt  }
0x41: {  	_ =	shalt  }
0x42: {  	_ =	shalt  }
0x43: {  	_ =	shalt  }
0x44: {  	_ =	shalt  }
0x45: {  	_ =	shalt  }
0x46: {  	_ =	shalt  }
0x47: {  	_ =	shalt  }
0x48: {  	_ =	shalt  }
0x49: {  	_ =	shalt  }
0x4a: {  	_ =	shalt  }
0x4b: {  	_ =	shalt  }
0x4c: {  	_ =	shalt  }
0x4d: {  	_ =	shalt  }
0x4e: {  	_ =	shalt  }
0x4f: {  	_ =	shalt  }
0x50: {  	_ =	shalt  }
0x51: {  	_ =	shalt  }
0x52: {  	_ =	shalt  }
0x53: {  	_ =	shalt  }
0x54: {  	_ =	shalt  }
0x55: {  	_ =	shalt  }
0x56: {  	_ =	shalt  }
0x57: {  	_ =	shalt  }
0x58: {  	_ =	shalt  }
0x59: {  	_ =	shalt  }
0x5a: {  	_ =	shalt  }
0x5b: {  	_ =	shalt  }
0x5c: {  	_ =	shalt  }
0x5d: {  	_ =	shalt  }
0x5e: {  	_ =	shalt  }
0x5f: {  	_ =	shalt  }
0x60: {  	_ =	shalt  }
0x61: {  	_ =	shalt  }
0x62: {  	_ =	shalt  }
0x63: {  	_ =	shalt  }
0x64: {  	_ =	shalt  }
0x65: {  	_ =	shalt  }
0x66: {  	_ =	shalt  }
0x67: {  	_ =	shalt  }
0x68: {  	_ =	shalt  }
0x69: {  	_ =	shalt  }
0x6a: {  	_ =	shalt  }
0x6b: {  	_ =	shalt  }
0x6c: {  	_ =	shalt  }
0x6d: {  	_ =	shalt  }
0x6e: {  	_ =	shalt  }
0x6f: {  	_ =	shalt  }
0x70: {  	_ =	shalt  }
0x71: {  	_ =	shalt  }
0x72: {  	_ =	shalt  }
0x73: {  	_ =	shalt  }
0x74: {  	_ =	shalt  }
0x75: {  	_ =	shalt  }
0x76: {  	_ =	shalt  }
0x77: {  	_ =	shalt  }
0x78: {  	_ =	shalt  }
0x79: {  	_ =	shalt  }
0x7a: {  	_ =	shalt  }
0x7b: {  	_ =	shalt  }
0x7c: {  	_ =	shalt  }
0x7d: {  	_ =	shalt  }
0x7e: {  	_ =	shalt  }
0x7f: {  	_ =	shalt  }
0x80: {  	_ =	shalt  }
0x81: {  	_ =	shalt  }
0x82: {  	_ =	shalt  }
0x83: {  	_ =	shalt  }
0x84: {  	_ =	shalt  }
0x85: {  	_ =	shalt  }
0x86: {  	_ =	shalt  }
0x87: {  	_ =	shalt  }
.Lfunc_end0:
.L_simem_size_0:
called_computation_lowered:
.L_overlay_start_0:
0x88: {  	s2 =	sld [smem:$0x3FD9]  }
0x89: {  	s3 =	sld [smem:$0x3FFE];
	_ =	sdelay $0x1  }
0x8a: {  	s1 =	srdreg.scid  }
0x8b: {  	s0 =	sand.u32 $0x1, s1  }
0x8c: {  	s17 =	sshll.u32 s0, $0xA;
	s2 =	sadd.s32 s3, s2  }
0x8d: {  	s2 =	sadd.s32 s2, s17  }
0x8e: {  	[smem:$0x3FC2] =	sst s2  }
0x8f: {  	_ = 	snop  }
0x90: {  	s2 =	sld [smem:$0x3FD0];
	(tm) =	ssettm $0x1  }
0x91: {  	s18 =	sld [smem:$0x3FFB];
	_ =	sdelay $0x3  }
0x92: {  	_ =	strace s18  }
0x93: {  	s3 =	sld [smem:$0x3FFC];
	_ =	sdelay $0x3  }
0x94: {  	_ =	strace s3  }
0x95: {  	s3 =	sld [smem:$0x3FFD];
	_ =	sdelay $0x3  }
0x96: {  	_ =	strace s3  }
0x97: {  	_ =	strace $0x8FFFFFFF  }
0x98: {  	s19 =	sld [smem:$0x3FDB];
	_ =	sdelay $0x1  }
0x99: {  	s4 =	simm.s32 $_scs_section_size  }
0x9a: {  	s5 =	simm.s32 $_size__tile_overlayer_lowered;
	s6 =	simm.s32 $_tile_overlayer_lowered  }
0x9b: {  	s22 =	simm.s32 $0x1BFF;
	s21 =	sshll.u32 s6, $0x1;
	s3 =	sadd.s32 s4, s19  }
0x9c: {  	s7 =	simm.s32 $0x0;
	s20 =	sshll.u32 s5, $0x1;
	s5 =	sadd.s32 s21, s3  }
0x9d: {  	[timem:s7], [sflag:s22] =	dma.local [hbm:s5], s20  }
0x9e: {  	_ =	swait.ge [sflag:s22], s20  }
0x9f: {  	s4 =	ssub.s32 $0x0, s20;
	[sflag:s22] =	ssyncset.done $0x0  }
0xa0: {  	[sflag:s22] =	ssyncadd.s32 s4;
	_ =	sdelay $0x1  }
0xa1: {  	s23 =	simm.s32 $0x1B8B  }
0xa2: {  	_ =	swait.ge [sflag:s23], $0x1  }
0xa3: {  	[sflag:s23] =	ssyncset.done $0x0  }
0xa4: {  	s25 =	simm.s32 $0x1B8E;
	s24 =	sld [smem:$0x3FFE];
	[sflag:s23] =	ssyncadd.s32 $0xFFFFFFFF  }
0xa5: {  	s26 =	simm.s32 $execute0_lowered;
	[smem:$0x3FD2] =	sst s25  }
0xa6: {  	s5 =	sshll.u32 s26, $0x1;
	_ =	strace $0x80000046;
	[dreg:$0x1] =	wrdreg $0xFFFFFFFF  }
0xa7: {  	s28 =	simm.s32 $_size_execute0_lowered;
	s3 =	sadd.s32 s3, s5;
	[dreg:$0x0] =	wrdreg $0x0  }
0xa8: {  	s5 =	sshll.u32 s28, $0x1;
	[dreg:$0x2] =	wrdreg s3  }
0xa9: {  	[dreg:$0x3] =	wrdreg s5  }
0xaa: {  	[dreg:$0x4] =	wrdreg $0xC0  }
0xab: {  	_ =	task [dreg:s7], $0x5FFFF  }
0xac: {  	[dreg:$0x1] =	wrdreg $0xFFFFFFFF  }
0xad: {  	[dreg:$0x0] =	wrdreg $0x60  }
0xae: {  	[dreg:$0x2] =	wrdreg s2  }
0xaf: {  	[dreg:$0x3] =	wrdreg s24  }
0xb0: {  	[dreg:$0x4] =	wrdreg $0x68000  }
0xb1: {  	[dreg:$0x5] =	wrdreg $0x9  }
0xb2: {  	_ =	task.clear_ibuf [dreg:s7], $0x6FFFF;
	_ =	strace $0x90000046  }
0xb3: {  	s29 =	simm.s32 $0x9;
	_ =	strace $0x80000048  }
0xb4: {  	_ =	swait.ge [sflag:s29], $0x1  }
0xb5: {  	[sflag:s29] =	ssyncadd.s32 $0xFFFFFFFF  }
0xb6: {  	_ =	strace $0x90000048  }
0xb7: {  	_ =	sfence  }
0xb8: {  	s30 =	sld [smem:$0x0];
	_ =	sdelay $0x2  }
0xb9: {  	s31 =	sshll.u32 s1, $0xD;
	s1 =	sshrl.u32 s1, $0x2  }
0xba: {  	s3 =	sand.u32 $0x4000, s31;
	s1 =	sadd.s32 s1, s30  }
0xbb: {  	s0 =	sor.u32 s3, s0;
	s1 =	sshll.u32 s1, $0x11  }
0xbc: {  	s0 =	sor.u32 s1, s0  }
0xbd: {  	s0 =	sadd.s32 $0x8F2B, s0  }
0xbe: {  	[sflag:s0] =	ssyncadd.remote.s32 $0x1  }
0xbf: {  	_ =	sfence.sel $0xFFFF  }
0xc0: {  	[dreg:$0x0] =	wrdreg $0xFFFFFFFF;
	(pc) =	sbr.abs _section_cstart, $3  }
0xc1: {  	[dreg:$0x1] =	wrdreg $0xFFFFFFFF  }
0xc2: {  	_ =	task.clear_ibuf [dreg:s7], $0x2FFFF;
	_ =	strace $0x9FFFFFFF  }
0xc3: {  	(tm) =	ssettm $0x7FFFFFFF  }
tec
execute0_lowered:
.L_overlay_start_1:
0x0: {  	(tag) =	ssettag $0x1  }
0x1: {  	s5 =	rddreg [dreg:$0x0]  }
0x2: {  	s6 =	rddreg [dreg:$0x1]  }
0x3: {  	s2 =	rddreg [dreg:$0x2]  }
0x4: {  	s0 =	rddreg [dreg:$0x3]  }
0x5: {  	s1 =	stileid.u32;
	s3 =	simm.s32 $0x0;
	s4 =	srdreg.scid  }
0x6: {  	s13 =	simm.s32 $0x80;
	s14 =	simm.s32 $0x1;
	s15 =	simm.s32 $0x2  }
0x7: {  	s16 =	simm.s32 $0x0;
	s7 =	smul.u32 $0x14000, s1;
	[smem:$0x7FF] =	sst s3  }
0x8: {  	s8 =	sand.u32 $0x1, s4;
	s4 =	sadd.s32 $0xCE00, s6;
	s29 =	smul.u32 $0x50000, s1  }
0x9: {  	s31 =	sshll.u32 s1, $0x6;
	_ =	strace $0x80000047;
	s10 =	smul.u32 $0x140000, s8  }
0xa: {  	s11 =	sshll.u32 s8, $0x4;
	s8 =	ssub.s32 $0x2, s8;
	s9 =	sshrl.u32 s7, $0x3  }
0xb: {  	s28 =	sor.u32 s1, s11;
	s30 =	sshrl.u32 s8, $0x1;
	s11 =	sshrl.u32 s29, $0x2  }
0xc: {  	s9 =	sadd.s32 s9, s6;
	s7 =	sadd.s32 s7, s10;
	s10 =	smul.u32 $0x500, s28  }
0xd: {  	s8 =	ssub.s32 s8, s30;
	s12 =	sadd.s32 s11, s2;
	s11 =	sor.u32 $0x1C03, s31  }
0xe: {  	s7 =	sshrl.u32 s7, $0x3;
	s8 =	smax.u32 s8, $0x1;
	s12 =	sshrl.u32 s12, $0x3  }
0xf: {  	s7 =	sadd.s32 s7, s6;
	s5 =	sadd.s32 s5, s10;
	s6 =	sadd.s32 $0xD600, s9  }
0x10: {  	s9 =	simm.s32 $0x3;
	s10 =	simm.s32 $0x2800;
	s7 =	sadd.s32 $0x35600, s7  }
.LBB2_1:
0x11: {  	[tilespmem:s3], [sflag:$0x3] =	stream.linear.gather [hbm4b:s5+s3], $0x2800, $0x38;
	[tilespmem:$0x1A800] =	vst v63  }
0x12: {  	_ =	swait.ge [sflag:s9], $0x2800  }
0x13: {  	[sflag:s9] =	ssyncset.done $0x0  }
0x14: {  	[sflag:s9] =	ssyncadd.s32 $0xFFFFD800  }
0x15: {  	[tilespmem:s10], [sflag:$0x3] =	stream.linear.gather [hbm4b:s4+s3], $0x4000, $0x38;
	[tilespmem:$0x1A800] =	vst v63  }
0x16: {  	_ =	swait.ge [sflag:s9], $0x4000  }
0x17: {  	[sflag:s9] =	ssyncset.done $0x0  }
0x18: {  	[sflag:s9] =	ssyncadd.s32 $0xFFFFC000  }
0x19: {  	[spmem:s12], [sflag:s11] =	dma.local [hbm:s6], $0x2800  }
0x1a: {  	_ =	swait.ge [sflag:s9], $0x2800  }
0x1b: {  	[sflag:s9] =	ssyncset.done $0x0  }
0x1c: {  	[sflag:s9] =	ssyncadd.s32 $0xFFFFD800  }
0x1d: {  	s17 =	simm.s32 $0x0;
	[bflag:$0x0] =	sbarrier.arrive $0xFFFF  }
0x1e: {  	[spmem:s2] =	stream.indirect.scatter.add.f32 [tilespmem:s10], [sflag:$0x1], $0x80, s17, s13, $0xb8;
	[tilespmem:$0x1A800] =	vst v63  }
0x1f: {  	s24 =	simm.s32 $0x80  }
0x20: {  	[spmem:s2] =	stream.indirect.scatter.add.f32 [tilespmem:s10], [sflag:$0x2], $0x80, s24, s13, $0xb8;
	[tilespmem:$0x1A800] =	vst v63  }
0x21: {  	_ =	swait.ge [sflag:s14], $0x4000  }
0x22: {  	[sflag:s14] =	ssyncset.done $0x0  }
0x23: {  	s25 =	simm.s32 $0x100;
	[sflag:s14] =	ssyncadd.s32 $0xFFFFC000  }
0x24: {  	[spmem:s2] =	stream.indirect.scatter.add.f32 [tilespmem:s10], [sflag:$0x1], $0x80, s25, s13, $0xb8;
	[tilespmem:$0x1A800] =	vst v63  }
0x25: {  	_ =	swait.ge [sflag:s15], $0x4000  }
0x26: {  	[sflag:s15] =	ssyncset.done $0x0  }
0x27: {  	s26 =	simm.s32 $0x180;
	[sflag:s15] =	ssyncadd.s32 $0xFFFFC000  }
0x28: {  	[spmem:s2] =	stream.indirect.scatter.add.f32 [tilespmem:s10], [sflag:$0x2], $0x80, s26, s13, $0xb8;
	[tilespmem:$0x1A800] =	vst v63  }
0x29: {  	_ =	swait.ge [sflag:s14], $0x4000  }
0x2a: {  	[sflag:s14] =	ssyncset.done $0x0  }
0x2b: {  	s28 =	simm.s32 $0x200;
	[sflag:s14] =	ssyncadd.s32 $0xFFFFC000  }
0x2c: {  	[spmem:s2] =	stream.indirect.scatter.add.f32 [tilespmem:s10], [sflag:$0x1], $0x80, s28, s13, $0xb8;
	[tilespmem:$0x1A800] =	vst v63  }
0x2d: {  	_ =	swait.ge [sflag:s15], $0x4000  }
0x2e: {  	[sflag:s15] =	ssyncset.done $0x0  }
0x2f: {  	s29 =	simm.s32 $0x280;
	[sflag:s15] =	ssyncadd.s32 $0xFFFFC000  }
0x30: {  	[spmem:s2] =	stream.indirect.scatter.add.f32 [tilespmem:s10], [sflag:$0x2], $0x80, s29, s13, $0xb8;
	[tilespmem:$0x1A800] =	vst v63  }
0x31: {  	_ =	swait.ge [sflag:s14], $0x4000  }
0x32: {  	[sflag:s14] =	ssyncset.done $0x0  }
0x33: {  	s30 =	simm.s32 $0x300;
	[sflag:s14] =	ssyncadd.s32 $0xFFFFC000  }
0x34: {  	[spmem:s2] =	stream.indirect.scatter.add.f32 [tilespmem:s10], [sflag:$0x1], $0x80, s30, s13, $0xb8;
	[tilespmem:$0x1A800] =	vst v63  }
0x35: {  	_ =	swait.ge [sflag:s15], $0x4000  }
0x36: {  	[sflag:s15] =	ssyncset.done $0x0  }
0x37: {  	s31 =	simm.s32 $0x380;
	[sflag:s15] =	ssyncadd.s32 $0xFFFFC000  }
0x38: {  	[spmem:s2] =	stream.indirect.scatter.add.f32 [tilespmem:s10], [sflag:$0x2], $0x80, s31, s13, $0xb8;
	[tilespmem:$0x1A800] =	vst v63  }
0x39: {  	_ =	swait.ge [sflag:s14], $0x4000  }
0x3a: {  	[sflag:s14] =	ssyncset.done $0x0  }
0x3b: {  	[sflag:s14] =	ssyncadd.s32 $0xFFFFC000  }
0x3c: {  	_ =	swait.ge [sflag:s15], $0x4000  }
0x3d: {  	s19 =	simm.s32 $0x2000;
	s17 =	simm.s32 $0x1000;
	[sflag:s15] =	ssyncset.done $0x0  }
.LBB2_2:
0x3e: {  	s20 =	sshra.s32 s17, $0x2  }
0x3f: {  	[sflag:s15] =	ssyncadd.s32 $0xFFFFC000;
	s17 =	smov.u32 s19;
	s18 =	sadd.s32 $0x1000, s19  }
0x40: {  	[spmem:s2] =	stream.indirect.scatter.add.f32 [tilespmem:s10], [sflag:$0x1], $0x80, s20, s13, $0xb8;
	[tilespmem:$0x1A800] =	vst v63  }
0x41: {  	p0 =	sne.s32 s19, $0x9000;
	s19 =	sadd.s32 $0x80, s20  }
0x42: {  	[spmem:s2] =	stream.indirect.scatter.add.f32 [tilespmem:s10], [sflag:$0x2], $0x80, s19, s13, $0xb8;
	[tilespmem:$0x1A800] =	vst v63  }
0x43: {  	_ =	swait.ge [sflag:s14], $0x4000  }
0x44: {  	[sflag:s14] =	ssyncset.done $0x0  }
0x45: {  	s19 =	sadd.s32 $0x100, s20;
	[sflag:s14] =	ssyncadd.s32 $0xFFFFC000  }
0x46: {  	[spmem:s2] =	stream.indirect.scatter.add.f32 [tilespmem:s10], [sflag:$0x1], $0x80, s19, s13, $0xb8;
	[tilespmem:$0x1A800] =	vst v63  }
0x47: {  	_ =	swait.ge [sflag:s15], $0x4000  }
0x48: {  	[sflag:s15] =	ssyncset.done $0x0  }
0x49: {  	s19 =	sadd.s32 $0x180, s20;
	[sflag:s15] =	ssyncadd.s32 $0xFFFFC000  }
0x4a: {  	[spmem:s2] =	stream.indirect.scatter.add.f32 [tilespmem:s10], [sflag:$0x2], $0x80, s19, s13, $0xb8;
	[tilespmem:$0x1A800] =	vst v63  }
0x4b: {  	_ =	swait.ge [sflag:s14], $0x4000  }
0x4c: {  	[sflag:s14] =	ssyncset.done $0x0  }
0x4d: {  	s19 =	sadd.s32 $0x200, s20;
	[sflag:s14] =	ssyncadd.s32 $0xFFFFC000  }
0x4e: {  	[spmem:s2] =	stream.indirect.scatter.add.f32 [tilespmem:s10], [sflag:$0x1], $0x80, s19, s13, $0xb8;
	[tilespmem:$0x1A800] =	vst v63  }
0x4f: {  	_ =	swait.ge [sflag:s15], $0x4000  }
0x50: {  	[sflag:s15] =	ssyncset.done $0x0  }
0x51: {  	s19 =	sadd.s32 $0x280, s20;
	[sflag:s15] =	ssyncadd.s32 $0xFFFFC000  }
0x52: {  	[spmem:s2] =	stream.indirect.scatter.add.f32 [tilespmem:s10], [sflag:$0x2], $0x80, s19, s13, $0xb8;
	[tilespmem:$0x1A800] =	vst v63  }
0x53: {  	_ =	swait.ge [sflag:s14], $0x4000  }
0x54: {  	[sflag:s14] =	ssyncset.done $0x0  }
0x55: {  	s19 =	sadd.s32 $0x300, s20;
	[sflag:s14] =	ssyncadd.s32 $0xFFFFC000  }
0x56: {  	[spmem:s2] =	stream.indirect.scatter.add.f32 [tilespmem:s10], [sflag:$0x1], $0x80, s19, s13, $0xb8;
	[tilespmem:$0x1A800] =	vst v63  }
0x57: {  	_ =	swait.ge [sflag:s15], $0x4000  }
0x58: {  	[sflag:s15] =	ssyncset.done $0x0  }
0x59: {  	s19 =	sadd.s32 $0x380, s20;
	[sflag:s15] =	ssyncadd.s32 $0xFFFFC000  }
0x5a: {  	[spmem:s2] =	stream.indirect.scatter.add.f32 [tilespmem:s10], [sflag:$0x2], $0x80, s19, s13, $0xb8;
	[tilespmem:$0x1A800] =	vst v63  }
.Ltmp0:
0x5b: {  	_ =	swait.ge [sflag:s14], $0x4000;
	(pc) =	sbr.rel @p0 .LBB2_2-.Ltmp0, $4  }
0x5c: {  	[sflag:s14] =	ssyncset.done $0x0  }
0x5d: {  	[sflag:s14] =	ssyncadd.s32 $0xFFFFC000  }
0x5e: {  	_ =	swait.ge [sflag:s15], $0x4000  }
0x5f: {  	s19 =	smov.u32 s18;
	[sflag:s15] =	ssyncset.done $0x0  }
0x60: {  	s17 =	sshra.s32 s17, $0x2;
	[sflag:s15] =	ssyncadd.s32 $0xFFFFC000  }
0x61: {  	[spmem:s2] =	stream.indirect.scatter.add.f32 [tilespmem:s10], [sflag:$0x1], $0x80, s17, s13, $0xb8;
	[tilespmem:$0x1A800] =	vst v63  }
0x62: {  	s18 =	sadd.s32 $0x80, s17  }
0x63: {  	[spmem:s2] =	stream.indirect.scatter.add.f32 [tilespmem:s10], [sflag:$0x2], $0x80, s18, s13, $0xb8;
	[tilespmem:$0x1A800] =	vst v63  }
0x64: {  	_ =	swait.ge [sflag:s14], $0x4000  }
0x65: {  	[sflag:s14] =	ssyncset.done $0x0  }
0x66: {  	s26 =	sadd.s32 $0x100, s17;
	[sflag:s14] =	ssyncadd.s32 $0xFFFFC000  }
0x67: {  	[spmem:s2] =	stream.indirect.scatter.add.f32 [tilespmem:s10], [sflag:$0x1], $0x80, s26, s13, $0xb8;
	[tilespmem:$0x1A800] =	vst v63  }
0x68: {  	_ =	swait.ge [sflag:s15], $0x4000  }
0x69: {  	[sflag:s15] =	ssyncset.done $0x0  }
0x6a: {  	s28 =	sadd.s32 $0x180, s17;
	[sflag:s15] =	ssyncadd.s32 $0xFFFFC000  }
0x6b: {  	[spmem:s2] =	stream.indirect.scatter.add.f32 [tilespmem:s10], [sflag:$0x2], $0x80, s28, s13, $0xb8;
	[tilespmem:$0x1A800] =	vst v63  }
0x6c: {  	_ =	swait.ge [sflag:s14], $0x4000  }
0x6d: {  	[sflag:s14] =	ssyncset.done $0x0  }
0x6e: {  	s29 =	sadd.s32 $0x200, s17;
	[sflag:s14] =	ssyncadd.s32 $0xFFFFC000  }
0x6f: {  	[spmem:s2] =	stream.indirect.scatter.add.f32 [tilespmem:s10], [sflag:$0x1], $0x80, s29, s13, $0xb8;
	[tilespmem:$0x1A800] =	vst v63  }
0x70: {  	_ =	swait.ge [sflag:s15], $0x4000  }
0x71: {  	[sflag:s15] =	ssyncset.done $0x0  }
0x72: {  	s30 =	sadd.s32 $0x280, s17;
	[sflag:s15] =	ssyncadd.s32 $0xFFFFC000  }
0x73: {  	[spmem:s2] =	stream.indirect.scatter.add.f32 [tilespmem:s10], [sflag:$0x2], $0x80, s30, s13, $0xb8;
	[tilespmem:$0x1A800] =	vst v63  }
0x74: {  	_ =	swait.ge [sflag:s14], $0x4000  }
0x75: {  	[sflag:s14] =	ssyncset.done $0x0  }
0x76: {  	s31 =	sadd.s32 $0x300, s17;
	[sflag:s14] =	ssyncadd.s32 $0xFFFFC000  }
0x77: {  	[spmem:s2] =	stream.indirect.scatter.add.f32 [tilespmem:s10], [sflag:$0x1], $0x80, s31, s13, $0xb8;
	[tilespmem:$0x1A800] =	vst v63  }
0x78: {  	_ =	swait.ge [sflag:s15], $0x4000  }
0x79: {  	[sflag:s15] =	ssyncset.done $0x0  }
0x7a: {  	s17 =	sadd.s32 $0x380, s17;
	[sflag:s15] =	ssyncadd.s32 $0xFFFFC000  }
0x7b: {  	[spmem:s2] =	stream.indirect.scatter.add.f32 [tilespmem:s10], [sflag:$0x2], $0x80, s17, s13, $0xb8;
	[tilespmem:$0x1A800] =	vst v63  }
0x7c: {  	_ =	swait.ge [sflag:s14], $0x4000  }
0x7d: {  	[sflag:s14] =	ssyncset.done $0x0  }
0x7e: {  	[sflag:s14] =	ssyncadd.s32 $0xFFFFC000  }
0x7f: {  	_ =	swait.ge [sflag:s15], $0x4000  }
0x80: {  	s16 =	sadd.s32 $0x1, s16;
	[sflag:s15] =	ssyncset.done $0x0  }
0x81: {  	p0 =	sne.s32 s16, s8;
	[sflag:s15] =	ssyncadd.s32 $0xFFFFC000  }
.Ltmp1:
0x82: {  	[bflag:$0x0] =	sbarrier.arrive $0xFFFF;
	(pc) =	sbr.rel @p0 .LBB2_1-.Ltmp1, $4  }
0x83: {  	[hbm:s7], [sflag:s11] =	dma.local [spmem:s12], $0x2800  }
0x84: {  	_ =	swait.ge [sflag:s9], $0x2800  }
0x85: {  	[sflag:s9] =	ssyncset.done $0x0  }
0x86: {  	[sflag:s9] =	ssyncadd.s32 $0xFFFFD800  }
0x87: {  	_ =	sfence.sel $0x180000  }
0x88: {  	[bflag:$0x0] =	sbarrier.arrive $0xFFFF  }
0x89: {  	p0 =	sne.s32 s1, $0x0;
	_ =	strace $0x90000047  }
0x8a: {  	s0 =	sadd.s32 @!p0 $0x100000, s0;
	[bflag:$0x2] =	sbarrier.arrive $0xFFFF  }
0x8b: {  	[sflag:s0] =	ssyncadd.tile.s32 @!p0 $0x1;
	_ =	shalt  }
.Lfunc_end2:
_tile_overlayer_lowered:
.L_overlay_start_2:
0x8c: {  	(tag) =	ssettag $0x2  }
0x8d: {  	s0 =	rddreg [dreg:$0x0];
	s2 =	stileid.u32  }
0x8e: {  	s1 =	rddreg [dreg:$0x1];
	p0 =	sne.s32 s2, $0x0  }
0x8f: {  	s3 =	rddreg [dreg:$0x2];
	[bflag:$0x3] =	sbarrier.arrive $0xFFFF;
	s2 =	simm.s32 @!p0 $0x1C03  }
0x90: {  	[timem:s3], [sflag:s2] =	dma.local @!p0 [hbm:s0], s1  }
0x91: {  	s0 =	simm.s32 @!p0 $0x3  }
0x92: {  	_ =	swait.ge @!p0 [sflag:s0], s1  }
0x93: {  	s1 =	ssub.s32 @!p0 $0x0, s1;
	[sflag:s0] =	ssyncset.done @!p0 $0x0  }
0x94: {  	[sflag:s0] =	ssyncadd.s32 @!p0 s1  }
0x95: {  	[bflag:$0x3] =	sbarrier.arrive $0xFFFF  }
0x96: {  	_ =	shalt  }

</sc_bundles>
